<compile_context>
chip_gen: v7x
topology: tpu7x:2x2x1
jax: 0.10.2.dev20260603
libtpu: 0.0.44.dev20260713+nightly
codegen_flags: <defaults>
</compile_context>

<pallas_src>
import functools

import jax
import jax.numpy as jnp
from jax import lax
from jax.experimental import pallas as pl
from jax.experimental.pallas import tpu as pltpu
from jax.experimental.pallas import tpu_sc as plsc

_N = 10000
_D = 128
_E = 320000
_G = 64

_NC = 2
_NS = 16
_NW = _NC * _NS
_EPW = _E // _NW
_CHUNK = 40
_GRP = 2000
_NGRP = _EPW // _GRP
_GCH = _GRP // _CHUNK
_GPAIR = _GCH // 2
_RPS = 624
_TAIL = _N - _NS * _RPS
_ZR = 16
_BM = 1000


def _msg_body(x_hbm, src_hbm, dst_hbm, ea_hbm, w_hbm, agg_hbm,
              src_v, dst_v, attr0_v, attr1_v, attr2_v, w_v, rows_a, rows_b,
              dch_a, dch_b, zero_v, agg_sh, g_a, g_b, s_a, s_b):
    c = lax.axis_index("c")
    s = lax.axis_index("s")
    wid = c * _NS + s

    pltpu.sync_copy(w_hbm, w_v)

    zvec = jnp.zeros((16,), jnp.float32)

    def _zrow(r, carry):
        for k in range(8):
            zero_v[r, pl.ds(k * 16, 16)] = zvec
        return carry

    lax.fori_loop(0, _ZR, _zrow, 0)

    def _zcopy(t, carry):
        pltpu.sync_copy(zero_v, agg_sh.at[pl.ds(s * _RPS + t * _ZR, _ZR)])
        return carry

    lax.fori_loop(0, _RPS // _ZR, _zcopy, 0)

    @pl.when(s == _NS - 1)
    def _():
        for t in range(_TAIL // _ZR):
            pltpu.sync_copy(zero_v,
                            agg_sh.at[pl.ds(_NS * _RPS + t * _ZR, _ZR)])

    plsc.subcore_barrier()

    wvec = [[w_v[r, pl.ds(k * 16, 16)] for k in range(8)] for r in range(4)]

    def _gather_start(q, rows, sem):
        pltpu.async_copy(x_hbm.at[src_v.at[pl.ds(q * _CHUNK, _CHUNK)]],
                         rows, sem)

    def _gather_wait(q, rows, sem):
        pltpu.make_async_copy(x_hbm.at[src_v.at[pl.ds(q * _CHUNK, _CHUNK)]],
                              rows, sem).wait()

    def _scat_start(q, rows, sem, dch):
        dch[pl.ds(0, 16)] = dst_v[pl.ds(q * _CHUNK, 16)]
        dch[pl.ds(16, 16)] = dst_v[pl.ds(q * _CHUNK + 16, 16)]
        dch[pl.ds(24, 16)] = dst_v[pl.ds(q * _CHUNK + 24, 16)]
        pltpu.async_copy(rows, agg_sh.at[dch], sem, add=True)

    def _scat_wait(rows, sem, dch):
        pltpu.make_async_copy(rows, agg_sh.at[dch], sem).wait()

    def _compute(q, rows, lo=0, hi=_CHUNK):
        base3 = q * _CHUNK

        @plsc.parallel_loop(lo, hi, 1, unroll=2)
        def _edge(e):
            a0 = attr0_v[pl.ds(base3 + e, 16)][0]
            a1 = attr1_v[pl.ds(base3 + e, 16)][0]
            a2 = attr2_v[pl.ds(base3 + e, 16)][0]
            for k in range(8):
                row = rows[e, pl.ds(k * 16, 16)]
                ea = wvec[3][k] + a0 * wvec[0][k]
                ea = ea + a1 * wvec[1][k]
                ea = ea + a2 * wvec[2][k]
                rows[e, pl.ds(k * 16, 16)] = jnp.maximum(row + ea, 0.0)

    def _group(g, carry):
        gbase = wid * _EPW + g * _GRP
        pltpu.sync_copy(src_hbm.at[pl.ds(gbase, _GRP)], src_v)
        pltpu.sync_copy(dst_hbm.at[pl.ds(gbase, _GRP)], dst_v)
        pltpu.sync_copy(ea_hbm.at[pl.ds(gbase, _GRP)],
                        attr0_v.at[pl.ds(0, _GRP)])
        pltpu.sync_copy(ea_hbm.at[pl.ds(_E + gbase, _GRP)],
                        attr1_v.at[pl.ds(0, _GRP)])
        pltpu.sync_copy(ea_hbm.at[pl.ds(2 * _E + gbase, _GRP)],
                        attr2_v.at[pl.ds(0, _GRP)])
        _gather_start(0, rows_a, g_a)

        def _pair(i, icarry):
            q0 = 2 * i
            q1 = q0 + 1

            @pl.when(i > 0)
            def _():
                _scat_wait(rows_b, s_b, dch_b)

            _gather_start(q1, rows_b, g_b)
            _gather_wait(q0, rows_a, g_a)
            _compute(q0, rows_a)
            _scat_start(q0, rows_a, s_a, dch_a)
            _gather_wait(q1, rows_b, g_b)
            _compute(q1, rows_b, 0, _CHUNK // 2)
            _scat_wait(rows_a, s_a, dch_a)

            @pl.when(i < _GPAIR - 1)
            def _():
                _gather_start(q0 + 2, rows_a, g_a)

            _compute(q1, rows_b, _CHUNK // 2, _CHUNK)
            _scat_start(q1, rows_b, s_b, dch_b)
            return icarry

        lax.fori_loop(0, _GPAIR, _pair, 0)
        _scat_wait(rows_b, s_b, dch_b)
        return carry

    lax.fori_loop(0, _NGRP, _group, 0)
    plsc.subcore_barrier()
    pltpu.sync_copy(agg_sh.at[pl.ds(s * _RPS, _RPS)],
                    agg_hbm.at[c, pl.ds(s * _RPS, _RPS)])

    @pl.when(s == _NS - 1)
    def _():
        pltpu.sync_copy(agg_sh.at[pl.ds(_NS * _RPS, _TAIL)],
                        agg_hbm.at[c, pl.ds(_NS * _RPS, _TAIL)])


_msg = pl.kernel(
    _msg_body,
    out_type=jax.ShapeDtypeStruct((_NC, _N, _D), jnp.float32),
    mesh=plsc.VectorSubcoreMesh(core_axis_name="c", subcore_axis_name="s"),
    scratch_types=[
        pltpu.VMEM((_GRP,), jnp.int32),
        pltpu.VMEM((_GRP,), jnp.int32),
        pltpu.VMEM((_GRP + 16,), jnp.float32),
        pltpu.VMEM((_GRP + 16,), jnp.float32),
        pltpu.VMEM((_GRP + 16,), jnp.float32),
        pltpu.VMEM((4, _D), jnp.float32),
        pltpu.VMEM((_CHUNK, _D), jnp.float32),
        pltpu.VMEM((_CHUNK, _D), jnp.float32),
        pltpu.VMEM((_CHUNK,), jnp.int32),
        pltpu.VMEM((_CHUNK,), jnp.int32),
        pltpu.VMEM((_ZR, _D), jnp.float32),
        pltpu.VMEM_SHARED((_N, _D), jnp.float32),
        pltpu.SemaphoreType.DMA,
        pltpu.SemaphoreType.DMA,
        pltpu.SemaphoreType.DMA,
        pltpu.SemaphoreType.DMA,
    ],
)


def _mlp_body(x_ref, a0_ref, a1_ref, wa_ref, ba_ref, wb_ref, bb_ref, o_ref):
    t = x_ref[...] + a0_ref[0] + a1_ref[0]
    u = jnp.dot(t, wa_ref[...], preferred_element_type=jnp.float32)
    u = jnp.maximum(u + ba_ref[...], 0.0)
    h = jnp.dot(u, wb_ref[...], preferred_element_type=jnp.float32)
    o_ref[...] = jnp.maximum(h + bb_ref[...], 0.0)


def _mlp(x, agg, wa, ba, wb, bb):
    return pl.pallas_call(
        _mlp_body,
        grid=(_N // _BM,),
        in_specs=[
            pl.BlockSpec((_BM, _D), lambda i: (i, 0)),
            pl.BlockSpec((1, _BM, _D), lambda i: (0, i, 0)),
            pl.BlockSpec((1, _BM, _D), lambda i: (1, i, 0)),
            pl.BlockSpec((_D, _D), lambda i: (0, 0)),
            pl.BlockSpec((1, _D), lambda i: (0, 0)),
            pl.BlockSpec((_D, _D), lambda i: (0, 0)),
            pl.BlockSpec((1, _D), lambda i: (0, 0)),
        ],
        out_specs=pl.BlockSpec((_BM, _D), lambda i: (i, 0)),
        out_shape=jax.ShapeDtypeStruct((_N, _D), jnp.float32),
    )(x, agg, agg, wa, ba, wb, bb)


def _mlp_pool_body(h_ref, a0_ref, a1_ref, wa_ref, ba_ref, wb_ref, bb_ref,
                   bat_ref, o_ref, s_acc, c_acc):
    i = pl.program_id(0)
    t = h_ref[...] + a0_ref[0] + a1_ref[0]
    u = jnp.dot(t, wa_ref[...], preferred_element_type=jnp.float32)
    u = jnp.maximum(u + ba_ref[...], 0.0)
    h2 = jnp.dot(u, wb_ref[...], preferred_element_type=jnp.float32)
    h2 = jnp.maximum(h2 + bb_ref[...], 0.0)
    onehot = (bat_ref[...] == lax.broadcasted_iota(jnp.int32, (1, _G), 1))
    onehot = onehot.astype(jnp.float32)
    s_part = lax.dot_general(onehot, h2, (((0,), (0,)), ((), ())),
                             preferred_element_type=jnp.float32)
    c_part = lax.dot_general(onehot, jnp.ones((_BM, _D), jnp.float32),
                             (((0,), (0,)), ((), ())),
                             preferred_element_type=jnp.float32)

    @pl.when(i == 0)
    def _():
        s_acc[...] = jnp.zeros_like(s_acc)
        c_acc[...] = jnp.zeros_like(c_acc)

    s_acc[...] += s_part
    c_acc[...] += c_part

    @pl.when(i == pl.num_programs(0) - 1)
    def _():
        o_ref[...] = s_acc[...] / jnp.maximum(c_acc[...], 1.0)


def _mlp_pool(h, agg, wa, ba, wb, bb, batch2):
    return pl.pallas_call(
        _mlp_pool_body,
        grid=(_N // _BM,),
        in_specs=[
            pl.BlockSpec((_BM, _D), lambda i: (i, 0)),
            pl.BlockSpec((1, _BM, _D), lambda i: (0, i, 0)),
            pl.BlockSpec((1, _BM, _D), lambda i: (1, i, 0)),
            pl.BlockSpec((_D, _D), lambda i: (0, 0)),
            pl.BlockSpec((1, _D), lambda i: (0, 0)),
            pl.BlockSpec((_D, _D), lambda i: (0, 0)),
            pl.BlockSpec((1, _D), lambda i: (0, 0)),
            pl.BlockSpec((_BM, 1), lambda i: (i, 0)),
        ],
        out_specs=pl.BlockSpec((_G, _D), lambda i: (0, 0)),
        out_shape=jax.ShapeDtypeStruct((_G, _D), jnp.float32),
        scratch_shapes=[
            pltpu.VMEM((_G, _D), jnp.float32),
            pltpu.VMEM((_G, _D), jnp.float32),
        ],
    )(h, agg, agg, wa, ba, wb, bb, batch2)


def kernel(x, edge_index, edge_attr, batch,
           W1e, b1e, W1a, b1a, W1b, b1b,
           W2e, b2e, W2a, b2a, W2b, b2b):
    src = edge_index[0].astype(jnp.int32)
    dst = edge_index[1].astype(jnp.int32)
    w1 = jnp.concatenate([W1e, b1e[None, :]], axis=0)
    w2 = jnp.concatenate([W2e, b2e[None, :]], axis=0)
    batch2 = batch.reshape(_N, 1).astype(jnp.int32)

    src, dst, ea_flat = lax.optimization_barrier(
        (src, dst, edge_attr.T.reshape(-1)))

    agg1 = _msg(x, src, dst, ea_flat, w1)
    h1 = _mlp(x, agg1, W1a, b1a.reshape(1, _D), W1b, b1b.reshape(1, _D))
    agg2 = _msg(h1, src, dst, ea_flat, w2)
    return _mlp_pool(h1, agg2, W2a, b2a.reshape(1, _D),
                     W2b, b2b.reshape(1, _D), batch2)

# --- scband reference (transcript-rebuilt; emitter-appended) ---
"""Pipeline reference for scband-gcnnet-56006373540375 (READ-ONLY COPY).

The authoritative reference and input builder live on the scoring server;
editing this copy changes nothing except your own understanding.
"""

import jax, jax.numpy as jnp
import numpy as np

N = 10000
E = 320000
D = 128
H = 128
ED = 3
G = 64

def setup_inputs(seed: int = 0) -> dict:
    key = jax.random.key(seed)
    ks = jax.random.split(key, 20)
    x = jax.random.normal(ks[0], (N, D), dtype=jnp.float32)
    edge_index = jax.random.randint(ks[1], (2, E), 0, N)
    edge_attr = jax.random.normal(ks[2], (E, ED), dtype=jnp.float32)
    batch = jnp.sort(jax.random.randint(ks[3], (N,), 0, G))
    s = 0.05
    W1e = jax.random.normal(ks[4], (ED, D), dtype=jnp.float32) * s
    b1e = jnp.zeros((D,), dtype=jnp.float32)
    W1a = jax.random.normal(ks[5], (D, H), dtype=jnp.float32) * s
    b1a = jnp.zeros((H,), dtype=jnp.float32)
    W1b = jax.random.normal(ks[6], (H, H), dtype=jnp.float32) * s
    b1b = jnp.zeros((H,), dtype=jnp.float32)
    W2e = jax.random.normal(ks[7], (ED, H), dtype=jnp.float32) * s
    b2e = jnp.zeros((H,), dtype=jnp.float32)
    W2a = jax.random.normal(ks[8], (H, H), dtype=jnp.float32) * s
    b2a = jnp.zeros((H,), dtype=jnp.float32)
    W2b = jax.random.normal(ks[9], (H, H), dtype=jnp.float32) * s
    b2b = jnp.zeros((H,), dtype=jnp.float32)
    return {"x": x, "edge_index": edge_index, "edge_attr": edge_attr, "batch": batch,
            "W1e": W1e, "b1e": b1e, "W1a": W1a, "b1a": b1a, "W1b": W1b, "b1b": b1b,
            "W2e": W2e, "b2e": b2e, "W2a": W2a, "b2a": b2a, "W2b": W2b, "b2b": b2b}

def _gine_layer(x, edge_attr, src, dst, We, be, Wa, ba, Wb, bb):
    # GINEConv: message = relu(x_j + lin(edge_attr)); aggr = sum; out = nn((1+eps)*x + aggr), eps=0
    ea = edge_attr @ We + be
    m = jax.nn.relu(x[src] + ea)
    agg = jax.ops.segment_sum(m, dst, num_segments=N)
    h = x + agg
    h = jax.nn.relu(h @ Wa + ba) @ Wb + bb
    return h

def reference(x, edge_index, edge_attr, batch,
              W1e, b1e, W1a, b1a, W1b, b1b,
              W2e, b2e, W2a, b2a, W2b, b2b):
    src = edge_index[0]
    dst = edge_index[1]
    h = _gine_layer(x, edge_attr, src, dst, W1e, b1e, W1a, b1a, W1b, b1b)
    h = jax.nn.relu(h)
    h = _gine_layer(h, edge_attr, src, dst, W2e, b2e, W2a, b2a, W2b, b2b)
    h = jax.nn.relu(h)
    # global_mean_pool
    s = jax.ops.segment_sum(h, batch, num_segments=G)
    cnt = jax.ops.segment_sum(jnp.ones((N, 1), dtype=jnp.float32), batch, num_segments=G)
    return s / jnp.maximum(cnt, 1.0)

if __name__ == "__main__":
    import jax
    _d = setup_inputs()
    print(jax.jit(kernel)(*tuple(_d.values())))

</pallas_src>

<mosaic_0001>
#map = affine_map<(d0, d1) -> (0, 0)>
#map1 = affine_map<(d0, d1) -> (0)>
#map2 = affine_map<(d0, d1) -> (0, 0, 0)>
module attributes {stable_mosaic.version = 14 : i64} {
  func.func @_msg_body(%arg0: i32, %arg1: i32, %arg2: memref<10000x128xf32, #tpu.memory_space<hbm>>, %arg3: memref<320000xi32, #tpu.memory_space<hbm>>, %arg4: memref<320000xi32, #tpu.memory_space<hbm>>, %arg5: memref<960000xf32, #tpu.memory_space<hbm>>, %arg6: memref<4x128xf32, #tpu.memory_space<hbm>>, %arg7: memref<2x10000x128xf32, #tpu.memory_space<hbm>>, %arg8: memref<2000xi32, #tpu.memory_space<vmem>>, %arg9: memref<2000xi32, #tpu.memory_space<vmem>>, %arg10: memref<2016xf32, #tpu.memory_space<vmem>>, %arg11: memref<2016xf32, #tpu.memory_space<vmem>>, %arg12: memref<2016xf32, #tpu.memory_space<vmem>>, %arg13: memref<4x128xf32, #tpu.memory_space<vmem>>, %arg14: memref<40x128xf32, #tpu.memory_space<vmem>>, %arg15: memref<40x128xf32, #tpu.memory_space<vmem>>, %arg16: memref<40xi32, #tpu.memory_space<vmem>>, %arg17: memref<40xi32, #tpu.memory_space<vmem>>, %arg18: memref<16x128xf32, #tpu.memory_space<vmem>>, %arg19: memref<10000x128xf32, #tpu.memory_space<vmem_shared>>, %arg20: memref<!tpu.dma_semaphore, #tpu.memory_space<semaphore_mem>>, %arg21: memref<!tpu.dma_semaphore, #tpu.memory_space<semaphore_mem>>, %arg22: memref<!tpu.dma_semaphore, #tpu.memory_space<semaphore_mem>>, %arg23: memref<!tpu.dma_semaphore, #tpu.memory_space<semaphore_mem>>) attributes {dimension_semantics = [#tpu.dimension_semantics<core_parallel>, #tpu.dimension_semantics<subcore_parallel>], iteration_bounds = array<i64: 2, 16>, scalar_prefetch = 0 : i64, scratch_operands = 16 : i64, tpu.core_type = #tpu.core_type<sc_vector_subcore>, window_params = [{transform_indices = #map}, {transform_indices = #map1}, {transform_indices = #map1}, {transform_indices = #map1}, {transform_indices = #map}, {transform_indices = #map2}]} {
    %mul3A = arith.constant 16 : i32
    %mul3A_0 = arith.muli %arg0, %mul3A : i32
    %add3A = arith.addi %mul3A_0, %arg1 : i32
    "tpu.region"() ({
      %run_scoped3A = tpu.sem_alloc : memref<!tpu.dma_semaphore, #tpu.memory_space<semaphore_mem>>
      tpu.enqueue_dma source(%arg6 : memref<4x128xf32, #tpu.memory_space<hbm>>) target(%arg13 : memref<4x128xf32, #tpu.memory_space<vmem>>) target_semaphore(%run_scoped3A : memref<!tpu.dma_semaphore, #tpu.memory_space<semaphore_mem>>)
      tpu.wait_dma2 semaphore(%run_scoped3A : memref<!tpu.dma_semaphore, #tpu.memory_space<semaphore_mem>>) src(%arg6 : memref<4x128xf32, #tpu.memory_space<hbm>>) dst(%arg13 : memref<4x128xf32, #tpu.memory_space<vmem>>)
      tpu.yield
    }) : () -> ()
    %broadcast_in_dim3A = arith.constant 0.000000e+00 : f32
    %broadcast_in_dim3A_1 = vector.broadcast %broadcast_in_dim3A : f32 to vector<16xf32>
    %scan3A = arith.constant 0 : i32
    %scan3A_2 = arith.constant 0 : i32
    %scan3A_3 = arith.constant 16 : i32
    %scan3A_4 = arith.addi %scan3A_2, %scan3A_3 : i32
    %scan3A_5 = arith.constant 1 : i32
    scf.for %scan3A_190 = %scan3A_2 to %scan3A_4 step %scan3A_5  : i32 {
      %swap3A = arith.index_cast %scan3A_190 : i32 to index
      %swap3A_191 = arith.constant 0 : index
      %swap3A_192 = tpu.vector_load %arg18[%swap3A, %swap3A_191] {strides = array<i32>} : memref<16x128xf32, #tpu.memory_space<vmem>>, vector<1x16xf32>,
      %swap3A_193 = vector.shape_cast %swap3A_192 : vector<1x16xf32> to vector<16xf32>
      %swap3A_194 = vector.shape_cast %broadcast_in_dim3A_1 : vector<16xf32> to vector<1x16xf32>
      tpu.vector_store %arg18[%swap3A, %swap3A_191], %swap3A_194 {strides = array<i32>} : memref<16x128xf32, #tpu.memory_space<vmem>>, vector<1x16xf32>,
      %swap3A_195 = arith.index_cast %scan3A_190 : i32 to index
      %swap3A_196 = arith.constant 16 : index
      %swap3A_197 = tpu.vector_load %arg18[%swap3A_195, %swap3A_196] {strides = array<i32>} : memref<16x128xf32, #tpu.memory_space<vmem>>, vector<1x16xf32>,
      %swap3A_198 = vector.shape_cast %swap3A_197 : vector<1x16xf32> to vector<16xf32>
      %swap3A_199 = vector.shape_cast %broadcast_in_dim3A_1 : vector<16xf32> to vector<1x16xf32>
      tpu.vector_store %arg18[%swap3A_195, %swap3A_196], %swap3A_199 {strides = array<i32>} : memref<16x128xf32, #tpu.memory_space<vmem>>, vector<1x16xf32>,
      %swap3A_200 = arith.index_cast %scan3A_190 : i32 to index
      %swap3A_201 = arith.constant 32 : index
      %swap3A_202 = tpu.vector_load %arg18[%swap3A_200, %swap3A_201] {strides = array<i32>} : memref<16x128xf32, #tpu.memory_space<vmem>>, vector<1x16xf32>,
      %swap3A_203 = vector.shape_cast %swap3A_202 : vector<1x16xf32> to vector<16xf32>
      %swap3A_204 = vector.shape_cast %broadcast_in_dim3A_1 : vector<16xf32> to vector<1x16xf32>
      tpu.vector_store %arg18[%swap3A_200, %swap3A_201], %swap3A_204 {strides = array<i32>} : memref<16x128xf32, #tpu.memory_space<vmem>>, vector<1x16xf32>,
      %swap3A_205 = arith.index_cast %scan3A_190 : i32 to index
      %swap3A_206 = arith.constant 48 : index
      %swap3A_207 = tpu.vector_load %arg18[%swap3A_205, %swap3A_206] {strides = array<i32>} : memref<16x128xf32, #tpu.memory_space<vmem>>, vector<1x16xf32>,
      %swap3A_208 = vector.shape_cast %swap3A_207 : vector<1x16xf32> to vector<16xf32>
      %swap3A_209 = vector.shape_cast %broadcast_in_dim3A_1 : vector<16xf32> to vector<1x16xf32>
      tpu.vector_store %arg18[%swap3A_205, %swap3A_206], %swap3A_209 {strides = array<i32>} : memref<16x128xf32, #tpu.memory_space<vmem>>, vector<1x16xf32>,
      %swap3A_210 = arith.index_cast %scan3A_190 : i32 to index
      %swap3A_211 = arith.constant 64 : index
      %swap3A_212 = tpu.vector_load %arg18[%swap3A_210, %swap3A_211] {strides = array<i32>} : memref<16x128xf32, #tpu.memory_space<vmem>>, vector<1x16xf32>,
      %swap3A_213 = vector.shape_cast %swap3A_212 : vector<1x16xf32> to vector<16xf32>
      %swap3A_214 = vector.shape_cast %broadcast_in_dim3A_1 : vector<16xf32> to vector<1x16xf32>
      tpu.vector_store %arg18[%swap3A_210, %swap3A_211], %swap3A_214 {strides = array<i32>} : memref<16x128xf32, #tpu.memory_space<vmem>>, vector<1x16xf32>,
      %swap3A_215 = arith.index_cast %scan3A_190 : i32 to index
      %swap3A_216 = arith.constant 80 : index
      %swap3A_217 = tpu.vector_load %arg18[%swap3A_215, %swap3A_216] {strides = array<i32>} : memref<16x128xf32, #tpu.memory_space<vmem>>, vector<1x16xf32>,
      %swap3A_218 = vector.shape_cast %swap3A_217 : vector<1x16xf32> to vector<16xf32>
      %swap3A_219 = vector.shape_cast %broadcast_in_dim3A_1 : vector<16xf32> to vector<1x16xf32>
      tpu.vector_store %arg18[%swap3A_215, %swap3A_216], %swap3A_219 {strides = array<i32>} : memref<16x128xf32, #tpu.memory_space<vmem>>, vector<1x16xf32>,
      %swap3A_220 = arith.index_cast %scan3A_190 : i32 to index
      %swap3A_221 = arith.constant 96 : index
      %swap3A_222 = tpu.vector_load %arg18[%swap3A_220, %swap3A_221] {strides = array<i32>} : memref<16x128xf32, #tpu.memory_space<vmem>>, vector<1x16xf32>,
      %swap3A_223 = vector.shape_cast %swap3A_222 : vector<1x16xf32> to vector<16xf32>
      %swap3A_224 = vector.shape_cast %broadcast_in_dim3A_1 : vector<16xf32> to vector<1x16xf32>
      tpu.vector_store %arg18[%swap3A_220, %swap3A_221], %swap3A_224 {strides = array<i32>} : memref<16x128xf32, #tpu.memory_space<vmem>>, vector<1x16xf32>,
      %swap3A_225 = arith.index_cast %scan3A_190 : i32 to index
      %swap3A_226 = arith.constant 112 : index
      %swap3A_227 = tpu.vector_load %arg18[%swap3A_225, %swap3A_226] {strides = array<i32>} : memref<16x128xf32, #tpu.memory_space<vmem>>, vector<1x16xf32>,
      %swap3A_228 = vector.shape_cast %swap3A_227 : vector<1x16xf32> to vector<16xf32>
      %swap3A_229 = vector.shape_cast %broadcast_in_dim3A_1 : vector<16xf32> to vector<1x16xf32>
      tpu.vector_store %arg18[%swap3A_225, %swap3A_226], %swap3A_229 {strides = array<i32>} : memref<16x128xf32, #tpu.memory_space<vmem>>, vector<1x16xf32>,
    }
    %scan3A_6 = arith.constant 16 : i32
    %scan3A_7 = arith.constant 0 : i32
    %scan3A_8 = arith.constant 0 : i32
    %scan3A_9 = arith.constant 39 : i32
    %scan3A_10 = arith.addi %scan3A_8, %scan3A_9 : i32
    %scan3A_11 = arith.constant 1 : i32
    scf.for %scan3A_190 = %scan3A_8 to %scan3A_10 step %scan3A_11  : i32 {
      %mul3A_191 = arith.constant 624 : i32
      %mul3A_192 = arith.muli %arg1, %mul3A_191 : i32
      %mul3A_193 = arith.constant 16 : i32
      %mul3A_194 = arith.muli %scan3A_190, %mul3A_193 : i32
      %add3A_195 = arith.addi %mul3A_192, %mul3A_194 : i32
      "tpu.region"() ({
        %run_scoped3A = tpu.sem_alloc : memref<!tpu.dma_semaphore, #tpu.memory_space<semaphore_mem>>
        %dma_start3A = arith.constant 0 : i32
        %dma_start3A_196 = tpu.memref_slice %arg19[%add3A_195, %dma_start3A] : memref<10000x128xf32, #tpu.memory_space<vmem_shared>> -> memref<16x128xf32, #tpu.memory_space<vmem_shared>>
        %dma_start3A_197 = arith.constant 0 : i32
        %dma_start3A_198 = tpu.memref_slice %arg19[%add3A_195, %dma_start3A_197] : memref<10000x128xf32, #tpu.memory_space<vmem_shared>> -> memref<16x128xf32, #tpu.memory_space<vmem_shared>>
        tpu.enqueue_dma source(%arg18 : memref<16x128xf32, #tpu.memory_space<vmem>>) target(%dma_start3A_198 : memref<16x128xf32, #tpu.memory_space<vmem_shared>>) target_semaphore(%run_scoped3A : memref<!tpu.dma_semaphore, #tpu.memory_space<semaphore_mem>>)
        %dma_wait3A = arith.constant 0 : i32
        %dma_wait3A_199 = tpu.memref_slice %arg19[%add3A_195, %dma_wait3A] : memref<10000x128xf32, #tpu.memory_space<vmem_shared>> -> memref<16x128xf32, #tpu.memory_space<vmem_shared>>
        %dma_wait3A_200 = arith.constant 0 : i32
        %dma_wait3A_201 = tpu.memref_slice %arg19[%add3A_195, %dma_wait3A_200] : memref<10000x128xf32, #tpu.memory_space<vmem_shared>> -> memref<16x128xf32, #tpu.memory_space<vmem_shared>>
        tpu.wait_dma2 semaphore(%run_scoped3A : memref<!tpu.dma_semaphore, #tpu.memory_space<semaphore_mem>>) src(%arg18 : memref<16x128xf32, #tpu.memory_space<vmem>>) dst(%dma_wait3A_201 : memref<16x128xf32, #tpu.memory_space<vmem_shared>>)
        tpu.yield
      }) : () -> ()
    }
    %scan3A_12 = arith.constant 39 : i32
    %eq3A = arith.constant 15 : i32
    %eq3A_13 = arith.cmpi eq, %arg1, %eq3A : i32
    %convert_element_type3A = arith.extui %eq3A_13 : i1 to i32
    %cond3A = arith.constant 0 : i32
    %cond3A_14 = arith.cmpi ne, %convert_element_type3A, %cond3A : i32
    scf.if %cond3A_14 {
      "tpu.region"() ({
        %run_scoped3A = tpu.sem_alloc : memref<!tpu.dma_semaphore, #tpu.memory_space<semaphore_mem>>
        %dma_start3A = arith.constant 9984 : i32
        %dma_start3A_190 = arith.constant 0 : i32
        %dma_start3A_191 = tpu.memref_slice %arg19[%dma_start3A, %dma_start3A_190] : memref<10000x128xf32, #tpu.memory_space<vmem_shared>> -> memref<16x128xf32, #tpu.memory_space<vmem_shared>>
        %dma_start3A_192 = arith.constant 9984 : i32
        %dma_start3A_193 = arith.constant 0 : i32
        %dma_start3A_194 = tpu.memref_slice %arg19[%dma_start3A_192, %dma_start3A_193] : memref<10000x128xf32, #tpu.memory_space<vmem_shared>> -> memref<16x128xf32, #tpu.memory_space<vmem_shared>>
        tpu.enqueue_dma source(%arg18 : memref<16x128xf32, #tpu.memory_space<vmem>>) target(%dma_start3A_194 : memref<16x128xf32, #tpu.memory_space<vmem_shared>>) target_semaphore(%run_scoped3A : memref<!tpu.dma_semaphore, #tpu.memory_space<semaphore_mem>>)
        %dma_wait3A = arith.constant 9984 : i32
        %dma_wait3A_195 = arith.constant 0 : i32
        %dma_wait3A_196 = tpu.memref_slice %arg19[%dma_wait3A, %dma_wait3A_195] : memref<10000x128xf32, #tpu.memory_space<vmem_shared>> -> memref<16x128xf32, #tpu.memory_space<vmem_shared>>
        %dma_wait3A_197 = arith.constant 9984 : i32
        %dma_wait3A_198 = arith.constant 0 : i32
        %dma_wait3A_199 = tpu.memref_slice %arg19[%dma_wait3A_197, %dma_wait3A_198] : memref<10000x128xf32, #tpu.memory_space<vmem_shared>> -> memref<16x128xf32, #tpu.memory_space<vmem_shared>>
        tpu.wait_dma2 semaphore(%run_scoped3A : memref<!tpu.dma_semaphore, #tpu.memory_space<semaphore_mem>>) src(%arg18 : memref<16x128xf32, #tpu.memory_space<vmem>>) dst(%dma_wait3A_199 : memref<16x128xf32, #tpu.memory_space<vmem_shared>>)
        tpu.yield
      }) : () -> ()
    } else {
    }
    %barrier3A = arith.constant 0 : index
    tpu.barrier barrier_id(%barrier3A)
    %get3A = arith.constant 0 : i32
    %get3A_15 = arith.index_cast %get3A : i32 to index
    %get3A_16 = arith.constant 0 : index
    %get3A_17 = tpu.vector_load %arg13[%get3A_15, %get3A_16] {strides = array<i32>} : memref<4x128xf32, #tpu.memory_space<vmem>>, vector<1x16xf32>,
    %get3A_18 = vector.shape_cast %get3A_17 : vector<1x16xf32> to vector<16xf32>
    %get3A_19 = arith.constant 0 : i32
    %get3A_20 = arith.index_cast %get3A_19 : i32 to index
    %get3A_21 = arith.constant 16 : index
    %get3A_22 = tpu.vector_load %arg13[%get3A_20, %get3A_21] {strides = array<i32>} : memref<4x128xf32, #tpu.memory_space<vmem>>, vector<1x16xf32>,
    %get3A_23 = vector.shape_cast %get3A_22 : vector<1x16xf32> to vector<16xf32>
    %get3A_24 = arith.constant 0 : i32
    %get3A_25 = arith.index_cast %get3A_24 : i32 to index
    %get3A_26 = arith.constant 32 : index
    %get3A_27 = tpu.vector_load %arg13[%get3A_25, %get3A_26] {strides = array<i32>} : memref<4x128xf32, #tpu.memory_space<vmem>>, vector<1x16xf32>,
    %get3A_28 = vector.shape_cast %get3A_27 : vector<1x16xf32> to vector<16xf32>
    %get3A_29 = arith.constant 0 : i32
    %get3A_30 = arith.index_cast %get3A_29 : i32 to index
    %get3A_31 = arith.constant 48 : index
    %get3A_32 = tpu.vector_load %arg13[%get3A_30, %get3A_31] {strides = array<i32>} : memref<4x128xf32, #tpu.memory_space<vmem>>, vector<1x16xf32>,
    %get3A_33 = vector.shape_cast %get3A_32 : vector<1x16xf32> to vector<16xf32>
    %get3A_34 = arith.constant 0 : i32
    %get3A_35 = arith.index_cast %get3A_34 : i32 to index
    %get3A_36 = arith.constant 64 : index
    %get3A_37 = tpu.vector_load %arg13[%get3A_35, %get3A_36] {strides = array<i32>} : memref<4x128xf32, #tpu.memory_space<vmem>>, vector<1x16xf32>,
    %get3A_38 = vector.shape_cast %get3A_37 : vector<1x16xf32> to vector<16xf32>
    %get3A_39 = arith.constant 0 : i32
    %get3A_40 = arith.index_cast %get3A_39 : i32 to index
    %get3A_41 = arith.constant 80 : index
    %get3A_42 = tpu.vector_load %arg13[%get3A_40, %get3A_41] {strides = array<i32>} : memref<4x128xf32, #tpu.memory_space<vmem>>, vector<1x16xf32>,
    %get3A_43 = vector.shape_cast %get3A_42 : vector<1x16xf32> to vector<16xf32>
    %get3A_44 = arith.constant 0 : i32
    %get3A_45 = arith.index_cast %get3A_44 : i32 to index
    %get3A_46 = arith.constant 96 : index
    %get3A_47 = tpu.vector_load %arg13[%get3A_45, %get3A_46] {strides = array<i32>} : memref<4x128xf32, #tpu.memory_space<vmem>>, vector<1x16xf32>,
    %get3A_48 = vector.shape_cast %get3A_47 : vector<1x16xf32> to vector<16xf32>
    %get3A_49 = arith.constant 0 : i32
    %get3A_50 = arith.index_cast %get3A_49 : i32 to index
    %get3A_51 = arith.constant 112 : index
    %get3A_52 = tpu.vector_load %arg13[%get3A_50, %get3A_51] {strides = array<i32>} : memref<4x128xf32, #tpu.memory_space<vmem>>, vector<1x16xf32>,
    %get3A_53 = vector.shape_cast %get3A_52 : vector<1x16xf32> to vector<16xf32>
    %get3A_54 = arith.constant 1 : i32
    %get3A_55 = arith.index_cast %get3A_54 : i32 to index
    %get3A_56 = arith.constant 0 : index
    %get3A_57 = tpu.vector_load %arg13[%get3A_55, %get3A_56] {strides = array<i32>} : memref<4x128xf32, #tpu.memory_space<vmem>>, vector<1x16xf32>,
    %get3A_58 = vector.shape_cast %get3A_57 : vector<1x16xf32> to vector<16xf32>
    %get3A_59 = arith.constant 1 : i32
    %get3A_60 = arith.index_cast %get3A_59 : i32 to index
    %get3A_61 = arith.constant 16 : index
    %get3A_62 = tpu.vector_load %arg13[%get3A_60, %get3A_61] {strides = array<i32>} : memref<4x128xf32, #tpu.memory_space<vmem>>, vector<1x16xf32>,
    %get3A_63 = vector.shape_cast %get3A_62 : vector<1x16xf32> to vector<16xf32>
    %get3A_64 = arith.constant 1 : i32
    %get3A_65 = arith.index_cast %get3A_64 : i32 to index
    %get3A_66 = arith.constant 32 : index
    %get3A_67 = tpu.vector_load %arg13[%get3A_65, %get3A_66] {strides = array<i32>} : memref<4x128xf32, #tpu.memory_space<vmem>>, vector<1x16xf32>,
    %get3A_68 = vector.shape_cast %get3A_67 : vector<1x16xf32> to vector<16xf32>
    %get3A_69 = arith.constant 1 : i32
    %get3A_70 = arith.index_cast %get3A_69 : i32 to index
    %get3A_71 = arith.constant 48 : index
    %get3A_72 = tpu.vector_load %arg13[%get3A_70, %get3A_71] {strides = array<i32>} : memref<4x128xf32, #tpu.memory_space<vmem>>, vector<1x16xf32>,
    %get3A_73 = vector.shape_cast %get3A_72 : vector<1x16xf32> to vector<16xf32>
    %get3A_74 = arith.constant 1 : i32
    %get3A_75 = arith.index_cast %get3A_74 : i32 to index
    %get3A_76 = arith.constant 64 : index
    %get3A_77 = tpu.vector_load %arg13[%get3A_75, %get3A_76] {strides = array<i32>} : memref<4x128xf32, #tpu.memory_space<vmem>>, vector<1x16xf32>,
    %get3A_78 = vector.shape_cast %get3A_77 : vector<1x16xf32> to vector<16xf32>
    %get3A_79 = arith.constant 1 : i32
    %get3A_80 = arith.index_cast %get3A_79 : i32 to index
    %get3A_81 = arith.constant 80 : index
    %get3A_82 = tpu.vector_load %arg13[%get3A_80, %get3A_81] {strides = array<i32>} : memref<4x128xf32, #tpu.memory_space<vmem>>, vector<1x16xf32>,
    %get3A_83 = vector.shape_cast %get3A_82 : vector<1x16xf32> to vector<16xf32>
    %get3A_84 = arith.constant 1 : i32
    %get3A_85 = arith.index_cast %get3A_84 : i32 to index
    %get3A_86 = arith.constant 96 : index
    %get3A_87 = tpu.vector_load %arg13[%get3A_85, %get3A_86] {strides = array<i32>} : memref<4x128xf32, #tpu.memory_space<vmem>>, vector<1x16xf32>,
    %get3A_88 = vector.shape_cast %get3A_87 : vector<1x16xf32> to vector<16xf32>
    %get3A_89 = arith.constant 1 : i32
    %get3A_90 = arith.index_cast %get3A_89 : i32 to index
    %get3A_91 = arith.constant 112 : index
    %get3A_92 = tpu.vector_load %arg13[%get3A_90, %get3A_91] {strides = array<i32>} : memref<4x128xf32, #tpu.memory_space<vmem>>, vector<1x16xf32>,
    %get3A_93 = vector.shape_cast %get3A_92 : vector<1x16xf32> to vector<16xf32>
    %get3A_94 = arith.constant 2 : i32
    %get3A_95 = arith.index_cast %get3A_94 : i32 to index
    %get3A_96 = arith.constant 0 : index
    %get3A_97 = tpu.vector_load %arg13[%get3A_95, %get3A_96] {strides = array<i32>} : memref<4x128xf32, #tpu.memory_space<vmem>>, vector<1x16xf32>,
    %get3A_98 = vector.shape_cast %get3A_97 : vector<1x16xf32> to vector<16xf32>
    %get3A_99 = arith.constant 2 : i32
    %get3A_100 = arith.index_cast %get3A_99 : i32 to index
    %get3A_101 = arith.constant 16 : index
    %get3A_102 = tpu.vector_load %arg13[%get3A_100, %get3A_101] {strides = array<i32>} : memref<4x128xf32, #tpu.memory_space<vmem>>, vector<1x16xf32>,
    %get3A_103 = vector.shape_cast %get3A_102 : vector<1x16xf32> to vector<16xf32>
    %get3A_104 = arith.constant 2 : i32
    %get3A_105 = arith.index_cast %get3A_104 : i32 to index
    %get3A_106 = arith.constant 32 : index
    %get3A_107 = tpu.vector_load %arg13[%get3A_105, %get3A_106] {strides = array<i32>} : memref<4x128xf32, #tpu.memory_space<vmem>>, vector<1x16xf32>,
    %get3A_108 = vector.shape_cast %get3A_107 : vector<1x16xf32> to vector<16xf32>
    %get3A_109 = arith.constant 2 : i32
    %get3A_110 = arith.index_cast %get3A_109 : i32 to index
    %get3A_111 = arith.constant 48 : index
    %get3A_112 = tpu.vector_load %arg13[%get3A_110, %get3A_111] {strides = array<i32>} : memref<4x128xf32, #tpu.memory_space<vmem>>, vector<1x16xf32>,
    %get3A_113 = vector.shape_cast %get3A_112 : vector<1x16xf32> to vector<16xf32>
    %get3A_114 = arith.constant 2 : i32
    %get3A_115 = arith.index_cast %get3A_114 : i32 to index
    %get3A_116 = arith.constant 64 : index
    %get3A_117 = tpu.vector_load %arg13[%get3A_115, %get3A_116] {strides = array<i32>} : memref<4x128xf32, #tpu.memory_space<vmem>>, vector<1x16xf32>,
    %get3A_118 = vector.shape_cast %get3A_117 : vector<1x16xf32> to vector<16xf32>
    %get3A_119 = arith.constant 2 : i32
    %get3A_120 = arith.index_cast %get3A_119 : i32 to index
    %get3A_121 = arith.constant 80 : index
    %get3A_122 = tpu.vector_load %arg13[%get3A_120, %get3A_121] {strides = array<i32>} : memref<4x128xf32, #tpu.memory_space<vmem>>, vector<1x16xf32>,
    %get3A_123 = vector.shape_cast %get3A_122 : vector<1x16xf32> to vector<16xf32>
    %get3A_124 = arith.constant 2 : i32
    %get3A_125 = arith.index_cast %get3A_124 : i32 to index
    %get3A_126 = arith.constant 96 : index
    %get3A_127 = tpu.vector_load %arg13[%get3A_125, %get3A_126] {strides = array<i32>} : memref<4x128xf32, #tpu.memory_space<vmem>>, vector<1x16xf32>,
    %get3A_128 = vector.shape_cast %get3A_127 : vector<1x16xf32> to vector<16xf32>
    %get3A_129 = arith.constant 2 : i32
    %get3A_130 = arith.index_cast %get3A_129 : i32 to index
    %get3A_131 = arith.constant 112 : index
    %get3A_132 = tpu.vector_load %arg13[%get3A_130, %get3A_131] {strides = array<i32>} : memref<4x128xf32, #tpu.memory_space<vmem>>, vector<1x16xf32>,
    %get3A_133 = vector.shape_cast %get3A_132 : vector<1x16xf32> to vector<16xf32>
    %get3A_134 = arith.constant 3 : i32
    %get3A_135 = arith.index_cast %get3A_134 : i32 to index
    %get3A_136 = arith.constant 0 : index
    %get3A_137 = tpu.vector_load %arg13[%get3A_135, %get3A_136] {strides = array<i32>} : memref<4x128xf32, #tpu.memory_space<vmem>>, vector<1x16xf32>,
    %get3A_138 = vector.shape_cast %get3A_137 : vector<1x16xf32> to vector<16xf32>
    %get3A_139 = arith.constant 3 : i32
    %get3A_140 = arith.index_cast %get3A_139 : i32 to index
    %get3A_141 = arith.constant 16 : index
    %get3A_142 = tpu.vector_load %arg13[%get3A_140, %get3A_141] {strides = array<i32>} : memref<4x128xf32, #tpu.memory_space<vmem>>, vector<1x16xf32>,
    %get3A_143 = vector.shape_cast %get3A_142 : vector<1x16xf32> to vector<16xf32>
    %get3A_144 = arith.constant 3 : i32
    %get3A_145 = arith.index_cast %get3A_144 : i32 to index
    %get3A_146 = arith.constant 32 : index
    %get3A_147 = tpu.vector_load %arg13[%get3A_145, %get3A_146] {strides = array<i32>} : memref<4x128xf32, #tpu.memory_space<vmem>>, vector<1x16xf32>,
    %get3A_148 = vector.shape_cast %get3A_147 : vector<1x16xf32> to vector<16xf32>
    %get3A_149 = arith.constant 3 : i32
    %get3A_150 = arith.index_cast %get3A_149 : i32 to index
    %get3A_151 = arith.constant 48 : index
    %get3A_152 = tpu.vector_load %arg13[%get3A_150, %get3A_151] {strides = array<i32>} : memref<4x128xf32, #tpu.memory_space<vmem>>, vector<1x16xf32>,
    %get3A_153 = vector.shape_cast %get3A_152 : vector<1x16xf32> to vector<16xf32>
    %get3A_154 = arith.constant 3 : i32
    %get3A_155 = arith.index_cast %get3A_154 : i32 to index
    %get3A_156 = arith.constant 64 : index
    %get3A_157 = tpu.vector_load %arg13[%get3A_155, %get3A_156] {strides = array<i32>} : memref<4x128xf32, #tpu.memory_space<vmem>>, vector<1x16xf32>,
    %get3A_158 = vector.shape_cast %get3A_157 : vector<1x16xf32> to vector<16xf32>
    %get3A_159 = arith.constant 3 : i32
    %get3A_160 = arith.index_cast %get3A_159 : i32 to index
    %get3A_161 = arith.constant 80 : index
    %get3A_162 = tpu.vector_load %arg13[%get3A_160, %get3A_161] {strides = array<i32>} : memref<4x128xf32, #tpu.memory_space<vmem>>, vector<1x16xf32>,
    %get3A_163 = vector.shape_cast %get3A_162 : vector<1x16xf32> to vector<16xf32>
    %get3A_164 = arith.constant 3 : i32
    %get3A_165 = arith.index_cast %get3A_164 : i32 to index
    %get3A_166 = arith.constant 96 : index
    %get3A_167 = tpu.vector_load %arg13[%get3A_165, %get3A_166] {strides = array<i32>} : memref<4x128xf32, #tpu.memory_space<vmem>>, vector<1x16xf32>,
    %get3A_168 = vector.shape_cast %get3A_167 : vector<1x16xf32> to vector<16xf32>
    %get3A_169 = arith.constant 3 : i32
    %get3A_170 = arith.index_cast %get3A_169 : i32 to index
    %get3A_171 = arith.constant 112 : index
    %get3A_172 = tpu.vector_load %arg13[%get3A_170, %get3A_171] {strides = array<i32>} : memref<4x128xf32, #tpu.memory_space<vmem>>, vector<1x16xf32>,
    %get3A_173 = vector.shape_cast %get3A_172 : vector<1x16xf32> to vector<16xf32>
    %scan3A_174 = arith.constant 0 : i32
    %scan3A_175 = arith.constant 0 : i32
    %scan3A_176 = arith.constant 5 : i32
    %scan3A_177 = arith.addi %scan3A_175, %scan3A_176 : i32
    %scan3A_178 = arith.constant 1 : i32
    scf.for %scan3A_190 = %scan3A_175 to %scan3A_177 step %scan3A_178  : i32 {
      %mul3A_191 = arith.constant 10000 : i32
      %mul3A_192 = arith.muli %add3A, %mul3A_191 : i32
      %mul3A_193 = arith.constant 2000 : i32
      %mul3A_194 = arith.muli %scan3A_190, %mul3A_193 : i32
      %add3A_195 = arith.addi %mul3A_192, %mul3A_194 : i32
      "tpu.region"() ({
        %run_scoped3A = tpu.sem_alloc : memref<!tpu.dma_semaphore, #tpu.memory_space<semaphore_mem>>
        %dma_start3A_212 = tpu.memref_slice %arg3[%add3A_195] : memref<320000xi32, #tpu.memory_space<hbm>> -> memref<2000xi32, #tpu.memory_space<hbm>>
        %dma_start3A_213 = tpu.memref_slice %arg3[%add3A_195] : memref<320000xi32, #tpu.memory_space<hbm>> -> memref<2000xi32, #tpu.memory_space<hbm>>
        tpu.enqueue_dma source(%dma_start3A_213 : memref<2000xi32, #tpu.memory_space<hbm>>) target(%arg8 : memref<2000xi32, #tpu.memory_space<vmem>>) target_semaphore(%run_scoped3A : memref<!tpu.dma_semaphore, #tpu.memory_space<semaphore_mem>>)
        %dma_wait3A_214 = tpu.memref_slice %arg3[%add3A_195] : memref<320000xi32, #tpu.memory_space<hbm>> -> memref<2000xi32, #tpu.memory_space<hbm>>
        %dma_wait3A_215 = tpu.memref_slice %arg3[%add3A_195] : memref<320000xi32, #tpu.memory_space<hbm>> -> memref<2000xi32, #tpu.memory_space<hbm>>
        tpu.wait_dma2 semaphore(%run_scoped3A : memref<!tpu.dma_semaphore, #tpu.memory_space<semaphore_mem>>) src(%dma_wait3A_215 : memref<2000xi32, #tpu.memory_space<hbm>>) dst(%arg8 : memref<2000xi32, #tpu.memory_space<vmem>>)
        tpu.yield
      }) : () -> ()
      "tpu.region"() ({
        %run_scoped3A = tpu.sem_alloc : memref<!tpu.dma_semaphore, #tpu.memory_space<semaphore_mem>>
        %dma_start3A_212 = tpu.memref_slice %arg4[%add3A_195] : memref<320000xi32, #tpu.memory_space<hbm>> -> memref<2000xi32, #tpu.memory_space<hbm>>
        %dma_start3A_213 = tpu.memref_slice %arg4[%add3A_195] : memref<320000xi32, #tpu.memory_space<hbm>> -> memref<2000xi32, #tpu.memory_space<hbm>>
        tpu.enqueue_dma source(%dma_start3A_213 : memref<2000xi32, #tpu.memory_space<hbm>>) target(%arg9 : memref<2000xi32, #tpu.memory_space<vmem>>) target_semaphore(%run_scoped3A : memref<!tpu.dma_semaphore, #tpu.memory_space<semaphore_mem>>)
        %dma_wait3A_214 = tpu.memref_slice %arg4[%add3A_195] : memref<320000xi32, #tpu.memory_space<hbm>> -> memref<2000xi32, #tpu.memory_space<hbm>>
        %dma_wait3A_215 = tpu.memref_slice %arg4[%add3A_195] : memref<320000xi32, #tpu.memory_space<hbm>> -> memref<2000xi32, #tpu.memory_space<hbm>>
        tpu.wait_dma2 semaphore(%run_scoped3A : memref<!tpu.dma_semaphore, #tpu.memory_space<semaphore_mem>>) src(%dma_wait3A_215 : memref<2000xi32, #tpu.memory_space<hbm>>) dst(%arg9 : memref<2000xi32, #tpu.memory_space<vmem>>)
        tpu.yield
      }) : () -> ()
      "tpu.region"() ({
        %run_scoped3A = tpu.sem_alloc : memref<!tpu.dma_semaphore, #tpu.memory_space<semaphore_mem>>
        %dma_start3A_212 = arith.constant 0 : i32
        %dma_start3A_213 = tpu.memref_slice %arg10[%dma_start3A_212] : memref<2016xf32, #tpu.memory_space<vmem>> -> memref<2000xf32, #tpu.memory_space<vmem>>
        %dma_start3A_214 = tpu.memref_slice %arg5[%add3A_195] : memref<960000xf32, #tpu.memory_space<hbm>> -> memref<2000xf32, #tpu.memory_space<hbm>>
        %dma_start3A_215 = arith.constant 0 : i32
        %dma_start3A_216 = tpu.memref_slice %arg10[%dma_start3A_215] : memref<2016xf32, #tpu.memory_space<vmem>> -> memref<2000xf32, #tpu.memory_space<vmem>>
        %dma_start3A_217 = tpu.memref_slice %arg5[%add3A_195] : memref<960000xf32, #tpu.memory_space<hbm>> -> memref<2000xf32, #tpu.memory_space<hbm>>
        tpu.enqueue_dma source(%dma_start3A_217 : memref<2000xf32, #tpu.memory_space<hbm>>) target(%dma_start3A_216 : memref<2000xf32, #tpu.memory_space<vmem>>) target_semaphore(%run_scoped3A : memref<!tpu.dma_semaphore, #tpu.memory_space<semaphore_mem>>)
        %dma_wait3A_218 = arith.constant 0 : i32
        %dma_wait3A_219 = tpu.memref_slice %arg10[%dma_wait3A_218] : memref<2016xf32, #tpu.memory_space<vmem>> -> memref<2000xf32, #tpu.memory_space<vmem>>
        %dma_wait3A_220 = tpu.memref_slice %arg5[%add3A_195] : memref<960000xf32, #tpu.memory_space<hbm>> -> memref<2000xf32, #tpu.memory_space<hbm>>
        %dma_wait3A_221 = arith.constant 0 : i32
        %dma_wait3A_222 = tpu.memref_slice %arg10[%dma_wait3A_221] : memref<2016xf32, #tpu.memory_space<vmem>> -> memref<2000xf32, #tpu.memory_space<vmem>>
        %dma_wait3A_223 = tpu.memref_slice %arg5[%add3A_195] : memref<960000xf32, #tpu.memory_space<hbm>> -> memref<2000xf32, #tpu.memory_space<hbm>>
        tpu.wait_dma2 semaphore(%run_scoped3A : memref<!tpu.dma_semaphore, #tpu.memory_space<semaphore_mem>>) src(%dma_wait3A_223 : memref<2000xf32, #tpu.memory_space<hbm>>) dst(%dma_wait3A_222 : memref<2000xf32, #tpu.memory_space<vmem>>)
        tpu.yield
      }) : () -> ()
      %add3A_196 = arith.constant 320000 : i32
      %add3A_197 = arith.addi %add3A_196, %add3A_195 : i32
      "tpu.region"() ({
        %run_scoped3A = tpu.sem_alloc : memref<!tpu.dma_semaphore, #tpu.memory_space<semaphore_mem>>
        %dma_start3A_212 = arith.constant 0 : i32
        %dma_start3A_213 = tpu.memref_slice %arg11[%dma_start3A_212] : memref<2016xf32, #tpu.memory_space<vmem>> -> memref<2000xf32, #tpu.memory_space<vmem>>
        %dma_start3A_214 = tpu.memref_slice %arg5[%add3A_197] : memref<960000xf32, #tpu.memory_space<hbm>> -> memref<2000xf32, #tpu.memory_space<hbm>>
        %dma_start3A_215 = arith.constant 0 : i32
        %dma_start3A_216 = tpu.memref_slice %arg11[%dma_start3A_215] : memref<2016xf32, #tpu.memory_space<vmem>> -> memref<2000xf32, #tpu.memory_space<vmem>>
        %dma_start3A_217 = tpu.memref_slice %arg5[%add3A_197] : memref<960000xf32, #tpu.memory_space<hbm>> -> memref<2000xf32, #tpu.memory_space<hbm>>
        tpu.enqueue_dma source(%dma_start3A_217 : memref<2000xf32, #tpu.memory_space<hbm>>) target(%dma_start3A_216 : memref<2000xf32, #tpu.memory_space<vmem>>) target_semaphore(%run_scoped3A : memref<!tpu.dma_semaphore, #tpu.memory_space<semaphore_mem>>)
        %dma_wait3A_218 = arith.constant 0 : i32
        %dma_wait3A_219 = tpu.memref_slice %arg11[%dma_wait3A_218] : memref<2016xf32, #tpu.memory_space<vmem>> -> memref<2000xf32, #tpu.memory_space<vmem>>
        %dma_wait3A_220 = tpu.memref_slice %arg5[%add3A_197] : memref<960000xf32, #tpu.memory_space<hbm>> -> memref<2000xf32, #tpu.memory_space<hbm>>
        %dma_wait3A_221 = arith.constant 0 : i32
        %dma_wait3A_222 = tpu.memref_slice %arg11[%dma_wait3A_221] : memref<2016xf32, #tpu.memory_space<vmem>> -> memref<2000xf32, #tpu.memory_space<vmem>>
        %dma_wait3A_223 = tpu.memref_slice %arg5[%add3A_197] : memref<960000xf32, #tpu.memory_space<hbm>> -> memref<2000xf32, #tpu.memory_space<hbm>>
        tpu.wait_dma2 semaphore(%run_scoped3A : memref<!tpu.dma_semaphore, #tpu.memory_space<semaphore_mem>>) src(%dma_wait3A_223 : memref<2000xf32, #tpu.memory_space<hbm>>) dst(%dma_wait3A_222 : memref<2000xf32, #tpu.memory_space<vmem>>)
        tpu.yield
      }) : () -> ()
      %add3A_198 = arith.constant 640000 : i32
      %add3A_199 = arith.addi %add3A_198, %add3A_195 : i32
      "tpu.region"() ({
        %run_scoped3A = tpu.sem_alloc : memref<!tpu.dma_semaphore, #tpu.memory_space<semaphore_mem>>
        %dma_start3A_212 = arith.constant 0 : i32
        %dma_start3A_213 = tpu.memref_slice %arg12[%dma_start3A_212] : memref<2016xf32, #tpu.memory_space<vmem>> -> memref<2000xf32, #tpu.memory_space<vmem>>
        %dma_start3A_214 = tpu.memref_slice %arg5[%add3A_199] : memref<960000xf32, #tpu.memory_space<hbm>> -> memref<2000xf32, #tpu.memory_space<hbm>>
        %dma_start3A_215 = arith.constant 0 : i32
        %dma_start3A_216 = tpu.memref_slice %arg12[%dma_start3A_215] : memref<2016xf32, #tpu.memory_space<vmem>> -> memref<2000xf32, #tpu.memory_space<vmem>>
        %dma_start3A_217 = tpu.memref_slice %arg5[%add3A_199] : memref<960000xf32, #tpu.memory_space<hbm>> -> memref<2000xf32, #tpu.memory_space<hbm>>
        tpu.enqueue_dma source(%dma_start3A_217 : memref<2000xf32, #tpu.memory_space<hbm>>) target(%dma_start3A_216 : memref<2000xf32, #tpu.memory_space<vmem>>) target_semaphore(%run_scoped3A : memref<!tpu.dma_semaphore, #tpu.memory_space<semaphore_mem>>)
        %dma_wait3A_218 = arith.constant 0 : i32
        %dma_wait3A_219 = tpu.memref_slice %arg12[%dma_wait3A_218] : memref<2016xf32, #tpu.memory_space<vmem>> -> memref<2000xf32, #tpu.memory_space<vmem>>
        %dma_wait3A_220 = tpu.memref_slice %arg5[%add3A_199] : memref<960000xf32, #tpu.memory_space<hbm>> -> memref<2000xf32, #tpu.memory_space<hbm>>
        %dma_wait3A_221 = arith.constant 0 : i32
        %dma_wait3A_222 = tpu.memref_slice %arg12[%dma_wait3A_221] : memref<2016xf32, #tpu.memory_space<vmem>> -> memref<2000xf32, #tpu.memory_space<vmem>>
        %dma_wait3A_223 = tpu.memref_slice %arg5[%add3A_199] : memref<960000xf32, #tpu.memory_space<hbm>> -> memref<2000xf32, #tpu.memory_space<hbm>>
        tpu.wait_dma2 semaphore(%run_scoped3A : memref<!tpu.dma_semaphore, #tpu.memory_space<semaphore_mem>>) src(%dma_wait3A_223 : memref<2000xf32, #tpu.memory_space<hbm>>) dst(%dma_wait3A_222 : memref<2000xf32, #tpu.memory_space<vmem>>)
        tpu.yield
      }) : () -> ()
      %dma_start3A = arith.constant 0 : i32
      %dma_start3A_200 = tpu.memref_slice %arg8[%dma_start3A] : memref<2000xi32, #tpu.memory_space<vmem>> -> memref<40xi32, #tpu.memory_space<vmem>>
      %dma_start3A_201 = arith.constant 0 : i32
      %dma_start3A_202 = arith.constant 0 : i32
      %dma_start3A_203 = tpu.memref_slice %arg2[%dma_start3A_201, %dma_start3A_202] : memref<10000x128xf32, #tpu.memory_space<hbm>> -> memref<10000x128xf32, #tpu.memory_space<hbm>>
      tpu.enqueue_indirect_dma source(%dma_start3A_203 : memref<10000x128xf32, #tpu.memory_space<hbm>>) target(%arg14 : memref<40x128xf32, #tpu.memory_space<vmem>>) offsets(%dma_start3A_200 : memref<40xi32, #tpu.memory_space<vmem>>) semaphore(%arg20 : memref<!tpu.dma_semaphore, #tpu.memory_space<semaphore_mem>>)
      %scan3A_204 = arith.constant 0 : i32
      %scan3A_205 = arith.constant 0 : i32
      %scan3A_206 = arith.constant 25 : i32
      %scan3A_207 = arith.addi %scan3A_205, %scan3A_206 : i32
      %scan3A_208 = arith.constant 1 : i32
      scf.for %scan3A_212 = %scan3A_205 to %scan3A_207 step %scan3A_208  : i32 {
        %mul3A_213 = arith.constant 2 : i32
        %mul3A_214 = arith.muli %mul3A_213, %scan3A_212 : i32
        %add3A_215 = arith.constant 1 : i32
        %add3A_216 = arith.addi %mul3A_214, %add3A_215 : i32
        %gt3A = arith.constant 0 : i32
        %gt3A_217 = arith.cmpi sgt, %scan3A_212, %gt3A : i32
        %convert_element_type3A_218 = arith.extui %gt3A_217 : i1 to i32
        %cond3A_219 = arith.constant 0 : i32
        %cond3A_220 = arith.cmpi ne, %convert_element_type3A_218, %cond3A_219 : i32
        scf.if %cond3A_220 {
          %dma_wait3A_327 = arith.constant 0 : i32
          %dma_wait3A_328 = arith.constant 0 : i32
          %dma_wait3A_329 = tpu.memref_slice %arg19[%dma_wait3A_327, %dma_wait3A_328] : memref<10000x128xf32, #tpu.memory_space<vmem_shared>> -> memref<10000x128xf32, #tpu.memory_space<vmem_shared>>
          tpu.wait_indirect_dma semaphore(%arg23 : memref<!tpu.dma_semaphore, #tpu.memory_space<semaphore_mem>>) src(%arg15 : memref<40x128xf32, #tpu.memory_space<vmem>>) dst(%dma_wait3A_329 : memref<10000x128xf32, #tpu.memory_space<vmem_shared>>)
        } else {
        }
        %mul3A_221 = arith.constant 40 : i32
        %mul3A_222 = arith.muli %add3A_216, %mul3A_221 : i32
        %dma_start3A_223 = tpu.memref_slice %arg8[%mul3A_222] : memref<2000xi32, #tpu.memory_space<vmem>> -> memref<40xi32, #tpu.memory_space<vmem>>
        %dma_start3A_224 = arith.constant 0 : i32
        %dma_start3A_225 = arith.constant 0 : i32
        %dma_start3A_226 = tpu.memref_slice %arg2[%dma_start3A_224, %dma_start3A_225] : memref<10000x128xf32, #tpu.memory_space<hbm>> -> memref<10000x128xf32, #tpu.memory_space<hbm>>
        tpu.enqueue_indirect_dma source(%dma_start3A_226 : memref<10000x128xf32, #tpu.memory_space<hbm>>) target(%arg15 : memref<40x128xf32, #tpu.memory_space<vmem>>) offsets(%dma_start3A_223 : memref<40xi32, #tpu.memory_space<vmem>>) semaphore(%arg21 : memref<!tpu.dma_semaphore, #tpu.memory_space<semaphore_mem>>)
        %mul3A_227 = arith.constant 40 : i32
        %mul3A_228 = arith.muli %mul3A_214, %mul3A_227 : i32
        %dma_wait3A_229 = tpu.memref_slice %arg8[%mul3A_228] : memref<2000xi32, #tpu.memory_space<vmem>> -> memref<40xi32, #tpu.memory_space<vmem>>
        %dma_wait3A_230 = arith.constant 0 : i32
        %dma_wait3A_231 = arith.constant 0 : i32
        %dma_wait3A_232 = tpu.memref_slice %arg2[%dma_wait3A_230, %dma_wait3A_231] : memref<10000x128xf32, #tpu.memory_space<hbm>> -> memref<10000x128xf32, #tpu.memory_space<hbm>>
        tpu.wait_indirect_dma semaphore(%arg20 : memref<!tpu.dma_semaphore, #tpu.memory_space<semaphore_mem>>) src(%dma_wait3A_232 : memref<10000x128xf32, #tpu.memory_space<hbm>>) dst(%arg14 : memref<40x128xf32, #tpu.memory_space<vmem>>)
        %mul3A_233 = arith.constant 40 : i32
        %mul3A_234 = arith.muli %mul3A_214, %mul3A_233 : i32
        %parallel_loop3A = arith.constant 0 : i32
        %parallel_loop3A_235 = arith.constant 40 : i32
        %parallel_loop3A_236 = arith.constant 1 : i32
        scf.for %parallel_loop3A_327 = %parallel_loop3A to %parallel_loop3A_235 step %parallel_loop3A_236  : i32 {
          %parallel_loop3A_328 = arith.addi %mul3A_234, %parallel_loop3A_327 : i32
          %parallel_loop3A_329 = arith.index_cast %parallel_loop3A_328 : i32 to index
          %parallel_loop3A_330 = tpu.vector_load %arg10[%parallel_loop3A_329] {strides = array<i32>} : memref<2016xf32, #tpu.memory_space<vmem>>, vector<16xf32>,
          %parallel_loop3A_331 = vector.shape_cast %parallel_loop3A_330 : vector<16xf32> to vector<16xf32>
          %parallel_loop3A_332 = vector.extract_strided_slice %parallel_loop3A_331 {offsets = [0], sizes = [1], strides = [1]} : vector<16xf32> to vector<1xf32>
          %parallel_loop3A_333 = vector.extract %parallel_loop3A_332[0] : f32 from vector<1xf32>
          %parallel_loop3A_334 = arith.addi %mul3A_234, %parallel_loop3A_327 : i32
          %parallel_loop3A_335 = arith.index_cast %parallel_loop3A_334 : i32 to index
          %parallel_loop3A_336 = tpu.vector_load %arg11[%parallel_loop3A_335] {strides = array<i32>} : memref<2016xf32, #tpu.memory_space<vmem>>, vector<16xf32>,
          %parallel_loop3A_337 = vector.shape_cast %parallel_loop3A_336 : vector<16xf32> to vector<16xf32>
          %parallel_loop3A_338 = vector.extract_strided_slice %parallel_loop3A_337 {offsets = [0], sizes = [1], strides = [1]} : vector<16xf32> to vector<1xf32>
          %parallel_loop3A_339 = vector.extract %parallel_loop3A_338[0] : f32 from vector<1xf32>
          %parallel_loop3A_340 = arith.addi %mul3A_234, %parallel_loop3A_327 : i32
          %parallel_loop3A_341 = arith.index_cast %parallel_loop3A_340 : i32 to index
          %parallel_loop3A_342 = tpu.vector_load %arg12[%parallel_loop3A_341] {strides = array<i32>} : memref<2016xf32, #tpu.memory_space<vmem>>, vector<16xf32>,
          %parallel_loop3A_343 = vector.shape_cast %parallel_loop3A_342 : vector<16xf32> to vector<16xf32>
          %parallel_loop3A_344 = vector.extract_strided_slice %parallel_loop3A_343 {offsets = [0], sizes = [1], strides = [1]} : vector<16xf32> to vector<1xf32>
          %parallel_loop3A_345 = vector.extract %parallel_loop3A_344[0] : f32 from vector<1xf32>
          %parallel_loop3A_346 = arith.index_cast %parallel_loop3A_327 : i32 to index
          %parallel_loop3A_347 = arith.constant 0 : index
          %parallel_loop3A_348 = tpu.vector_load %arg14[%parallel_loop3A_346, %parallel_loop3A_347] {strides = array<i32>} : memref<40x128xf32, #tpu.memory_space<vmem>>, vector<1x16xf32>,
          %parallel_loop3A_349 = vector.shape_cast %parallel_loop3A_348 : vector<1x16xf32> to vector<16xf32>
          %parallel_loop3A_350 = vector.broadcast %parallel_loop3A_333 : f32 to vector<16xf32>
          %parallel_loop3A_351 = arith.mulf %parallel_loop3A_350, %get3A_18 : vector<16xf32>
          %parallel_loop3A_352 = arith.addf %get3A_138, %parallel_loop3A_351 : vector<16xf32>
          %parallel_loop3A_353 = vector.broadcast %parallel_loop3A_339 : f32 to vector<16xf32>
          %parallel_loop3A_354 = arith.mulf %parallel_loop3A_353, %get3A_58 : vector<16xf32>
          %parallel_loop3A_355 = arith.addf %parallel_loop3A_352, %parallel_loop3A_354 : vector<16xf32>
          %parallel_loop3A_356 = vector.broadcast %parallel_loop3A_345 : f32 to vector<16xf32>
          %parallel_loop3A_357 = arith.mulf %parallel_loop3A_356, %get3A_98 : vector<16xf32>
          %parallel_loop3A_358 = arith.addf %parallel_loop3A_355, %parallel_loop3A_357 : vector<16xf32>
          %parallel_loop3A_359 = arith.addf %parallel_loop3A_349, %parallel_loop3A_358 : vector<16xf32>
          %parallel_loop3A_360 = arith.constant 0.000000e+00 : f32
          %parallel_loop3A_361 = vector.broadcast %parallel_loop3A_360 : f32 to vector<16xf32>
          %parallel_loop3A_362 = arith.maximumf %parallel_loop3A_359, %parallel_loop3A_361 : vector<16xf32>
          %parallel_loop3A_363 = arith.index_cast %parallel_loop3A_327 : i32 to index
          %parallel_loop3A_364 = arith.constant 0 : index
          %parallel_loop3A_365 = tpu.vector_load %arg14[%parallel_loop3A_363, %parallel_loop3A_364] {strides = array<i32>} : memref<40x128xf32, #tpu.memory_space<vmem>>, vector<1x16xf32>,
          %parallel_loop3A_366 = vector.shape_cast %parallel_loop3A_365 : vector<1x16xf32> to vector<16xf32>
          %parallel_loop3A_367 = vector.shape_cast %parallel_loop3A_362 : vector<16xf32> to vector<1x16xf32>
          tpu.vector_store %arg14[%parallel_loop3A_363, %parallel_loop3A_364], %parallel_loop3A_367 {strides = array<i32>} : memref<40x128xf32, #tpu.memory_space<vmem>>, vector<1x16xf32>,
          %parallel_loop3A_368 = arith.index_cast %parallel_loop3A_327 : i32 to index
          %parallel_loop3A_369 = arith.constant 16 : index
          %parallel_loop3A_370 = tpu.vector_load %arg14[%parallel_loop3A_368, %parallel_loop3A_369] {strides = array<i32>} : memref<40x128xf32, #tpu.memory_space<vmem>>, vector<1x16xf32>,
          %parallel_loop3A_371 = vector.shape_cast %parallel_loop3A_370 : vector<1x16xf32> to vector<16xf32>
          %parallel_loop3A_372 = vector.broadcast %parallel_loop3A_333 : f32 to vector<16xf32>
          %parallel_loop3A_373 = arith.mulf %parallel_loop3A_372, %get3A_23 : vector<16xf32>
          %parallel_loop3A_374 = arith.addf %get3A_143, %parallel_loop3A_373 : vector<16xf32>
          %parallel_loop3A_375 = vector.broadcast %parallel_loop3A_339 : f32 to vector<16xf32>
          %parallel_loop3A_376 = arith.mulf %parallel_loop3A_375, %get3A_63 : vector<16xf32>
          %parallel_loop3A_377 = arith.addf %parallel_loop3A_374, %parallel_loop3A_376 : vector<16xf32>
          %parallel_loop3A_378 = vector.broadcast %parallel_loop3A_345 : f32 to vector<16xf32>
          %parallel_loop3A_379 = arith.mulf %parallel_loop3A_378, %get3A_103 : vector<16xf32>
          %parallel_loop3A_380 = arith.addf %parallel_loop3A_377, %parallel_loop3A_379 : vector<16xf32>
          %parallel_loop3A_381 = arith.addf %parallel_loop3A_371, %parallel_loop3A_380 : vector<16xf32>
          %parallel_loop3A_382 = arith.constant 0.000000e+00 : f32
          %parallel_loop3A_383 = vector.broadcast %parallel_loop3A_382 : f32 to vector<16xf32>
          %parallel_loop3A_384 = arith.maximumf %parallel_loop3A_381, %parallel_loop3A_383 : vector<16xf32>
          %parallel_loop3A_385 = arith.index_cast %parallel_loop3A_327 : i32 to index
          %parallel_loop3A_386 = arith.constant 16 : index
          %parallel_loop3A_387 = tpu.vector_load %arg14[%parallel_loop3A_385, %parallel_loop3A_386] {strides = array<i32>} : memref<40x128xf32, #tpu.memory_space<vmem>>, vector<1x16xf32>,
          %parallel_loop3A_388 = vector.shape_cast %parallel_loop3A_387 : vector<1x16xf32> to vector<16xf32>
          %parallel_loop3A_389 = vector.shape_cast %parallel_loop3A_384 : vector<16xf32> to vector<1x16xf32>
          tpu.vector_store %arg14[%parallel_loop3A_385, %parallel_loop3A_386], %parallel_loop3A_389 {strides = array<i32>} : memref<40x128xf32, #tpu.memory_space<vmem>>, vector<1x16xf32>,
          %parallel_loop3A_390 = arith.index_cast %parallel_loop3A_327 : i32 to index
          %parallel_loop3A_391 = arith.constant 32 : index
          %parallel_loop3A_392 = tpu.vector_load %arg14[%parallel_loop3A_390, %parallel_loop3A_391] {strides = array<i32>} : memref<40x128xf32, #tpu.memory_space<vmem>>, vector<1x16xf32>,
          %parallel_loop3A_393 = vector.shape_cast %parallel_loop3A_392 : vector<1x16xf32> to vector<16xf32>
          %parallel_loop3A_394 = vector.broadcast %parallel_loop3A_333 : f32 to vector<16xf32>
          %parallel_loop3A_395 = arith.mulf %parallel_loop3A_394, %get3A_28 : vector<16xf32>
          %parallel_loop3A_396 = arith.addf %get3A_148, %parallel_loop3A_395 : vector<16xf32>
          %parallel_loop3A_397 = vector.broadcast %parallel_loop3A_339 : f32 to vector<16xf32>
          %parallel_loop3A_398 = arith.mulf %parallel_loop3A_397, %get3A_68 : vector<16xf32>
          %parallel_loop3A_399 = arith.addf %parallel_loop3A_396, %parallel_loop3A_398 : vector<16xf32>
          %parallel_loop3A_400 = vector.broadcast %parallel_loop3A_345 : f32 to vector<16xf32>
          %parallel_loop3A_401 = arith.mulf %parallel_loop3A_400, %get3A_108 : vector<16xf32>
          %parallel_loop3A_402 = arith.addf %parallel_loop3A_399, %parallel_loop3A_401 : vector<16xf32>
          %parallel_loop3A_403 = arith.addf %parallel_loop3A_393, %parallel_loop3A_402 : vector<16xf32>
          %parallel_loop3A_404 = arith.constant 0.000000e+00 : f32
          %parallel_loop3A_405 = vector.broadcast %parallel_loop3A_404 : f32 to vector<16xf32>
          %parallel_loop3A_406 = arith.maximumf %parallel_loop3A_403, %parallel_loop3A_405 : vector<16xf32>
          %parallel_loop3A_407 = arith.index_cast %parallel_loop3A_327 : i32 to index
          %parallel_loop3A_408 = arith.constant 32 : index
          %parallel_loop3A_409 = tpu.vector_load %arg14[%parallel_loop3A_407, %parallel_loop3A_408] {strides = array<i32>} : memref<40x128xf32, #tpu.memory_space<vmem>>, vector<1x16xf32>,
          %parallel_loop3A_410 = vector.shape_cast %parallel_loop3A_409 : vector<1x16xf32> to vector<16xf32>
          %parallel_loop3A_411 = vector.shape_cast %parallel_loop3A_406 : vector<16xf32> to vector<1x16xf32>
          tpu.vector_store %arg14[%parallel_loop3A_407, %parallel_loop3A_408], %parallel_loop3A_411 {strides = array<i32>} : memref<40x128xf32, #tpu.memory_space<vmem>>, vector<1x16xf32>,
          %parallel_loop3A_412 = arith.index_cast %parallel_loop3A_327 : i32 to index
          %parallel_loop3A_413 = arith.constant 48 : index
          %parallel_loop3A_414 = tpu.vector_load %arg14[%parallel_loop3A_412, %parallel_loop3A_413] {strides = array<i32>} : memref<40x128xf32, #tpu.memory_space<vmem>>, vector<1x16xf32>,
          %parallel_loop3A_415 = vector.shape_cast %parallel_loop3A_414 : vector<1x16xf32> to vector<16xf32>
          %parallel_loop3A_416 = vector.broadcast %parallel_loop3A_333 : f32 to vector<16xf32>
          %parallel_loop3A_417 = arith.mulf %parallel_loop3A_416, %get3A_33 : vector<16xf32>
          %parallel_loop3A_418 = arith.addf %get3A_153, %parallel_loop3A_417 : vector<16xf32>
          %parallel_loop3A_419 = vector.broadcast %parallel_loop3A_339 : f32 to vector<16xf32>
          %parallel_loop3A_420 = arith.mulf %parallel_loop3A_419, %get3A_73 : vector<16xf32>
          %parallel_loop3A_421 = arith.addf %parallel_loop3A_418, %parallel_loop3A_420 : vector<16xf32>
          %parallel_loop3A_422 = vector.broadcast %parallel_loop3A_345 : f32 to vector<16xf32>
          %parallel_loop3A_423 = arith.mulf %parallel_loop3A_422, %get3A_113 : vector<16xf32>
          %parallel_loop3A_424 = arith.addf %parallel_loop3A_421, %parallel_loop3A_423 : vector<16xf32>
          %parallel_loop3A_425 = arith.addf %parallel_loop3A_415, %parallel_loop3A_424 : vector<16xf32>
          %parallel_loop3A_426 = arith.constant 0.000000e+00 : f32
          %parallel_loop3A_427 = vector.broadcast %parallel_loop3A_426 : f32 to vector<16xf32>
          %parallel_loop3A_428 = arith.maximumf %parallel_loop3A_425, %parallel_loop3A_427 : vector<16xf32>
          %parallel_loop3A_429 = arith.index_cast %parallel_loop3A_327 : i32 to index
          %parallel_loop3A_430 = arith.constant 48 : index
          %parallel_loop3A_431 = tpu.vector_load %arg14[%parallel_loop3A_429, %parallel_loop3A_430] {strides = array<i32>} : memref<40x128xf32, #tpu.memory_space<vmem>>, vector<1x16xf32>,
          %parallel_loop3A_432 = vector.shape_cast %parallel_loop3A_431 : vector<1x16xf32> to vector<16xf32>
          %parallel_loop3A_433 = vector.shape_cast %parallel_loop3A_428 : vector<16xf32> to vector<1x16xf32>
          tpu.vector_store %arg14[%parallel_loop3A_429, %parallel_loop3A_430], %parallel_loop3A_433 {strides = array<i32>} : memref<40x128xf32, #tpu.memory_space<vmem>>, vector<1x16xf32>,
          %parallel_loop3A_434 = arith.index_cast %parallel_loop3A_327 : i32 to index
          %parallel_loop3A_435 = arith.constant 64 : index
          %parallel_loop3A_436 = tpu.vector_load %arg14[%parallel_loop3A_434, %parallel_loop3A_435] {strides = array<i32>} : memref<40x128xf32, #tpu.memory_space<vmem>>, vector<1x16xf32>,
          %parallel_loop3A_437 = vector.shape_cast %parallel_loop3A_436 : vector<1x16xf32> to vector<16xf32>
          %parallel_loop3A_438 = vector.broadcast %parallel_loop3A_333 : f32 to vector<16xf32>
          %parallel_loop3A_439 = arith.mulf %parallel_loop3A_438, %get3A_38 : vector<16xf32>
          %parallel_loop3A_440 = arith.addf %get3A_158, %parallel_loop3A_439 : vector<16xf32>
          %parallel_loop3A_441 = vector.broadcast %parallel_loop3A_339 : f32 to vector<16xf32>
          %parallel_loop3A_442 = arith.mulf %parallel_loop3A_441, %get3A_78 : vector<16xf32>
          %parallel_loop3A_443 = arith.addf %parallel_loop3A_440, %parallel_loop3A_442 : vector<16xf32>
          %parallel_loop3A_444 = vector.broadcast %parallel_loop3A_345 : f32 to vector<16xf32>
          %parallel_loop3A_445 = arith.mulf %parallel_loop3A_444, %get3A_118 : vector<16xf32>
          %parallel_loop3A_446 = arith.addf %parallel_loop3A_443, %parallel_loop3A_445 : vector<16xf32>
          %parallel_loop3A_447 = arith.addf %parallel_loop3A_437, %parallel_loop3A_446 : vector<16xf32>
          %parallel_loop3A_448 = arith.constant 0.000000e+00 : f32
          %parallel_loop3A_449 = vector.broadcast %parallel_loop3A_448 : f32 to vector<16xf32>
          %parallel_loop3A_450 = arith.maximumf %parallel_loop3A_447, %parallel_loop3A_449 : vector<16xf32>
          %parallel_loop3A_451 = arith.index_cast %parallel_loop3A_327 : i32 to index
          %parallel_loop3A_452 = arith.constant 64 : index
          %parallel_loop3A_453 = tpu.vector_load %arg14[%parallel_loop3A_451, %parallel_loop3A_452] {strides = array<i32>} : memref<40x128xf32, #tpu.memory_space<vmem>>, vector<1x16xf32>,
          %parallel_loop3A_454 = vector.shape_cast %parallel_loop3A_453 : vector<1x16xf32> to vector<16xf32>
          %parallel_loop3A_455 = vector.shape_cast %parallel_loop3A_450 : vector<16xf32> to vector<1x16xf32>
          tpu.vector_store %arg14[%parallel_loop3A_451, %parallel_loop3A_452], %parallel_loop3A_455 {strides = array<i32>} : memref<40x128xf32, #tpu.memory_space<vmem>>, vector<1x16xf32>,
          %parallel_loop3A_456 = arith.index_cast %parallel_loop3A_327 : i32 to index
          %parallel_loop3A_457 = arith.constant 80 : index
          %parallel_loop3A_458 = tpu.vector_load %arg14[%parallel_loop3A_456, %parallel_loop3A_457] {strides = array<i32>} : memref<40x128xf32, #tpu.memory_space<vmem>>, vector<1x16xf32>,
          %parallel_loop3A_459 = vector.shape_cast %parallel_loop3A_458 : vector<1x16xf32> to vector<16xf32>
          %parallel_loop3A_460 = vector.broadcast %parallel_loop3A_333 : f32 to vector<16xf32>
          %parallel_loop3A_461 = arith.mulf %parallel_loop3A_460, %get3A_43 : vector<16xf32>
          %parallel_loop3A_462 = arith.addf %get3A_163, %parallel_loop3A_461 : vector<16xf32>
          %parallel_loop3A_463 = vector.broadcast %parallel_loop3A_339 : f32 to vector<16xf32>
          %parallel_loop3A_464 = arith.mulf %parallel_loop3A_463, %get3A_83 : vector<16xf32>
          %parallel_loop3A_465 = arith.addf %parallel_loop3A_462, %parallel_loop3A_464 : vector<16xf32>
          %parallel_loop3A_466 = vector.broadcast %parallel_loop3A_345 : f32 to vector<16xf32>
          %parallel_loop3A_467 = arith.mulf %parallel_loop3A_466, %get3A_123 : vector<16xf32>
          %parallel_loop3A_468 = arith.addf %parallel_loop3A_465, %parallel_loop3A_467 : vector<16xf32>
          %parallel_loop3A_469 = arith.addf %parallel_loop3A_459, %parallel_loop3A_468 : vector<16xf32>
          %parallel_loop3A_470 = arith.constant 0.000000e+00 : f32
          %parallel_loop3A_471 = vector.broadcast %parallel_loop3A_470 : f32 to vector<16xf32>
          %parallel_loop3A_472 = arith.maximumf %parallel_loop3A_469, %parallel_loop3A_471 : vector<16xf32>
          %parallel_loop3A_473 = arith.index_cast %parallel_loop3A_327 : i32 to index
          %parallel_loop3A_474 = arith.constant 80 : index
          %parallel_loop3A_475 = tpu.vector_load %arg14[%parallel_loop3A_473, %parallel_loop3A_474] {strides = array<i32>} : memref<40x128xf32, #tpu.memory_space<vmem>>, vector<1x16xf32>,
          %parallel_loop3A_476 = vector.shape_cast %parallel_loop3A_475 : vector<1x16xf32> to vector<16xf32>
          %parallel_loop3A_477 = vector.shape_cast %parallel_loop3A_472 : vector<16xf32> to vector<1x16xf32>
          tpu.vector_store %arg14[%parallel_loop3A_473, %parallel_loop3A_474], %parallel_loop3A_477 {strides = array<i32>} : memref<40x128xf32, #tpu.memory_space<vmem>>, vector<1x16xf32>,
          %parallel_loop3A_478 = arith.index_cast %parallel_loop3A_327 : i32 to index
          %parallel_loop3A_479 = arith.constant 96 : index
          %parallel_loop3A_480 = tpu.vector_load %arg14[%parallel_loop3A_478, %parallel_loop3A_479] {strides = array<i32>} : memref<40x128xf32, #tpu.memory_space<vmem>>, vector<1x16xf32>,
          %parallel_loop3A_481 = vector.shape_cast %parallel_loop3A_480 : vector<1x16xf32> to vector<16xf32>
          %parallel_loop3A_482 = vector.broadcast %parallel_loop3A_333 : f32 to vector<16xf32>
          %parallel_loop3A_483 = arith.mulf %parallel_loop3A_482, %get3A_48 : vector<16xf32>
          %parallel_loop3A_484 = arith.addf %get3A_168, %parallel_loop3A_483 : vector<16xf32>
          %parallel_loop3A_485 = vector.broadcast %parallel_loop3A_339 : f32 to vector<16xf32>
          %parallel_loop3A_486 = arith.mulf %parallel_loop3A_485, %get3A_88 : vector<16xf32>
          %parallel_loop3A_487 = arith.addf %parallel_loop3A_484, %parallel_loop3A_486 : vector<16xf32>
          %parallel_loop3A_488 = vector.broadcast %parallel_loop3A_345 : f32 to vector<16xf32>
          %parallel_loop3A_489 = arith.mulf %parallel_loop3A_488, %get3A_128 : vector<16xf32>
          %parallel_loop3A_490 = arith.addf %parallel_loop3A_487, %parallel_loop3A_489 : vector<16xf32>
          %parallel_loop3A_491 = arith.addf %parallel_loop3A_481, %parallel_loop3A_490 : vector<16xf32>
          %parallel_loop3A_492 = arith.constant 0.000000e+00 : f32
          %parallel_loop3A_493 = vector.broadcast %parallel_loop3A_492 : f32 to vector<16xf32>
          %parallel_loop3A_494 = arith.maximumf %parallel_loop3A_491, %parallel_loop3A_493 : vector<16xf32>
          %parallel_loop3A_495 = arith.index_cast %parallel_loop3A_327 : i32 to index
          %parallel_loop3A_496 = arith.constant 96 : index
          %parallel_loop3A_497 = tpu.vector_load %arg14[%parallel_loop3A_495, %parallel_loop3A_496] {strides = array<i32>} : memref<40x128xf32, #tpu.memory_space<vmem>>, vector<1x16xf32>,
          %parallel_loop3A_498 = vector.shape_cast %parallel_loop3A_497 : vector<1x16xf32> to vector<16xf32>
          %parallel_loop3A_499 = vector.shape_cast %parallel_loop3A_494 : vector<16xf32> to vector<1x16xf32>
          tpu.vector_store %arg14[%parallel_loop3A_495, %parallel_loop3A_496], %parallel_loop3A_499 {strides = array<i32>} : memref<40x128xf32, #tpu.memory_space<vmem>>, vector<1x16xf32>,
          %parallel_loop3A_500 = arith.index_cast %parallel_loop3A_327 : i32 to index
          %parallel_loop3A_501 = arith.constant 112 : index
          %parallel_loop3A_502 = tpu.vector_load %arg14[%parallel_loop3A_500, %parallel_loop3A_501] {strides = array<i32>} : memref<40x128xf32, #tpu.memory_space<vmem>>, vector<1x16xf32>,
          %parallel_loop3A_503 = vector.shape_cast %parallel_loop3A_502 : vector<1x16xf32> to vector<16xf32>
          %parallel_loop3A_504 = vector.broadcast %parallel_loop3A_333 : f32 to vector<16xf32>
          %parallel_loop3A_505 = arith.mulf %parallel_loop3A_504, %get3A_53 : vector<16xf32>
          %parallel_loop3A_506 = arith.addf %get3A_173, %parallel_loop3A_505 : vector<16xf32>
          %parallel_loop3A_507 = vector.broadcast %parallel_loop3A_339 : f32 to vector<16xf32>
          %parallel_loop3A_508 = arith.mulf %parallel_loop3A_507, %get3A_93 : vector<16xf32>
          %parallel_loop3A_509 = arith.addf %parallel_loop3A_506, %parallel_loop3A_508 : vector<16xf32>
          %parallel_loop3A_510 = vector.broadcast %parallel_loop3A_345 : f32 to vector<16xf32>
          %parallel_loop3A_511 = arith.mulf %parallel_loop3A_510, %get3A_133 : vector<16xf32>
          %parallel_loop3A_512 = arith.addf %parallel_loop3A_509, %parallel_loop3A_511 : vector<16xf32>
          %parallel_loop3A_513 = arith.addf %parallel_loop3A_503, %parallel_loop3A_512 : vector<16xf32>
          %parallel_loop3A_514 = arith.constant 0.000000e+00 : f32
          %parallel_loop3A_515 = vector.broadcast %parallel_loop3A_514 : f32 to vector<16xf32>
          %parallel_loop3A_516 = arith.maximumf %parallel_loop3A_513, %parallel_loop3A_515 : vector<16xf32>
          %parallel_loop3A_517 = arith.index_cast %parallel_loop3A_327 : i32 to index
          %parallel_loop3A_518 = arith.constant 112 : index
          %parallel_loop3A_519 = tpu.vector_load %arg14[%parallel_loop3A_517, %parallel_loop3A_518] {strides = array<i32>} : memref<40x128xf32, #tpu.memory_space<vmem>>, vector<1x16xf32>,
          %parallel_loop3A_520 = vector.shape_cast %parallel_loop3A_519 : vector<1x16xf32> to vector<16xf32>
          %parallel_loop3A_521 = vector.shape_cast %parallel_loop3A_516 : vector<16xf32> to vector<1x16xf32>
          tpu.vector_store %arg14[%parallel_loop3A_517, %parallel_loop3A_518], %parallel_loop3A_521 {strides = array<i32>} : memref<40x128xf32, #tpu.memory_space<vmem>>, vector<1x16xf32>,
        } {sc.loop_unroll_factor = 2 : i64, sc.parallel_access}
        %mul3A_237 = arith.constant 40 : i32
        %mul3A_238 = arith.muli %mul3A_214, %mul3A_237 : i32
        %get3A_239 = arith.index_cast %mul3A_238 : i32 to index
        %get3A_240 = tpu.vector_load %arg9[%get3A_239] {strides = array<i32>} : memref<2000xi32, #tpu.memory_space<vmem>>, vector<16xi32>,
        %get3A_241 = vector.shape_cast %get3A_240 : vector<16xi32> to vector<16xi32>
        %swap3A = arith.constant 0 : index
        %swap3A_242 = tpu.vector_load %arg16[%swap3A] {strides = array<i32>} : memref<40xi32, #tpu.memory_space<vmem>>, vector<16xi32>,
        %swap3A_243 = vector.shape_cast %swap3A_242 : vector<16xi32> to vector<16xi32>
        %swap3A_244 = vector.shape_cast %get3A_241 : vector<16xi32> to vector<16xi32>
        tpu.vector_store %arg16[%swap3A], %swap3A_244 {strides = array<i32>} : memref<40xi32, #tpu.memory_space<vmem>>, vector<16xi32>,
        %mul3A_245 = arith.constant 40 : i32
        %mul3A_246 = arith.muli %mul3A_214, %mul3A_245 : i32
        %add3A_247 = arith.constant 16 : i32
        %add3A_248 = arith.addi %mul3A_246, %add3A_247 : i32
        %get3A_249 = arith.index_cast %add3A_248 : i32 to index
        %get3A_250 = tpu.vector_load %arg9[%get3A_249] {strides = array<i32>} : memref<2000xi32, #tpu.memory_space<vmem>>, vector<16xi32>,
        %get3A_251 = vector.shape_cast %get3A_250 : vector<16xi32> to vector<16xi32>
        %swap3A_252 = arith.constant 16 : index
        %swap3A_253 = tpu.vector_load %arg16[%swap3A_252] {strides = array<i32>} : memref<40xi32, #tpu.memory_space<vmem>>, vector<16xi32>,
        %swap3A_254 = vector.shape_cast %swap3A_253 : vector<16xi32> to vector<16xi32>
        %swap3A_255 = vector.shape_cast %get3A_251 : vector<16xi32> to vector<16xi32>
        tpu.vector_store %arg16[%swap3A_252], %swap3A_255 {strides = array<i32>} : memref<40xi32, #tpu.memory_space<vmem>>, vector<16xi32>,
        %mul3A_256 = arith.constant 40 : i32
        %mul3A_257 = arith.muli %mul3A_214, %mul3A_256 : i32
        %add3A_258 = arith.constant 24 : i32
        %add3A_259 = arith.addi %mul3A_257, %add3A_258 : i32
        %get3A_260 = arith.index_cast %add3A_259 : i32 to index
        %get3A_261 = tpu.vector_load %arg9[%get3A_260] {strides = array<i32>} : memref<2000xi32, #tpu.memory_space<vmem>>, vector<16xi32>,
        %get3A_262 = vector.shape_cast %get3A_261 : vector<16xi32> to vector<16xi32>
        %swap3A_263 = arith.constant 24 : index
        %swap3A_264 = tpu.vector_load %arg16[%swap3A_263] {strides = array<i32>} : memref<40xi32, #tpu.memory_space<vmem>>, vector<16xi32>,
        %swap3A_265 = vector.shape_cast %swap3A_264 : vector<16xi32> to vector<16xi32>
        %swap3A_266 = vector.shape_cast %get3A_262 : vector<16xi32> to vector<16xi32>
        tpu.vector_store %arg16[%swap3A_263], %swap3A_266 {strides = array<i32>} : memref<40xi32, #tpu.memory_space<vmem>>, vector<16xi32>,
        %dma_start3A_267 = arith.constant 0 : i32
        %dma_start3A_268 = arith.constant 0 : i32
        %dma_start3A_269 = tpu.memref_slice %arg19[%dma_start3A_267, %dma_start3A_268] : memref<10000x128xf32, #tpu.memory_space<vmem_shared>> -> memref<10000x128xf32, #tpu.memory_space<vmem_shared>>
        tpu.enqueue_indirect_dma source(%arg14 : memref<40x128xf32, #tpu.memory_space<vmem>>) target(%dma_start3A_269 : memref<10000x128xf32, #tpu.memory_space<vmem_shared>>) offsets(%arg16 : memref<40xi32, #tpu.memory_space<vmem>>) semaphore(%arg22 : memref<!tpu.dma_semaphore, #tpu.memory_space<semaphore_mem>>) {add = true}
        %mul3A_270 = arith.constant 40 : i32
        %mul3A_271 = arith.muli %add3A_216, %mul3A_270 : i32
        %dma_wait3A_272 = tpu.memref_slice %arg8[%mul3A_271] : memref<2000xi32, #tpu.memory_space<vmem>> -> memref<40xi32, #tpu.memory_space<vmem>>
        %dma_wait3A_273 = arith.constant 0 : i32
        %dma_wait3A_274 = arith.constant 0 : i32
        %dma_wait3A_275 = tpu.memref_slice %arg2[%dma_wait3A_273, %dma_wait3A_274] : memref<10000x128xf32, #tpu.memory_space<hbm>> -> memref<10000x128xf32, #tpu.memory_space<hbm>>
        tpu.wait_indirect_dma semaphore(%arg21 : memref<!tpu.dma_semaphore, #tpu.memory_space<semaphore_mem>>) src(%dma_wait3A_275 : memref<10000x128xf32, #tpu.memory_space<hbm>>) dst(%arg15 : memref<40x128xf32, #tpu.memory_space<vmem>>)
        %mul3A_276 = arith.constant 40 : i32
        %mul3A_277 = arith.muli %add3A_216, %mul3A_276 : i32
        %parallel_loop3A_278 = arith.constant 0 : i32
        %parallel_loop3A_279 = arith.constant 20 : i32
        %parallel_loop3A_280 = arith.constant 1 : i32
        scf.for %parallel_loop3A_327 = %parallel_loop3A_278 to %parallel_loop3A_279 step %parallel_loop3A_280  : i32 {
          %parallel_loop3A_328 = arith.addi %mul3A_277, %parallel_loop3A_327 : i32
          %parallel_loop3A_329 = arith.index_cast %parallel_loop3A_328 : i32 to index
          %parallel_loop3A_330 = tpu.vector_load %arg10[%parallel_loop3A_329] {strides = array<i32>} : memref<2016xf32, #tpu.memory_space<vmem>>, vector<16xf32>,
          %parallel_loop3A_331 = vector.shape_cast %parallel_loop3A_330 : vector<16xf32> to vector<16xf32>
          %parallel_loop3A_332 = vector.extract_strided_slice %parallel_loop3A_331 {offsets = [0], sizes = [1], strides = [1]} : vector<16xf32> to vector<1xf32>
          %parallel_loop3A_333 = vector.extract %parallel_loop3A_332[0] : f32 from vector<1xf32>
          %parallel_loop3A_334 = arith.addi %mul3A_277, %parallel_loop3A_327 : i32
          %parallel_loop3A_335 = arith.index_cast %parallel_loop3A_334 : i32 to index
          %parallel_loop3A_336 = tpu.vector_load %arg11[%parallel_loop3A_335] {strides = array<i32>} : memref<2016xf32, #tpu.memory_space<vmem>>, vector<16xf32>,
          %parallel_loop3A_337 = vector.shape_cast %parallel_loop3A_336 : vector<16xf32> to vector<16xf32>
          %parallel_loop3A_338 = vector.extract_strided_slice %parallel_loop3A_337 {offsets = [0], sizes = [1], strides = [1]} : vector<16xf32> to vector<1xf32>
          %parallel_loop3A_339 = vector.extract %parallel_loop3A_338[0] : f32 from vector<1xf32>
          %parallel_loop3A_340 = arith.addi %mul3A_277, %parallel_loop3A_327 : i32
          %parallel_loop3A_341 = arith.index_cast %parallel_loop3A_340 : i32 to index
          %parallel_loop3A_342 = tpu.vector_load %arg12[%parallel_loop3A_341] {strides = array<i32>} : memref<2016xf32, #tpu.memory_space<vmem>>, vector<16xf32>,
          %parallel_loop3A_343 = vector.shape_cast %parallel_loop3A_342 : vector<16xf32> to vector<16xf32>
          %parallel_loop3A_344 = vector.extract_strided_slice %parallel_loop3A_343 {offsets = [0], sizes = [1], strides = [1]} : vector<16xf32> to vector<1xf32>
          %parallel_loop3A_345 = vector.extract %parallel_loop3A_344[0] : f32 from vector<1xf32>
          %parallel_loop3A_346 = arith.index_cast %parallel_loop3A_327 : i32 to index
          %parallel_loop3A_347 = arith.constant 0 : index
          %parallel_loop3A_348 = tpu.vector_load %arg15[%parallel_loop3A_346, %parallel_loop3A_347] {strides = array<i32>} : memref<40x128xf32, #tpu.memory_space<vmem>>, vector<1x16xf32>,
          %parallel_loop3A_349 = vector.shape_cast %parallel_loop3A_348 : vector<1x16xf32> to vector<16xf32>
          %parallel_loop3A_350 = vector.broadcast %parallel_loop3A_333 : f32 to vector<16xf32>
          %parallel_loop3A_351 = arith.mulf %parallel_loop3A_350, %get3A_18 : vector<16xf32>
          %parallel_loop3A_352 = arith.addf %get3A_138, %parallel_loop3A_351 : vector<16xf32>
          %parallel_loop3A_353 = vector.broadcast %parallel_loop3A_339 : f32 to vector<16xf32>
          %parallel_loop3A_354 = arith.mulf %parallel_loop3A_353, %get3A_58 : vector<16xf32>
          %parallel_loop3A_355 = arith.addf %parallel_loop3A_352, %parallel_loop3A_354 : vector<16xf32>
          %parallel_loop3A_356 = vector.broadcast %parallel_loop3A_345 : f32 to vector<16xf32>
          %parallel_loop3A_357 = arith.mulf %parallel_loop3A_356, %get3A_98 : vector<16xf32>
          %parallel_loop3A_358 = arith.addf %parallel_loop3A_355, %parallel_loop3A_357 : vector<16xf32>
          %parallel_loop3A_359 = arith.addf %parallel_loop3A_349, %parallel_loop3A_358 : vector<16xf32>
          %parallel_loop3A_360 = arith.constant 0.000000e+00 : f32
          %parallel_loop3A_361 = vector.broadcast %parallel_loop3A_360 : f32 to vector<16xf32>
          %parallel_loop3A_362 = arith.maximumf %parallel_loop3A_359, %parallel_loop3A_361 : vector<16xf32>
          %parallel_loop3A_363 = arith.index_cast %parallel_loop3A_327 : i32 to index
          %parallel_loop3A_364 = arith.constant 0 : index
          %parallel_loop3A_365 = tpu.vector_load %arg15[%parallel_loop3A_363, %parallel_loop3A_364] {strides = array<i32>} : memref<40x128xf32, #tpu.memory_space<vmem>>, vector<1x16xf32>,
          %parallel_loop3A_366 = vector.shape_cast %parallel_loop3A_365 : vector<1x16xf32> to vector<16xf32>
          %parallel_loop3A_367 = vector.shape_cast %parallel_loop3A_362 : vector<16xf32> to vector<1x16xf32>
          tpu.vector_store %arg15[%parallel_loop3A_363, %parallel_loop3A_364], %parallel_loop3A_367 {strides = array<i32>} : memref<40x128xf32, #tpu.memory_space<vmem>>, vector<1x16xf32>,
          %parallel_loop3A_368 = arith.index_cast %parallel_loop3A_327 : i32 to index
          %parallel_loop3A_369 = arith.constant 16 : index
          %parallel_loop3A_370 = tpu.vector_load %arg15[%parallel_loop3A_368, %parallel_loop3A_369] {strides = array<i32>} : memref<40x128xf32, #tpu.memory_space<vmem>>, vector<1x16xf32>,
          %parallel_loop3A_371 = vector.shape_cast %parallel_loop3A_370 : vector<1x16xf32> to vector<16xf32>
          %parallel_loop3A_372 = vector.broadcast %parallel_loop3A_333 : f32 to vector<16xf32>
          %parallel_loop3A_373 = arith.mulf %parallel_loop3A_372, %get3A_23 : vector<16xf32>
          %parallel_loop3A_374 = arith.addf %get3A_143, %parallel_loop3A_373 : vector<16xf32>
          %parallel_loop3A_375 = vector.broadcast %parallel_loop3A_339 : f32 to vector<16xf32>
          %parallel_loop3A_376 = arith.mulf %parallel_loop3A_375, %get3A_63 : vector<16xf32>
          %parallel_loop3A_377 = arith.addf %parallel_loop3A_374, %parallel_loop3A_376 : vector<16xf32>
          %parallel_loop3A_378 = vector.broadcast %parallel_loop3A_345 : f32 to vector<16xf32>
          %parallel_loop3A_379 = arith.mulf %parallel_loop3A_378, %get3A_103 : vector<16xf32>
          %parallel_loop3A_380 = arith.addf %parallel_loop3A_377, %parallel_loop3A_379 : vector<16xf32>
          %parallel_loop3A_381 = arith.addf %parallel_loop3A_371, %parallel_loop3A_380 : vector<16xf32>
          %parallel_loop3A_382 = arith.constant 0.000000e+00 : f32
          %parallel_loop3A_383 = vector.broadcast %parallel_loop3A_382 : f32 to vector<16xf32>
          %parallel_loop3A_384 = arith.maximumf %parallel_loop3A_381, %parallel_loop3A_383 : vector<16xf32>
          %parallel_loop3A_385 = arith.index_cast %parallel_loop3A_327 : i32 to index
          %parallel_loop3A_386 = arith.constant 16 : index
          %parallel_loop3A_387 = tpu.vector_load %arg15[%parallel_loop3A_385, %parallel_loop3A_386] {strides = array<i32>} : memref<40x128xf32, #tpu.memory_space<vmem>>, vector<1x16xf32>,
          %parallel_loop3A_388 = vector.shape_cast %parallel_loop3A_387 : vector<1x16xf32> to vector<16xf32>
          %parallel_loop3A_389 = vector.shape_cast %parallel_loop3A_384 : vector<16xf32> to vector<1x16xf32>
          tpu.vector_store %arg15[%parallel_loop3A_385, %parallel_loop3A_386], %parallel_loop3A_389 {strides = array<i32>} : memref<40x128xf32, #tpu.memory_space<vmem>>, vector<1x16xf32>,
          %parallel_loop3A_390 = arith.index_cast %parallel_loop3A_327 : i32 to index
          %parallel_loop3A_391 = arith.constant 32 : index
          %parallel_loop3A_392 = tpu.vector_load %arg15[%parallel_loop3A_390, %parallel_loop3A_391] {strides = array<i32>} : memref<40x128xf32, #tpu.memory_space<vmem>>, vector<1x16xf32>,
          %parallel_loop3A_393 = vector.shape_cast %parallel_loop3A_392 : vector<1x16xf32> to vector<16xf32>
          %parallel_loop3A_394 = vector.broadcast %parallel_loop3A_333 : f32 to vector<16xf32>
          %parallel_loop3A_395 = arith.mulf %parallel_loop3A_394, %get3A_28 : vector<16xf32>
          %parallel_loop3A_396 = arith.addf %get3A_148, %parallel_loop3A_395 : vector<16xf32>
          %parallel_loop3A_397 = vector.broadcast %parallel_loop3A_339 : f32 to vector<16xf32>
          %parallel_loop3A_398 = arith.mulf %parallel_loop3A_397, %get3A_68 : vector<16xf32>
          %parallel_loop3A_399 = arith.addf %parallel_loop3A_396, %parallel_loop3A_398 : vector<16xf32>
          %parallel_loop3A_400 = vector.broadcast %parallel_loop3A_345 : f32 to vector<16xf32>
          %parallel_loop3A_401 = arith.mulf %parallel_loop3A_400, %get3A_108 : vector<16xf32>
          %parallel_loop3A_402 = arith.addf %parallel_loop3A_399, %parallel_loop3A_401 : vector<16xf32>
          %parallel_loop3A_403 = arith.addf %parallel_loop3A_393, %parallel_loop3A_402 : vector<16xf32>
          %parallel_loop3A_404 = arith.constant 0.000000e+00 : f32
          %parallel_loop3A_405 = vector.broadcast %parallel_loop3A_404 : f32 to vector<16xf32>
          %parallel_loop3A_406 = arith.maximumf %parallel_loop3A_403, %parallel_loop3A_405 : vector<16xf32>
          %parallel_loop3A_407 = arith.index_cast %parallel_loop3A_327 : i32 to index
          %parallel_loop3A_408 = arith.constant 32 : index
          %parallel_loop3A_409 = tpu.vector_load %arg15[%parallel_loop3A_407, %parallel_loop3A_408] {strides = array<i32>} : memref<40x128xf32, #tpu.memory_space<vmem>>, vector<1x16xf32>,
          %parallel_loop3A_410 = vector.shape_cast %parallel_loop3A_409 : vector<1x16xf32> to vector<16xf32>
          %parallel_loop3A_411 = vector.shape_cast %parallel_loop3A_406 : vector<16xf32> to vector<1x16xf32>
          tpu.vector_store %arg15[%parallel_loop3A_407, %parallel_loop3A_408], %parallel_loop3A_411 {strides = array<i32>} : memref<40x128xf32, #tpu.memory_space<vmem>>, vector<1x16xf32>,
          %parallel_loop3A_412 = arith.index_cast %parallel_loop3A_327 : i32 to index
          %parallel_loop3A_413 = arith.constant 48 : index
          %parallel_loop3A_414 = tpu.vector_load %arg15[%parallel_loop3A_412, %parallel_loop3A_413] {strides = array<i32>} : memref<40x128xf32, #tpu.memory_space<vmem>>, vector<1x16xf32>,
          %parallel_loop3A_415 = vector.shape_cast %parallel_loop3A_414 : vector<1x16xf32> to vector<16xf32>
          %parallel_loop3A_416 = vector.broadcast %parallel_loop3A_333 : f32 to vector<16xf32>
          %parallel_loop3A_417 = arith.mulf %parallel_loop3A_416, %get3A_33 : vector<16xf32>
          %parallel_loop3A_418 = arith.addf %get3A_153, %parallel_loop3A_417 : vector<16xf32>
          %parallel_loop3A_419 = vector.broadcast %parallel_loop3A_339 : f32 to vector<16xf32>
          %parallel_loop3A_420 = arith.mulf %parallel_loop3A_419, %get3A_73 : vector<16xf32>
          %parallel_loop3A_421 = arith.addf %parallel_loop3A_418, %parallel_loop3A_420 : vector<16xf32>
          %parallel_loop3A_422 = vector.broadcast %parallel_loop3A_345 : f32 to vector<16xf32>
          %parallel_loop3A_423 = arith.mulf %parallel_loop3A_422, %get3A_113 : vector<16xf32>
          %parallel_loop3A_424 = arith.addf %parallel_loop3A_421, %parallel_loop3A_423 : vector<16xf32>
          %parallel_loop3A_425 = arith.addf %parallel_loop3A_415, %parallel_loop3A_424 : vector<16xf32>
          %parallel_loop3A_426 = arith.constant 0.000000e+00 : f32
          %parallel_loop3A_427 = vector.broadcast %parallel_loop3A_426 : f32 to vector<16xf32>
          %parallel_loop3A_428 = arith.maximumf %parallel_loop3A_425, %parallel_loop3A_427 : vector<16xf32>
          %parallel_loop3A_429 = arith.index_cast %parallel_loop3A_327 : i32 to index
          %parallel_loop3A_430 = arith.constant 48 : index
          %parallel_loop3A_431 = tpu.vector_load %arg15[%parallel_loop3A_429, %parallel_loop3A_430] {strides = array<i32>} : memref<40x128xf32, #tpu.memory_space<vmem>>, vector<1x16xf32>,
          %parallel_loop3A_432 = vector.shape_cast %parallel_loop3A_431 : vector<1x16xf32> to vector<16xf32>
          %parallel_loop3A_433 = vector.shape_cast %parallel_loop3A_428 : vector<16xf32> to vector<1x16xf32>
          tpu.vector_store %arg15[%parallel_loop3A_429, %parallel_loop3A_430], %parallel_loop3A_433 {strides = array<i32>} : memref<40x128xf32, #tpu.memory_space<vmem>>, vector<1x16xf32>,
          %parallel_loop3A_434 = arith.index_cast %parallel_loop3A_327 : i32 to index
          %parallel_loop3A_435 = arith.constant 64 : index
          %parallel_loop3A_436 = tpu.vector_load %arg15[%parallel_loop3A_434, %parallel_loop3A_435] {strides = array<i32>} : memref<40x128xf32, #tpu.memory_space<vmem>>, vector<1x16xf32>,
          %parallel_loop3A_437 = vector.shape_cast %parallel_loop3A_436 : vector<1x16xf32> to vector<16xf32>
          %parallel_loop3A_438 = vector.broadcast %parallel_loop3A_333 : f32 to vector<16xf32>
          %parallel_loop3A_439 = arith.mulf %parallel_loop3A_438, %get3A_38 : vector<16xf32>
          %parallel_loop3A_440 = arith.addf %get3A_158, %parallel_loop3A_439 : vector<16xf32>
          %parallel_loop3A_441 = vector.broadcast %parallel_loop3A_339 : f32 to vector<16xf32>
          %parallel_loop3A_442 = arith.mulf %parallel_loop3A_441, %get3A_78 : vector<16xf32>
          %parallel_loop3A_443 = arith.addf %parallel_loop3A_440, %parallel_loop3A_442 : vector<16xf32>
          %parallel_loop3A_444 = vector.broadcast %parallel_loop3A_345 : f32 to vector<16xf32>
          %parallel_loop3A_445 = arith.mulf %parallel_loop3A_444, %get3A_118 : vector<16xf32>
          %parallel_loop3A_446 = arith.addf %parallel_loop3A_443, %parallel_loop3A_445 : vector<16xf32>
          %parallel_loop3A_447 = arith.addf %parallel_loop3A_437, %parallel_loop3A_446 : vector<16xf32>
          %parallel_loop3A_448 = arith.constant 0.000000e+00 : f32
          %parallel_loop3A_449 = vector.broadcast %parallel_loop3A_448 : f32 to vector<16xf32>
          %parallel_loop3A_450 = arith.maximumf %parallel_loop3A_447, %parallel_loop3A_449 : vector<16xf32>
          %parallel_loop3A_451 = arith.index_cast %parallel_loop3A_327 : i32 to index
          %parallel_loop3A_452 = arith.constant 64 : index
          %parallel_loop3A_453 = tpu.vector_load %arg15[%parallel_loop3A_451, %parallel_loop3A_452] {strides = array<i32>} : memref<40x128xf32, #tpu.memory_space<vmem>>, vector<1x16xf32>,
          %parallel_loop3A_454 = vector.shape_cast %parallel_loop3A_453 : vector<1x16xf32> to vector<16xf32>
          %parallel_loop3A_455 = vector.shape_cast %parallel_loop3A_450 : vector<16xf32> to vector<1x16xf32>
          tpu.vector_store %arg15[%parallel_loop3A_451, %parallel_loop3A_452], %parallel_loop3A_455 {strides = array<i32>} : memref<40x128xf32, #tpu.memory_space<vmem>>, vector<1x16xf32>,
          %parallel_loop3A_456 = arith.index_cast %parallel_loop3A_327 : i32 to index
          %parallel_loop3A_457 = arith.constant 80 : index
          %parallel_loop3A_458 = tpu.vector_load %arg15[%parallel_loop3A_456, %parallel_loop3A_457] {strides = array<i32>} : memref<40x128xf32, #tpu.memory_space<vmem>>, vector<1x16xf32>,
          %parallel_loop3A_459 = vector.shape_cast %parallel_loop3A_458 : vector<1x16xf32> to vector<16xf32>
          %parallel_loop3A_460 = vector.broadcast %parallel_loop3A_333 : f32 to vector<16xf32>
          %parallel_loop3A_461 = arith.mulf %parallel_loop3A_460, %get3A_43 : vector<16xf32>
          %parallel_loop3A_462 = arith.addf %get3A_163, %parallel_loop3A_461 : vector<16xf32>
          %parallel_loop3A_463 = vector.broadcast %parallel_loop3A_339 : f32 to vector<16xf32>
          %parallel_loop3A_464 = arith.mulf %parallel_loop3A_463, %get3A_83 : vector<16xf32>
          %parallel_loop3A_465 = arith.addf %parallel_loop3A_462, %parallel_loop3A_464 : vector<16xf32>
          %parallel_loop3A_466 = vector.broadcast %parallel_loop3A_345 : f32 to vector<16xf32>
          %parallel_loop3A_467 = arith.mulf %parallel_loop3A_466, %get3A_123 : vector<16xf32>
          %parallel_loop3A_468 = arith.addf %parallel_loop3A_465, %parallel_loop3A_467 : vector<16xf32>
          %parallel_loop3A_469 = arith.addf %parallel_loop3A_459, %parallel_loop3A_468 : vector<16xf32>
          %parallel_loop3A_470 = arith.constant 0.000000e+00 : f32
          %parallel_loop3A_471 = vector.broadcast %parallel_loop3A_470 : f32 to vector<16xf32>
          %parallel_loop3A_472 = arith.maximumf %parallel_loop3A_469, %parallel_loop3A_471 : vector<16xf32>
          %parallel_loop3A_473 = arith.index_cast %parallel_loop3A_327 : i32 to index
          %parallel_loop3A_474 = arith.constant 80 : index
          %parallel_loop3A_475 = tpu.vector_load %arg15[%parallel_loop3A_473, %parallel_loop3A_474] {strides = array<i32>} : memref<40x128xf32, #tpu.memory_space<vmem>>, vector<1x16xf32>,
          %parallel_loop3A_476 = vector.shape_cast %parallel_loop3A_475 : vector<1x16xf32> to vector<16xf32>
          %parallel_loop3A_477 = vector.shape_cast %parallel_loop3A_472 : vector<16xf32> to vector<1x16xf32>
          tpu.vector_store %arg15[%parallel_loop3A_473, %parallel_loop3A_474], %parallel_loop3A_477 {strides = array<i32>} : memref<40x128xf32, #tpu.memory_space<vmem>>, vector<1x16xf32>,
          %parallel_loop3A_478 = arith.index_cast %parallel_loop3A_327 : i32 to index
          %parallel_loop3A_479 = arith.constant 96 : index
          %parallel_loop3A_480 = tpu.vector_load %arg15[%parallel_loop3A_478, %parallel_loop3A_479] {strides = array<i32>} : memref<40x128xf32, #tpu.memory_space<vmem>>, vector<1x16xf32>,
          %parallel_loop3A_481 = vector.shape_cast %parallel_loop3A_480 : vector<1x16xf32> to vector<16xf32>
          %parallel_loop3A_482 = vector.broadcast %parallel_loop3A_333 : f32 to vector<16xf32>
          %parallel_loop3A_483 = arith.mulf %parallel_loop3A_482, %get3A_48 : vector<16xf32>
          %parallel_loop3A_484 = arith.addf %get3A_168, %parallel_loop3A_483 : vector<16xf32>
          %parallel_loop3A_485 = vector.broadcast %parallel_loop3A_339 : f32 to vector<16xf32>
          %parallel_loop3A_486 = arith.mulf %parallel_loop3A_485, %get3A_88 : vector<16xf32>
          %parallel_loop3A_487 = arith.addf %parallel_loop3A_484, %parallel_loop3A_486 : vector<16xf32>
          %parallel_loop3A_488 = vector.broadcast %parallel_loop3A_345 : f32 to vector<16xf32>
          %parallel_loop3A_489 = arith.mulf %parallel_loop3A_488, %get3A_128 : vector<16xf32>
          %parallel_loop3A_490 = arith.addf %parallel_loop3A_487, %parallel_loop3A_489 : vector<16xf32>
          %parallel_loop3A_491 = arith.addf %parallel_loop3A_481, %parallel_loop3A_490 : vector<16xf32>
          %parallel_loop3A_492 = arith.constant 0.000000e+00 : f32
          %parallel_loop3A_493 = vector.broadcast %parallel_loop3A_492 : f32 to vector<16xf32>
          %parallel_loop3A_494 = arith.maximumf %parallel_loop3A_491, %parallel_loop3A_493 : vector<16xf32>
          %parallel_loop3A_495 = arith.index_cast %parallel_loop3A_327 : i32 to index
          %parallel_loop3A_496 = arith.constant 96 : index
          %parallel_loop3A_497 = tpu.vector_load %arg15[%parallel_loop3A_495, %parallel_loop3A_496] {strides = array<i32>} : memref<40x128xf32, #tpu.memory_space<vmem>>, vector<1x16xf32>,
          %parallel_loop3A_498 = vector.shape_cast %parallel_loop3A_497 : vector<1x16xf32> to vector<16xf32>
          %parallel_loop3A_499 = vector.shape_cast %parallel_loop3A_494 : vector<16xf32> to vector<1x16xf32>
          tpu.vector_store %arg15[%parallel_loop3A_495, %parallel_loop3A_496], %parallel_loop3A_499 {strides = array<i32>} : memref<40x128xf32, #tpu.memory_space<vmem>>, vector<1x16xf32>,
          %parallel_loop3A_500 = arith.index_cast %parallel_loop3A_327 : i32 to index
          %parallel_loop3A_501 = arith.constant 112 : index
          %parallel_loop3A_502 = tpu.vector_load %arg15[%parallel_loop3A_500, %parallel_loop3A_501] {strides = array<i32>} : memref<40x128xf32, #tpu.memory_space<vmem>>, vector<1x16xf32>,
          %parallel_loop3A_503 = vector.shape_cast %parallel_loop3A_502 : vector<1x16xf32> to vector<16xf32>
          %parallel_loop3A_504 = vector.broadcast %parallel_loop3A_333 : f32 to vector<16xf32>
          %parallel_loop3A_505 = arith.mulf %parallel_loop3A_504, %get3A_53 : vector<16xf32>
          %parallel_loop3A_506 = arith.addf %get3A_173, %parallel_loop3A_505 : vector<16xf32>
          %parallel_loop3A_507 = vector.broadcast %parallel_loop3A_339 : f32 to vector<16xf32>
          %parallel_loop3A_508 = arith.mulf %parallel_loop3A_507, %get3A_93 : vector<16xf32>
          %parallel_loop3A_509 = arith.addf %parallel_loop3A_506, %parallel_loop3A_508 : vector<16xf32>
          %parallel_loop3A_510 = vector.broadcast %parallel_loop3A_345 : f32 to vector<16xf32>
          %parallel_loop3A_511 = arith.mulf %parallel_loop3A_510, %get3A_133 : vector<16xf32>
          %parallel_loop3A_512 = arith.addf %parallel_loop3A_509, %parallel_loop3A_511 : vector<16xf32>
          %parallel_loop3A_513 = arith.addf %parallel_loop3A_503, %parallel_loop3A_512 : vector<16xf32>
          %parallel_loop3A_514 = arith.constant 0.000000e+00 : f32
          %parallel_loop3A_515 = vector.broadcast %parallel_loop3A_514 : f32 to vector<16xf32>
          %parallel_loop3A_516 = arith.maximumf %parallel_loop3A_513, %parallel_loop3A_515 : vector<16xf32>
          %parallel_loop3A_517 = arith.index_cast %parallel_loop3A_327 : i32 to index
          %parallel_loop3A_518 = arith.constant 112 : index
          %parallel_loop3A_519 = tpu.vector_load %arg15[%parallel_loop3A_517, %parallel_loop3A_518] {strides = array<i32>} : memref<40x128xf32, #tpu.memory_space<vmem>>, vector<1x16xf32>,
          %parallel_loop3A_520 = vector.shape_cast %parallel_loop3A_519 : vector<1x16xf32> to vector<16xf32>
          %parallel_loop3A_521 = vector.shape_cast %parallel_loop3A_516 : vector<16xf32> to vector<1x16xf32>
          tpu.vector_store %arg15[%parallel_loop3A_517, %parallel_loop3A_518], %parallel_loop3A_521 {strides = array<i32>} : memref<40x128xf32, #tpu.memory_space<vmem>>, vector<1x16xf32>,
        } {sc.loop_unroll_factor = 2 : i64, sc.parallel_access}
        %dma_wait3A_281 = arith.constant 0 : i32
        %dma_wait3A_282 = arith.constant 0 : i32
        %dma_wait3A_283 = tpu.memref_slice %arg19[%dma_wait3A_281, %dma_wait3A_282] : memref<10000x128xf32, #tpu.memory_space<vmem_shared>> -> memref<10000x128xf32, #tpu.memory_space<vmem_shared>>
        tpu.wait_indirect_dma semaphore(%arg22 : memref<!tpu.dma_semaphore, #tpu.memory_space<semaphore_mem>>) src(%arg14 : memref<40x128xf32, #tpu.memory_space<vmem>>) dst(%dma_wait3A_283 : memref<10000x128xf32, #tpu.memory_space<vmem_shared>>)
        %lt3A = arith.constant 24 : i32
        %lt3A_284 = arith.cmpi slt, %scan3A_212, %lt3A : i32
        %convert_element_type3A_285 = arith.extui %lt3A_284 : i1 to i32
        %cond3A_286 = arith.constant 0 : i32
        %cond3A_287 = arith.cmpi ne, %convert_element_type3A_285, %cond3A_286 : i32
        scf.if %cond3A_287 {
          %add3A_327 = arith.constant 2 : i32
          %add3A_328 = arith.addi %mul3A_214, %add3A_327 : i32
          %mul3A_329 = arith.constant 40 : i32
          %mul3A_330 = arith.muli %add3A_328, %mul3A_329 : i32
          %dma_start3A_331 = tpu.memref_slice %arg8[%mul3A_330] : memref<2000xi32, #tpu.memory_space<vmem>> -> memref<40xi32, #tpu.memory_space<vmem>>
          %dma_start3A_332 = arith.constant 0 : i32
          %dma_start3A_333 = arith.constant 0 : i32
          %dma_start3A_334 = tpu.memref_slice %arg2[%dma_start3A_332, %dma_start3A_333] : memref<10000x128xf32, #tpu.memory_space<hbm>> -> memref<10000x128xf32, #tpu.memory_space<hbm>>
          tpu.enqueue_indirect_dma source(%dma_start3A_334 : memref<10000x128xf32, #tpu.memory_space<hbm>>) target(%arg14 : memref<40x128xf32, #tpu.memory_space<vmem>>) offsets(%dma_start3A_331 : memref<40xi32, #tpu.memory_space<vmem>>) semaphore(%arg20 : memref<!tpu.dma_semaphore, #tpu.memory_space<semaphore_mem>>)
        } else {
        }
        %mul3A_288 = arith.constant 40 : i32
        %mul3A_289 = arith.muli %add3A_216, %mul3A_288 : i32
        %parallel_loop3A_290 = arith.constant 20 : i32
        %parallel_loop3A_291 = arith.constant 40 : i32
        %parallel_loop3A_292 = arith.constant 1 : i32
        scf.for %parallel_loop3A_327 = %parallel_loop3A_290 to %parallel_loop3A_291 step %parallel_loop3A_292  : i32 {
          %parallel_loop3A_328 = arith.addi %mul3A_289, %parallel_loop3A_327 : i32
          %parallel_loop3A_329 = arith.index_cast %parallel_loop3A_328 : i32 to index
          %parallel_loop3A_330 = tpu.vector_load %arg10[%parallel_loop3A_329] {strides = array<i32>} : memref<2016xf32, #tpu.memory_space<vmem>>, vector<16xf32>,
          %parallel_loop3A_331 = vector.shape_cast %parallel_loop3A_330 : vector<16xf32> to vector<16xf32>
          %parallel_loop3A_332 = vector.extract_strided_slice %parallel_loop3A_331 {offsets = [0], sizes = [1], strides = [1]} : vector<16xf32> to vector<1xf32>
          %parallel_loop3A_333 = vector.extract %parallel_loop3A_332[0] : f32 from vector<1xf32>
          %parallel_loop3A_334 = arith.addi %mul3A_289, %parallel_loop3A_327 : i32
          %parallel_loop3A_335 = arith.index_cast %parallel_loop3A_334 : i32 to index
          %parallel_loop3A_336 = tpu.vector_load %arg11[%parallel_loop3A_335] {strides = array<i32>} : memref<2016xf32, #tpu.memory_space<vmem>>, vector<16xf32>,
          %parallel_loop3A_337 = vector.shape_cast %parallel_loop3A_336 : vector<16xf32> to vector<16xf32>
          %parallel_loop3A_338 = vector.extract_strided_slice %parallel_loop3A_337 {offsets = [0], sizes = [1], strides = [1]} : vector<16xf32> to vector<1xf32>
          %parallel_loop3A_339 = vector.extract %parallel_loop3A_338[0] : f32 from vector<1xf32>
          %parallel_loop3A_340 = arith.addi %mul3A_289, %parallel_loop3A_327 : i32
          %parallel_loop3A_341 = arith.index_cast %parallel_loop3A_340 : i32 to index
          %parallel_loop3A_342 = tpu.vector_load %arg12[%parallel_loop3A_341] {strides = array<i32>} : memref<2016xf32, #tpu.memory_space<vmem>>, vector<16xf32>,
          %parallel_loop3A_343 = vector.shape_cast %parallel_loop3A_342 : vector<16xf32> to vector<16xf32>
          %parallel_loop3A_344 = vector.extract_strided_slice %parallel_loop3A_343 {offsets = [0], sizes = [1], strides = [1]} : vector<16xf32> to vector<1xf32>
          %parallel_loop3A_345 = vector.extract %parallel_loop3A_344[0] : f32 from vector<1xf32>
          %parallel_loop3A_346 = arith.index_cast %parallel_loop3A_327 : i32 to index
          %parallel_loop3A_347 = arith.constant 0 : index
          %parallel_loop3A_348 = tpu.vector_load %arg15[%parallel_loop3A_346, %parallel_loop3A_347] {strides = array<i32>} : memref<40x128xf32, #tpu.memory_space<vmem>>, vector<1x16xf32>,
          %parallel_loop3A_349 = vector.shape_cast %parallel_loop3A_348 : vector<1x16xf32> to vector<16xf32>
          %parallel_loop3A_350 = vector.broadcast %parallel_loop3A_333 : f32 to vector<16xf32>
          %parallel_loop3A_351 = arith.mulf %parallel_loop3A_350, %get3A_18 : vector<16xf32>
          %parallel_loop3A_352 = arith.addf %get3A_138, %parallel_loop3A_351 : vector<16xf32>
          %parallel_loop3A_353 = vector.broadcast %parallel_loop3A_339 : f32 to vector<16xf32>
          %parallel_loop3A_354 = arith.mulf %parallel_loop3A_353, %get3A_58 : vector<16xf32>
          %parallel_loop3A_355 = arith.addf %parallel_loop3A_352, %parallel_loop3A_354 : vector<16xf32>
          %parallel_loop3A_356 = vector.broadcast %parallel_loop3A_345 : f32 to vector<16xf32>
          %parallel_loop3A_357 = arith.mulf %parallel_loop3A_356, %get3A_98 : vector<16xf32>
          %parallel_loop3A_358 = arith.addf %parallel_loop3A_355, %parallel_loop3A_357 : vector<16xf32>
          %parallel_loop3A_359 = arith.addf %parallel_loop3A_349, %parallel_loop3A_358 : vector<16xf32>
          %parallel_loop3A_360 = arith.constant 0.000000e+00 : f32
          %parallel_loop3A_361 = vector.broadcast %parallel_loop3A_360 : f32 to vector<16xf32>
          %parallel_loop3A_362 = arith.maximumf %parallel_loop3A_359, %parallel_loop3A_361 : vector<16xf32>
          %parallel_loop3A_363 = arith.index_cast %parallel_loop3A_327 : i32 to index
          %parallel_loop3A_364 = arith.constant 0 : index
          %parallel_loop3A_365 = tpu.vector_load %arg15[%parallel_loop3A_363, %parallel_loop3A_364] {strides = array<i32>} : memref<40x128xf32, #tpu.memory_space<vmem>>, vector<1x16xf32>,
          %parallel_loop3A_366 = vector.shape_cast %parallel_loop3A_365 : vector<1x16xf32> to vector<16xf32>
          %parallel_loop3A_367 = vector.shape_cast %parallel_loop3A_362 : vector<16xf32> to vector<1x16xf32>
          tpu.vector_store %arg15[%parallel_loop3A_363, %parallel_loop3A_364], %parallel_loop3A_367 {strides = array<i32>} : memref<40x128xf32, #tpu.memory_space<vmem>>, vector<1x16xf32>,
          %parallel_loop3A_368 = arith.index_cast %parallel_loop3A_327 : i32 to index
          %parallel_loop3A_369 = arith.constant 16 : index
          %parallel_loop3A_370 = tpu.vector_load %arg15[%parallel_loop3A_368, %parallel_loop3A_369] {strides = array<i32>} : memref<40x128xf32, #tpu.memory_space<vmem>>, vector<1x16xf32>,
          %parallel_loop3A_371 = vector.shape_cast %parallel_loop3A_370 : vector<1x16xf32> to vector<16xf32>
          %parallel_loop3A_372 = vector.broadcast %parallel_loop3A_333 : f32 to vector<16xf32>
          %parallel_loop3A_373 = arith.mulf %parallel_loop3A_372, %get3A_23 : vector<16xf32>
          %parallel_loop3A_374 = arith.addf %get3A_143, %parallel_loop3A_373 : vector<16xf32>
          %parallel_loop3A_375 = vector.broadcast %parallel_loop3A_339 : f32 to vector<16xf32>
          %parallel_loop3A_376 = arith.mulf %parallel_loop3A_375, %get3A_63 : vector<16xf32>
          %parallel_loop3A_377 = arith.addf %parallel_loop3A_374, %parallel_loop3A_376 : vector<16xf32>
          %parallel_loop3A_378 = vector.broadcast %parallel_loop3A_345 : f32 to vector<16xf32>
          %parallel_loop3A_379 = arith.mulf %parallel_loop3A_378, %get3A_103 : vector<16xf32>
          %parallel_loop3A_380 = arith.addf %parallel_loop3A_377, %parallel_loop3A_379 : vector<16xf32>
          %parallel_loop3A_381 = arith.addf %parallel_loop3A_371, %parallel_loop3A_380 : vector<16xf32>
          %parallel_loop3A_382 = arith.constant 0.000000e+00 : f32
          %parallel_loop3A_383 = vector.broadcast %parallel_loop3A_382 : f32 to vector<16xf32>
          %parallel_loop3A_384 = arith.maximumf %parallel_loop3A_381, %parallel_loop3A_383 : vector<16xf32>
          %parallel_loop3A_385 = arith.index_cast %parallel_loop3A_327 : i32 to index
          %parallel_loop3A_386 = arith.constant 16 : index
          %parallel_loop3A_387 = tpu.vector_load %arg15[%parallel_loop3A_385, %parallel_loop3A_386] {strides = array<i32>} : memref<40x128xf32, #tpu.memory_space<vmem>>, vector<1x16xf32>,
          %parallel_loop3A_388 = vector.shape_cast %parallel_loop3A_387 : vector<1x16xf32> to vector<16xf32>
          %parallel_loop3A_389 = vector.shape_cast %parallel_loop3A_384 : vector<16xf32> to vector<1x16xf32>
          tpu.vector_store %arg15[%parallel_loop3A_385, %parallel_loop3A_386], %parallel_loop3A_389 {strides = array<i32>} : memref<40x128xf32, #tpu.memory_space<vmem>>, vector<1x16xf32>,
          %parallel_loop3A_390 = arith.index_cast %parallel_loop3A_327 : i32 to index
          %parallel_loop3A_391 = arith.constant 32 : index
          %parallel_loop3A_392 = tpu.vector_load %arg15[%parallel_loop3A_390, %parallel_loop3A_391] {strides = array<i32>} : memref<40x128xf32, #tpu.memory_space<vmem>>, vector<1x16xf32>,
          %parallel_loop3A_393 = vector.shape_cast %parallel_loop3A_392 : vector<1x16xf32> to vector<16xf32>
          %parallel_loop3A_394 = vector.broadcast %parallel_loop3A_333 : f32 to vector<16xf32>
          %parallel_loop3A_395 = arith.mulf %parallel_loop3A_394, %get3A_28 : vector<16xf32>
          %parallel_loop3A_396 = arith.addf %get3A_148, %parallel_loop3A_395 : vector<16xf32>
          %parallel_loop3A_397 = vector.broadcast %parallel_loop3A_339 : f32 to vector<16xf32>
          %parallel_loop3A_398 = arith.mulf %parallel_loop3A_397, %get3A_68 : vector<16xf32>
          %parallel_loop3A_399 = arith.addf %parallel_loop3A_396, %parallel_loop3A_398 : vector<16xf32>
          %parallel_loop3A_400 = vector.broadcast %parallel_loop3A_345 : f32 to vector<16xf32>
          %parallel_loop3A_401 = arith.mulf %parallel_loop3A_400, %get3A_108 : vector<16xf32>
          %parallel_loop3A_402 = arith.addf %parallel_loop3A_399, %parallel_loop3A_401 : vector<16xf32>
          %parallel_loop3A_403 = arith.addf %parallel_loop3A_393, %parallel_loop3A_402 : vector<16xf32>
          %parallel_loop3A_404 = arith.constant 0.000000e+00 : f32
          %parallel_loop3A_405 = vector.broadcast %parallel_loop3A_404 : f32 to vector<16xf32>
          %parallel_loop3A_406 = arith.maximumf %parallel_loop3A_403, %parallel_loop3A_405 : vector<16xf32>
          %parallel_loop3A_407 = arith.index_cast %parallel_loop3A_327 : i32 to index
          %parallel_loop3A_408 = arith.constant 32 : index
          %parallel_loop3A_409 = tpu.vector_load %arg15[%parallel_loop3A_407, %parallel_loop3A_408] {strides = array<i32>} : memref<40x128xf32, #tpu.memory_space<vmem>>, vector<1x16xf32>,
          %parallel_loop3A_410 = vector.shape_cast %parallel_loop3A_409 : vector<1x16xf32> to vector<16xf32>
          %parallel_loop3A_411 = vector.shape_cast %parallel_loop3A_406 : vector<16xf32> to vector<1x16xf32>
          tpu.vector_store %arg15[%parallel_loop3A_407, %parallel_loop3A_408], %parallel_loop3A_411 {strides = array<i32>} : memref<40x128xf32, #tpu.memory_space<vmem>>, vector<1x16xf32>,
          %parallel_loop3A_412 = arith.index_cast %parallel_loop3A_327 : i32 to index
          %parallel_loop3A_413 = arith.constant 48 : index
          %parallel_loop3A_414 = tpu.vector_load %arg15[%parallel_loop3A_412, %parallel_loop3A_413] {strides = array<i32>} : memref<40x128xf32, #tpu.memory_space<vmem>>, vector<1x16xf32>,
          %parallel_loop3A_415 = vector.shape_cast %parallel_loop3A_414 : vector<1x16xf32> to vector<16xf32>
          %parallel_loop3A_416 = vector.broadcast %parallel_loop3A_333 : f32 to vector<16xf32>
          %parallel_loop3A_417 = arith.mulf %parallel_loop3A_416, %get3A_33 : vector<16xf32>
          %parallel_loop3A_418 = arith.addf %get3A_153, %parallel_loop3A_417 : vector<16xf32>
          %parallel_loop3A_419 = vector.broadcast %parallel_loop3A_339 : f32 to vector<16xf32>
          %parallel_loop3A_420 = arith.mulf %parallel_loop3A_419, %get3A_73 : vector<16xf32>
          %parallel_loop3A_421 = arith.addf %parallel_loop3A_418, %parallel_loop3A_420 : vector<16xf32>
          %parallel_loop3A_422 = vector.broadcast %parallel_loop3A_345 : f32 to vector<16xf32>
          %parallel_loop3A_423 = arith.mulf %parallel_loop3A_422, %get3A_113 : vector<16xf32>
          %parallel_loop3A_424 = arith.addf %parallel_loop3A_421, %parallel_loop3A_423 : vector<16xf32>
          %parallel_loop3A_425 = arith.addf %parallel_loop3A_415, %parallel_loop3A_424 : vector<16xf32>
          %parallel_loop3A_426 = arith.constant 0.000000e+00 : f32
          %parallel_loop3A_427 = vector.broadcast %parallel_loop3A_426 : f32 to vector<16xf32>
          %parallel_loop3A_428 = arith.maximumf %parallel_loop3A_425, %parallel_loop3A_427 : vector<16xf32>
          %parallel_loop3A_429 = arith.index_cast %parallel_loop3A_327 : i32 to index
          %parallel_loop3A_430 = arith.constant 48 : index
          %parallel_loop3A_431 = tpu.vector_load %arg15[%parallel_loop3A_429, %parallel_loop3A_430] {strides = array<i32>} : memref<40x128xf32, #tpu.memory_space<vmem>>, vector<1x16xf32>,
          %parallel_loop3A_432 = vector.shape_cast %parallel_loop3A_431 : vector<1x16xf32> to vector<16xf32>
          %parallel_loop3A_433 = vector.shape_cast %parallel_loop3A_428 : vector<16xf32> to vector<1x16xf32>
          tpu.vector_store %arg15[%parallel_loop3A_429, %parallel_loop3A_430], %parallel_loop3A_433 {strides = array<i32>} : memref<40x128xf32, #tpu.memory_space<vmem>>, vector<1x16xf32>,
          %parallel_loop3A_434 = arith.index_cast %parallel_loop3A_327 : i32 to index
          %parallel_loop3A_435 = arith.constant 64 : index
          %parallel_loop3A_436 = tpu.vector_load %arg15[%parallel_loop3A_434, %parallel_loop3A_435] {strides = array<i32>} : memref<40x128xf32, #tpu.memory_space<vmem>>, vector<1x16xf32>,
          %parallel_loop3A_437 = vector.shape_cast %parallel_loop3A_436 : vector<1x16xf32> to vector<16xf32>
          %parallel_loop3A_438 = vector.broadcast %parallel_loop3A_333 : f32 to vector<16xf32>
          %parallel_loop3A_439 = arith.mulf %parallel_loop3A_438, %get3A_38 : vector<16xf32>
          %parallel_loop3A_440 = arith.addf %get3A_158, %parallel_loop3A_439 : vector<16xf32>
          %parallel_loop3A_441 = vector.broadcast %parallel_loop3A_339 : f32 to vector<16xf32>
          %parallel_loop3A_442 = arith.mulf %parallel_loop3A_441, %get3A_78 : vector<16xf32>
          %parallel_loop3A_443 = arith.addf %parallel_loop3A_440, %parallel_loop3A_442 : vector<16xf32>
          %parallel_loop3A_444 = vector.broadcast %parallel_loop3A_345 : f32 to vector<16xf32>
          %parallel_loop3A_445 = arith.mulf %parallel_loop3A_444, %get3A_118 : vector<16xf32>
          %parallel_loop3A_446 = arith.addf %parallel_loop3A_443, %parallel_loop3A_445 : vector<16xf32>
          %parallel_loop3A_447 = arith.addf %parallel_loop3A_437, %parallel_loop3A_446 : vector<16xf32>
          %parallel_loop3A_448 = arith.constant 0.000000e+00 : f32
          %parallel_loop3A_449 = vector.broadcast %parallel_loop3A_448 : f32 to vector<16xf32>
          %parallel_loop3A_450 = arith.maximumf %parallel_loop3A_447, %parallel_loop3A_449 : vector<16xf32>
          %parallel_loop3A_451 = arith.index_cast %parallel_loop3A_327 : i32 to index
          %parallel_loop3A_452 = arith.constant 64 : index
          %parallel_loop3A_453 = tpu.vector_load %arg15[%parallel_loop3A_451, %parallel_loop3A_452] {strides = array<i32>} : memref<40x128xf32, #tpu.memory_space<vmem>>, vector<1x16xf32>,
          %parallel_loop3A_454 = vector.shape_cast %parallel_loop3A_453 : vector<1x16xf32> to vector<16xf32>
          %parallel_loop3A_455 = vector.shape_cast %parallel_loop3A_450 : vector<16xf32> to vector<1x16xf32>
          tpu.vector_store %arg15[%parallel_loop3A_451, %parallel_loop3A_452], %parallel_loop3A_455 {strides = array<i32>} : memref<40x128xf32, #tpu.memory_space<vmem>>, vector<1x16xf32>,
          %parallel_loop3A_456 = arith.index_cast %parallel_loop3A_327 : i32 to index
          %parallel_loop3A_457 = arith.constant 80 : index
          %parallel_loop3A_458 = tpu.vector_load %arg15[%parallel_loop3A_456, %parallel_loop3A_457] {strides = array<i32>} : memref<40x128xf32, #tpu.memory_space<vmem>>, vector<1x16xf32>,
          %parallel_loop3A_459 = vector.shape_cast %parallel_loop3A_458 : vector<1x16xf32> to vector<16xf32>
          %parallel_loop3A_460 = vector.broadcast %parallel_loop3A_333 : f32 to vector<16xf32>
          %parallel_loop3A_461 = arith.mulf %parallel_loop3A_460, %get3A_43 : vector<16xf32>
          %parallel_loop3A_462 = arith.addf %get3A_163, %parallel_loop3A_461 : vector<16xf32>
          %parallel_loop3A_463 = vector.broadcast %parallel_loop3A_339 : f32 to vector<16xf32>
          %parallel_loop3A_464 = arith.mulf %parallel_loop3A_463, %get3A_83 : vector<16xf32>
          %parallel_loop3A_465 = arith.addf %parallel_loop3A_462, %parallel_loop3A_464 : vector<16xf32>
          %parallel_loop3A_466 = vector.broadcast %parallel_loop3A_345 : f32 to vector<16xf32>
          %parallel_loop3A_467 = arith.mulf %parallel_loop3A_466, %get3A_123 : vector<16xf32>
          %parallel_loop3A_468 = arith.addf %parallel_loop3A_465, %parallel_loop3A_467 : vector<16xf32>
          %parallel_loop3A_469 = arith.addf %parallel_loop3A_459, %parallel_loop3A_468 : vector<16xf32>
          %parallel_loop3A_470 = arith.constant 0.000000e+00 : f32
          %parallel_loop3A_471 = vector.broadcast %parallel_loop3A_470 : f32 to vector<16xf32>
          %parallel_loop3A_472 = arith.maximumf %parallel_loop3A_469, %parallel_loop3A_471 : vector<16xf32>
          %parallel_loop3A_473 = arith.index_cast %parallel_loop3A_327 : i32 to index
          %parallel_loop3A_474 = arith.constant 80 : index
          %parallel_loop3A_475 = tpu.vector_load %arg15[%parallel_loop3A_473, %parallel_loop3A_474] {strides = array<i32>} : memref<40x128xf32, #tpu.memory_space<vmem>>, vector<1x16xf32>,
          %parallel_loop3A_476 = vector.shape_cast %parallel_loop3A_475 : vector<1x16xf32> to vector<16xf32>
          %parallel_loop3A_477 = vector.shape_cast %parallel_loop3A_472 : vector<16xf32> to vector<1x16xf32>
          tpu.vector_store %arg15[%parallel_loop3A_473, %parallel_loop3A_474], %parallel_loop3A_477 {strides = array<i32>} : memref<40x128xf32, #tpu.memory_space<vmem>>, vector<1x16xf32>,
          %parallel_loop3A_478 = arith.index_cast %parallel_loop3A_327 : i32 to index
          %parallel_loop3A_479 = arith.constant 96 : index
          %parallel_loop3A_480 = tpu.vector_load %arg15[%parallel_loop3A_478, %parallel_loop3A_479] {strides = array<i32>} : memref<40x128xf32, #tpu.memory_space<vmem>>, vector<1x16xf32>,
          %parallel_loop3A_481 = vector.shape_cast %parallel_loop3A_480 : vector<1x16xf32> to vector<16xf32>
          %parallel_loop3A_482 = vector.broadcast %parallel_loop3A_333 : f32 to vector<16xf32>
          %parallel_loop3A_483 = arith.mulf %parallel_loop3A_482, %get3A_48 : vector<16xf32>
          %parallel_loop3A_484 = arith.addf %get3A_168, %parallel_loop3A_483 : vector<16xf32>
          %parallel_loop3A_485 = vector.broadcast %parallel_loop3A_339 : f32 to vector<16xf32>
          %parallel_loop3A_486 = arith.mulf %parallel_loop3A_485, %get3A_88 : vector<16xf32>
          %parallel_loop3A_487 = arith.addf %parallel_loop3A_484, %parallel_loop3A_486 : vector<16xf32>
          %parallel_loop3A_488 = vector.broadcast %parallel_loop3A_345 : f32 to vector<16xf32>
          %parallel_loop3A_489 = arith.mulf %parallel_loop3A_488, %get3A_128 : vector<16xf32>
          %parallel_loop3A_490 = arith.addf %parallel_loop3A_487, %parallel_loop3A_489 : vector<16xf32>
          %parallel_loop3A_491 = arith.addf %parallel_loop3A_481, %parallel_loop3A_490 : vector<16xf32>
          %parallel_loop3A_492 = arith.constant 0.000000e+00 : f32
          %parallel_loop3A_493 = vector.broadcast %parallel_loop3A_492 : f32 to vector<16xf32>
          %parallel_loop3A_494 = arith.maximumf %parallel_loop3A_491, %parallel_loop3A_493 : vector<16xf32>
          %parallel_loop3A_495 = arith.index_cast %parallel_loop3A_327 : i32 to index
          %parallel_loop3A_496 = arith.constant 96 : index
          %parallel_loop3A_497 = tpu.vector_load %arg15[%parallel_loop3A_495, %parallel_loop3A_496] {strides = array<i32>} : memref<40x128xf32, #tpu.memory_space<vmem>>, vector<1x16xf32>,
          %parallel_loop3A_498 = vector.shape_cast %parallel_loop3A_497 : vector<1x16xf32> to vector<16xf32>
          %parallel_loop3A_499 = vector.shape_cast %parallel_loop3A_494 : vector<16xf32> to vector<1x16xf32>
          tpu.vector_store %arg15[%parallel_loop3A_495, %parallel_loop3A_496], %parallel_loop3A_499 {strides = array<i32>} : memref<40x128xf32, #tpu.memory_space<vmem>>, vector<1x16xf32>,
          %parallel_loop3A_500 = arith.index_cast %parallel_loop3A_327 : i32 to index
          %parallel_loop3A_501 = arith.constant 112 : index
          %parallel_loop3A_502 = tpu.vector_load %arg15[%parallel_loop3A_500, %parallel_loop3A_501] {strides = array<i32>} : memref<40x128xf32, #tpu.memory_space<vmem>>, vector<1x16xf32>,
          %parallel_loop3A_503 = vector.shape_cast %parallel_loop3A_502 : vector<1x16xf32> to vector<16xf32>
          %parallel_loop3A_504 = vector.broadcast %parallel_loop3A_333 : f32 to vector<16xf32>
          %parallel_loop3A_505 = arith.mulf %parallel_loop3A_504, %get3A_53 : vector<16xf32>
          %parallel_loop3A_506 = arith.addf %get3A_173, %parallel_loop3A_505 : vector<16xf32>
          %parallel_loop3A_507 = vector.broadcast %parallel_loop3A_339 : f32 to vector<16xf32>
          %parallel_loop3A_508 = arith.mulf %parallel_loop3A_507, %get3A_93 : vector<16xf32>
          %parallel_loop3A_509 = arith.addf %parallel_loop3A_506, %parallel_loop3A_508 : vector<16xf32>
          %parallel_loop3A_510 = vector.broadcast %parallel_loop3A_345 : f32 to vector<16xf32>
          %parallel_loop3A_511 = arith.mulf %parallel_loop3A_510, %get3A_133 : vector<16xf32>
          %parallel_loop3A_512 = arith.addf %parallel_loop3A_509, %parallel_loop3A_511 : vector<16xf32>
          %parallel_loop3A_513 = arith.addf %parallel_loop3A_503, %parallel_loop3A_512 : vector<16xf32>
          %parallel_loop3A_514 = arith.constant 0.000000e+00 : f32
          %parallel_loop3A_515 = vector.broadcast %parallel_loop3A_514 : f32 to vector<16xf32>
          %parallel_loop3A_516 = arith.maximumf %parallel_loop3A_513, %parallel_loop3A_515 : vector<16xf32>
          %parallel_loop3A_517 = arith.index_cast %parallel_loop3A_327 : i32 to index
          %parallel_loop3A_518 = arith.constant 112 : index
          %parallel_loop3A_519 = tpu.vector_load %arg15[%parallel_loop3A_517, %parallel_loop3A_518] {strides = array<i32>} : memref<40x128xf32, #tpu.memory_space<vmem>>, vector<1x16xf32>,
          %parallel_loop3A_520 = vector.shape_cast %parallel_loop3A_519 : vector<1x16xf32> to vector<16xf32>
          %parallel_loop3A_521 = vector.shape_cast %parallel_loop3A_516 : vector<16xf32> to vector<1x16xf32>
          tpu.vector_store %arg15[%parallel_loop3A_517, %parallel_loop3A_518], %parallel_loop3A_521 {strides = array<i32>} : memref<40x128xf32, #tpu.memory_space<vmem>>, vector<1x16xf32>,
        } {sc.loop_unroll_factor = 2 : i64, sc.parallel_access}
        %mul3A_293 = arith.constant 40 : i32
        %mul3A_294 = arith.muli %add3A_216, %mul3A_293 : i32
        %get3A_295 = arith.index_cast %mul3A_294 : i32 to index
        %get3A_296 = tpu.vector_load %arg9[%get3A_295] {strides = array<i32>} : memref<2000xi32, #tpu.memory_space<vmem>>, vector<16xi32>,
        %get3A_297 = vector.shape_cast %get3A_296 : vector<16xi32> to vector<16xi32>
        %swap3A_298 = arith.constant 0 : index
        %swap3A_299 = tpu.vector_load %arg17[%swap3A_298] {strides = array<i32>} : memref<40xi32, #tpu.memory_space<vmem>>, vector<16xi32>,
        %swap3A_300 = vector.shape_cast %swap3A_299 : vector<16xi32> to vector<16xi32>
        %swap3A_301 = vector.shape_cast %get3A_297 : vector<16xi32> to vector<16xi32>
        tpu.vector_store %arg17[%swap3A_298], %swap3A_301 {strides = array<i32>} : memref<40xi32, #tpu.memory_space<vmem>>, vector<16xi32>,
        %mul3A_302 = arith.constant 40 : i32
        %mul3A_303 = arith.muli %add3A_216, %mul3A_302 : i32
        %add3A_304 = arith.constant 16 : i32
        %add3A_305 = arith.addi %mul3A_303, %add3A_304 : i32
        %get3A_306 = arith.index_cast %add3A_305 : i32 to index
        %get3A_307 = tpu.vector_load %arg9[%get3A_306] {strides = array<i32>} : memref<2000xi32, #tpu.memory_space<vmem>>, vector<16xi32>,
        %get3A_308 = vector.shape_cast %get3A_307 : vector<16xi32> to vector<16xi32>
        %swap3A_309 = arith.constant 16 : index
        %swap3A_310 = tpu.vector_load %arg17[%swap3A_309] {strides = array<i32>} : memref<40xi32, #tpu.memory_space<vmem>>, vector<16xi32>,
        %swap3A_311 = vector.shape_cast %swap3A_310 : vector<16xi32> to vector<16xi32>
        %swap3A_312 = vector.shape_cast %get3A_308 : vector<16xi32> to vector<16xi32>
        tpu.vector_store %arg17[%swap3A_309], %swap3A_312 {strides = array<i32>} : memref<40xi32, #tpu.memory_space<vmem>>, vector<16xi32>,
        %mul3A_313 = arith.constant 40 : i32
        %mul3A_314 = arith.muli %add3A_216, %mul3A_313 : i32
        %add3A_315 = arith.constant 24 : i32
        %add3A_316 = arith.addi %mul3A_314, %add3A_315 : i32
        %get3A_317 = arith.index_cast %add3A_316 : i32 to index
        %get3A_318 = tpu.vector_load %arg9[%get3A_317] {strides = array<i32>} : memref<2000xi32, #tpu.memory_space<vmem>>, vector<16xi32>,
        %get3A_319 = vector.shape_cast %get3A_318 : vector<16xi32> to vector<16xi32>
        %swap3A_320 = arith.constant 24 : index
        %swap3A_321 = tpu.vector_load %arg17[%swap3A_320] {strides = array<i32>} : memref<40xi32, #tpu.memory_space<vmem>>, vector<16xi32>,
        %swap3A_322 = vector.shape_cast %swap3A_321 : vector<16xi32> to vector<16xi32>
        %swap3A_323 = vector.shape_cast %get3A_319 : vector<16xi32> to vector<16xi32>
        tpu.vector_store %arg17[%swap3A_320], %swap3A_323 {strides = array<i32>} : memref<40xi32, #tpu.memory_space<vmem>>, vector<16xi32>,
        %dma_start3A_324 = arith.constant 0 : i32
        %dma_start3A_325 = arith.constant 0 : i32
        %dma_start3A_326 = tpu.memref_slice %arg19[%dma_start3A_324, %dma_start3A_325] : memref<10000x128xf32, #tpu.memory_space<vmem_shared>> -> memref<10000x128xf32, #tpu.memory_space<vmem_shared>>
        tpu.enqueue_indirect_dma source(%arg15 : memref<40x128xf32, #tpu.memory_space<vmem>>) target(%dma_start3A_326 : memref<10000x128xf32, #tpu.memory_space<vmem_shared>>) offsets(%arg17 : memref<40xi32, #tpu.memory_space<vmem>>) semaphore(%arg23 : memref<!tpu.dma_semaphore, #tpu.memory_space<semaphore_mem>>) {add = true}
      }
      %scan3A_209 = arith.constant 25 : i32
      %dma_wait3A = arith.constant 0 : i32
      %dma_wait3A_210 = arith.constant 0 : i32
      %dma_wait3A_211 = tpu.memref_slice %arg19[%dma_wait3A, %dma_wait3A_210] : memref<10000x128xf32, #tpu.memory_space<vmem_shared>> -> memref<10000x128xf32, #tpu.memory_space<vmem_shared>>
      tpu.wait_indirect_dma semaphore(%arg23 : memref<!tpu.dma_semaphore, #tpu.memory_space<semaphore_mem>>) src(%arg15 : memref<40x128xf32, #tpu.memory_space<vmem>>) dst(%dma_wait3A_211 : memref<10000x128xf32, #tpu.memory_space<vmem_shared>>)
    }
    %scan3A_179 = arith.constant 5 : i32
    %barrier3A_180 = arith.constant 0 : index
    tpu.barrier barrier_id(%barrier3A_180)
    %mul3A_181 = arith.constant 624 : i32
    %mul3A_182 = arith.muli %arg1, %mul3A_181 : i32
    %mul3A_183 = arith.constant 624 : i32
    %mul3A_184 = arith.muli %arg1, %mul3A_183 : i32
    "tpu.region"() ({
      %run_scoped3A = tpu.sem_alloc : memref<!tpu.dma_semaphore, #tpu.memory_space<semaphore_mem>>
      %dma_start3A = arith.constant 0 : i32
      %dma_start3A_190 = tpu.memref_slice %arg7[%arg0, %mul3A_184, %dma_start3A] : memref<2x10000x128xf32, #tpu.memory_space<hbm>> -> memref<1x624x128xf32, #tpu.memory_space<hbm>>
      %dma_start3A_191 = tpu.memref_squeeze %dma_start3A_190 : memref<1x624x128xf32, #tpu.memory_space<hbm>> -> memref<624x128xf32, #tpu.memory_space<hbm>>
      %dma_start3A_192 = arith.constant 0 : i32
      %dma_start3A_193 = tpu.memref_slice %arg19[%mul3A_182, %dma_start3A_192] : memref<10000x128xf32, #tpu.memory_space<vmem_shared>> -> memref<624x128xf32, #tpu.memory_space<vmem_shared>>
      tpu.enqueue_dma source(%dma_start3A_193 : memref<624x128xf32, #tpu.memory_space<vmem_shared>>) target(%dma_start3A_191 : memref<624x128xf32, #tpu.memory_space<hbm>>) target_semaphore(%run_scoped3A : memref<!tpu.dma_semaphore, #tpu.memory_space<semaphore_mem>>)
      %dma_wait3A = arith.constant 0 : i32
      %dma_wait3A_194 = tpu.memref_slice %arg7[%arg0, %mul3A_184, %dma_wait3A] : memref<2x10000x128xf32, #tpu.memory_space<hbm>> -> memref<1x624x128xf32, #tpu.memory_space<hbm>>
      %dma_wait3A_195 = tpu.memref_squeeze %dma_wait3A_194 : memref<1x624x128xf32, #tpu.memory_space<hbm>> -> memref<624x128xf32, #tpu.memory_space<hbm>>
      %dma_wait3A_196 = arith.constant 0 : i32
      %dma_wait3A_197 = tpu.memref_slice %arg19[%mul3A_182, %dma_wait3A_196] : memref<10000x128xf32, #tpu.memory_space<vmem_shared>> -> memref<624x128xf32, #tpu.memory_space<vmem_shared>>
      tpu.wait_dma2 semaphore(%run_scoped3A : memref<!tpu.dma_semaphore, #tpu.memory_space<semaphore_mem>>) src(%dma_wait3A_197 : memref<624x128xf32, #tpu.memory_space<vmem_shared>>) dst(%dma_wait3A_195 : memref<624x128xf32, #tpu.memory_space<hbm>>)
      tpu.yield
    }) : () -> ()
    %eq3A_185 = arith.constant 15 : i32
    %eq3A_186 = arith.cmpi eq, %arg1, %eq3A_185 : i32
    %convert_element_type3A_187 = arith.extui %eq3A_186 : i1 to i32
    %cond3A_188 = arith.constant 0 : i32
    %cond3A_189 = arith.cmpi ne, %convert_element_type3A_187, %cond3A_188 : i32
    scf.if %cond3A_189 {
      "tpu.region"() ({
        %run_scoped3A = tpu.sem_alloc : memref<!tpu.dma_semaphore, #tpu.memory_space<semaphore_mem>>
        %dma_start3A = arith.constant 9984 : i32
        %dma_start3A_190 = arith.constant 0 : i32
        %dma_start3A_191 = tpu.memref_slice %arg7[%arg0, %dma_start3A, %dma_start3A_190] : memref<2x10000x128xf32, #tpu.memory_space<hbm>> -> memref<1x16x128xf32, #tpu.memory_space<hbm>>
        %dma_start3A_192 = tpu.memref_squeeze %dma_start3A_191 : memref<1x16x128xf32, #tpu.memory_space<hbm>> -> memref<16x128xf32, #tpu.memory_space<hbm>>
        %dma_start3A_193 = arith.constant 9984 : i32
        %dma_start3A_194 = arith.constant 0 : i32
        %dma_start3A_195 = tpu.memref_slice %arg19[%dma_start3A_193, %dma_start3A_194] : memref<10000x128xf32, #tpu.memory_space<vmem_shared>> -> memref<16x128xf32, #tpu.memory_space<vmem_shared>>
        tpu.enqueue_dma source(%dma_start3A_195 : memref<16x128xf32, #tpu.memory_space<vmem_shared>>) target(%dma_start3A_192 : memref<16x128xf32, #tpu.memory_space<hbm>>) target_semaphore(%run_scoped3A : memref<!tpu.dma_semaphore, #tpu.memory_space<semaphore_mem>>)
        %dma_wait3A = arith.constant 9984 : i32
        %dma_wait3A_196 = arith.constant 0 : i32
        %dma_wait3A_197 = tpu.memref_slice %arg7[%arg0, %dma_wait3A, %dma_wait3A_196] : memref<2x10000x128xf32, #tpu.memory_space<hbm>> -> memref<1x16x128xf32, #tpu.memory_space<hbm>>
        %dma_wait3A_198 = tpu.memref_squeeze %dma_wait3A_197 : memref<1x16x128xf32, #tpu.memory_space<hbm>> -> memref<16x128xf32, #tpu.memory_space<hbm>>
        %dma_wait3A_199 = arith.constant 9984 : i32
        %dma_wait3A_200 = arith.constant 0 : i32
        %dma_wait3A_201 = tpu.memref_slice %arg19[%dma_wait3A_199, %dma_wait3A_200] : memref<10000x128xf32, #tpu.memory_space<vmem_shared>> -> memref<16x128xf32, #tpu.memory_space<vmem_shared>>
        tpu.wait_dma2 semaphore(%run_scoped3A : memref<!tpu.dma_semaphore, #tpu.memory_space<semaphore_mem>>) src(%dma_wait3A_201 : memref<16x128xf32, #tpu.memory_space<vmem_shared>>) dst(%dma_wait3A_198 : memref<16x128xf32, #tpu.memory_space<hbm>>)
        tpu.yield
      }) : () -> ()
    } else {
    }
    return
  }
}

#map = affine_map<(d0, d1) -> (0, 0)>
#map1 = affine_map<(d0, d1) -> (0)>
#map2 = affine_map<(d0, d1) -> (0, 0, 0)>
module attributes {stable_mosaic.version = 14 : i64} {
  func.func @_msg_body(%arg0: i32, %arg1: i32, %arg2: memref<10000x128xf32, #tpu.memory_space<hbm>>, %arg3: memref<320000xi32, #tpu.memory_space<hbm>>, %arg4: memref<320000xi32, #tpu.memory_space<hbm>>, %arg5: memref<960000xf32, #tpu.memory_space<hbm>>, %arg6: memref<4x128xf32, #tpu.memory_space<hbm>>, %arg7: memref<2x10000x128xf32, #tpu.memory_space<hbm>>, %arg8: memref<2000xi32, #tpu.memory_space<vmem>>, %arg9: memref<2000xi32, #tpu.memory_space<vmem>>, %arg10: memref<2016xf32, #tpu.memory_space<vmem>>, %arg11: memref<2016xf32, #tpu.memory_space<vmem>>, %arg12: memref<2016xf32, #tpu.memory_space<vmem>>, %arg13: memref<4x128xf32, #tpu.memory_space<vmem>>, %arg14: memref<40x128xf32, #tpu.memory_space<vmem>>, %arg15: memref<40x128xf32, #tpu.memory_space<vmem>>, %arg16: memref<40xi32, #tpu.memory_space<vmem>>, %arg17: memref<40xi32, #tpu.memory_space<vmem>>, %arg18: memref<16x128xf32, #tpu.memory_space<vmem>>, %arg19: memref<10000x128xf32, #tpu.memory_space<vmem_shared>>, %arg20: memref<!tpu.dma_semaphore, #tpu.memory_space<semaphore_mem>>, %arg21: memref<!tpu.dma_semaphore, #tpu.memory_space<semaphore_mem>>, %arg22: memref<!tpu.dma_semaphore, #tpu.memory_space<semaphore_mem>>, %arg23: memref<!tpu.dma_semaphore, #tpu.memory_space<semaphore_mem>>) attributes {dimension_semantics = [#tpu.dimension_semantics<core_parallel>, #tpu.dimension_semantics<subcore_parallel>], iteration_bounds = array<i64: 2, 16>, scalar_prefetch = 0 : i64, scratch_operands = 16 : i64, tpu.core_type = #tpu.core_type<sc_vector_subcore>, window_params = [{transform_indices = #map}, {transform_indices = #map1}, {transform_indices = #map1}, {transform_indices = #map1}, {transform_indices = #map}, {transform_indices = #map2}]} {
    %mul3A = arith.constant 16 : i32
    %mul3A_0 = arith.muli %arg0, %mul3A : i32
    %add3A = arith.addi %mul3A_0, %arg1 : i32
    "tpu.region"() ({
      %run_scoped3A = tpu.sem_alloc : memref<!tpu.dma_semaphore, #tpu.memory_space<semaphore_mem>>
      tpu.enqueue_dma source(%arg6 : memref<4x128xf32, #tpu.memory_space<hbm>>) target(%arg13 : memref<4x128xf32, #tpu.memory_space<vmem>>) target_semaphore(%run_scoped3A : memref<!tpu.dma_semaphore, #tpu.memory_space<semaphore_mem>>)
      tpu.wait_dma2 semaphore(%run_scoped3A : memref<!tpu.dma_semaphore, #tpu.memory_space<semaphore_mem>>) src(%arg6 : memref<4x128xf32, #tpu.memory_space<hbm>>) dst(%arg13 : memref<4x128xf32, #tpu.memory_space<vmem>>)
      tpu.yield
    }) : () -> ()
    %broadcast_in_dim3A = arith.constant 0.000000e+00 : f32
    %broadcast_in_dim3A_1 = vector.broadcast %broadcast_in_dim3A : f32 to vector<16xf32>
    %scan3A = arith.constant 0 : i32
    %scan3A_2 = arith.constant 0 : i32
    %scan3A_3 = arith.constant 16 : i32
    %scan3A_4 = arith.addi %scan3A_2, %scan3A_3 : i32
    %scan3A_5 = arith.constant 1 : i32
    scf.for %scan3A_190 = %scan3A_2 to %scan3A_4 step %scan3A_5  : i32 {
      %swap3A = arith.index_cast %scan3A_190 : i32 to index
      %swap3A_191 = arith.constant 0 : index
      %swap3A_192 = tpu.vector_load %arg18[%swap3A, %swap3A_191] {strides = array<i32>} : memref<16x128xf32, #tpu.memory_space<vmem>>, vector<1x16xf32>,
      %swap3A_193 = vector.shape_cast %swap3A_192 : vector<1x16xf32> to vector<16xf32>
      %swap3A_194 = vector.shape_cast %broadcast_in_dim3A_1 : vector<16xf32> to vector<1x16xf32>
      tpu.vector_store %arg18[%swap3A, %swap3A_191], %swap3A_194 {strides = array<i32>} : memref<16x128xf32, #tpu.memory_space<vmem>>, vector<1x16xf32>,
      %swap3A_195 = arith.index_cast %scan3A_190 : i32 to index
      %swap3A_196 = arith.constant 16 : index
      %swap3A_197 = tpu.vector_load %arg18[%swap3A_195, %swap3A_196] {strides = array<i32>} : memref<16x128xf32, #tpu.memory_space<vmem>>, vector<1x16xf32>,
      %swap3A_198 = vector.shape_cast %swap3A_197 : vector<1x16xf32> to vector<16xf32>
      %swap3A_199 = vector.shape_cast %broadcast_in_dim3A_1 : vector<16xf32> to vector<1x16xf32>
      tpu.vector_store %arg18[%swap3A_195, %swap3A_196], %swap3A_199 {strides = array<i32>} : memref<16x128xf32, #tpu.memory_space<vmem>>, vector<1x16xf32>,
      %swap3A_200 = arith.index_cast %scan3A_190 : i32 to index
      %swap3A_201 = arith.constant 32 : index
      %swap3A_202 = tpu.vector_load %arg18[%swap3A_200, %swap3A_201] {strides = array<i32>} : memref<16x128xf32, #tpu.memory_space<vmem>>, vector<1x16xf32>,
      %swap3A_203 = vector.shape_cast %swap3A_202 : vector<1x16xf32> to vector<16xf32>
      %swap3A_204 = vector.shape_cast %broadcast_in_dim3A_1 : vector<16xf32> to vector<1x16xf32>
      tpu.vector_store %arg18[%swap3A_200, %swap3A_201], %swap3A_204 {strides = array<i32>} : memref<16x128xf32, #tpu.memory_space<vmem>>, vector<1x16xf32>,
      %swap3A_205 = arith.index_cast %scan3A_190 : i32 to index
      %swap3A_206 = arith.constant 48 : index
      %swap3A_207 = tpu.vector_load %arg18[%swap3A_205, %swap3A_206] {strides = array<i32>} : memref<16x128xf32, #tpu.memory_space<vmem>>, vector<1x16xf32>,
      %swap3A_208 = vector.shape_cast %swap3A_207 : vector<1x16xf32> to vector<16xf32>
      %swap3A_209 = vector.shape_cast %broadcast_in_dim3A_1 : vector<16xf32> to vector<1x16xf32>
      tpu.vector_store %arg18[%swap3A_205, %swap3A_206], %swap3A_209 {strides = array<i32>} : memref<16x128xf32, #tpu.memory_space<vmem>>, vector<1x16xf32>,
      %swap3A_210 = arith.index_cast %scan3A_190 : i32 to index
      %swap3A_211 = arith.constant 64 : index
      %swap3A_212 = tpu.vector_load %arg18[%swap3A_210, %swap3A_211] {strides = array<i32>} : memref<16x128xf32, #tpu.memory_space<vmem>>, vector<1x16xf32>,
      %swap3A_213 = vector.shape_cast %swap3A_212 : vector<1x16xf32> to vector<16xf32>
      %swap3A_214 = vector.shape_cast %broadcast_in_dim3A_1 : vector<16xf32> to vector<1x16xf32>
      tpu.vector_store %arg18[%swap3A_210, %swap3A_211], %swap3A_214 {strides = array<i32>} : memref<16x128xf32, #tpu.memory_space<vmem>>, vector<1x16xf32>,
      %swap3A_215 = arith.index_cast %scan3A_190 : i32 to index
      %swap3A_216 = arith.constant 80 : index
      %swap3A_217 = tpu.vector_load %arg18[%swap3A_215, %swap3A_216] {strides = array<i32>} : memref<16x128xf32, #tpu.memory_space<vmem>>, vector<1x16xf32>,
      %swap3A_218 = vector.shape_cast %swap3A_217 : vector<1x16xf32> to vector<16xf32>
      %swap3A_219 = vector.shape_cast %broadcast_in_dim3A_1 : vector<16xf32> to vector<1x16xf32>
      tpu.vector_store %arg18[%swap3A_215, %swap3A_216], %swap3A_219 {strides = array<i32>} : memref<16x128xf32, #tpu.memory_space<vmem>>, vector<1x16xf32>,
      %swap3A_220 = arith.index_cast %scan3A_190 : i32 to index
      %swap3A_221 = arith.constant 96 : index
      %swap3A_222 = tpu.vector_load %arg18[%swap3A_220, %swap3A_221] {strides = array<i32>} : memref<16x128xf32, #tpu.memory_space<vmem>>, vector<1x16xf32>,
      %swap3A_223 = vector.shape_cast %swap3A_222 : vector<1x16xf32> to vector<16xf32>
      %swap3A_224 = vector.shape_cast %broadcast_in_dim3A_1 : vector<16xf32> to vector<1x16xf32>
      tpu.vector_store %arg18[%swap3A_220, %swap3A_221], %swap3A_224 {strides = array<i32>} : memref<16x128xf32, #tpu.memory_space<vmem>>, vector<1x16xf32>,
      %swap3A_225 = arith.index_cast %scan3A_190 : i32 to index
      %swap3A_226 = arith.constant 112 : index
      %swap3A_227 = tpu.vector_load %arg18[%swap3A_225, %swap3A_226] {strides = array<i32>} : memref<16x128xf32, #tpu.memory_space<vmem>>, vector<1x16xf32>,
      %swap3A_228 = vector.shape_cast %swap3A_227 : vector<1x16xf32> to vector<16xf32>
      %swap3A_229 = vector.shape_cast %broadcast_in_dim3A_1 : vector<16xf32> to vector<1x16xf32>
      tpu.vector_store %arg18[%swap3A_225, %swap3A_226], %swap3A_229 {strides = array<i32>} : memref<16x128xf32, #tpu.memory_space<vmem>>, vector<1x16xf32>,
    }
    %scan3A_6 = arith.constant 16 : i32
    %scan3A_7 = arith.constant 0 : i32
    %scan3A_8 = arith.constant 0 : i32
    %scan3A_9 = arith.constant 39 : i32
    %scan3A_10 = arith.addi %scan3A_8, %scan3A_9 : i32
    %scan3A_11 = arith.constant 1 : i32
    scf.for %scan3A_190 = %scan3A_8 to %scan3A_10 step %scan3A_11  : i32 {
      %mul3A_191 = arith.constant 624 : i32
      %mul3A_192 = arith.muli %arg1, %mul3A_191 : i32
      %mul3A_193 = arith.constant 16 : i32
      %mul3A_194 = arith.muli %scan3A_190, %mul3A_193 : i32
      %add3A_195 = arith.addi %mul3A_192, %mul3A_194 : i32
      "tpu.region"() ({
        %run_scoped3A = tpu.sem_alloc : memref<!tpu.dma_semaphore, #tpu.memory_space<semaphore_mem>>
        %dma_start3A = arith.constant 0 : i32
        %dma_start3A_196 = tpu.memref_slice %arg19[%add3A_195, %dma_start3A] : memref<10000x128xf32, #tpu.memory_space<vmem_shared>> -> memref<16x128xf32, #tpu.memory_space<vmem_shared>>
        %dma_start3A_197 = arith.constant 0 : i32
        %dma_start3A_198 = tpu.memref_slice %arg19[%add3A_195, %dma_start3A_197] : memref<10000x128xf32, #tpu.memory_space<vmem_shared>> -> memref<16x128xf32, #tpu.memory_space<vmem_shared>>
        tpu.enqueue_dma source(%arg18 : memref<16x128xf32, #tpu.memory_space<vmem>>) target(%dma_start3A_198 : memref<16x128xf32, #tpu.memory_space<vmem_shared>>) target_semaphore(%run_scoped3A : memref<!tpu.dma_semaphore, #tpu.memory_space<semaphore_mem>>)
        %dma_wait3A = arith.constant 0 : i32
        %dma_wait3A_199 = tpu.memref_slice %arg19[%add3A_195, %dma_wait3A] : memref<10000x128xf32, #tpu.memory_space<vmem_shared>> -> memref<16x128xf32, #tpu.memory_space<vmem_shared>>
        %dma_wait3A_200 = arith.constant 0 : i32
        %dma_wait3A_201 = tpu.memref_slice %arg19[%add3A_195, %dma_wait3A_200] : memref<10000x128xf32, #tpu.memory_space<vmem_shared>> -> memref<16x128xf32, #tpu.memory_space<vmem_shared>>
        tpu.wait_dma2 semaphore(%run_scoped3A : memref<!tpu.dma_semaphore, #tpu.memory_space<semaphore_mem>>) src(%arg18 : memref<16x128xf32, #tpu.memory_space<vmem>>) dst(%dma_wait3A_201 : memref<16x128xf32, #tpu.memory_space<vmem_shared>>)
        tpu.yield
      }) : () -> ()
    }
    %scan3A_12 = arith.constant 39 : i32
    %eq3A = arith.constant 15 : i32
    %eq3A_13 = arith.cmpi eq, %arg1, %eq3A : i32
    %convert_element_type3A = arith.extui %eq3A_13 : i1 to i32
    %cond3A = arith.constant 0 : i32
    %cond3A_14 = arith.cmpi ne, %convert_element_type3A, %cond3A : i32
    scf.if %cond3A_14 {
      "tpu.region"() ({
        %run_scoped3A = tpu.sem_alloc : memref<!tpu.dma_semaphore, #tpu.memory_space<semaphore_mem>>
        %dma_start3A = arith.constant 9984 : i32
        %dma_start3A_190 = arith.constant 0 : i32
        %dma_start3A_191 = tpu.memref_slice %arg19[%dma_start3A, %dma_start3A_190] : memref<10000x128xf32, #tpu.memory_space<vmem_shared>> -> memref<16x128xf32, #tpu.memory_space<vmem_shared>>
        %dma_start3A_192 = arith.constant 9984 : i32
        %dma_start3A_193 = arith.constant 0 : i32
        %dma_start3A_194 = tpu.memref_slice %arg19[%dma_start3A_192, %dma_start3A_193] : memref<10000x128xf32, #tpu.memory_space<vmem_shared>> -> memref<16x128xf32, #tpu.memory_space<vmem_shared>>
        tpu.enqueue_dma source(%arg18 : memref<16x128xf32, #tpu.memory_space<vmem>>) target(%dma_start3A_194 : memref<16x128xf32, #tpu.memory_space<vmem_shared>>) target_semaphore(%run_scoped3A : memref<!tpu.dma_semaphore, #tpu.memory_space<semaphore_mem>>)
        %dma_wait3A = arith.constant 9984 : i32
        %dma_wait3A_195 = arith.constant 0 : i32
        %dma_wait3A_196 = tpu.memref_slice %arg19[%dma_wait3A, %dma_wait3A_195] : memref<10000x128xf32, #tpu.memory_space<vmem_shared>> -> memref<16x128xf32, #tpu.memory_space<vmem_shared>>
        %dma_wait3A_197 = arith.constant 9984 : i32
        %dma_wait3A_198 = arith.constant 0 : i32
        %dma_wait3A_199 = tpu.memref_slice %arg19[%dma_wait3A_197, %dma_wait3A_198] : memref<10000x128xf32, #tpu.memory_space<vmem_shared>> -> memref<16x128xf32, #tpu.memory_space<vmem_shared>>
        tpu.wait_dma2 semaphore(%run_scoped3A : memref<!tpu.dma_semaphore, #tpu.memory_space<semaphore_mem>>) src(%arg18 : memref<16x128xf32, #tpu.memory_space<vmem>>) dst(%dma_wait3A_199 : memref<16x128xf32, #tpu.memory_space<vmem_shared>>)
        tpu.yield
      }) : () -> ()
    } else {
    }
    %barrier3A = arith.constant 0 : index
    tpu.barrier barrier_id(%barrier3A)
    %get3A = arith.constant 0 : i32
    %get3A_15 = arith.index_cast %get3A : i32 to index
    %get3A_16 = arith.constant 0 : index
    %get3A_17 = tpu.vector_load %arg13[%get3A_15, %get3A_16] {strides = array<i32>} : memref<4x128xf32, #tpu.memory_space<vmem>>, vector<1x16xf32>,
    %get3A_18 = vector.shape_cast %get3A_17 : vector<1x16xf32> to vector<16xf32>
    %get3A_19 = arith.constant 0 : i32
    %get3A_20 = arith.index_cast %get3A_19 : i32 to index
    %get3A_21 = arith.constant 16 : index
    %get3A_22 = tpu.vector_load %arg13[%get3A_20, %get3A_21] {strides = array<i32>} : memref<4x128xf32, #tpu.memory_space<vmem>>, vector<1x16xf32>,
    %get3A_23 = vector.shape_cast %get3A_22 : vector<1x16xf32> to vector<16xf32>
    %get3A_24 = arith.constant 0 : i32
    %get3A_25 = arith.index_cast %get3A_24 : i32 to index
    %get3A_26 = arith.constant 32 : index
    %get3A_27 = tpu.vector_load %arg13[%get3A_25, %get3A_26] {strides = array<i32>} : memref<4x128xf32, #tpu.memory_space<vmem>>, vector<1x16xf32>,
    %get3A_28 = vector.shape_cast %get3A_27 : vector<1x16xf32> to vector<16xf32>
    %get3A_29 = arith.constant 0 : i32
    %get3A_30 = arith.index_cast %get3A_29 : i32 to index
    %get3A_31 = arith.constant 48 : index
    %get3A_32 = tpu.vector_load %arg13[%get3A_30, %get3A_31] {strides = array<i32>} : memref<4x128xf32, #tpu.memory_space<vmem>>, vector<1x16xf32>,
    %get3A_33 = vector.shape_cast %get3A_32 : vector<1x16xf32> to vector<16xf32>
    %get3A_34 = arith.constant 0 : i32
    %get3A_35 = arith.index_cast %get3A_34 : i32 to index
    %get3A_36 = arith.constant 64 : index
    %get3A_37 = tpu.vector_load %arg13[%get3A_35, %get3A_36] {strides = array<i32>} : memref<4x128xf32, #tpu.memory_space<vmem>>, vector<1x16xf32>,
    %get3A_38 = vector.shape_cast %get3A_37 : vector<1x16xf32> to vector<16xf32>
    %get3A_39 = arith.constant 0 : i32
    %get3A_40 = arith.index_cast %get3A_39 : i32 to index
    %get3A_41 = arith.constant 80 : index
    %get3A_42 = tpu.vector_load %arg13[%get3A_40, %get3A_41] {strides = array<i32>} : memref<4x128xf32, #tpu.memory_space<vmem>>, vector<1x16xf32>,
    %get3A_43 = vector.shape_cast %get3A_42 : vector<1x16xf32> to vector<16xf32>
    %get3A_44 = arith.constant 0 : i32
    %get3A_45 = arith.index_cast %get3A_44 : i32 to index
    %get3A_46 = arith.constant 96 : index
    %get3A_47 = tpu.vector_load %arg13[%get3A_45, %get3A_46] {strides = array<i32>} : memref<4x128xf32, #tpu.memory_space<vmem>>, vector<1x16xf32>,
    %get3A_48 = vector.shape_cast %get3A_47 : vector<1x16xf32> to vector<16xf32>
    %get3A_49 = arith.constant 0 : i32
    %get3A_50 = arith.index_cast %get3A_49 : i32 to index
    %get3A_51 = arith.constant 112 : index
    %get3A_52 = tpu.vector_load %arg13[%get3A_50, %get3A_51] {strides = array<i32>} : memref<4x128xf32, #tpu.memory_space<vmem>>, vector<1x16xf32>,
    %get3A_53 = vector.shape_cast %get3A_52 : vector<1x16xf32> to vector<16xf32>
    %get3A_54 = arith.constant 1 : i32
    %get3A_55 = arith.index_cast %get3A_54 : i32 to index
    %get3A_56 = arith.constant 0 : index
    %get3A_57 = tpu.vector_load %arg13[%get3A_55, %get3A_56] {strides = array<i32>} : memref<4x128xf32, #tpu.memory_space<vmem>>, vector<1x16xf32>,
    %get3A_58 = vector.shape_cast %get3A_57 : vector<1x16xf32> to vector<16xf32>
    %get3A_59 = arith.constant 1 : i32
    %get3A_60 = arith.index_cast %get3A_59 : i32 to index
    %get3A_61 = arith.constant 16 : index
    %get3A_62 = tpu.vector_load %arg13[%get3A_60, %get3A_61] {strides = array<i32>} : memref<4x128xf32, #tpu.memory_space<vmem>>, vector<1x16xf32>,
    %get3A_63 = vector.shape_cast %get3A_62 : vector<1x16xf32> to vector<16xf32>
    %get3A_64 = arith.constant 1 : i32
    %get3A_65 = arith.index_cast %get3A_64 : i32 to index
    %get3A_66 = arith.constant 32 : index
    %get3A_67 = tpu.vector_load %arg13[%get3A_65, %get3A_66] {strides = array<i32>} : memref<4x128xf32, #tpu.memory_space<vmem>>, vector<1x16xf32>,
    %get3A_68 = vector.shape_cast %get3A_67 : vector<1x16xf32> to vector<16xf32>
    %get3A_69 = arith.constant 1 : i32
    %get3A_70 = arith.index_cast %get3A_69 : i32 to index
    %get3A_71 = arith.constant 48 : index
    %get3A_72 = tpu.vector_load %arg13[%get3A_70, %get3A_71] {strides = array<i32>} : memref<4x128xf32, #tpu.memory_space<vmem>>, vector<1x16xf32>,
    %get3A_73 = vector.shape_cast %get3A_72 : vector<1x16xf32> to vector<16xf32>
    %get3A_74 = arith.constant 1 : i32
    %get3A_75 = arith.index_cast %get3A_74 : i32 to index
    %get3A_76 = arith.constant 64 : index
    %get3A_77 = tpu.vector_load %arg13[%get3A_75, %get3A_76] {strides = array<i32>} : memref<4x128xf32, #tpu.memory_space<vmem>>, vector<1x16xf32>,
    %get3A_78 = vector.shape_cast %get3A_77 : vector<1x16xf32> to vector<16xf32>
    %get3A_79 = arith.constant 1 : i32
    %get3A_80 = arith.index_cast %get3A_79 : i32 to index
    %get3A_81 = arith.constant 80 : index
    %get3A_82 = tpu.vector_load %arg13[%get3A_80, %get3A_81] {strides = array<i32>} : memref<4x128xf32, #tpu.memory_space<vmem>>, vector<1x16xf32>,
    %get3A_83 = vector.shape_cast %get3A_82 : vector<1x16xf32> to vector<16xf32>
    %get3A_84 = arith.constant 1 : i32
    %get3A_85 = arith.index_cast %get3A_84 : i32 to index
    %get3A_86 = arith.constant 96 : index
    %get3A_87 = tpu.vector_load %arg13[%get3A_85, %get3A_86] {strides = array<i32>} : memref<4x128xf32, #tpu.memory_space<vmem>>, vector<1x16xf32>,
    %get3A_88 = vector.shape_cast %get3A_87 : vector<1x16xf32> to vector<16xf32>
    %get3A_89 = arith.constant 1 : i32
    %get3A_90 = arith.index_cast %get3A_89 : i32 to index
    %get3A_91 = arith.constant 112 : index
    %get3A_92 = tpu.vector_load %arg13[%get3A_90, %get3A_91] {strides = array<i32>} : memref<4x128xf32, #tpu.memory_space<vmem>>, vector<1x16xf32>,
    %get3A_93 = vector.shape_cast %get3A_92 : vector<1x16xf32> to vector<16xf32>
    %get3A_94 = arith.constant 2 : i32
    %get3A_95 = arith.index_cast %get3A_94 : i32 to index
    %get3A_96 = arith.constant 0 : index
    %get3A_97 = tpu.vector_load %arg13[%get3A_95, %get3A_96] {strides = array<i32>} : memref<4x128xf32, #tpu.memory_space<vmem>>, vector<1x16xf32>,
    %get3A_98 = vector.shape_cast %get3A_97 : vector<1x16xf32> to vector<16xf32>
    %get3A_99 = arith.constant 2 : i32
    %get3A_100 = arith.index_cast %get3A_99 : i32 to index
    %get3A_101 = arith.constant 16 : index
    %get3A_102 = tpu.vector_load %arg13[%get3A_100, %get3A_101] {strides = array<i32>} : memref<4x128xf32, #tpu.memory_space<vmem>>, vector<1x16xf32>,
    %get3A_103 = vector.shape_cast %get3A_102 : vector<1x16xf32> to vector<16xf32>
    %get3A_104 = arith.constant 2 : i32
    %get3A_105 = arith.index_cast %get3A_104 : i32 to index
    %get3A_106 = arith.constant 32 : index
    %get3A_107 = tpu.vector_load %arg13[%get3A_105, %get3A_106] {strides = array<i32>} : memref<4x128xf32, #tpu.memory_space<vmem>>, vector<1x16xf32>,
    %get3A_108 = vector.shape_cast %get3A_107 : vector<1x16xf32> to vector<16xf32>
    %get3A_109 = arith.constant 2 : i32
    %get3A_110 = arith.index_cast %get3A_109 : i32 to index
    %get3A_111 = arith.constant 48 : index
    %get3A_112 = tpu.vector_load %arg13[%get3A_110, %get3A_111] {strides = array<i32>} : memref<4x128xf32, #tpu.memory_space<vmem>>, vector<1x16xf32>,
    %get3A_113 = vector.shape_cast %get3A_112 : vector<1x16xf32> to vector<16xf32>
    %get3A_114 = arith.constant 2 : i32
    %get3A_115 = arith.index_cast %get3A_114 : i32 to index
    %get3A_116 = arith.constant 64 : index
    %get3A_117 = tpu.vector_load %arg13[%get3A_115, %get3A_116] {strides = array<i32>} : memref<4x128xf32, #tpu.memory_space<vmem>>, vector<1x16xf32>,
    %get3A_118 = vector.shape_cast %get3A_117 : vector<1x16xf32> to vector<16xf32>
    %get3A_119 = arith.constant 2 : i32
    %get3A_120 = arith.index_cast %get3A_119 : i32 to index
    %get3A_121 = arith.constant 80 : index
    %get3A_122 = tpu.vector_load %arg13[%get3A_120, %get3A_121] {strides = array<i32>} : memref<4x128xf32, #tpu.memory_space<vmem>>, vector<1x16xf32>,
    %get3A_123 = vector.shape_cast %get3A_122 : vector<1x16xf32> to vector<16xf32>
    %get3A_124 = arith.constant 2 : i32
    %get3A_125 = arith.index_cast %get3A_124 : i32 to index
    %get3A_126 = arith.constant 96 : index
    %get3A_127 = tpu.vector_load %arg13[%get3A_125, %get3A_126] {strides = array<i32>} : memref<4x128xf32, #tpu.memory_space<vmem>>, vector<1x16xf32>,
    %get3A_128 = vector.shape_cast %get3A_127 : vector<1x16xf32> to vector<16xf32>
    %get3A_129 = arith.constant 2 : i32
    %get3A_130 = arith.index_cast %get3A_129 : i32 to index
    %get3A_131 = arith.constant 112 : index
    %get3A_132 = tpu.vector_load %arg13[%get3A_130, %get3A_131] {strides = array<i32>} : memref<4x128xf32, #tpu.memory_space<vmem>>, vector<1x16xf32>,
    %get3A_133 = vector.shape_cast %get3A_132 : vector<1x16xf32> to vector<16xf32>
    %get3A_134 = arith.constant 3 : i32
    %get3A_135 = arith.index_cast %get3A_134 : i32 to index
    %get3A_136 = arith.constant 0 : index
    %get3A_137 = tpu.vector_load %arg13[%get3A_135, %get3A_136] {strides = array<i32>} : memref<4x128xf32, #tpu.memory_space<vmem>>, vector<1x16xf32>,
    %get3A_138 = vector.shape_cast %get3A_137 : vector<1x16xf32> to vector<16xf32>
    %get3A_139 = arith.constant 3 : i32
    %get3A_140 = arith.index_cast %get3A_139 : i32 to index
    %get3A_141 = arith.constant 16 : index
    %get3A_142 = tpu.vector_load %arg13[%get3A_140, %get3A_141] {strides = array<i32>} : memref<4x128xf32, #tpu.memory_space<vmem>>, vector<1x16xf32>,
    %get3A_143 = vector.shape_cast %get3A_142 : vector<1x16xf32> to vector<16xf32>
    %get3A_144 = arith.constant 3 : i32
    %get3A_145 = arith.index_cast %get3A_144 : i32 to index
    %get3A_146 = arith.constant 32 : index
    %get3A_147 = tpu.vector_load %arg13[%get3A_145, %get3A_146] {strides = array<i32>} : memref<4x128xf32, #tpu.memory_space<vmem>>, vector<1x16xf32>,
    %get3A_148 = vector.shape_cast %get3A_147 : vector<1x16xf32> to vector<16xf32>
    %get3A_149 = arith.constant 3 : i32
    %get3A_150 = arith.index_cast %get3A_149 : i32 to index
    %get3A_151 = arith.constant 48 : index
    %get3A_152 = tpu.vector_load %arg13[%get3A_150, %get3A_151] {strides = array<i32>} : memref<4x128xf32, #tpu.memory_space<vmem>>, vector<1x16xf32>,
    %get3A_153 = vector.shape_cast %get3A_152 : vector<1x16xf32> to vector<16xf32>
    %get3A_154 = arith.constant 3 : i32
    %get3A_155 = arith.index_cast %get3A_154 : i32 to index
    %get3A_156 = arith.constant 64 : index
    %get3A_157 = tpu.vector_load %arg13[%get3A_155, %get3A_156] {strides = array<i32>} : memref<4x128xf32, #tpu.memory_space<vmem>>, vector<1x16xf32>,
    %get3A_158 = vector.shape_cast %get3A_157 : vector<1x16xf32> to vector<16xf32>
    %get3A_159 = arith.constant 3 : i32
    %get3A_160 = arith.index_cast %get3A_159 : i32 to index
    %get3A_161 = arith.constant 80 : index
    %get3A_162 = tpu.vector_load %arg13[%get3A_160, %get3A_161] {strides = array<i32>} : memref<4x128xf32, #tpu.memory_space<vmem>>, vector<1x16xf32>,
    %get3A_163 = vector.shape_cast %get3A_162 : vector<1x16xf32> to vector<16xf32>
    %get3A_164 = arith.constant 3 : i32
    %get3A_165 = arith.index_cast %get3A_164 : i32 to index
    %get3A_166 = arith.constant 96 : index
    %get3A_167 = tpu.vector_load %arg13[%get3A_165, %get3A_166] {strides = array<i32>} : memref<4x128xf32, #tpu.memory_space<vmem>>, vector<1x16xf32>,
    %get3A_168 = vector.shape_cast %get3A_167 : vector<1x16xf32> to vector<16xf32>
    %get3A_169 = arith.constant 3 : i32
    %get3A_170 = arith.index_cast %get3A_169 : i32 to index
    %get3A_171 = arith.constant 112 : index
    %get3A_172 = tpu.vector_load %arg13[%get3A_170, %get3A_171] {strides = array<i32>} : memref<4x128xf32, #tpu.memory_space<vmem>>, vector<1x16xf32>,
    %get3A_173 = vector.shape_cast %get3A_172 : vector<1x16xf32> to vector<16xf32>
    %scan3A_174 = arith.constant 0 : i32
    %scan3A_175 = arith.constant 0 : i32
    %scan3A_176 = arith.constant 5 : i32
    %scan3A_177 = arith.addi %scan3A_175, %scan3A_176 : i32
    %scan3A_178 = arith.constant 1 : i32
    scf.for %scan3A_190 = %scan3A_175 to %scan3A_177 step %scan3A_178  : i32 {
      %mul3A_191 = arith.constant 10000 : i32
      %mul3A_192 = arith.muli %add3A, %mul3A_191 : i32
      %mul3A_193 = arith.constant 2000 : i32
      %mul3A_194 = arith.muli %scan3A_190, %mul3A_193 : i32
      %add3A_195 = arith.addi %mul3A_192, %mul3A_194 : i32
      "tpu.region"() ({
        %run_scoped3A = tpu.sem_alloc : memref<!tpu.dma_semaphore, #tpu.memory_space<semaphore_mem>>
        %dma_start3A_212 = tpu.memref_slice %arg3[%add3A_195] : memref<320000xi32, #tpu.memory_space<hbm>> -> memref<2000xi32, #tpu.memory_space<hbm>>
        %dma_start3A_213 = tpu.memref_slice %arg3[%add3A_195] : memref<320000xi32, #tpu.memory_space<hbm>> -> memref<2000xi32, #tpu.memory_space<hbm>>
        tpu.enqueue_dma source(%dma_start3A_213 : memref<2000xi32, #tpu.memory_space<hbm>>) target(%arg8 : memref<2000xi32, #tpu.memory_space<vmem>>) target_semaphore(%run_scoped3A : memref<!tpu.dma_semaphore, #tpu.memory_space<semaphore_mem>>)
        %dma_wait3A_214 = tpu.memref_slice %arg3[%add3A_195] : memref<320000xi32, #tpu.memory_space<hbm>> -> memref<2000xi32, #tpu.memory_space<hbm>>
        %dma_wait3A_215 = tpu.memref_slice %arg3[%add3A_195] : memref<320000xi32, #tpu.memory_space<hbm>> -> memref<2000xi32, #tpu.memory_space<hbm>>
        tpu.wait_dma2 semaphore(%run_scoped3A : memref<!tpu.dma_semaphore, #tpu.memory_space<semaphore_mem>>) src(%dma_wait3A_215 : memref<2000xi32, #tpu.memory_space<hbm>>) dst(%arg8 : memref<2000xi32, #tpu.memory_space<vmem>>)
        tpu.yield
      }) : () -> ()
      "tpu.region"() ({
        %run_scoped3A = tpu.sem_alloc : memref<!tpu.dma_semaphore, #tpu.memory_space<semaphore_mem>>
        %dma_start3A_212 = tpu.memref_slice %arg4[%add3A_195] : memref<320000xi32, #tpu.memory_space<hbm>> -> memref<2000xi32, #tpu.memory_space<hbm>>
        %dma_start3A_213 = tpu.memref_slice %arg4[%add3A_195] : memref<320000xi32, #tpu.memory_space<hbm>> -> memref<2000xi32, #tpu.memory_space<hbm>>
        tpu.enqueue_dma source(%dma_start3A_213 : memref<2000xi32, #tpu.memory_space<hbm>>) target(%arg9 : memref<2000xi32, #tpu.memory_space<vmem>>) target_semaphore(%run_scoped3A : memref<!tpu.dma_semaphore, #tpu.memory_space<semaphore_mem>>)
        %dma_wait3A_214 = tpu.memref_slice %arg4[%add3A_195] : memref<320000xi32, #tpu.memory_space<hbm>> -> memref<2000xi32, #tpu.memory_space<hbm>>
        %dma_wait3A_215 = tpu.memref_slice %arg4[%add3A_195] : memref<320000xi32, #tpu.memory_space<hbm>> -> memref<2000xi32, #tpu.memory_space<hbm>>
        tpu.wait_dma2 semaphore(%run_scoped3A : memref<!tpu.dma_semaphore, #tpu.memory_space<semaphore_mem>>) src(%dma_wait3A_215 : memref<2000xi32, #tpu.memory_space<hbm>>) dst(%arg9 : memref<2000xi32, #tpu.memory_space<vmem>>)
        tpu.yield
      }) : () -> ()
      "tpu.region"() ({
        %run_scoped3A = tpu.sem_alloc : memref<!tpu.dma_semaphore, #tpu.memory_space<semaphore_mem>>
        %dma_start3A_212 = arith.constant 0 : i32
        %dma_start3A_213 = tpu.memref_slice %arg10[%dma_start3A_212] : memref<2016xf32, #tpu.memory_space<vmem>> -> memref<2000xf32, #tpu.memory_space<vmem>>
        %dma_start3A_214 = tpu.memref_slice %arg5[%add3A_195] : memref<960000xf32, #tpu.memory_space<hbm>> -> memref<2000xf32, #tpu.memory_space<hbm>>
        %dma_start3A_215 = arith.constant 0 : i32
        %dma_start3A_216 = tpu.memref_slice %arg10[%dma_start3A_215] : memref<2016xf32, #tpu.memory_space<vmem>> -> memref<2000xf32, #tpu.memory_space<vmem>>
        %dma_start3A_217 = tpu.memref_slice %arg5[%add3A_195] : memref<960000xf32, #tpu.memory_space<hbm>> -> memref<2000xf32, #tpu.memory_space<hbm>>
        tpu.enqueue_dma source(%dma_start3A_217 : memref<2000xf32, #tpu.memory_space<hbm>>) target(%dma_start3A_216 : memref<2000xf32, #tpu.memory_space<vmem>>) target_semaphore(%run_scoped3A : memref<!tpu.dma_semaphore, #tpu.memory_space<semaphore_mem>>)
        %dma_wait3A_218 = arith.constant 0 : i32
        %dma_wait3A_219 = tpu.memref_slice %arg10[%dma_wait3A_218] : memref<2016xf32, #tpu.memory_space<vmem>> -> memref<2000xf32, #tpu.memory_space<vmem>>
        %dma_wait3A_220 = tpu.memref_slice %arg5[%add3A_195] : memref<960000xf32, #tpu.memory_space<hbm>> -> memref<2000xf32, #tpu.memory_space<hbm>>
        %dma_wait3A_221 = arith.constant 0 : i32
        %dma_wait3A_222 = tpu.memref_slice %arg10[%dma_wait3A_221] : memref<2016xf32, #tpu.memory_space<vmem>> -> memref<2000xf32, #tpu.memory_space<vmem>>
        %dma_wait3A_223 = tpu.memref_slice %arg5[%add3A_195] : memref<960000xf32, #tpu.memory_space<hbm>> -> memref<2000xf32, #tpu.memory_space<hbm>>
        tpu.wait_dma2 semaphore(%run_scoped3A : memref<!tpu.dma_semaphore, #tpu.memory_space<semaphore_mem>>) src(%dma_wait3A_223 : memref<2000xf32, #tpu.memory_space<hbm>>) dst(%dma_wait3A_222 : memref<2000xf32, #tpu.memory_space<vmem>>)
        tpu.yield
      }) : () -> ()
      %add3A_196 = arith.constant 320000 : i32
      %add3A_197 = arith.addi %add3A_196, %add3A_195 : i32
      "tpu.region"() ({
        %run_scoped3A = tpu.sem_alloc : memref<!tpu.dma_semaphore, #tpu.memory_space<semaphore_mem>>
        %dma_start3A_212 = arith.constant 0 : i32
        %dma_start3A_213 = tpu.memref_slice %arg11[%dma_start3A_212] : memref<2016xf32, #tpu.memory_space<vmem>> -> memref<2000xf32, #tpu.memory_space<vmem>>
        %dma_start3A_214 = tpu.memref_slice %arg5[%add3A_197] : memref<960000xf32, #tpu.memory_space<hbm>> -> memref<2000xf32, #tpu.memory_space<hbm>>
        %dma_start3A_215 = arith.constant 0 : i32
        %dma_start3A_216 = tpu.memref_slice %arg11[%dma_start3A_215] : memref<2016xf32, #tpu.memory_space<vmem>> -> memref<2000xf32, #tpu.memory_space<vmem>>
        %dma_start3A_217 = tpu.memref_slice %arg5[%add3A_197] : memref<960000xf32, #tpu.memory_space<hbm>> -> memref<2000xf32, #tpu.memory_space<hbm>>
        tpu.enqueue_dma source(%dma_start3A_217 : memref<2000xf32, #tpu.memory_space<hbm>>) target(%dma_start3A_216 : memref<2000xf32, #tpu.memory_space<vmem>>) target_semaphore(%run_scoped3A : memref<!tpu.dma_semaphore, #tpu.memory_space<semaphore_mem>>)
        %dma_wait3A_218 = arith.constant 0 : i32
        %dma_wait3A_219 = tpu.memref_slice %arg11[%dma_wait3A_218] : memref<2016xf32, #tpu.memory_space<vmem>> -> memref<2000xf32, #tpu.memory_space<vmem>>
        %dma_wait3A_220 = tpu.memref_slice %arg5[%add3A_197] : memref<960000xf32, #tpu.memory_space<hbm>> -> memref<2000xf32, #tpu.memory_space<hbm>>
        %dma_wait3A_221 = arith.constant 0 : i32
        %dma_wait3A_222 = tpu.memref_slice %arg11[%dma_wait3A_221] : memref<2016xf32, #tpu.memory_space<vmem>> -> memref<2000xf32, #tpu.memory_space<vmem>>
        %dma_wait3A_223 = tpu.memref_slice %arg5[%add3A_197] : memref<960000xf32, #tpu.memory_space<hbm>> -> memref<2000xf32, #tpu.memory_space<hbm>>
        tpu.wait_dma2 semaphore(%run_scoped3A : memref<!tpu.dma_semaphore, #tpu.memory_space<semaphore_mem>>) src(%dma_wait3A_223 : memref<2000xf32, #tpu.memory_space<hbm>>) dst(%dma_wait3A_222 : memref<2000xf32, #tpu.memory_space<vmem>>)
        tpu.yield
      }) : () -> ()
      %add3A_198 = arith.constant 640000 : i32
      %add3A_199 = arith.addi %add3A_198, %add3A_195 : i32
      "tpu.region"() ({
        %run_scoped3A = tpu.sem_alloc : memref<!tpu.dma_semaphore, #tpu.memory_space<semaphore_mem>>
        %dma_start3A_212 = arith.constant 0 : i32
        %dma_start3A_213 = tpu.memref_slice %arg12[%dma_start3A_212] : memref<2016xf32, #tpu.memory_space<vmem>> -> memref<2000xf32, #tpu.memory_space<vmem>>
        %dma_start3A_214 = tpu.memref_slice %arg5[%add3A_199] : memref<960000xf32, #tpu.memory_space<hbm>> -> memref<2000xf32, #tpu.memory_space<hbm>>
        %dma_start3A_215 = arith.constant 0 : i32
        %dma_start3A_216 = tpu.memref_slice %arg12[%dma_start3A_215] : memref<2016xf32, #tpu.memory_space<vmem>> -> memref<2000xf32, #tpu.memory_space<vmem>>
        %dma_start3A_217 = tpu.memref_slice %arg5[%add3A_199] : memref<960000xf32, #tpu.memory_space<hbm>> -> memref<2000xf32, #tpu.memory_space<hbm>>
        tpu.enqueue_dma source(%dma_start3A_217 : memref<2000xf32, #tpu.memory_space<hbm>>) target(%dma_start3A_216 : memref<2000xf32, #tpu.memory_space<vmem>>) target_semaphore(%run_scoped3A : memref<!tpu.dma_semaphore, #tpu.memory_space<semaphore_mem>>)
        %dma_wait3A_218 = arith.constant 0 : i32
        %dma_wait3A_219 = tpu.memref_slice %arg12[%dma_wait3A_218] : memref<2016xf32, #tpu.memory_space<vmem>> -> memref<2000xf32, #tpu.memory_space<vmem>>
        %dma_wait3A_220 = tpu.memref_slice %arg5[%add3A_199] : memref<960000xf32, #tpu.memory_space<hbm>> -> memref<2000xf32, #tpu.memory_space<hbm>>
        %dma_wait3A_221 = arith.constant 0 : i32
        %dma_wait3A_222 = tpu.memref_slice %arg12[%dma_wait3A_221] : memref<2016xf32, #tpu.memory_space<vmem>> -> memref<2000xf32, #tpu.memory_space<vmem>>
        %dma_wait3A_223 = tpu.memref_slice %arg5[%add3A_199] : memref<960000xf32, #tpu.memory_space<hbm>> -> memref<2000xf32, #tpu.memory_space<hbm>>
        tpu.wait_dma2 semaphore(%run_scoped3A : memref<!tpu.dma_semaphore, #tpu.memory_space<semaphore_mem>>) src(%dma_wait3A_223 : memref<2000xf32, #tpu.memory_space<hbm>>) dst(%dma_wait3A_222 : memref<2000xf32, #tpu.memory_space<vmem>>)
        tpu.yield
      }) : () -> ()
      %dma_start3A = arith.constant 0 : i32
      %dma_start3A_200 = tpu.memref_slice %arg8[%dma_start3A] : memref<2000xi32, #tpu.memory_space<vmem>> -> memref<40xi32, #tpu.memory_space<vmem>>
      %dma_start3A_201 = arith.constant 0 : i32
      %dma_start3A_202 = arith.constant 0 : i32
      %dma_start3A_203 = tpu.memref_slice %arg2[%dma_start3A_201, %dma_start3A_202] : memref<10000x128xf32, #tpu.memory_space<hbm>> -> memref<10000x128xf32, #tpu.memory_space<hbm>>
      tpu.enqueue_indirect_dma source(%dma_start3A_203 : memref<10000x128xf32, #tpu.memory_space<hbm>>) target(%arg14 : memref<40x128xf32, #tpu.memory_space<vmem>>) offsets(%dma_start3A_200 : memref<40xi32, #tpu.memory_space<vmem>>) semaphore(%arg20 : memref<!tpu.dma_semaphore, #tpu.memory_space<semaphore_mem>>)
      %scan3A_204 = arith.constant 0 : i32
      %scan3A_205 = arith.constant 0 : i32
      %scan3A_206 = arith.constant 25 : i32
      %scan3A_207 = arith.addi %scan3A_205, %scan3A_206 : i32
      %scan3A_208 = arith.constant 1 : i32
      scf.for %scan3A_212 = %scan3A_205 to %scan3A_207 step %scan3A_208  : i32 {
        %mul3A_213 = arith.constant 2 : i32
        %mul3A_214 = arith.muli %mul3A_213, %scan3A_212 : i32
        %add3A_215 = arith.constant 1 : i32
        %add3A_216 = arith.addi %mul3A_214, %add3A_215 : i32
        %gt3A = arith.constant 0 : i32
        %gt3A_217 = arith.cmpi sgt, %scan3A_212, %gt3A : i32
        %convert_element_type3A_218 = arith.extui %gt3A_217 : i1 to i32
        %cond3A_219 = arith.constant 0 : i32
        %cond3A_220 = arith.cmpi ne, %convert_element_type3A_218, %cond3A_219 : i32
        scf.if %cond3A_220 {
          %dma_wait3A_327 = arith.constant 0 : i32
          %dma_wait3A_328 = arith.constant 0 : i32
          %dma_wait3A_329 = tpu.memref_slice %arg19[%dma_wait3A_327, %dma_wait3A_328] : memref<10000x128xf32, #tpu.memory_space<vmem_shared>> -> memref<10000x128xf32, #tpu.memory_space<vmem_shared>>
          tpu.wait_indirect_dma semaphore(%arg23 : memref<!tpu.dma_semaphore, #tpu.memory_space<semaphore_mem>>) src(%arg15 : memref<40x128xf32, #tpu.memory_space<vmem>>) dst(%dma_wait3A_329 : memref<10000x128xf32, #tpu.memory_space<vmem_shared>>)
        } else {
        }
        %mul3A_221 = arith.constant 40 : i32
        %mul3A_222 = arith.muli %add3A_216, %mul3A_221 : i32
        %dma_start3A_223 = tpu.memref_slice %arg8[%mul3A_222] : memref<2000xi32, #tpu.memory_space<vmem>> -> memref<40xi32, #tpu.memory_space<vmem>>
        %dma_start3A_224 = arith.constant 0 : i32
        %dma_start3A_225 = arith.constant 0 : i32
        %dma_start3A_226 = tpu.memref_slice %arg2[%dma_start3A_224, %dma_start3A_225] : memref<10000x128xf32, #tpu.memory_space<hbm>> -> memref<10000x128xf32, #tpu.memory_space<hbm>>
        tpu.enqueue_indirect_dma source(%dma_start3A_226 : memref<10000x128xf32, #tpu.memory_space<hbm>>) target(%arg15 : memref<40x128xf32, #tpu.memory_space<vmem>>) offsets(%dma_start3A_223 : memref<40xi32, #tpu.memory_space<vmem>>) semaphore(%arg21 : memref<!tpu.dma_semaphore, #tpu.memory_space<semaphore_mem>>)
        %mul3A_227 = arith.constant 40 : i32
        %mul3A_228 = arith.muli %mul3A_214, %mul3A_227 : i32
        %dma_wait3A_229 = tpu.memref_slice %arg8[%mul3A_228] : memref<2000xi32, #tpu.memory_space<vmem>> -> memref<40xi32, #tpu.memory_space<vmem>>
        %dma_wait3A_230 = arith.constant 0 : i32
        %dma_wait3A_231 = arith.constant 0 : i32
        %dma_wait3A_232 = tpu.memref_slice %arg2[%dma_wait3A_230, %dma_wait3A_231] : memref<10000x128xf32, #tpu.memory_space<hbm>> -> memref<10000x128xf32, #tpu.memory_space<hbm>>
        tpu.wait_indirect_dma semaphore(%arg20 : memref<!tpu.dma_semaphore, #tpu.memory_space<semaphore_mem>>) src(%dma_wait3A_232 : memref<10000x128xf32, #tpu.memory_space<hbm>>) dst(%arg14 : memref<40x128xf32, #tpu.memory_space<vmem>>)
        %mul3A_233 = arith.constant 40 : i32
        %mul3A_234 = arith.muli %mul3A_214, %mul3A_233 : i32
        %parallel_loop3A = arith.constant 0 : i32
        %parallel_loop3A_235 = arith.constant 40 : i32
        %parallel_loop3A_236 = arith.constant 1 : i32
        scf.for %parallel_loop3A_327 = %parallel_loop3A to %parallel_loop3A_235 step %parallel_loop3A_236  : i32 {
          %parallel_loop3A_328 = arith.addi %mul3A_234, %parallel_loop3A_327 : i32
          %parallel_loop3A_329 = arith.index_cast %parallel_loop3A_328 : i32 to index
          %parallel_loop3A_330 = tpu.vector_load %arg10[%parallel_loop3A_329] {strides = array<i32>} : memref<2016xf32, #tpu.memory_space<vmem>>, vector<16xf32>,
          %parallel_loop3A_331 = vector.shape_cast %parallel_loop3A_330 : vector<16xf32> to vector<16xf32>
          %parallel_loop3A_332 = vector.extract_strided_slice %parallel_loop3A_331 {offsets = [0], sizes = [1], strides = [1]} : vector<16xf32> to vector<1xf32>
          %parallel_loop3A_333 = vector.extract %parallel_loop3A_332[0] : f32 from vector<1xf32>
          %parallel_loop3A_334 = arith.addi %mul3A_234, %parallel_loop3A_327 : i32
          %parallel_loop3A_335 = arith.index_cast %parallel_loop3A_334 : i32 to index
          %parallel_loop3A_336 = tpu.vector_load %arg11[%parallel_loop3A_335] {strides = array<i32>} : memref<2016xf32, #tpu.memory_space<vmem>>, vector<16xf32>,
          %parallel_loop3A_337 = vector.shape_cast %parallel_loop3A_336 : vector<16xf32> to vector<16xf32>
          %parallel_loop3A_338 = vector.extract_strided_slice %parallel_loop3A_337 {offsets = [0], sizes = [1], strides = [1]} : vector<16xf32> to vector<1xf32>
          %parallel_loop3A_339 = vector.extract %parallel_loop3A_338[0] : f32 from vector<1xf32>
          %parallel_loop3A_340 = arith.addi %mul3A_234, %parallel_loop3A_327 : i32
          %parallel_loop3A_341 = arith.index_cast %parallel_loop3A_340 : i32 to index
          %parallel_loop3A_342 = tpu.vector_load %arg12[%parallel_loop3A_341] {strides = array<i32>} : memref<2016xf32, #tpu.memory_space<vmem>>, vector<16xf32>,
          %parallel_loop3A_343 = vector.shape_cast %parallel_loop3A_342 : vector<16xf32> to vector<16xf32>
          %parallel_loop3A_344 = vector.extract_strided_slice %parallel_loop3A_343 {offsets = [0], sizes = [1], strides = [1]} : vector<16xf32> to vector<1xf32>
          %parallel_loop3A_345 = vector.extract %parallel_loop3A_344[0] : f32 from vector<1xf32>
          %parallel_loop3A_346 = arith.index_cast %parallel_loop3A_327 : i32 to index
          %parallel_loop3A_347 = arith.constant 0 : index
          %parallel_loop3A_348 = tpu.vector_load %arg14[%parallel_loop3A_346, %parallel_loop3A_347] {strides = array<i32>} : memref<40x128xf32, #tpu.memory_space<vmem>>, vector<1x16xf32>,
          %parallel_loop3A_349 = vector.shape_cast %parallel_loop3A_348 : vector<1x16xf32> to vector<16xf32>
          %parallel_loop3A_350 = vector.broadcast %parallel_loop3A_333 : f32 to vector<16xf32>
          %parallel_loop3A_351 = arith.mulf %parallel_loop3A_350, %get3A_18 : vector<16xf32>
          %parallel_loop3A_352 = arith.addf %get3A_138, %parallel_loop3A_351 : vector<16xf32>
          %parallel_loop3A_353 = vector.broadcast %parallel_loop3A_339 : f32 to vector<16xf32>
          %parallel_loop3A_354 = arith.mulf %parallel_loop3A_353, %get3A_58 : vector<16xf32>
          %parallel_loop3A_355 = arith.addf %parallel_loop3A_352, %parallel_loop3A_354 : vector<16xf32>
          %parallel_loop3A_356 = vector.broadcast %parallel_loop3A_345 : f32 to vector<16xf32>
          %parallel_loop3A_357 = arith.mulf %parallel_loop3A_356, %get3A_98 : vector<16xf32>
          %parallel_loop3A_358 = arith.addf %parallel_loop3A_355, %parallel_loop3A_357 : vector<16xf32>
          %parallel_loop3A_359 = arith.addf %parallel_loop3A_349, %parallel_loop3A_358 : vector<16xf32>
          %parallel_loop3A_360 = arith.constant 0.000000e+00 : f32
          %parallel_loop3A_361 = vector.broadcast %parallel_loop3A_360 : f32 to vector<16xf32>
          %parallel_loop3A_362 = arith.maximumf %parallel_loop3A_359, %parallel_loop3A_361 : vector<16xf32>
          %parallel_loop3A_363 = arith.index_cast %parallel_loop3A_327 : i32 to index
          %parallel_loop3A_364 = arith.constant 0 : index
          %parallel_loop3A_365 = tpu.vector_load %arg14[%parallel_loop3A_363, %parallel_loop3A_364] {strides = array<i32>} : memref<40x128xf32, #tpu.memory_space<vmem>>, vector<1x16xf32>,
          %parallel_loop3A_366 = vector.shape_cast %parallel_loop3A_365 : vector<1x16xf32> to vector<16xf32>
          %parallel_loop3A_367 = vector.shape_cast %parallel_loop3A_362 : vector<16xf32> to vector<1x16xf32>
          tpu.vector_store %arg14[%parallel_loop3A_363, %parallel_loop3A_364], %parallel_loop3A_367 {strides = array<i32>} : memref<40x128xf32, #tpu.memory_space<vmem>>, vector<1x16xf32>,
          %parallel_loop3A_368 = arith.index_cast %parallel_loop3A_327 : i32 to index
          %parallel_loop3A_369 = arith.constant 16 : index
          %parallel_loop3A_370 = tpu.vector_load %arg14[%parallel_loop3A_368, %parallel_loop3A_369] {strides = array<i32>} : memref<40x128xf32, #tpu.memory_space<vmem>>, vector<1x16xf32>,
          %parallel_loop3A_371 = vector.shape_cast %parallel_loop3A_370 : vector<1x16xf32> to vector<16xf32>
          %parallel_loop3A_372 = vector.broadcast %parallel_loop3A_333 : f32 to vector<16xf32>
          %parallel_loop3A_373 = arith.mulf %parallel_loop3A_372, %get3A_23 : vector<16xf32>
          %parallel_loop3A_374 = arith.addf %get3A_143, %parallel_loop3A_373 : vector<16xf32>
          %parallel_loop3A_375 = vector.broadcast %parallel_loop3A_339 : f32 to vector<16xf32>
          %parallel_loop3A_376 = arith.mulf %parallel_loop3A_375, %get3A_63 : vector<16xf32>
          %parallel_loop3A_377 = arith.addf %parallel_loop3A_374, %parallel_loop3A_376 : vector<16xf32>
          %parallel_loop3A_378 = vector.broadcast %parallel_loop3A_345 : f32 to vector<16xf32>
          %parallel_loop3A_379 = arith.mulf %parallel_loop3A_378, %get3A_103 : vector<16xf32>
          %parallel_loop3A_380 = arith.addf %parallel_loop3A_377, %parallel_loop3A_379 : vector<16xf32>
          %parallel_loop3A_381 = arith.addf %parallel_loop3A_371, %parallel_loop3A_380 : vector<16xf32>
          %parallel_loop3A_382 = arith.constant 0.000000e+00 : f32
          %parallel_loop3A_383 = vector.broadcast %parallel_loop3A_382 : f32 to vector<16xf32>
          %parallel_loop3A_384 = arith.maximumf %parallel_loop3A_381, %parallel_loop3A_383 : vector<16xf32>
          %parallel_loop3A_385 = arith.index_cast %parallel_loop3A_327 : i32 to index
          %parallel_loop3A_386 = arith.constant 16 : index
          %parallel_loop3A_387 = tpu.vector_load %arg14[%parallel_loop3A_385, %parallel_loop3A_386] {strides = array<i32>} : memref<40x128xf32, #tpu.memory_space<vmem>>, vector<1x16xf32>,
          %parallel_loop3A_388 = vector.shape_cast %parallel_loop3A_387 : vector<1x16xf32> to vector<16xf32>
          %parallel_loop3A_389 = vector.shape_cast %parallel_loop3A_384 : vector<16xf32> to vector<1x16xf32>
          tpu.vector_store %arg14[%parallel_loop3A_385, %parallel_loop3A_386], %parallel_loop3A_389 {strides = array<i32>} : memref<40x128xf32, #tpu.memory_space<vmem>>, vector<1x16xf32>,
          %parallel_loop3A_390 = arith.index_cast %parallel_loop3A_327 : i32 to index
          %parallel_loop3A_391 = arith.constant 32 : index
          %parallel_loop3A_392 = tpu.vector_load %arg14[%parallel_loop3A_390, %parallel_loop3A_391] {strides = array<i32>} : memref<40x128xf32, #tpu.memory_space<vmem>>, vector<1x16xf32>,
          %parallel_loop3A_393 = vector.shape_cast %parallel_loop3A_392 : vector<1x16xf32> to vector<16xf32>
          %parallel_loop3A_394 = vector.broadcast %parallel_loop3A_333 : f32 to vector<16xf32>
          %parallel_loop3A_395 = arith.mulf %parallel_loop3A_394, %get3A_28 : vector<16xf32>
          %parallel_loop3A_396 = arith.addf %get3A_148, %parallel_loop3A_395 : vector<16xf32>
          %parallel_loop3A_397 = vector.broadcast %parallel_loop3A_339 : f32 to vector<16xf32>
          %parallel_loop3A_398 = arith.mulf %parallel_loop3A_397, %get3A_68 : vector<16xf32>
          %parallel_loop3A_399 = arith.addf %parallel_loop3A_396, %parallel_loop3A_398 : vector<16xf32>
          %parallel_loop3A_400 = vector.broadcast %parallel_loop3A_345 : f32 to vector<16xf32>
          %parallel_loop3A_401 = arith.mulf %parallel_loop3A_400, %get3A_108 : vector<16xf32>
          %parallel_loop3A_402 = arith.addf %parallel_loop3A_399, %parallel_loop3A_401 : vector<16xf32>
          %parallel_loop3A_403 = arith.addf %parallel_loop3A_393, %parallel_loop3A_402 : vector<16xf32>
          %parallel_loop3A_404 = arith.constant 0.000000e+00 : f32
          %parallel_loop3A_405 = vector.broadcast %parallel_loop3A_404 : f32 to vector<16xf32>
          %parallel_loop3A_406 = arith.maximumf %parallel_loop3A_403, %parallel_loop3A_405 : vector<16xf32>
          %parallel_loop3A_407 = arith.index_cast %parallel_loop3A_327 : i32 to index
          %parallel_loop3A_408 = arith.constant 32 : index
          %parallel_loop3A_409 = tpu.vector_load %arg14[%parallel_loop3A_407, %parallel_loop3A_408] {strides = array<i32>} : memref<40x128xf32, #tpu.memory_space<vmem>>, vector<1x16xf32>,
          %parallel_loop3A_410 = vector.shape_cast %parallel_loop3A_409 : vector<1x16xf32> to vector<16xf32>
          %parallel_loop3A_411 = vector.shape_cast %parallel_loop3A_406 : vector<16xf32> to vector<1x16xf32>
          tpu.vector_store %arg14[%parallel_loop3A_407, %parallel_loop3A_408], %parallel_loop3A_411 {strides = array<i32>} : memref<40x128xf32, #tpu.memory_space<vmem>>, vector<1x16xf32>,
          %parallel_loop3A_412 = arith.index_cast %parallel_loop3A_327 : i32 to index
          %parallel_loop3A_413 = arith.constant 48 : index
          %parallel_loop3A_414 = tpu.vector_load %arg14[%parallel_loop3A_412, %parallel_loop3A_413] {strides = array<i32>} : memref<40x128xf32, #tpu.memory_space<vmem>>, vector<1x16xf32>,
          %parallel_loop3A_415 = vector.shape_cast %parallel_loop3A_414 : vector<1x16xf32> to vector<16xf32>
          %parallel_loop3A_416 = vector.broadcast %parallel_loop3A_333 : f32 to vector<16xf32>
          %parallel_loop3A_417 = arith.mulf %parallel_loop3A_416, %get3A_33 : vector<16xf32>
          %parallel_loop3A_418 = arith.addf %get3A_153, %parallel_loop3A_417 : vector<16xf32>
          %parallel_loop3A_419 = vector.broadcast %parallel_loop3A_339 : f32 to vector<16xf32>
          %parallel_loop3A_420 = arith.mulf %parallel_loop3A_419, %get3A_73 : vector<16xf32>
          %parallel_loop3A_421 = arith.addf %parallel_loop3A_418, %parallel_loop3A_420 : vector<16xf32>
          %parallel_loop3A_422 = vector.broadcast %parallel_loop3A_345 : f32 to vector<16xf32>
          %parallel_loop3A_423 = arith.mulf %parallel_loop3A_422, %get3A_113 : vector<16xf32>
          %parallel_loop3A_424 = arith.addf %parallel_loop3A_421, %parallel_loop3A_423 : vector<16xf32>
          %parallel_loop3A_425 = arith.addf %parallel_loop3A_415, %parallel_loop3A_424 : vector<16xf32>
          %parallel_loop3A_426 = arith.constant 0.000000e+00 : f32
          %parallel_loop3A_427 = vector.broadcast %parallel_loop3A_426 : f32 to vector<16xf32>
          %parallel_loop3A_428 = arith.maximumf %parallel_loop3A_425, %parallel_loop3A_427 : vector<16xf32>
          %parallel_loop3A_429 = arith.index_cast %parallel_loop3A_327 : i32 to index
          %parallel_loop3A_430 = arith.constant 48 : index
          %parallel_loop3A_431 = tpu.vector_load %arg14[%parallel_loop3A_429, %parallel_loop3A_430] {strides = array<i32>} : memref<40x128xf32, #tpu.memory_space<vmem>>, vector<1x16xf32>,
          %parallel_loop3A_432 = vector.shape_cast %parallel_loop3A_431 : vector<1x16xf32> to vector<16xf32>
          %parallel_loop3A_433 = vector.shape_cast %parallel_loop3A_428 : vector<16xf32> to vector<1x16xf32>
          tpu.vector_store %arg14[%parallel_loop3A_429, %parallel_loop3A_430], %parallel_loop3A_433 {strides = array<i32>} : memref<40x128xf32, #tpu.memory_space<vmem>>, vector<1x16xf32>,
          %parallel_loop3A_434 = arith.index_cast %parallel_loop3A_327 : i32 to index
          %parallel_loop3A_435 = arith.constant 64 : index
          %parallel_loop3A_436 = tpu.vector_load %arg14[%parallel_loop3A_434, %parallel_loop3A_435] {strides = array<i32>} : memref<40x128xf32, #tpu.memory_space<vmem>>, vector<1x16xf32>,
          %parallel_loop3A_437 = vector.shape_cast %parallel_loop3A_436 : vector<1x16xf32> to vector<16xf32>
          %parallel_loop3A_438 = vector.broadcast %parallel_loop3A_333 : f32 to vector<16xf32>
          %parallel_loop3A_439 = arith.mulf %parallel_loop3A_438, %get3A_38 : vector<16xf32>
          %parallel_loop3A_440 = arith.addf %get3A_158, %parallel_loop3A_439 : vector<16xf32>
          %parallel_loop3A_441 = vector.broadcast %parallel_loop3A_339 : f32 to vector<16xf32>
          %parallel_loop3A_442 = arith.mulf %parallel_loop3A_441, %get3A_78 : vector<16xf32>
          %parallel_loop3A_443 = arith.addf %parallel_loop3A_440, %parallel_loop3A_442 : vector<16xf32>
          %parallel_loop3A_444 = vector.broadcast %parallel_loop3A_345 : f32 to vector<16xf32>
          %parallel_loop3A_445 = arith.mulf %parallel_loop3A_444, %get3A_118 : vector<16xf32>
          %parallel_loop3A_446 = arith.addf %parallel_loop3A_443, %parallel_loop3A_445 : vector<16xf32>
          %parallel_loop3A_447 = arith.addf %parallel_loop3A_437, %parallel_loop3A_446 : vector<16xf32>
          %parallel_loop3A_448 = arith.constant 0.000000e+00 : f32
          %parallel_loop3A_449 = vector.broadcast %parallel_loop3A_448 : f32 to vector<16xf32>
          %parallel_loop3A_450 = arith.maximumf %parallel_loop3A_447, %parallel_loop3A_449 : vector<16xf32>
          %parallel_loop3A_451 = arith.index_cast %parallel_loop3A_327 : i32 to index
          %parallel_loop3A_452 = arith.constant 64 : index
          %parallel_loop3A_453 = tpu.vector_load %arg14[%parallel_loop3A_451, %parallel_loop3A_452] {strides = array<i32>} : memref<40x128xf32, #tpu.memory_space<vmem>>, vector<1x16xf32>,
          %parallel_loop3A_454 = vector.shape_cast %parallel_loop3A_453 : vector<1x16xf32> to vector<16xf32>
          %parallel_loop3A_455 = vector.shape_cast %parallel_loop3A_450 : vector<16xf32> to vector<1x16xf32>
          tpu.vector_store %arg14[%parallel_loop3A_451, %parallel_loop3A_452], %parallel_loop3A_455 {strides = array<i32>} : memref<40x128xf32, #tpu.memory_space<vmem>>, vector<1x16xf32>,
          %parallel_loop3A_456 = arith.index_cast %parallel_loop3A_327 : i32 to index
          %parallel_loop3A_457 = arith.constant 80 : index
          %parallel_loop3A_458 = tpu.vector_load %arg14[%parallel_loop3A_456, %parallel_loop3A_457] {strides = array<i32>} : memref<40x128xf32, #tpu.memory_space<vmem>>, vector<1x16xf32>,
          %parallel_loop3A_459 = vector.shape_cast %parallel_loop3A_458 : vector<1x16xf32> to vector<16xf32>
          %parallel_loop3A_460 = vector.broadcast %parallel_loop3A_333 : f32 to vector<16xf32>
          %parallel_loop3A_461 = arith.mulf %parallel_loop3A_460, %get3A_43 : vector<16xf32>
          %parallel_loop3A_462 = arith.addf %get3A_163, %parallel_loop3A_461 : vector<16xf32>
          %parallel_loop3A_463 = vector.broadcast %parallel_loop3A_339 : f32 to vector<16xf32>
          %parallel_loop3A_464 = arith.mulf %parallel_loop3A_463, %get3A_83 : vector<16xf32>
          %parallel_loop3A_465 = arith.addf %parallel_loop3A_462, %parallel_loop3A_464 : vector<16xf32>
          %parallel_loop3A_466 = vector.broadcast %parallel_loop3A_345 : f32 to vector<16xf32>
          %parallel_loop3A_467 = arith.mulf %parallel_loop3A_466, %get3A_123 : vector<16xf32>
          %parallel_loop3A_468 = arith.addf %parallel_loop3A_465, %parallel_loop3A_467 : vector<16xf32>
          %parallel_loop3A_469 = arith.addf %parallel_loop3A_459, %parallel_loop3A_468 : vector<16xf32>
          %parallel_loop3A_470 = arith.constant 0.000000e+00 : f32
          %parallel_loop3A_471 = vector.broadcast %parallel_loop3A_470 : f32 to vector<16xf32>
          %parallel_loop3A_472 = arith.maximumf %parallel_loop3A_469, %parallel_loop3A_471 : vector<16xf32>
          %parallel_loop3A_473 = arith.index_cast %parallel_loop3A_327 : i32 to index
          %parallel_loop3A_474 = arith.constant 80 : index
          %parallel_loop3A_475 = tpu.vector_load %arg14[%parallel_loop3A_473, %parallel_loop3A_474] {strides = array<i32>} : memref<40x128xf32, #tpu.memory_space<vmem>>, vector<1x16xf32>,
          %parallel_loop3A_476 = vector.shape_cast %parallel_loop3A_475 : vector<1x16xf32> to vector<16xf32>
          %parallel_loop3A_477 = vector.shape_cast %parallel_loop3A_472 : vector<16xf32> to vector<1x16xf32>
          tpu.vector_store %arg14[%parallel_loop3A_473, %parallel_loop3A_474], %parallel_loop3A_477 {strides = array<i32>} : memref<40x128xf32, #tpu.memory_space<vmem>>, vector<1x16xf32>,
          %parallel_loop3A_478 = arith.index_cast %parallel_loop3A_327 : i32 to index
          %parallel_loop3A_479 = arith.constant 96 : index
          %parallel_loop3A_480 = tpu.vector_load %arg14[%parallel_loop3A_478, %parallel_loop3A_479] {strides = array<i32>} : memref<40x128xf32, #tpu.memory_space<vmem>>, vector<1x16xf32>,
          %parallel_loop3A_481 = vector.shape_cast %parallel_loop3A_480 : vector<1x16xf32> to vector<16xf32>
          %parallel_loop3A_482 = vector.broadcast %parallel_loop3A_333 : f32 to vector<16xf32>
          %parallel_loop3A_483 = arith.mulf %parallel_loop3A_482, %get3A_48 : vector<16xf32>
          %parallel_loop3A_484 = arith.addf %get3A_168, %parallel_loop3A_483 : vector<16xf32>
          %parallel_loop3A_485 = vector.broadcast %parallel_loop3A_339 : f32 to vector<16xf32>
          %parallel_loop3A_486 = arith.mulf %parallel_loop3A_485, %get3A_88 : vector<16xf32>
          %parallel_loop3A_487 = arith.addf %parallel_loop3A_484, %parallel_loop3A_486 : vector<16xf32>
          %parallel_loop3A_488 = vector.broadcast %parallel_loop3A_345 : f32 to vector<16xf32>
          %parallel_loop3A_489 = arith.mulf %parallel_loop3A_488, %get3A_128 : vector<16xf32>
          %parallel_loop3A_490 = arith.addf %parallel_loop3A_487, %parallel_loop3A_489 : vector<16xf32>
          %parallel_loop3A_491 = arith.addf %parallel_loop3A_481, %parallel_loop3A_490 : vector<16xf32>
          %parallel_loop3A_492 = arith.constant 0.000000e+00 : f32
          %parallel_loop3A_493 = vector.broadcast %parallel_loop3A_492 : f32 to vector<16xf32>
          %parallel_loop3A_494 = arith.maximumf %parallel_loop3A_491, %parallel_loop3A_493 : vector<16xf32>
          %parallel_loop3A_495 = arith.index_cast %parallel_loop3A_327 : i32 to index
          %parallel_loop3A_496 = arith.constant 96 : index
          %parallel_loop3A_497 = tpu.vector_load %arg14[%parallel_loop3A_495, %parallel_loop3A_496] {strides = array<i32>} : memref<40x128xf32, #tpu.memory_space<vmem>>, vector<1x16xf32>,
          %parallel_loop3A_498 = vector.shape_cast %parallel_loop3A_497 : vector<1x16xf32> to vector<16xf32>
          %parallel_loop3A_499 = vector.shape_cast %parallel_loop3A_494 : vector<16xf32> to vector<1x16xf32>
          tpu.vector_store %arg14[%parallel_loop3A_495, %parallel_loop3A_496], %parallel_loop3A_499 {strides = array<i32>} : memref<40x128xf32, #tpu.memory_space<vmem>>, vector<1x16xf32>,
          %parallel_loop3A_500 = arith.index_cast %parallel_loop3A_327 : i32 to index
          %parallel_loop3A_501 = arith.constant 112 : index
          %parallel_loop3A_502 = tpu.vector_load %arg14[%parallel_loop3A_500, %parallel_loop3A_501] {strides = array<i32>} : memref<40x128xf32, #tpu.memory_space<vmem>>, vector<1x16xf32>,
          %parallel_loop3A_503 = vector.shape_cast %parallel_loop3A_502 : vector<1x16xf32> to vector<16xf32>
          %parallel_loop3A_504 = vector.broadcast %parallel_loop3A_333 : f32 to vector<16xf32>
          %parallel_loop3A_505 = arith.mulf %parallel_loop3A_504, %get3A_53 : vector<16xf32>
          %parallel_loop3A_506 = arith.addf %get3A_173, %parallel_loop3A_505 : vector<16xf32>
          %parallel_loop3A_507 = vector.broadcast %parallel_loop3A_339 : f32 to vector<16xf32>
          %parallel_loop3A_508 = arith.mulf %parallel_loop3A_507, %get3A_93 : vector<16xf32>
          %parallel_loop3A_509 = arith.addf %parallel_loop3A_506, %parallel_loop3A_508 : vector<16xf32>
          %parallel_loop3A_510 = vector.broadcast %parallel_loop3A_345 : f32 to vector<16xf32>
          %parallel_loop3A_511 = arith.mulf %parallel_loop3A_510, %get3A_133 : vector<16xf32>
          %parallel_loop3A_512 = arith.addf %parallel_loop3A_509, %parallel_loop3A_511 : vector<16xf32>
          %parallel_loop3A_513 = arith.addf %parallel_loop3A_503, %parallel_loop3A_512 : vector<16xf32>
          %parallel_loop3A_514 = arith.constant 0.000000e+00 : f32
          %parallel_loop3A_515 = vector.broadcast %parallel_loop3A_514 : f32 to vector<16xf32>
          %parallel_loop3A_516 = arith.maximumf %parallel_loop3A_513, %parallel_loop3A_515 : vector<16xf32>
          %parallel_loop3A_517 = arith.index_cast %parallel_loop3A_327 : i32 to index
          %parallel_loop3A_518 = arith.constant 112 : index
          %parallel_loop3A_519 = tpu.vector_load %arg14[%parallel_loop3A_517, %parallel_loop3A_518] {strides = array<i32>} : memref<40x128xf32, #tpu.memory_space<vmem>>, vector<1x16xf32>,
          %parallel_loop3A_520 = vector.shape_cast %parallel_loop3A_519 : vector<1x16xf32> to vector<16xf32>
          %parallel_loop3A_521 = vector.shape_cast %parallel_loop3A_516 : vector<16xf32> to vector<1x16xf32>
          tpu.vector_store %arg14[%parallel_loop3A_517, %parallel_loop3A_518], %parallel_loop3A_521 {strides = array<i32>} : memref<40x128xf32, #tpu.memory_space<vmem>>, vector<1x16xf32>,
        } {sc.loop_unroll_factor = 2 : i64, sc.parallel_access}
        %mul3A_237 = arith.constant 40 : i32
        %mul3A_238 = arith.muli %mul3A_214, %mul3A_237 : i32
        %get3A_239 = arith.index_cast %mul3A_238 : i32 to index
        %get3A_240 = tpu.vector_load %arg9[%get3A_239] {strides = array<i32>} : memref<2000xi32, #tpu.memory_space<vmem>>, vector<16xi32>,
        %get3A_241 = vector.shape_cast %get3A_240 : vector<16xi32> to vector<16xi32>
        %swap3A = arith.constant 0 : index
        %swap3A_242 = tpu.vector_load %arg16[%swap3A] {strides = array<i32>} : memref<40xi32, #tpu.memory_space<vmem>>, vector<16xi32>,
        %swap3A_243 = vector.shape_cast %swap3A_242 : vector<16xi32> to vector<16xi32>
        %swap3A_244 = vector.shape_cast %get3A_241 : vector<16xi32> to vector<16xi32>
        tpu.vector_store %arg16[%swap3A], %swap3A_244 {strides = array<i32>} : memref<40xi32, #tpu.memory_space<vmem>>, vector<16xi32>,
        %mul3A_245 = arith.constant 40 : i32
        %mul3A_246 = arith.muli %mul3A_214, %mul3A_245 : i32
        %add3A_247 = arith.constant 16 : i32
        %add3A_248 = arith.addi %mul3A_246, %add3A_247 : i32
        %get3A_249 = arith.index_cast %add3A_248 : i32 to index
        %get3A_250 = tpu.vector_load %arg9[%get3A_249] {strides = array<i32>} : memref<2000xi32, #tpu.memory_space<vmem>>, vector<16xi32>,
        %get3A_251 = vector.shape_cast %get3A_250 : vector<16xi32> to vector<16xi32>
        %swap3A_252 = arith.constant 16 : index
        %swap3A_253 = tpu.vector_load %arg16[%swap3A_252] {strides = array<i32>} : memref<40xi32, #tpu.memory_space<vmem>>, vector<16xi32>,
        %swap3A_254 = vector.shape_cast %swap3A_253 : vector<16xi32> to vector<16xi32>
        %swap3A_255 = vector.shape_cast %get3A_251 : vector<16xi32> to vector<16xi32>
        tpu.vector_store %arg16[%swap3A_252], %swap3A_255 {strides = array<i32>} : memref<40xi32, #tpu.memory_space<vmem>>, vector<16xi32>,
        %mul3A_256 = arith.constant 40 : i32
        %mul3A_257 = arith.muli %mul3A_214, %mul3A_256 : i32
        %add3A_258 = arith.constant 24 : i32
        %add3A_259 = arith.addi %mul3A_257, %add3A_258 : i32
        %get3A_260 = arith.index_cast %add3A_259 : i32 to index
        %get3A_261 = tpu.vector_load %arg9[%get3A_260] {strides = array<i32>} : memref<2000xi32, #tpu.memory_space<vmem>>, vector<16xi32>,
        %get3A_262 = vector.shape_cast %get3A_261 : vector<16xi32> to vector<16xi32>
        %swap3A_263 = arith.constant 24 : index
        %swap3A_264 = tpu.vector_load %arg16[%swap3A_263] {strides = array<i32>} : memref<40xi32, #tpu.memory_space<vmem>>, vector<16xi32>,
        %swap3A_265 = vector.shape_cast %swap3A_264 : vector<16xi32> to vector<16xi32>
        %swap3A_266 = vector.shape_cast %get3A_262 : vector<16xi32> to vector<16xi32>
        tpu.vector_store %arg16[%swap3A_263], %swap3A_266 {strides = array<i32>} : memref<40xi32, #tpu.memory_space<vmem>>, vector<16xi32>,
        %dma_start3A_267 = arith.constant 0 : i32
        %dma_start3A_268 = arith.constant 0 : i32
        %dma_start3A_269 = tpu.memref_slice %arg19[%dma_start3A_267, %dma_start3A_268] : memref<10000x128xf32, #tpu.memory_space<vmem_shared>> -> memref<10000x128xf32, #tpu.memory_space<vmem_shared>>
        tpu.enqueue_indirect_dma source(%arg14 : memref<40x128xf32, #tpu.memory_space<vmem>>) target(%dma_start3A_269 : memref<10000x128xf32, #tpu.memory_space<vmem_shared>>) offsets(%arg16 : memref<40xi32, #tpu.memory_space<vmem>>) semaphore(%arg22 : memref<!tpu.dma_semaphore, #tpu.memory_space<semaphore_mem>>) {add = true}
        %mul3A_270 = arith.constant 40 : i32
        %mul3A_271 = arith.muli %add3A_216, %mul3A_270 : i32
        %dma_wait3A_272 = tpu.memref_slice %arg8[%mul3A_271] : memref<2000xi32, #tpu.memory_space<vmem>> -> memref<40xi32, #tpu.memory_space<vmem>>
        %dma_wait3A_273 = arith.constant 0 : i32
        %dma_wait3A_274 = arith.constant 0 : i32
        %dma_wait3A_275 = tpu.memref_slice %arg2[%dma_wait3A_273, %dma_wait3A_274] : memref<10000x128xf32, #tpu.memory_space<hbm>> -> memref<10000x128xf32, #tpu.memory_space<hbm>>
        tpu.wait_indirect_dma semaphore(%arg21 : memref<!tpu.dma_semaphore, #tpu.memory_space<semaphore_mem>>) src(%dma_wait3A_275 : memref<10000x128xf32, #tpu.memory_space<hbm>>) dst(%arg15 : memref<40x128xf32, #tpu.memory_space<vmem>>)
        %mul3A_276 = arith.constant 40 : i32
        %mul3A_277 = arith.muli %add3A_216, %mul3A_276 : i32
        %parallel_loop3A_278 = arith.constant 0 : i32
        %parallel_loop3A_279 = arith.constant 20 : i32
        %parallel_loop3A_280 = arith.constant 1 : i32
        scf.for %parallel_loop3A_327 = %parallel_loop3A_278 to %parallel_loop3A_279 step %parallel_loop3A_280  : i32 {
          %parallel_loop3A_328 = arith.addi %mul3A_277, %parallel_loop3A_327 : i32
          %parallel_loop3A_329 = arith.index_cast %parallel_loop3A_328 : i32 to index
          %parallel_loop3A_330 = tpu.vector_load %arg10[%parallel_loop3A_329] {strides = array<i32>} : memref<2016xf32, #tpu.memory_space<vmem>>, vector<16xf32>,
          %parallel_loop3A_331 = vector.shape_cast %parallel_loop3A_330 : vector<16xf32> to vector<16xf32>
          %parallel_loop3A_332 = vector.extract_strided_slice %parallel_loop3A_331 {offsets = [0], sizes = [1], strides = [1]} : vector<16xf32> to vector<1xf32>
          %parallel_loop3A_333 = vector.extract %parallel_loop3A_332[0] : f32 from vector<1xf32>
          %parallel_loop3A_334 = arith.addi %mul3A_277, %parallel_loop3A_327 : i32
          %parallel_loop3A_335 = arith.index_cast %parallel_loop3A_334 : i32 to index
          %parallel_loop3A_336 = tpu.vector_load %arg11[%parallel_loop3A_335] {strides = array<i32>} : memref<2016xf32, #tpu.memory_space<vmem>>, vector<16xf32>,
          %parallel_loop3A_337 = vector.shape_cast %parallel_loop3A_336 : vector<16xf32> to vector<16xf32>
          %parallel_loop3A_338 = vector.extract_strided_slice %parallel_loop3A_337 {offsets = [0], sizes = [1], strides = [1]} : vector<16xf32> to vector<1xf32>
          %parallel_loop3A_339 = vector.extract %parallel_loop3A_338[0] : f32 from vector<1xf32>
          %parallel_loop3A_340 = arith.addi %mul3A_277, %parallel_loop3A_327 : i32
          %parallel_loop3A_341 = arith.index_cast %parallel_loop3A_340 : i32 to index
          %parallel_loop3A_342 = tpu.vector_load %arg12[%parallel_loop3A_341] {strides = array<i32>} : memref<2016xf32, #tpu.memory_space<vmem>>, vector<16xf32>,
          %parallel_loop3A_343 = vector.shape_cast %parallel_loop3A_342 : vector<16xf32> to vector<16xf32>
          %parallel_loop3A_344 = vector.extract_strided_slice %parallel_loop3A_343 {offsets = [0], sizes = [1], strides = [1]} : vector<16xf32> to vector<1xf32>
          %parallel_loop3A_345 = vector.extract %parallel_loop3A_344[0] : f32 from vector<1xf32>
          %parallel_loop3A_346 = arith.index_cast %parallel_loop3A_327 : i32 to index
          %parallel_loop3A_347 = arith.constant 0 : index
          %parallel_loop3A_348 = tpu.vector_load %arg15[%parallel_loop3A_346, %parallel_loop3A_347] {strides = array<i32>} : memref<40x128xf32, #tpu.memory_space<vmem>>, vector<1x16xf32>,
          %parallel_loop3A_349 = vector.shape_cast %parallel_loop3A_348 : vector<1x16xf32> to vector<16xf32>
          %parallel_loop3A_350 = vector.broadcast %parallel_loop3A_333 : f32 to vector<16xf32>
          %parallel_loop3A_351 = arith.mulf %parallel_loop3A_350, %get3A_18 : vector<16xf32>
          %parallel_loop3A_352 = arith.addf %get3A_138, %parallel_loop3A_351 : vector<16xf32>
          %parallel_loop3A_353 = vector.broadcast %parallel_loop3A_339 : f32 to vector<16xf32>
          %parallel_loop3A_354 = arith.mulf %parallel_loop3A_353, %get3A_58 : vector<16xf32>
          %parallel_loop3A_355 = arith.addf %parallel_loop3A_352, %parallel_loop3A_354 : vector<16xf32>
          %parallel_loop3A_356 = vector.broadcast %parallel_loop3A_345 : f32 to vector<16xf32>
          %parallel_loop3A_357 = arith.mulf %parallel_loop3A_356, %get3A_98 : vector<16xf32>
          %parallel_loop3A_358 = arith.addf %parallel_loop3A_355, %parallel_loop3A_357 : vector<16xf32>
          %parallel_loop3A_359 = arith.addf %parallel_loop3A_349, %parallel_loop3A_358 : vector<16xf32>
          %parallel_loop3A_360 = arith.constant 0.000000e+00 : f32
          %parallel_loop3A_361 = vector.broadcast %parallel_loop3A_360 : f32 to vector<16xf32>
          %parallel_loop3A_362 = arith.maximumf %parallel_loop3A_359, %parallel_loop3A_361 : vector<16xf32>
          %parallel_loop3A_363 = arith.index_cast %parallel_loop3A_327 : i32 to index
          %parallel_loop3A_364 = arith.constant 0 : index
          %parallel_loop3A_365 = tpu.vector_load %arg15[%parallel_loop3A_363, %parallel_loop3A_364] {strides = array<i32>} : memref<40x128xf32, #tpu.memory_space<vmem>>, vector<1x16xf32>,
          %parallel_loop3A_366 = vector.shape_cast %parallel_loop3A_365 : vector<1x16xf32> to vector<16xf32>
          %parallel_loop3A_367 = vector.shape_cast %parallel_loop3A_362 : vector<16xf32> to vector<1x16xf32>
          tpu.vector_store %arg15[%parallel_loop3A_363, %parallel_loop3A_364], %parallel_loop3A_367 {strides = array<i32>} : memref<40x128xf32, #tpu.memory_space<vmem>>, vector<1x16xf32>,
          %parallel_loop3A_368 = arith.index_cast %parallel_loop3A_327 : i32 to index
          %parallel_loop3A_369 = arith.constant 16 : index
          %parallel_loop3A_370 = tpu.vector_load %arg15[%parallel_loop3A_368, %parallel_loop3A_369] {strides = array<i32>} : memref<40x128xf32, #tpu.memory_space<vmem>>, vector<1x16xf32>,
          %parallel_loop3A_371 = vector.shape_cast %parallel_loop3A_370 : vector<1x16xf32> to vector<16xf32>
          %parallel_loop3A_372 = vector.broadcast %parallel_loop3A_333 : f32 to vector<16xf32>
          %parallel_loop3A_373 = arith.mulf %parallel_loop3A_372, %get3A_23 : vector<16xf32>
          %parallel_loop3A_374 = arith.addf %get3A_143, %parallel_loop3A_373 : vector<16xf32>
          %parallel_loop3A_375 = vector.broadcast %parallel_loop3A_339 : f32 to vector<16xf32>
          %parallel_loop3A_376 = arith.mulf %parallel_loop3A_375, %get3A_63 : vector<16xf32>
          %parallel_loop3A_377 = arith.addf %parallel_loop3A_374, %parallel_loop3A_376 : vector<16xf32>
          %parallel_loop3A_378 = vector.broadcast %parallel_loop3A_345 : f32 to vector<16xf32>
          %parallel_loop3A_379 = arith.mulf %parallel_loop3A_378, %get3A_103 : vector<16xf32>
          %parallel_loop3A_380 = arith.addf %parallel_loop3A_377, %parallel_loop3A_379 : vector<16xf32>
          %parallel_loop3A_381 = arith.addf %parallel_loop3A_371, %parallel_loop3A_380 : vector<16xf32>
          %parallel_loop3A_382 = arith.constant 0.000000e+00 : f32
          %parallel_loop3A_383 = vector.broadcast %parallel_loop3A_382 : f32 to vector<16xf32>
          %parallel_loop3A_384 = arith.maximumf %parallel_loop3A_381, %parallel_loop3A_383 : vector<16xf32>
          %parallel_loop3A_385 = arith.index_cast %parallel_loop3A_327 : i32 to index
          %parallel_loop3A_386 = arith.constant 16 : index
          %parallel_loop3A_387 = tpu.vector_load %arg15[%parallel_loop3A_385, %parallel_loop3A_386] {strides = array<i32>} : memref<40x128xf32, #tpu.memory_space<vmem>>, vector<1x16xf32>,
          %parallel_loop3A_388 = vector.shape_cast %parallel_loop3A_387 : vector<1x16xf32> to vector<16xf32>
          %parallel_loop3A_389 = vector.shape_cast %parallel_loop3A_384 : vector<16xf32> to vector<1x16xf32>
          tpu.vector_store %arg15[%parallel_loop3A_385, %parallel_loop3A_386], %parallel_loop3A_389 {strides = array<i32>} : memref<40x128xf32, #tpu.memory_space<vmem>>, vector<1x16xf32>,
          %parallel_loop3A_390 = arith.index_cast %parallel_loop3A_327 : i32 to index
          %parallel_loop3A_391 = arith.constant 32 : index
          %parallel_loop3A_392 = tpu.vector_load %arg15[%parallel_loop3A_390, %parallel_loop3A_391] {strides = array<i32>} : memref<40x128xf32, #tpu.memory_space<vmem>>, vector<1x16xf32>,
          %parallel_loop3A_393 = vector.shape_cast %parallel_loop3A_392 : vector<1x16xf32> to vector<16xf32>
          %parallel_loop3A_394 = vector.broadcast %parallel_loop3A_333 : f32 to vector<16xf32>
          %parallel_loop3A_395 = arith.mulf %parallel_loop3A_394, %get3A_28 : vector<16xf32>
          %parallel_loop3A_396 = arith.addf %get3A_148, %parallel_loop3A_395 : vector<16xf32>
          %parallel_loop3A_397 = vector.broadcast %parallel_loop3A_339 : f32 to vector<16xf32>
          %parallel_loop3A_398 = arith.mulf %parallel_loop3A_397, %get3A_68 : vector<16xf32>
          %parallel_loop3A_399 = arith.addf %parallel_loop3A_396, %parallel_loop3A_398 : vector<16xf32>
          %parallel_loop3A_400 = vector.broadcast %parallel_loop3A_345 : f32 to vector<16xf32>
          %parallel_loop3A_401 = arith.mulf %parallel_loop3A_400, %get3A_108 : vector<16xf32>
          %parallel_loop3A_402 = arith.addf %parallel_loop3A_399, %parallel_loop3A_401 : vector<16xf32>
          %parallel_loop3A_403 = arith.addf %parallel_loop3A_393, %parallel_loop3A_402 : vector<16xf32>
          %parallel_loop3A_404 = arith.constant 0.000000e+00 : f32
          %parallel_loop3A_405 = vector.broadcast %parallel_loop3A_404 : f32 to vector<16xf32>
          %parallel_loop3A_406 = arith.maximumf %parallel_loop3A_403, %parallel_loop3A_405 : vector<16xf32>
          %parallel_loop3A_407 = arith.index_cast %parallel_loop3A_327 : i32 to index
          %parallel_loop3A_408 = arith.constant 32 : index
          %parallel_loop3A_409 = tpu.vector_load %arg15[%parallel_loop3A_407, %parallel_loop3A_408] {strides = array<i32>} : memref<40x128xf32, #tpu.memory_space<vmem>>, vector<1x16xf32>,
          %parallel_loop3A_410 = vector.shape_cast %parallel_loop3A_409 : vector<1x16xf32> to vector<16xf32>
          %parallel_loop3A_411 = vector.shape_cast %parallel_loop3A_406 : vector<16xf32> to vector<1x16xf32>
          tpu.vector_store %arg15[%parallel_loop3A_407, %parallel_loop3A_408], %parallel_loop3A_411 {strides = array<i32>} : memref<40x128xf32, #tpu.memory_space<vmem>>, vector<1x16xf32>,
          %parallel_loop3A_412 = arith.index_cast %parallel_loop3A_327 : i32 to index
          %parallel_loop3A_413 = arith.constant 48 : index
          %parallel_loop3A_414 = tpu.vector_load %arg15[%parallel_loop3A_412, %parallel_loop3A_413] {strides = array<i32>} : memref<40x128xf32, #tpu.memory_space<vmem>>, vector<1x16xf32>,
          %parallel_loop3A_415 = vector.shape_cast %parallel_loop3A_414 : vector<1x16xf32> to vector<16xf32>
          %parallel_loop3A_416 = vector.broadcast %parallel_loop3A_333 : f32 to vector<16xf32>
          %parallel_loop3A_417 = arith.mulf %parallel_loop3A_416, %get3A_33 : vector<16xf32>
          %parallel_loop3A_418 = arith.addf %get3A_153, %parallel_loop3A_417 : vector<16xf32>
          %parallel_loop3A_419 = vector.broadcast %parallel_loop3A_339 : f32 to vector<16xf32>
          %parallel_loop3A_420 = arith.mulf %parallel_loop3A_419, %get3A_73 : vector<16xf32>
          %parallel_loop3A_421 = arith.addf %parallel_loop3A_418, %parallel_loop3A_420 : vector<16xf32>
          %parallel_loop3A_422 = vector.broadcast %parallel_loop3A_345 : f32 to vector<16xf32>
          %parallel_loop3A_423 = arith.mulf %parallel_loop3A_422, %get3A_113 : vector<16xf32>
          %parallel_loop3A_424 = arith.addf %parallel_loop3A_421, %parallel_loop3A_423 : vector<16xf32>
          %parallel_loop3A_425 = arith.addf %parallel_loop3A_415, %parallel_loop3A_424 : vector<16xf32>
          %parallel_loop3A_426 = arith.constant 0.000000e+00 : f32
          %parallel_loop3A_427 = vector.broadcast %parallel_loop3A_426 : f32 to vector<16xf32>
          %parallel_loop3A_428 = arith.maximumf %parallel_loop3A_425, %parallel_loop3A_427 : vector<16xf32>
          %parallel_loop3A_429 = arith.index_cast %parallel_loop3A_327 : i32 to index
          %parallel_loop3A_430 = arith.constant 48 : index
          %parallel_loop3A_431 = tpu.vector_load %arg15[%parallel_loop3A_429, %parallel_loop3A_430] {strides = array<i32>} : memref<40x128xf32, #tpu.memory_space<vmem>>, vector<1x16xf32>,
          %parallel_loop3A_432 = vector.shape_cast %parallel_loop3A_431 : vector<1x16xf32> to vector<16xf32>
          %parallel_loop3A_433 = vector.shape_cast %parallel_loop3A_428 : vector<16xf32> to vector<1x16xf32>
          tpu.vector_store %arg15[%parallel_loop3A_429, %parallel_loop3A_430], %parallel_loop3A_433 {strides = array<i32>} : memref<40x128xf32, #tpu.memory_space<vmem>>, vector<1x16xf32>,
          %parallel_loop3A_434 = arith.index_cast %parallel_loop3A_327 : i32 to index
          %parallel_loop3A_435 = arith.constant 64 : index
          %parallel_loop3A_436 = tpu.vector_load %arg15[%parallel_loop3A_434, %parallel_loop3A_435] {strides = array<i32>} : memref<40x128xf32, #tpu.memory_space<vmem>>, vector<1x16xf32>,
          %parallel_loop3A_437 = vector.shape_cast %parallel_loop3A_436 : vector<1x16xf32> to vector<16xf32>
          %parallel_loop3A_438 = vector.broadcast %parallel_loop3A_333 : f32 to vector<16xf32>
          %parallel_loop3A_439 = arith.mulf %parallel_loop3A_438, %get3A_38 : vector<16xf32>
          %parallel_loop3A_440 = arith.addf %get3A_158, %parallel_loop3A_439 : vector<16xf32>
          %parallel_loop3A_441 = vector.broadcast %parallel_loop3A_339 : f32 to vector<16xf32>
          %parallel_loop3A_442 = arith.mulf %parallel_loop3A_441, %get3A_78 : vector<16xf32>
          %parallel_loop3A_443 = arith.addf %parallel_loop3A_440, %parallel_loop3A_442 : vector<16xf32>
          %parallel_loop3A_444 = vector.broadcast %parallel_loop3A_345 : f32 to vector<16xf32>
          %parallel_loop3A_445 = arith.mulf %parallel_loop3A_444, %get3A_118 : vector<16xf32>
          %parallel_loop3A_446 = arith.addf %parallel_loop3A_443, %parallel_loop3A_445 : vector<16xf32>
          %parallel_loop3A_447 = arith.addf %parallel_loop3A_437, %parallel_loop3A_446 : vector<16xf32>
          %parallel_loop3A_448 = arith.constant 0.000000e+00 : f32
          %parallel_loop3A_449 = vector.broadcast %parallel_loop3A_448 : f32 to vector<16xf32>
          %parallel_loop3A_450 = arith.maximumf %parallel_loop3A_447, %parallel_loop3A_449 : vector<16xf32>
          %parallel_loop3A_451 = arith.index_cast %parallel_loop3A_327 : i32 to index
          %parallel_loop3A_452 = arith.constant 64 : index
          %parallel_loop3A_453 = tpu.vector_load %arg15[%parallel_loop3A_451, %parallel_loop3A_452] {strides = array<i32>} : memref<40x128xf32, #tpu.memory_space<vmem>>, vector<1x16xf32>,
          %parallel_loop3A_454 = vector.shape_cast %parallel_loop3A_453 : vector<1x16xf32> to vector<16xf32>
          %parallel_loop3A_455 = vector.shape_cast %parallel_loop3A_450 : vector<16xf32> to vector<1x16xf32>
          tpu.vector_store %arg15[%parallel_loop3A_451, %parallel_loop3A_452], %parallel_loop3A_455 {strides = array<i32>} : memref<40x128xf32, #tpu.memory_space<vmem>>, vector<1x16xf32>,
          %parallel_loop3A_456 = arith.index_cast %parallel_loop3A_327 : i32 to index
          %parallel_loop3A_457 = arith.constant 80 : index
          %parallel_loop3A_458 = tpu.vector_load %arg15[%parallel_loop3A_456, %parallel_loop3A_457] {strides = array<i32>} : memref<40x128xf32, #tpu.memory_space<vmem>>, vector<1x16xf32>,
          %parallel_loop3A_459 = vector.shape_cast %parallel_loop3A_458 : vector<1x16xf32> to vector<16xf32>
          %parallel_loop3A_460 = vector.broadcast %parallel_loop3A_333 : f32 to vector<16xf32>
          %parallel_loop3A_461 = arith.mulf %parallel_loop3A_460, %get3A_43 : vector<16xf32>
          %parallel_loop3A_462 = arith.addf %get3A_163, %parallel_loop3A_461 : vector<16xf32>
          %parallel_loop3A_463 = vector.broadcast %parallel_loop3A_339 : f32 to vector<16xf32>
          %parallel_loop3A_464 = arith.mulf %parallel_loop3A_463, %get3A_83 : vector<16xf32>
          %parallel_loop3A_465 = arith.addf %parallel_loop3A_462, %parallel_loop3A_464 : vector<16xf32>
          %parallel_loop3A_466 = vector.broadcast %parallel_loop3A_345 : f32 to vector<16xf32>
          %parallel_loop3A_467 = arith.mulf %parallel_loop3A_466, %get3A_123 : vector<16xf32>
          %parallel_loop3A_468 = arith.addf %parallel_loop3A_465, %parallel_loop3A_467 : vector<16xf32>
          %parallel_loop3A_469 = arith.addf %parallel_loop3A_459, %parallel_loop3A_468 : vector<16xf32>
          %parallel_loop3A_470 = arith.constant 0.000000e+00 : f32
          %parallel_loop3A_471 = vector.broadcast %parallel_loop3A_470 : f32 to vector<16xf32>
          %parallel_loop3A_472 = arith.maximumf %parallel_loop3A_469, %parallel_loop3A_471 : vector<16xf32>
          %parallel_loop3A_473 = arith.index_cast %parallel_loop3A_327 : i32 to index
          %parallel_loop3A_474 = arith.constant 80 : index
          %parallel_loop3A_475 = tpu.vector_load %arg15[%parallel_loop3A_473, %parallel_loop3A_474] {strides = array<i32>} : memref<40x128xf32, #tpu.memory_space<vmem>>, vector<1x16xf32>,
          %parallel_loop3A_476 = vector.shape_cast %parallel_loop3A_475 : vector<1x16xf32> to vector<16xf32>
          %parallel_loop3A_477 = vector.shape_cast %parallel_loop3A_472 : vector<16xf32> to vector<1x16xf32>
          tpu.vector_store %arg15[%parallel_loop3A_473, %parallel_loop3A_474], %parallel_loop3A_477 {strides = array<i32>} : memref<40x128xf32, #tpu.memory_space<vmem>>, vector<1x16xf32>,
          %parallel_loop3A_478 = arith.index_cast %parallel_loop3A_327 : i32 to index
          %parallel_loop3A_479 = arith.constant 96 : index
          %parallel_loop3A_480 = tpu.vector_load %arg15[%parallel_loop3A_478, %parallel_loop3A_479] {strides = array<i32>} : memref<40x128xf32, #tpu.memory_space<vmem>>, vector<1x16xf32>,
          %parallel_loop3A_481 = vector.shape_cast %parallel_loop3A_480 : vector<1x16xf32> to vector<16xf32>
          %parallel_loop3A_482 = vector.broadcast %parallel_loop3A_333 : f32 to vector<16xf32>
          %parallel_loop3A_483 = arith.mulf %parallel_loop3A_482, %get3A_48 : vector<16xf32>
          %parallel_loop3A_484 = arith.addf %get3A_168, %parallel_loop3A_483 : vector<16xf32>
          %parallel_loop3A_485 = vector.broadcast %parallel_loop3A_339 : f32 to vector<16xf32>
          %parallel_loop3A_486 = arith.mulf %parallel_loop3A_485, %get3A_88 : vector<16xf32>
          %parallel_loop3A_487 = arith.addf %parallel_loop3A_484, %parallel_loop3A_486 : vector<16xf32>
          %parallel_loop3A_488 = vector.broadcast %parallel_loop3A_345 : f32 to vector<16xf32>
          %parallel_loop3A_489 = arith.mulf %parallel_loop3A_488, %get3A_128 : vector<16xf32>
          %parallel_loop3A_490 = arith.addf %parallel_loop3A_487, %parallel_loop3A_489 : vector<16xf32>
          %parallel_loop3A_491 = arith.addf %parallel_loop3A_481, %parallel_loop3A_490 : vector<16xf32>
          %parallel_loop3A_492 = arith.constant 0.000000e+00 : f32
          %parallel_loop3A_493 = vector.broadcast %parallel_loop3A_492 : f32 to vector<16xf32>
          %parallel_loop3A_494 = arith.maximumf %parallel_loop3A_491, %parallel_loop3A_493 : vector<16xf32>
          %parallel_loop3A_495 = arith.index_cast %parallel_loop3A_327 : i32 to index
          %parallel_loop3A_496 = arith.constant 96 : index
          %parallel_loop3A_497 = tpu.vector_load %arg15[%parallel_loop3A_495, %parallel_loop3A_496] {strides = array<i32>} : memref<40x128xf32, #tpu.memory_space<vmem>>, vector<1x16xf32>,
          %parallel_loop3A_498 = vector.shape_cast %parallel_loop3A_497 : vector<1x16xf32> to vector<16xf32>
          %parallel_loop3A_499 = vector.shape_cast %parallel_loop3A_494 : vector<16xf32> to vector<1x16xf32>
          tpu.vector_store %arg15[%parallel_loop3A_495, %parallel_loop3A_496], %parallel_loop3A_499 {strides = array<i32>} : memref<40x128xf32, #tpu.memory_space<vmem>>, vector<1x16xf32>,
          %parallel_loop3A_500 = arith.index_cast %parallel_loop3A_327 : i32 to index
          %parallel_loop3A_501 = arith.constant 112 : index
          %parallel_loop3A_502 = tpu.vector_load %arg15[%parallel_loop3A_500, %parallel_loop3A_501] {strides = array<i32>} : memref<40x128xf32, #tpu.memory_space<vmem>>, vector<1x16xf32>,
          %parallel_loop3A_503 = vector.shape_cast %parallel_loop3A_502 : vector<1x16xf32> to vector<16xf32>
          %parallel_loop3A_504 = vector.broadcast %parallel_loop3A_333 : f32 to vector<16xf32>
          %parallel_loop3A_505 = arith.mulf %parallel_loop3A_504, %get3A_53 : vector<16xf32>
          %parallel_loop3A_506 = arith.addf %get3A_173, %parallel_loop3A_505 : vector<16xf32>
          %parallel_loop3A_507 = vector.broadcast %parallel_loop3A_339 : f32 to vector<16xf32>
          %parallel_loop3A_508 = arith.mulf %parallel_loop3A_507, %get3A_93 : vector<16xf32>
          %parallel_loop3A_509 = arith.addf %parallel_loop3A_506, %parallel_loop3A_508 : vector<16xf32>
          %parallel_loop3A_510 = vector.broadcast %parallel_loop3A_345 : f32 to vector<16xf32>
          %parallel_loop3A_511 = arith.mulf %parallel_loop3A_510, %get3A_133 : vector<16xf32>
          %parallel_loop3A_512 = arith.addf %parallel_loop3A_509, %parallel_loop3A_511 : vector<16xf32>
          %parallel_loop3A_513 = arith.addf %parallel_loop3A_503, %parallel_loop3A_512 : vector<16xf32>
          %parallel_loop3A_514 = arith.constant 0.000000e+00 : f32
          %parallel_loop3A_515 = vector.broadcast %parallel_loop3A_514 : f32 to vector<16xf32>
          %parallel_loop3A_516 = arith.maximumf %parallel_loop3A_513, %parallel_loop3A_515 : vector<16xf32>
          %parallel_loop3A_517 = arith.index_cast %parallel_loop3A_327 : i32 to index
          %parallel_loop3A_518 = arith.constant 112 : index
          %parallel_loop3A_519 = tpu.vector_load %arg15[%parallel_loop3A_517, %parallel_loop3A_518] {strides = array<i32>} : memref<40x128xf32, #tpu.memory_space<vmem>>, vector<1x16xf32>,
          %parallel_loop3A_520 = vector.shape_cast %parallel_loop3A_519 : vector<1x16xf32> to vector<16xf32>
          %parallel_loop3A_521 = vector.shape_cast %parallel_loop3A_516 : vector<16xf32> to vector<1x16xf32>
          tpu.vector_store %arg15[%parallel_loop3A_517, %parallel_loop3A_518], %parallel_loop3A_521 {strides = array<i32>} : memref<40x128xf32, #tpu.memory_space<vmem>>, vector<1x16xf32>,
        } {sc.loop_unroll_factor = 2 : i64, sc.parallel_access}
        %dma_wait3A_281 = arith.constant 0 : i32
        %dma_wait3A_282 = arith.constant 0 : i32
        %dma_wait3A_283 = tpu.memref_slice %arg19[%dma_wait3A_281, %dma_wait3A_282] : memref<10000x128xf32, #tpu.memory_space<vmem_shared>> -> memref<10000x128xf32, #tpu.memory_space<vmem_shared>>
        tpu.wait_indirect_dma semaphore(%arg22 : memref<!tpu.dma_semaphore, #tpu.memory_space<semaphore_mem>>) src(%arg14 : memref<40x128xf32, #tpu.memory_space<vmem>>) dst(%dma_wait3A_283 : memref<10000x128xf32, #tpu.memory_space<vmem_shared>>)
        %lt3A = arith.constant 24 : i32
        %lt3A_284 = arith.cmpi slt, %scan3A_212, %lt3A : i32
        %convert_element_type3A_285 = arith.extui %lt3A_284 : i1 to i32
        %cond3A_286 = arith.constant 0 : i32
        %cond3A_287 = arith.cmpi ne, %convert_element_type3A_285, %cond3A_286 : i32
        scf.if %cond3A_287 {
          %add3A_327 = arith.constant 2 : i32
          %add3A_328 = arith.addi %mul3A_214, %add3A_327 : i32
          %mul3A_329 = arith.constant 40 : i32
          %mul3A_330 = arith.muli %add3A_328, %mul3A_329 : i32
          %dma_start3A_331 = tpu.memref_slice %arg8[%mul3A_330] : memref<2000xi32, #tpu.memory_space<vmem>> -> memref<40xi32, #tpu.memory_space<vmem>>
          %dma_start3A_332 = arith.constant 0 : i32
          %dma_start3A_333 = arith.constant 0 : i32
          %dma_start3A_334 = tpu.memref_slice %arg2[%dma_start3A_332, %dma_start3A_333] : memref<10000x128xf32, #tpu.memory_space<hbm>> -> memref<10000x128xf32, #tpu.memory_space<hbm>>
          tpu.enqueue_indirect_dma source(%dma_start3A_334 : memref<10000x128xf32, #tpu.memory_space<hbm>>) target(%arg14 : memref<40x128xf32, #tpu.memory_space<vmem>>) offsets(%dma_start3A_331 : memref<40xi32, #tpu.memory_space<vmem>>) semaphore(%arg20 : memref<!tpu.dma_semaphore, #tpu.memory_space<semaphore_mem>>)
        } else {
        }
        %mul3A_288 = arith.constant 40 : i32
        %mul3A_289 = arith.muli %add3A_216, %mul3A_288 : i32
        %parallel_loop3A_290 = arith.constant 20 : i32
        %parallel_loop3A_291 = arith.constant 40 : i32
        %parallel_loop3A_292 = arith.constant 1 : i32
        scf.for %parallel_loop3A_327 = %parallel_loop3A_290 to %parallel_loop3A_291 step %parallel_loop3A_292  : i32 {
          %parallel_loop3A_328 = arith.addi %mul3A_289, %parallel_loop3A_327 : i32
          %parallel_loop3A_329 = arith.index_cast %parallel_loop3A_328 : i32 to index
          %parallel_loop3A_330 = tpu.vector_load %arg10[%parallel_loop3A_329] {strides = array<i32>} : memref<2016xf32, #tpu.memory_space<vmem>>, vector<16xf32>,
          %parallel_loop3A_331 = vector.shape_cast %parallel_loop3A_330 : vector<16xf32> to vector<16xf32>
          %parallel_loop3A_332 = vector.extract_strided_slice %parallel_loop3A_331 {offsets = [0], sizes = [1], strides = [1]} : vector<16xf32> to vector<1xf32>
          %parallel_loop3A_333 = vector.extract %parallel_loop3A_332[0] : f32 from vector<1xf32>
          %parallel_loop3A_334 = arith.addi %mul3A_289, %parallel_loop3A_327 : i32
          %parallel_loop3A_335 = arith.index_cast %parallel_loop3A_334 : i32 to index
          %parallel_loop3A_336 = tpu.vector_load %arg11[%parallel_loop3A_335] {strides = array<i32>} : memref<2016xf32, #tpu.memory_space<vmem>>, vector<16xf32>,
          %parallel_loop3A_337 = vector.shape_cast %parallel_loop3A_336 : vector<16xf32> to vector<16xf32>
          %parallel_loop3A_338 = vector.extract_strided_slice %parallel_loop3A_337 {offsets = [0], sizes = [1], strides = [1]} : vector<16xf32> to vector<1xf32>
          %parallel_loop3A_339 = vector.extract %parallel_loop3A_338[0] : f32 from vector<1xf32>
          %parallel_loop3A_340 = arith.addi %mul3A_289, %parallel_loop3A_327 : i32
          %parallel_loop3A_341 = arith.index_cast %parallel_loop3A_340 : i32 to index
          %parallel_loop3A_342 = tpu.vector_load %arg12[%parallel_loop3A_341] {strides = array<i32>} : memref<2016xf32, #tpu.memory_space<vmem>>, vector<16xf32>,
          %parallel_loop3A_343 = vector.shape_cast %parallel_loop3A_342 : vector<16xf32> to vector<16xf32>
          %parallel_loop3A_344 = vector.extract_strided_slice %parallel_loop3A_343 {offsets = [0], sizes = [1], strides = [1]} : vector<16xf32> to vector<1xf32>
          %parallel_loop3A_345 = vector.extract %parallel_loop3A_344[0] : f32 from vector<1xf32>
          %parallel_loop3A_346 = arith.index_cast %parallel_loop3A_327 : i32 to index
          %parallel_loop3A_347 = arith.constant 0 : index
          %parallel_loop3A_348 = tpu.vector_load %arg15[%parallel_loop3A_346, %parallel_loop3A_347] {strides = array<i32>} : memref<40x128xf32, #tpu.memory_space<vmem>>, vector<1x16xf32>,
          %parallel_loop3A_349 = vector.shape_cast %parallel_loop3A_348 : vector<1x16xf32> to vector<16xf32>
          %parallel_loop3A_350 = vector.broadcast %parallel_loop3A_333 : f32 to vector<16xf32>
          %parallel_loop3A_351 = arith.mulf %parallel_loop3A_350, %get3A_18 : vector<16xf32>
          %parallel_loop3A_352 = arith.addf %get3A_138, %parallel_loop3A_351 : vector<16xf32>
          %parallel_loop3A_353 = vector.broadcast %parallel_loop3A_339 : f32 to vector<16xf32>
          %parallel_loop3A_354 = arith.mulf %parallel_loop3A_353, %get3A_58 : vector<16xf32>
          %parallel_loop3A_355 = arith.addf %parallel_loop3A_352, %parallel_loop3A_354 : vector<16xf32>
          %parallel_loop3A_356 = vector.broadcast %parallel_loop3A_345 : f32 to vector<16xf32>
          %parallel_loop3A_357 = arith.mulf %parallel_loop3A_356, %get3A_98 : vector<16xf32>
          %parallel_loop3A_358 = arith.addf %parallel_loop3A_355, %parallel_loop3A_357 : vector<16xf32>
          %parallel_loop3A_359 = arith.addf %parallel_loop3A_349, %parallel_loop3A_358 : vector<16xf32>
          %parallel_loop3A_360 = arith.constant 0.000000e+00 : f32
          %parallel_loop3A_361 = vector.broadcast %parallel_loop3A_360 : f32 to vector<16xf32>
          %parallel_loop3A_362 = arith.maximumf %parallel_loop3A_359, %parallel_loop3A_361 : vector<16xf32>
          %parallel_loop3A_363 = arith.index_cast %parallel_loop3A_327 : i32 to index
          %parallel_loop3A_364 = arith.constant 0 : index
          %parallel_loop3A_365 = tpu.vector_load %arg15[%parallel_loop3A_363, %parallel_loop3A_364] {strides = array<i32>} : memref<40x128xf32, #tpu.memory_space<vmem>>, vector<1x16xf32>,
          %parallel_loop3A_366 = vector.shape_cast %parallel_loop3A_365 : vector<1x16xf32> to vector<16xf32>
          %parallel_loop3A_367 = vector.shape_cast %parallel_loop3A_362 : vector<16xf32> to vector<1x16xf32>
          tpu.vector_store %arg15[%parallel_loop3A_363, %parallel_loop3A_364], %parallel_loop3A_367 {strides = array<i32>} : memref<40x128xf32, #tpu.memory_space<vmem>>, vector<1x16xf32>,
          %parallel_loop3A_368 = arith.index_cast %parallel_loop3A_327 : i32 to index
          %parallel_loop3A_369 = arith.constant 16 : index
          %parallel_loop3A_370 = tpu.vector_load %arg15[%parallel_loop3A_368, %parallel_loop3A_369] {strides = array<i32>} : memref<40x128xf32, #tpu.memory_space<vmem>>, vector<1x16xf32>,
          %parallel_loop3A_371 = vector.shape_cast %parallel_loop3A_370 : vector<1x16xf32> to vector<16xf32>
          %parallel_loop3A_372 = vector.broadcast %parallel_loop3A_333 : f32 to vector<16xf32>
          %parallel_loop3A_373 = arith.mulf %parallel_loop3A_372, %get3A_23 : vector<16xf32>
          %parallel_loop3A_374 = arith.addf %get3A_143, %parallel_loop3A_373 : vector<16xf32>
          %parallel_loop3A_375 = vector.broadcast %parallel_loop3A_339 : f32 to vector<16xf32>
          %parallel_loop3A_376 = arith.mulf %parallel_loop3A_375, %get3A_63 : vector<16xf32>
          %parallel_loop3A_377 = arith.addf %parallel_loop3A_374, %parallel_loop3A_376 : vector<16xf32>
          %parallel_loop3A_378 = vector.broadcast %parallel_loop3A_345 : f32 to vector<16xf32>
          %parallel_loop3A_379 = arith.mulf %parallel_loop3A_378, %get3A_103 : vector<16xf32>
          %parallel_loop3A_380 = arith.addf %parallel_loop3A_377, %parallel_loop3A_379 : vector<16xf32>
          %parallel_loop3A_381 = arith.addf %parallel_loop3A_371, %parallel_loop3A_380 : vector<16xf32>
          %parallel_loop3A_382 = arith.constant 0.000000e+00 : f32
          %parallel_loop3A_383 = vector.broadcast %parallel_loop3A_382 : f32 to vector<16xf32>
          %parallel_loop3A_384 = arith.maximumf %parallel_loop3A_381, %parallel_loop3A_383 : vector<16xf32>
          %parallel_loop3A_385 = arith.index_cast %parallel_loop3A_327 : i32 to index
          %parallel_loop3A_386 = arith.constant 16 : index
          %parallel_loop3A_387 = tpu.vector_load %arg15[%parallel_loop3A_385, %parallel_loop3A_386] {strides = array<i32>} : memref<40x128xf32, #tpu.memory_space<vmem>>, vector<1x16xf32>,
          %parallel_loop3A_388 = vector.shape_cast %parallel_loop3A_387 : vector<1x16xf32> to vector<16xf32>
          %parallel_loop3A_389 = vector.shape_cast %parallel_loop3A_384 : vector<16xf32> to vector<1x16xf32>
          tpu.vector_store %arg15[%parallel_loop3A_385, %parallel_loop3A_386], %parallel_loop3A_389 {strides = array<i32>} : memref<40x128xf32, #tpu.memory_space<vmem>>, vector<1x16xf32>,
          %parallel_loop3A_390 = arith.index_cast %parallel_loop3A_327 : i32 to index
          %parallel_loop3A_391 = arith.constant 32 : index
          %parallel_loop3A_392 = tpu.vector_load %arg15[%parallel_loop3A_390, %parallel_loop3A_391] {strides = array<i32>} : memref<40x128xf32, #tpu.memory_space<vmem>>, vector<1x16xf32>,
          %parallel_loop3A_393 = vector.shape_cast %parallel_loop3A_392 : vector<1x16xf32> to vector<16xf32>
          %parallel_loop3A_394 = vector.broadcast %parallel_loop3A_333 : f32 to vector<16xf32>
          %parallel_loop3A_395 = arith.mulf %parallel_loop3A_394, %get3A_28 : vector<16xf32>
          %parallel_loop3A_396 = arith.addf %get3A_148, %parallel_loop3A_395 : vector<16xf32>
          %parallel_loop3A_397 = vector.broadcast %parallel_loop3A_339 : f32 to vector<16xf32>
          %parallel_loop3A_398 = arith.mulf %parallel_loop3A_397, %get3A_68 : vector<16xf32>
          %parallel_loop3A_399 = arith.addf %parallel_loop3A_396, %parallel_loop3A_398 : vector<16xf32>
          %parallel_loop3A_400 = vector.broadcast %parallel_loop3A_345 : f32 to vector<16xf32>
          %parallel_loop3A_401 = arith.mulf %parallel_loop3A_400, %get3A_108 : vector<16xf32>
          %parallel_loop3A_402 = arith.addf %parallel_loop3A_399, %parallel_loop3A_401 : vector<16xf32>
          %parallel_loop3A_403 = arith.addf %parallel_loop3A_393, %parallel_loop3A_402 : vector<16xf32>
          %parallel_loop3A_404 = arith.constant 0.000000e+00 : f32
          %parallel_loop3A_405 = vector.broadcast %parallel_loop3A_404 : f32 to vector<16xf32>
          %parallel_loop3A_406 = arith.maximumf %parallel_loop3A_403, %parallel_loop3A_405 : vector<16xf32>
          %parallel_loop3A_407 = arith.index_cast %parallel_loop3A_327 : i32 to index
          %parallel_loop3A_408 = arith.constant 32 : index
          %parallel_loop3A_409 = tpu.vector_load %arg15[%parallel_loop3A_407, %parallel_loop3A_408] {strides = array<i32>} : memref<40x128xf32, #tpu.memory_space<vmem>>, vector<1x16xf32>,
          %parallel_loop3A_410 = vector.shape_cast %parallel_loop3A_409 : vector<1x16xf32> to vector<16xf32>
          %parallel_loop3A_411 = vector.shape_cast %parallel_loop3A_406 : vector<16xf32> to vector<1x16xf32>
          tpu.vector_store %arg15[%parallel_loop3A_407, %parallel_loop3A_408], %parallel_loop3A_411 {strides = array<i32>} : memref<40x128xf32, #tpu.memory_space<vmem>>, vector<1x16xf32>,
          %parallel_loop3A_412 = arith.index_cast %parallel_loop3A_327 : i32 to index
          %parallel_loop3A_413 = arith.constant 48 : index
          %parallel_loop3A_414 = tpu.vector_load %arg15[%parallel_loop3A_412, %parallel_loop3A_413] {strides = array<i32>} : memref<40x128xf32, #tpu.memory_space<vmem>>, vector<1x16xf32>,
          %parallel_loop3A_415 = vector.shape_cast %parallel_loop3A_414 : vector<1x16xf32> to vector<16xf32>
          %parallel_loop3A_416 = vector.broadcast %parallel_loop3A_333 : f32 to vector<16xf32>
          %parallel_loop3A_417 = arith.mulf %parallel_loop3A_416, %get3A_33 : vector<16xf32>
          %parallel_loop3A_418 = arith.addf %get3A_153, %parallel_loop3A_417 : vector<16xf32>
          %parallel_loop3A_419 = vector.broadcast %parallel_loop3A_339 : f32 to vector<16xf32>
          %parallel_loop3A_420 = arith.mulf %parallel_loop3A_419, %get3A_73 : vector<16xf32>
          %parallel_loop3A_421 = arith.addf %parallel_loop3A_418, %parallel_loop3A_420 : vector<16xf32>
          %parallel_loop3A_422 = vector.broadcast %parallel_loop3A_345 : f32 to vector<16xf32>
          %parallel_loop3A_423 = arith.mulf %parallel_loop3A_422, %get3A_113 : vector<16xf32>
          %parallel_loop3A_424 = arith.addf %parallel_loop3A_421, %parallel_loop3A_423 : vector<16xf32>
          %parallel_loop3A_425 = arith.addf %parallel_loop3A_415, %parallel_loop3A_424 : vector<16xf32>
          %parallel_loop3A_426 = arith.constant 0.000000e+00 : f32
          %parallel_loop3A_427 = vector.broadcast %parallel_loop3A_426 : f32 to vector<16xf32>
          %parallel_loop3A_428 = arith.maximumf %parallel_loop3A_425, %parallel_loop3A_427 : vector<16xf32>
          %parallel_loop3A_429 = arith.index_cast %parallel_loop3A_327 : i32 to index
          %parallel_loop3A_430 = arith.constant 48 : index
          %parallel_loop3A_431 = tpu.vector_load %arg15[%parallel_loop3A_429, %parallel_loop3A_430] {strides = array<i32>} : memref<40x128xf32, #tpu.memory_space<vmem>>, vector<1x16xf32>,
          %parallel_loop3A_432 = vector.shape_cast %parallel_loop3A_431 : vector<1x16xf32> to vector<16xf32>
          %parallel_loop3A_433 = vector.shape_cast %parallel_loop3A_428 : vector<16xf32> to vector<1x16xf32>
          tpu.vector_store %arg15[%parallel_loop3A_429, %parallel_loop3A_430], %parallel_loop3A_433 {strides = array<i32>} : memref<40x128xf32, #tpu.memory_space<vmem>>, vector<1x16xf32>,
          %parallel_loop3A_434 = arith.index_cast %parallel_loop3A_327 : i32 to index
          %parallel_loop3A_435 = arith.constant 64 : index
          %parallel_loop3A_436 = tpu.vector_load %arg15[%parallel_loop3A_434, %parallel_loop3A_435] {strides = array<i32>} : memref<40x128xf32, #tpu.memory_space<vmem>>, vector<1x16xf32>,
          %parallel_loop3A_437 = vector.shape_cast %parallel_loop3A_436 : vector<1x16xf32> to vector<16xf32>
          %parallel_loop3A_438 = vector.broadcast %parallel_loop3A_333 : f32 to vector<16xf32>
          %parallel_loop3A_439 = arith.mulf %parallel_loop3A_438, %get3A_38 : vector<16xf32>
          %parallel_loop3A_440 = arith.addf %get3A_158, %parallel_loop3A_439 : vector<16xf32>
          %parallel_loop3A_441 = vector.broadcast %parallel_loop3A_339 : f32 to vector<16xf32>
          %parallel_loop3A_442 = arith.mulf %parallel_loop3A_441, %get3A_78 : vector<16xf32>
          %parallel_loop3A_443 = arith.addf %parallel_loop3A_440, %parallel_loop3A_442 : vector<16xf32>
          %parallel_loop3A_444 = vector.broadcast %parallel_loop3A_345 : f32 to vector<16xf32>
          %parallel_loop3A_445 = arith.mulf %parallel_loop3A_444, %get3A_118 : vector<16xf32>
          %parallel_loop3A_446 = arith.addf %parallel_loop3A_443, %parallel_loop3A_445 : vector<16xf32>
          %parallel_loop3A_447 = arith.addf %parallel_loop3A_437, %parallel_loop3A_446 : vector<16xf32>
          %parallel_loop3A_448 = arith.constant 0.000000e+00 : f32
          %parallel_loop3A_449 = vector.broadcast %parallel_loop3A_448 : f32 to vector<16xf32>
          %parallel_loop3A_450 = arith.maximumf %parallel_loop3A_447, %parallel_loop3A_449 : vector<16xf32>
          %parallel_loop3A_451 = arith.index_cast %parallel_loop3A_327 : i32 to index
          %parallel_loop3A_452 = arith.constant 64 : index
          %parallel_loop3A_453 = tpu.vector_load %arg15[%parallel_loop3A_451, %parallel_loop3A_452] {strides = array<i32>} : memref<40x128xf32, #tpu.memory_space<vmem>>, vector<1x16xf32>,
          %parallel_loop3A_454 = vector.shape_cast %parallel_loop3A_453 : vector<1x16xf32> to vector<16xf32>
          %parallel_loop3A_455 = vector.shape_cast %parallel_loop3A_450 : vector<16xf32> to vector<1x16xf32>
          tpu.vector_store %arg15[%parallel_loop3A_451, %parallel_loop3A_452], %parallel_loop3A_455 {strides = array<i32>} : memref<40x128xf32, #tpu.memory_space<vmem>>, vector<1x16xf32>,
          %parallel_loop3A_456 = arith.index_cast %parallel_loop3A_327 : i32 to index
          %parallel_loop3A_457 = arith.constant 80 : index
          %parallel_loop3A_458 = tpu.vector_load %arg15[%parallel_loop3A_456, %parallel_loop3A_457] {strides = array<i32>} : memref<40x128xf32, #tpu.memory_space<vmem>>, vector<1x16xf32>,
          %parallel_loop3A_459 = vector.shape_cast %parallel_loop3A_458 : vector<1x16xf32> to vector<16xf32>
          %parallel_loop3A_460 = vector.broadcast %parallel_loop3A_333 : f32 to vector<16xf32>
          %parallel_loop3A_461 = arith.mulf %parallel_loop3A_460, %get3A_43 : vector<16xf32>
          %parallel_loop3A_462 = arith.addf %get3A_163, %parallel_loop3A_461 : vector<16xf32>
          %parallel_loop3A_463 = vector.broadcast %parallel_loop3A_339 : f32 to vector<16xf32>
          %parallel_loop3A_464 = arith.mulf %parallel_loop3A_463, %get3A_83 : vector<16xf32>
          %parallel_loop3A_465 = arith.addf %parallel_loop3A_462, %parallel_loop3A_464 : vector<16xf32>
          %parallel_loop3A_466 = vector.broadcast %parallel_loop3A_345 : f32 to vector<16xf32>
          %parallel_loop3A_467 = arith.mulf %parallel_loop3A_466, %get3A_123 : vector<16xf32>
          %parallel_loop3A_468 = arith.addf %parallel_loop3A_465, %parallel_loop3A_467 : vector<16xf32>
          %parallel_loop3A_469 = arith.addf %parallel_loop3A_459, %parallel_loop3A_468 : vector<16xf32>
          %parallel_loop3A_470 = arith.constant 0.000000e+00 : f32
          %parallel_loop3A_471 = vector.broadcast %parallel_loop3A_470 : f32 to vector<16xf32>
          %parallel_loop3A_472 = arith.maximumf %parallel_loop3A_469, %parallel_loop3A_471 : vector<16xf32>
          %parallel_loop3A_473 = arith.index_cast %parallel_loop3A_327 : i32 to index
          %parallel_loop3A_474 = arith.constant 80 : index
          %parallel_loop3A_475 = tpu.vector_load %arg15[%parallel_loop3A_473, %parallel_loop3A_474] {strides = array<i32>} : memref<40x128xf32, #tpu.memory_space<vmem>>, vector<1x16xf32>,
          %parallel_loop3A_476 = vector.shape_cast %parallel_loop3A_475 : vector<1x16xf32> to vector<16xf32>
          %parallel_loop3A_477 = vector.shape_cast %parallel_loop3A_472 : vector<16xf32> to vector<1x16xf32>
          tpu.vector_store %arg15[%parallel_loop3A_473, %parallel_loop3A_474], %parallel_loop3A_477 {strides = array<i32>} : memref<40x128xf32, #tpu.memory_space<vmem>>, vector<1x16xf32>,
          %parallel_loop3A_478 = arith.index_cast %parallel_loop3A_327 : i32 to index
          %parallel_loop3A_479 = arith.constant 96 : index
          %parallel_loop3A_480 = tpu.vector_load %arg15[%parallel_loop3A_478, %parallel_loop3A_479] {strides = array<i32>} : memref<40x128xf32, #tpu.memory_space<vmem>>, vector<1x16xf32>,
          %parallel_loop3A_481 = vector.shape_cast %parallel_loop3A_480 : vector<1x16xf32> to vector<16xf32>
          %parallel_loop3A_482 = vector.broadcast %parallel_loop3A_333 : f32 to vector<16xf32>
          %parallel_loop3A_483 = arith.mulf %parallel_loop3A_482, %get3A_48 : vector<16xf32>
          %parallel_loop3A_484 = arith.addf %get3A_168, %parallel_loop3A_483 : vector<16xf32>
          %parallel_loop3A_485 = vector.broadcast %parallel_loop3A_339 : f32 to vector<16xf32>
          %parallel_loop3A_486 = arith.mulf %parallel_loop3A_485, %get3A_88 : vector<16xf32>
          %parallel_loop3A_487 = arith.addf %parallel_loop3A_484, %parallel_loop3A_486 : vector<16xf32>
          %parallel_loop3A_488 = vector.broadcast %parallel_loop3A_345 : f32 to vector<16xf32>
          %parallel_loop3A_489 = arith.mulf %parallel_loop3A_488, %get3A_128 : vector<16xf32>
          %parallel_loop3A_490 = arith.addf %parallel_loop3A_487, %parallel_loop3A_489 : vector<16xf32>
          %parallel_loop3A_491 = arith.addf %parallel_loop3A_481, %parallel_loop3A_490 : vector<16xf32>
          %parallel_loop3A_492 = arith.constant 0.000000e+00 : f32
          %parallel_loop3A_493 = vector.broadcast %parallel_loop3A_492 : f32 to vector<16xf32>
          %parallel_loop3A_494 = arith.maximumf %parallel_loop3A_491, %parallel_loop3A_493 : vector<16xf32>
          %parallel_loop3A_495 = arith.index_cast %parallel_loop3A_327 : i32 to index
          %parallel_loop3A_496 = arith.constant 96 : index
          %parallel_loop3A_497 = tpu.vector_load %arg15[%parallel_loop3A_495, %parallel_loop3A_496] {strides = array<i32>} : memref<40x128xf32, #tpu.memory_space<vmem>>, vector<1x16xf32>,
          %parallel_loop3A_498 = vector.shape_cast %parallel_loop3A_497 : vector<1x16xf32> to vector<16xf32>
          %parallel_loop3A_499 = vector.shape_cast %parallel_loop3A_494 : vector<16xf32> to vector<1x16xf32>
          tpu.vector_store %arg15[%parallel_loop3A_495, %parallel_loop3A_496], %parallel_loop3A_499 {strides = array<i32>} : memref<40x128xf32, #tpu.memory_space<vmem>>, vector<1x16xf32>,
          %parallel_loop3A_500 = arith.index_cast %parallel_loop3A_327 : i32 to index
          %parallel_loop3A_501 = arith.constant 112 : index
          %parallel_loop3A_502 = tpu.vector_load %arg15[%parallel_loop3A_500, %parallel_loop3A_501] {strides = array<i32>} : memref<40x128xf32, #tpu.memory_space<vmem>>, vector<1x16xf32>,
          %parallel_loop3A_503 = vector.shape_cast %parallel_loop3A_502 : vector<1x16xf32> to vector<16xf32>
          %parallel_loop3A_504 = vector.broadcast %parallel_loop3A_333 : f32 to vector<16xf32>
          %parallel_loop3A_505 = arith.mulf %parallel_loop3A_504, %get3A_53 : vector<16xf32>
          %parallel_loop3A_506 = arith.addf %get3A_173, %parallel_loop3A_505 : vector<16xf32>
          %parallel_loop3A_507 = vector.broadcast %parallel_loop3A_339 : f32 to vector<16xf32>
          %parallel_loop3A_508 = arith.mulf %parallel_loop3A_507, %get3A_93 : vector<16xf32>
          %parallel_loop3A_509 = arith.addf %parallel_loop3A_506, %parallel_loop3A_508 : vector<16xf32>
          %parallel_loop3A_510 = vector.broadcast %parallel_loop3A_345 : f32 to vector<16xf32>
          %parallel_loop3A_511 = arith.mulf %parallel_loop3A_510, %get3A_133 : vector<16xf32>
          %parallel_loop3A_512 = arith.addf %parallel_loop3A_509, %parallel_loop3A_511 : vector<16xf32>
          %parallel_loop3A_513 = arith.addf %parallel_loop3A_503, %parallel_loop3A_512 : vector<16xf32>
          %parallel_loop3A_514 = arith.constant 0.000000e+00 : f32
          %parallel_loop3A_515 = vector.broadcast %parallel_loop3A_514 : f32 to vector<16xf32>
          %parallel_loop3A_516 = arith.maximumf %parallel_loop3A_513, %parallel_loop3A_515 : vector<16xf32>
          %parallel_loop3A_517 = arith.index_cast %parallel_loop3A_327 : i32 to index
          %parallel_loop3A_518 = arith.constant 112 : index
          %parallel_loop3A_519 = tpu.vector_load %arg15[%parallel_loop3A_517, %parallel_loop3A_518] {strides = array<i32>} : memref<40x128xf32, #tpu.memory_space<vmem>>, vector<1x16xf32>,
          %parallel_loop3A_520 = vector.shape_cast %parallel_loop3A_519 : vector<1x16xf32> to vector<16xf32>
          %parallel_loop3A_521 = vector.shape_cast %parallel_loop3A_516 : vector<16xf32> to vector<1x16xf32>
          tpu.vector_store %arg15[%parallel_loop3A_517, %parallel_loop3A_518], %parallel_loop3A_521 {strides = array<i32>} : memref<40x128xf32, #tpu.memory_space<vmem>>, vector<1x16xf32>,
        } {sc.loop_unroll_factor = 2 : i64, sc.parallel_access}
        %mul3A_293 = arith.constant 40 : i32
        %mul3A_294 = arith.muli %add3A_216, %mul3A_293 : i32
        %get3A_295 = arith.index_cast %mul3A_294 : i32 to index
        %get3A_296 = tpu.vector_load %arg9[%get3A_295] {strides = array<i32>} : memref<2000xi32, #tpu.memory_space<vmem>>, vector<16xi32>,
        %get3A_297 = vector.shape_cast %get3A_296 : vector<16xi32> to vector<16xi32>
        %swap3A_298 = arith.constant 0 : index
        %swap3A_299 = tpu.vector_load %arg17[%swap3A_298] {strides = array<i32>} : memref<40xi32, #tpu.memory_space<vmem>>, vector<16xi32>,
        %swap3A_300 = vector.shape_cast %swap3A_299 : vector<16xi32> to vector<16xi32>
        %swap3A_301 = vector.shape_cast %get3A_297 : vector<16xi32> to vector<16xi32>
        tpu.vector_store %arg17[%swap3A_298], %swap3A_301 {strides = array<i32>} : memref<40xi32, #tpu.memory_space<vmem>>, vector<16xi32>,
        %mul3A_302 = arith.constant 40 : i32
        %mul3A_303 = arith.muli %add3A_216, %mul3A_302 : i32
        %add3A_304 = arith.constant 16 : i32
        %add3A_305 = arith.addi %mul3A_303, %add3A_304 : i32
        %get3A_306 = arith.index_cast %add3A_305 : i32 to index
        %get3A_307 = tpu.vector_load %arg9[%get3A_306] {strides = array<i32>} : memref<2000xi32, #tpu.memory_space<vmem>>, vector<16xi32>,
        %get3A_308 = vector.shape_cast %get3A_307 : vector<16xi32> to vector<16xi32>
        %swap3A_309 = arith.constant 16 : index
        %swap3A_310 = tpu.vector_load %arg17[%swap3A_309] {strides = array<i32>} : memref<40xi32, #tpu.memory_space<vmem>>, vector<16xi32>,
        %swap3A_311 = vector.shape_cast %swap3A_310 : vector<16xi32> to vector<16xi32>
        %swap3A_312 = vector.shape_cast %get3A_308 : vector<16xi32> to vector<16xi32>
        tpu.vector_store %arg17[%swap3A_309], %swap3A_312 {strides = array<i32>} : memref<40xi32, #tpu.memory_space<vmem>>, vector<16xi32>,
        %mul3A_313 = arith.constant 40 : i32
        %mul3A_314 = arith.muli %add3A_216, %mul3A_313 : i32
        %add3A_315 = arith.constant 24 : i32
        %add3A_316 = arith.addi %mul3A_314, %add3A_315 : i32
        %get3A_317 = arith.index_cast %add3A_316 : i32 to index
        %get3A_318 = tpu.vector_load %arg9[%get3A_317] {strides = array<i32>} : memref<2000xi32, #tpu.memory_space<vmem>>, vector<16xi32>,
        %get3A_319 = vector.shape_cast %get3A_318 : vector<16xi32> to vector<16xi32>
        %swap3A_320 = arith.constant 24 : index
        %swap3A_321 = tpu.vector_load %arg17[%swap3A_320] {strides = array<i32>} : memref<40xi32, #tpu.memory_space<vmem>>, vector<16xi32>,
        %swap3A_322 = vector.shape_cast %swap3A_321 : vector<16xi32> to vector<16xi32>
        %swap3A_323 = vector.shape_cast %get3A_319 : vector<16xi32> to vector<16xi32>
        tpu.vector_store %arg17[%swap3A_320], %swap3A_323 {strides = array<i32>} : memref<40xi32, #tpu.memory_space<vmem>>, vector<16xi32>,
        %dma_start3A_324 = arith.constant 0 : i32
        %dma_start3A_325 = arith.constant 0 : i32
        %dma_start3A_326 = tpu.memref_slice %arg19[%dma_start3A_324, %dma_start3A_325] : memref<10000x128xf32, #tpu.memory_space<vmem_shared>> -> memref<10000x128xf32, #tpu.memory_space<vmem_shared>>
        tpu.enqueue_indirect_dma source(%arg15 : memref<40x128xf32, #tpu.memory_space<vmem>>) target(%dma_start3A_326 : memref<10000x128xf32, #tpu.memory_space<vmem_shared>>) offsets(%arg17 : memref<40xi32, #tpu.memory_space<vmem>>) semaphore(%arg23 : memref<!tpu.dma_semaphore, #tpu.memory_space<semaphore_mem>>) {add = true}
      }
      %scan3A_209 = arith.constant 25 : i32
      %dma_wait3A = arith.constant 0 : i32
      %dma_wait3A_210 = arith.constant 0 : i32
      %dma_wait3A_211 = tpu.memref_slice %arg19[%dma_wait3A, %dma_wait3A_210] : memref<10000x128xf32, #tpu.memory_space<vmem_shared>> -> memref<10000x128xf32, #tpu.memory_space<vmem_shared>>
      tpu.wait_indirect_dma semaphore(%arg23 : memref<!tpu.dma_semaphore, #tpu.memory_space<semaphore_mem>>) src(%arg15 : memref<40x128xf32, #tpu.memory_space<vmem>>) dst(%dma_wait3A_211 : memref<10000x128xf32, #tpu.memory_space<vmem_shared>>)
    }
    %scan3A_179 = arith.constant 5 : i32
    %barrier3A_180 = arith.constant 0 : index
    tpu.barrier barrier_id(%barrier3A_180)
    %mul3A_181 = arith.constant 624 : i32
    %mul3A_182 = arith.muli %arg1, %mul3A_181 : i32
    %mul3A_183 = arith.constant 624 : i32
    %mul3A_184 = arith.muli %arg1, %mul3A_183 : i32
    "tpu.region"() ({
      %run_scoped3A = tpu.sem_alloc : memref<!tpu.dma_semaphore, #tpu.memory_space<semaphore_mem>>
      %dma_start3A = arith.constant 0 : i32
      %dma_start3A_190 = tpu.memref_slice %arg7[%arg0, %mul3A_184, %dma_start3A] : memref<2x10000x128xf32, #tpu.memory_space<hbm>> -> memref<1x624x128xf32, #tpu.memory_space<hbm>>
      %dma_start3A_191 = tpu.memref_squeeze %dma_start3A_190 : memref<1x624x128xf32, #tpu.memory_space<hbm>> -> memref<624x128xf32, #tpu.memory_space<hbm>>
      %dma_start3A_192 = arith.constant 0 : i32
      %dma_start3A_193 = tpu.memref_slice %arg19[%mul3A_182, %dma_start3A_192] : memref<10000x128xf32, #tpu.memory_space<vmem_shared>> -> memref<624x128xf32, #tpu.memory_space<vmem_shared>>
      tpu.enqueue_dma source(%dma_start3A_193 : memref<624x128xf32, #tpu.memory_space<vmem_shared>>) target(%dma_start3A_191 : memref<624x128xf32, #tpu.memory_space<hbm>>) target_semaphore(%run_scoped3A : memref<!tpu.dma_semaphore, #tpu.memory_space<semaphore_mem>>)
      %dma_wait3A = arith.constant 0 : i32
      %dma_wait3A_194 = tpu.memref_slice %arg7[%arg0, %mul3A_184, %dma_wait3A] : memref<2x10000x128xf32, #tpu.memory_space<hbm>> -> memref<1x624x128xf32, #tpu.memory_space<hbm>>
      %dma_wait3A_195 = tpu.memref_squeeze %dma_wait3A_194 : memref<1x624x128xf32, #tpu.memory_space<hbm>> -> memref<624x128xf32, #tpu.memory_space<hbm>>
      %dma_wait3A_196 = arith.constant 0 : i32
      %dma_wait3A_197 = tpu.memref_slice %arg19[%mul3A_182, %dma_wait3A_196] : memref<10000x128xf32, #tpu.memory_space<vmem_shared>> -> memref<624x128xf32, #tpu.memory_space<vmem_shared>>
      tpu.wait_dma2 semaphore(%run_scoped3A : memref<!tpu.dma_semaphore, #tpu.memory_space<semaphore_mem>>) src(%dma_wait3A_197 : memref<624x128xf32, #tpu.memory_space<vmem_shared>>) dst(%dma_wait3A_195 : memref<624x128xf32, #tpu.memory_space<hbm>>)
      tpu.yield
    }) : () -> ()
    %eq3A_185 = arith.constant 15 : i32
    %eq3A_186 = arith.cmpi eq, %arg1, %eq3A_185 : i32
    %convert_element_type3A_187 = arith.extui %eq3A_186 : i1 to i32
    %cond3A_188 = arith.constant 0 : i32
    %cond3A_189 = arith.cmpi ne, %convert_element_type3A_187, %cond3A_188 : i32
    scf.if %cond3A_189 {
      "tpu.region"() ({
        %run_scoped3A = tpu.sem_alloc : memref<!tpu.dma_semaphore, #tpu.memory_space<semaphore_mem>>
        %dma_start3A = arith.constant 9984 : i32
        %dma_start3A_190 = arith.constant 0 : i32
        %dma_start3A_191 = tpu.memref_slice %arg7[%arg0, %dma_start3A, %dma_start3A_190] : memref<2x10000x128xf32, #tpu.memory_space<hbm>> -> memref<1x16x128xf32, #tpu.memory_space<hbm>>
        %dma_start3A_192 = tpu.memref_squeeze %dma_start3A_191 : memref<1x16x128xf32, #tpu.memory_space<hbm>> -> memref<16x128xf32, #tpu.memory_space<hbm>>
        %dma_start3A_193 = arith.constant 9984 : i32
        %dma_start3A_194 = arith.constant 0 : i32
        %dma_start3A_195 = tpu.memref_slice %arg19[%dma_start3A_193, %dma_start3A_194] : memref<10000x128xf32, #tpu.memory_space<vmem_shared>> -> memref<16x128xf32, #tpu.memory_space<vmem_shared>>
        tpu.enqueue_dma source(%dma_start3A_195 : memref<16x128xf32, #tpu.memory_space<vmem_shared>>) target(%dma_start3A_192 : memref<16x128xf32, #tpu.memory_space<hbm>>) target_semaphore(%run_scoped3A : memref<!tpu.dma_semaphore, #tpu.memory_space<semaphore_mem>>)
        %dma_wait3A = arith.constant 9984 : i32
        %dma_wait3A_196 = arith.constant 0 : i32
        %dma_wait3A_197 = tpu.memref_slice %arg7[%arg0, %dma_wait3A, %dma_wait3A_196] : memref<2x10000x128xf32, #tpu.memory_space<hbm>> -> memref<1x16x128xf32, #tpu.memory_space<hbm>>
        %dma_wait3A_198 = tpu.memref_squeeze %dma_wait3A_197 : memref<1x16x128xf32, #tpu.memory_space<hbm>> -> memref<16x128xf32, #tpu.memory_space<hbm>>
        %dma_wait3A_199 = arith.constant 9984 : i32
        %dma_wait3A_200 = arith.constant 0 : i32
        %dma_wait3A_201 = tpu.memref_slice %arg19[%dma_wait3A_199, %dma_wait3A_200] : memref<10000x128xf32, #tpu.memory_space<vmem_shared>> -> memref<16x128xf32, #tpu.memory_space<vmem_shared>>
        tpu.wait_dma2 semaphore(%run_scoped3A : memref<!tpu.dma_semaphore, #tpu.memory_space<semaphore_mem>>) src(%dma_wait3A_201 : memref<16x128xf32, #tpu.memory_space<vmem_shared>>) dst(%dma_wait3A_198 : memref<16x128xf32, #tpu.memory_space<hbm>>)
        tpu.yield
      }) : () -> ()
    } else {
    }
    return
  }
}

module attributes {stable_mosaic.version = 14 : i64} {
  func.func @_mlp_body(%arg0: i32, %arg1: memref<1000x128xf32, #tpu.memory_space<vmem>>, %arg2: memref<1x1000x128xf32, #tpu.memory_space<vmem>>, %arg3: memref<1x1000x128xf32, #tpu.memory_space<vmem>>, %arg4: memref<128x128xf32, #tpu.memory_space<vmem>>, %arg5: memref<1x128xf32, #tpu.memory_space<vmem>>, %arg6: memref<128x128xf32, #tpu.memory_space<vmem>>, %arg7: memref<1x128xf32, #tpu.memory_space<vmem>>, %arg8: memref<1000x128xf32, #tpu.memory_space<vmem>>) attributes {dimension_semantics = [#tpu.dimension_semantics<arbitrary>], iteration_bounds = array<i64: 10>, scalar_prefetch = 0 : i64, scratch_operands = 0 : i64, tpu.core_type = #tpu.core_type<tc>, window_params = [{transform_indices = @transform_0, window_bounds = array<i64: 1000, 128>}, {transform_indices = @transform_1, window_bounds = array<i64: 1, 1000, 128>}, {transform_indices = @transform_2, window_bounds = array<i64: 1, 1000, 128>}, {pipeline_mode = #tpu.pipeline_mode<synchronous>, transform_indices = @transform_3, window_bounds = array<i64: 128, 128>}, {pipeline_mode = #tpu.pipeline_mode<synchronous>, transform_indices = @transform_4, window_bounds = array<i64: 1, 128>}, {pipeline_mode = #tpu.pipeline_mode<synchronous>, transform_indices = @transform_5, window_bounds = array<i64: 128, 128>}, {pipeline_mode = #tpu.pipeline_mode<synchronous>, transform_indices = @transform_6, window_bounds = array<i64: 1, 128>}, {transform_indices = @transform_7, window_bounds = array<i64: 1000, 128>}]} {
    %get3A = arith.constant 0 : index
    %get3A_0 = arith.constant 0 : index
    %get3A_1 = vector.load %arg1[%get3A, %get3A_0] : memref<1000x128xf32, #tpu.memory_space<vmem>>, vector<1000x128xf32>
    %get3A_2 = arith.constant 0 : index
    %get3A_3 = arith.constant 0 : index
    %get3A_4 = arith.constant 0 : index
    %get3A_5 = vector.load %arg2[%get3A_2, %get3A_3, %get3A_4] : memref<1x1000x128xf32, #tpu.memory_space<vmem>>, vector<1x1000x128xf32>
    %get3A_6 = vector.shape_cast %get3A_5 : vector<1x1000x128xf32> to vector<1000x128xf32>
    %add3A = arith.addf %get3A_1, %get3A_6 : vector<1000x128xf32>
    %get3A_7 = arith.constant 0 : index
    %get3A_8 = arith.constant 0 : index
    %get3A_9 = arith.constant 0 : index
    %get3A_10 = vector.load %arg3[%get3A_7, %get3A_8, %get3A_9] : memref<1x1000x128xf32, #tpu.memory_space<vmem>>, vector<1x1000x128xf32>
    %get3A_11 = vector.shape_cast %get3A_10 : vector<1x1000x128xf32> to vector<1000x128xf32>
    %add3A_12 = arith.addf %add3A, %get3A_11 : vector<1000x128xf32>
    %get3A_13 = arith.constant 0 : index
    %get3A_14 = arith.constant 0 : index
    %get3A_15 = vector.load %arg4[%get3A_13, %get3A_14] : memref<128x128xf32, #tpu.memory_space<vmem>>, vector<128x128xf32>
    %dot_general3A = arith.constant dense<0.000000e+00> : vector<1000x128xf32>
    %dot_general3A_16 = tpu.matmul %add3A_12, %get3A_15, %dot_general3A {dimension_numbers = #tpu.dot_dimension_numbers<[1], [0], [0], [1], [0, 0, 1, 1], [], []>, transpose_lhs_hint = false} : vector<1000x128xf32>, vector<128x128xf32>, vector<1000x128xf32> -> vector<1000x128xf32>
    %get3A_17 = arith.constant 0 : index
    %get3A_18 = arith.constant 0 : index
    %get3A_19 = vector.load %arg5[%get3A_17, %get3A_18] : memref<1x128xf32, #tpu.memory_space<vmem>>, vector<1x128xf32>
    %add3A_20 = vector.broadcast %get3A_19 : vector<1x128xf32> to vector<1000x128xf32>
    %add3A_21 = arith.addf %dot_general3A_16, %add3A_20 : vector<1000x128xf32>
    %max3A = arith.constant 0.000000e+00 : f32
    %max3A_22 = vector.broadcast %max3A : f32 to vector<1000x128xf32>
    %max3A_23 = arith.maximumf %add3A_21, %max3A_22 : vector<1000x128xf32>
    %get3A_24 = arith.constant 0 : index
    %get3A_25 = arith.constant 0 : index
    %get3A_26 = vector.load %arg6[%get3A_24, %get3A_25] : memref<128x128xf32, #tpu.memory_space<vmem>>, vector<128x128xf32>
    %dot_general3A_27 = arith.constant dense<0.000000e+00> : vector<1000x128xf32>
    %dot_general3A_28 = tpu.matmul %max3A_23, %get3A_26, %dot_general3A_27 {dimension_numbers = #tpu.dot_dimension_numbers<[1], [0], [0], [1], [0, 0, 1, 1], [], []>, transpose_lhs_hint = false} : vector<1000x128xf32>, vector<128x128xf32>, vector<1000x128xf32> -> vector<1000x128xf32>
    %get3A_29 = arith.constant 0 : index
    %get3A_30 = arith.constant 0 : index
    %get3A_31 = vector.load %arg7[%get3A_29, %get3A_30] : memref<1x128xf32, #tpu.memory_space<vmem>>, vector<1x128xf32>
    %add3A_32 = vector.broadcast %get3A_31 : vector<1x128xf32> to vector<1000x128xf32>
    %add3A_33 = arith.addf %dot_general3A_28, %add3A_32 : vector<1000x128xf32>
    %max3A_34 = arith.constant 0.000000e+00 : f32
    %max3A_35 = vector.broadcast %max3A_34 : f32 to vector<1000x128xf32>
    %max3A_36 = arith.maximumf %add3A_33, %max3A_35 : vector<1000x128xf32>
    %swap3A = arith.constant 0 : index
    %swap3A_37 = arith.constant 0 : index
    %swap3A_38 = vector.load %arg8[%swap3A, %swap3A_37] : memref<1000x128xf32, #tpu.memory_space<vmem>>, vector<1000x128xf32>
    tpu.vector_store %arg8[%swap3A, %swap3A_37], %max3A_36 {strides = array<i32>} : memref<1000x128xf32, #tpu.memory_space<vmem>>, vector<1000x128xf32>,
    return
  }
  func.func @transform_0(%arg0: i32) -> (i32, i32) {
    %c0_i32 = arith.constant 0 : i32
    %c0_i32_0 = arith.constant 0 : i32
    return %arg0, %c0_i32 : i32, i32
  }
  func.func @transform_1(%arg0: i32) -> (i32, i32, i32) {
    %c0_i32 = arith.constant 0 : i32
    %c0_i32_0 = arith.constant 0 : i32
    %c0_i32_1 = arith.constant 0 : i32
    return %c0_i32, %arg0, %c0_i32_0 : i32, i32, i32
  }
  func.func @transform_2(%arg0: i32) -> (i32, i32, i32) {
    %c1_i32 = arith.constant 1 : i32
    %c0_i32 = arith.constant 0 : i32
    %c0_i32_0 = arith.constant 0 : i32
    return %c1_i32, %arg0, %c0_i32 : i32, i32, i32
  }
  func.func @transform_3(%arg0: i32) -> (i32, i32) {
    %c0_i32 = arith.constant 0 : i32
    %c0_i32_0 = arith.constant 0 : i32
    %c0_i32_1 = arith.constant 0 : i32
    return %c0_i32, %c0_i32_0 : i32, i32
  }
  func.func @transform_4(%arg0: i32) -> (i32, i32) {
    %c0_i32 = arith.constant 0 : i32
    %c0_i32_0 = arith.constant 0 : i32
    %c0_i32_1 = arith.constant 0 : i32
    return %c0_i32, %c0_i32_0 : i32, i32
  }
  func.func @transform_5(%arg0: i32) -> (i32, i32) {
    %c0_i32 = arith.constant 0 : i32
    %c0_i32_0 = arith.constant 0 : i32
    %c0_i32_1 = arith.constant 0 : i32
    return %c0_i32, %c0_i32_0 : i32, i32
  }
  func.func @transform_6(%arg0: i32) -> (i32, i32) {
    %c0_i32 = arith.constant 0 : i32
    %c0_i32_0 = arith.constant 0 : i32
    %c0_i32_1 = arith.constant 0 : i32
    return %c0_i32, %c0_i32_0 : i32, i32
  }
  func.func @transform_7(%arg0: i32) -> (i32, i32) {
    %c0_i32 = arith.constant 0 : i32
    %c0_i32_0 = arith.constant 0 : i32
    return %arg0, %c0_i32 : i32, i32
  }
}

module attributes {stable_mosaic.version = 14 : i64} {
  func.func @_mlp_pool_body(%arg0: i32, %arg1: memref<1000x128xf32, #tpu.memory_space<vmem>>, %arg2: memref<1x1000x128xf32, #tpu.memory_space<vmem>>, %arg3: memref<1x1000x128xf32, #tpu.memory_space<vmem>>, %arg4: memref<128x128xf32, #tpu.memory_space<vmem>>, %arg5: memref<1x128xf32, #tpu.memory_space<vmem>>, %arg6: memref<128x128xf32, #tpu.memory_space<vmem>>, %arg7: memref<1x128xf32, #tpu.memory_space<vmem>>, %arg8: memref<1000x1xi32, #tpu.memory_space<vmem>>, %arg9: memref<64x128xf32, #tpu.memory_space<vmem>>, %arg10: memref<64x128xf32, #tpu.memory_space<vmem>>, %arg11: memref<64x128xf32, #tpu.memory_space<vmem>>) attributes {dimension_semantics = [#tpu.dimension_semantics<arbitrary>], iteration_bounds = array<i64: 10>, scalar_prefetch = 0 : i64, scratch_operands = 2 : i64, tpu.core_type = #tpu.core_type<tc>, window_params = [{transform_indices = @transform_0, window_bounds = array<i64: 1000, 128>}, {transform_indices = @transform_1, window_bounds = array<i64: 1, 1000, 128>}, {transform_indices = @transform_2, window_bounds = array<i64: 1, 1000, 128>}, {pipeline_mode = #tpu.pipeline_mode<synchronous>, transform_indices = @transform_3, window_bounds = array<i64: 128, 128>}, {pipeline_mode = #tpu.pipeline_mode<synchronous>, transform_indices = @transform_4, window_bounds = array<i64: 1, 128>}, {pipeline_mode = #tpu.pipeline_mode<synchronous>, transform_indices = @transform_5, window_bounds = array<i64: 128, 128>}, {pipeline_mode = #tpu.pipeline_mode<synchronous>, transform_indices = @transform_6, window_bounds = array<i64: 1, 128>}, {transform_indices = @transform_7, window_bounds = array<i64: 1000, 1>}, {pipeline_mode = #tpu.pipeline_mode<synchronous>, transform_indices = @transform_8, window_bounds = array<i64: 64, 128>}]} {
    %get3A = arith.constant 0 : index
    %get3A_0 = arith.constant 0 : index
    %get3A_1 = vector.load %arg1[%get3A, %get3A_0] : memref<1000x128xf32, #tpu.memory_space<vmem>>, vector<1000x128xf32>
    %get3A_2 = arith.constant 0 : index
    %get3A_3 = arith.constant 0 : index
    %get3A_4 = arith.constant 0 : index
    %get3A_5 = vector.load %arg2[%get3A_2, %get3A_3, %get3A_4] : memref<1x1000x128xf32, #tpu.memory_space<vmem>>, vector<1x1000x128xf32>
    %get3A_6 = vector.shape_cast %get3A_5 : vector<1x1000x128xf32> to vector<1000x128xf32>
    %add3A = arith.addf %get3A_1, %get3A_6 : vector<1000x128xf32>
    %get3A_7 = arith.constant 0 : index
    %get3A_8 = arith.constant 0 : index
    %get3A_9 = arith.constant 0 : index
    %get3A_10 = vector.load %arg3[%get3A_7, %get3A_8, %get3A_9] : memref<1x1000x128xf32, #tpu.memory_space<vmem>>, vector<1x1000x128xf32>
    %get3A_11 = vector.shape_cast %get3A_10 : vector<1x1000x128xf32> to vector<1000x128xf32>
    %add3A_12 = arith.addf %add3A, %get3A_11 : vector<1000x128xf32>
    %get3A_13 = arith.constant 0 : index
    %get3A_14 = arith.constant 0 : index
    %get3A_15 = vector.load %arg4[%get3A_13, %get3A_14] : memref<128x128xf32, #tpu.memory_space<vmem>>, vector<128x128xf32>
    %dot_general3A = arith.constant dense<0.000000e+00> : vector<1000x128xf32>
    %dot_general3A_16 = tpu.matmul %add3A_12, %get3A_15, %dot_general3A {dimension_numbers = #tpu.dot_dimension_numbers<[1], [0], [0], [1], [0, 0, 1, 1], [], []>, transpose_lhs_hint = false} : vector<1000x128xf32>, vector<128x128xf32>, vector<1000x128xf32> -> vector<1000x128xf32>
    %get3A_17 = arith.constant 0 : index
    %get3A_18 = arith.constant 0 : index
    %get3A_19 = vector.load %arg5[%get3A_17, %get3A_18] : memref<1x128xf32, #tpu.memory_space<vmem>>, vector<1x128xf32>
    %add3A_20 = vector.broadcast %get3A_19 : vector<1x128xf32> to vector<1000x128xf32>
    %add3A_21 = arith.addf %dot_general3A_16, %add3A_20 : vector<1000x128xf32>
    %max3A = arith.constant 0.000000e+00 : f32
    %max3A_22 = vector.broadcast %max3A : f32 to vector<1000x128xf32>
    %max3A_23 = arith.maximumf %add3A_21, %max3A_22 : vector<1000x128xf32>
    %get3A_24 = arith.constant 0 : index
    %get3A_25 = arith.constant 0 : index
    %get3A_26 = vector.load %arg6[%get3A_24, %get3A_25] : memref<128x128xf32, #tpu.memory_space<vmem>>, vector<128x128xf32>
    %dot_general3A_27 = arith.constant dense<0.000000e+00> : vector<1000x128xf32>
    %dot_general3A_28 = tpu.matmul %max3A_23, %get3A_26, %dot_general3A_27 {dimension_numbers = #tpu.dot_dimension_numbers<[1], [0], [0], [1], [0, 0, 1, 1], [], []>, transpose_lhs_hint = false} : vector<1000x128xf32>, vector<128x128xf32>, vector<1000x128xf32> -> vector<1000x128xf32>
    %get3A_29 = arith.constant 0 : index
    %get3A_30 = arith.constant 0 : index
    %get3A_31 = vector.load %arg7[%get3A_29, %get3A_30] : memref<1x128xf32, #tpu.memory_space<vmem>>, vector<1x128xf32>
    %add3A_32 = vector.broadcast %get3A_31 : vector<1x128xf32> to vector<1000x128xf32>
    %add3A_33 = arith.addf %dot_general3A_28, %add3A_32 : vector<1000x128xf32>
    %max3A_34 = arith.constant 0.000000e+00 : f32
    %max3A_35 = vector.broadcast %max3A_34 : f32 to vector<1000x128xf32>
    %max3A_36 = arith.maximumf %add3A_33, %max3A_35 : vector<1000x128xf32>
    %get3A_37 = arith.constant 0 : index
    %get3A_38 = arith.constant 0 : index
    %get3A_39 = vector.load %arg8[%get3A_37, %get3A_38] : memref<1000x1xi32, #tpu.memory_space<vmem>>, vector<1000x1xi32>
    %iota3A = tpu.iota {dimensions = array<i32: 1>} : vector<1x64xi32>
    %eq3A = vector.broadcast %get3A_39 : vector<1000x1xi32> to vector<1000x64xi32>
    %eq3A_40 = vector.broadcast %iota3A : vector<1x64xi32> to vector<1000x64xi32>
    %eq3A_41 = arith.cmpi eq, %eq3A, %eq3A_40 : vector<1000x64xi32>
    %convert_element_type3A = arith.extui %eq3A_41 : vector<1000x64xi1> to vector<1000x64xi32>
    %convert_element_type3A_42 = arith.sitofp %convert_element_type3A : vector<1000x64xi32> to vector<1000x64xf32>
    %dot_general3A_43 = arith.constant dense<0.000000e+00> : vector<64x128xf32>
    %dot_general3A_44 = tpu.matmul %convert_element_type3A_42, %max3A_36, %dot_general3A_43 {dimension_numbers = #tpu.dot_dimension_numbers<[0], [0], [1], [1], [0, 1, 1, 1], [], []>, transpose_lhs_hint = false} : vector<1000x64xf32>, vector<1000x128xf32>, vector<64x128xf32> -> vector<64x128xf32>
    %broadcast_in_dim3A = arith.constant 1.000000e+00 : f32
    %broadcast_in_dim3A_45 = vector.broadcast %broadcast_in_dim3A : f32 to vector<1000x128xf32>
    %dot_general3A_46 = arith.constant dense<0.000000e+00> : vector<64x128xf32>
    %dot_general3A_47 = tpu.matmul %convert_element_type3A_42, %broadcast_in_dim3A_45, %dot_general3A_46 {dimension_numbers = #tpu.dot_dimension_numbers<[0], [0], [1], [1], [0, 1, 1, 1], [], []>, transpose_lhs_hint = false} : vector<1000x64xf32>, vector<1000x128xf32>, vector<64x128xf32> -> vector<64x128xf32>
    %eq3A_48 = arith.constant 0 : i32
    %eq3A_49 = arith.cmpi eq, %arg0, %eq3A_48 : i32
    %convert_element_type3A_50 = arith.extui %eq3A_49 : i1 to i32
    %cond3A = arith.constant 0 : i32
    %cond3A_51 = arith.cmpi ne, %convert_element_type3A_50, %cond3A : i32
    scf.if %cond3A_51 {
      %broadcast_in_dim3A_70 = arith.constant 0.000000e+00 : f32
      %broadcast_in_dim3A_71 = vector.broadcast %broadcast_in_dim3A_70 : f32 to vector<64x128xf32>
      %swap3A_72 = arith.constant 0 : index
      %swap3A_73 = arith.constant 0 : index
      %swap3A_74 = vector.load %arg10[%swap3A_72, %swap3A_73] : memref<64x128xf32, #tpu.memory_space<vmem>>, vector<64x128xf32>
      tpu.vector_store %arg10[%swap3A_72, %swap3A_73], %broadcast_in_dim3A_71 {strides = array<i32>} : memref<64x128xf32, #tpu.memory_space<vmem>>, vector<64x128xf32>,
      %broadcast_in_dim3A_75 = arith.constant 0.000000e+00 : f32
      %broadcast_in_dim3A_76 = vector.broadcast %broadcast_in_dim3A_75 : f32 to vector<64x128xf32>
      %swap3A_77 = arith.constant 0 : index
      %swap3A_78 = arith.constant 0 : index
      %swap3A_79 = vector.load %arg11[%swap3A_77, %swap3A_78] : memref<64x128xf32, #tpu.memory_space<vmem>>, vector<64x128xf32>
      tpu.vector_store %arg11[%swap3A_77, %swap3A_78], %broadcast_in_dim3A_76 {strides = array<i32>} : memref<64x128xf32, #tpu.memory_space<vmem>>, vector<64x128xf32>,
    } else {
    }
    %get3A_52 = arith.constant 0 : index
    %get3A_53 = arith.constant 0 : index
    %get3A_54 = vector.load %arg10[%get3A_52, %get3A_53] : memref<64x128xf32, #tpu.memory_space<vmem>>, vector<64x128xf32>
    %add3A_55 = arith.addf %get3A_54, %dot_general3A_44 : vector<64x128xf32>
    %swap3A = arith.constant 0 : index
    %swap3A_56 = arith.constant 0 : index
    %swap3A_57 = vector.load %arg10[%swap3A, %swap3A_56] : memref<64x128xf32, #tpu.memory_space<vmem>>, vector<64x128xf32>
    tpu.vector_store %arg10[%swap3A, %swap3A_56], %add3A_55 {strides = array<i32>} : memref<64x128xf32, #tpu.memory_space<vmem>>, vector<64x128xf32>,
    %get3A_58 = arith.constant 0 : index
    %get3A_59 = arith.constant 0 : index
    %get3A_60 = vector.load %arg11[%get3A_58, %get3A_59] : memref<64x128xf32, #tpu.memory_space<vmem>>, vector<64x128xf32>
    %add3A_61 = arith.addf %get3A_60, %dot_general3A_47 : vector<64x128xf32>
    %swap3A_62 = arith.constant 0 : index
    %swap3A_63 = arith.constant 0 : index
    %swap3A_64 = vector.load %arg11[%swap3A_62, %swap3A_63] : memref<64x128xf32, #tpu.memory_space<vmem>>, vector<64x128xf32>
    tpu.vector_store %arg11[%swap3A_62, %swap3A_63], %add3A_61 {strides = array<i32>} : memref<64x128xf32, #tpu.memory_space<vmem>>, vector<64x128xf32>,
    %eq3A_65 = arith.constant 9 : i32
    %eq3A_66 = arith.cmpi eq, %arg0, %eq3A_65 : i32
    %convert_element_type3A_67 = arith.extui %eq3A_66 : i1 to i32
    %cond3A_68 = arith.constant 0 : i32
    %cond3A_69 = arith.cmpi ne, %convert_element_type3A_67, %cond3A_68 : i32
    scf.if %cond3A_69 {
      %get3A_70 = arith.constant 0 : index
      %get3A_71 = arith.constant 0 : index
      %get3A_72 = vector.load %arg10[%get3A_70, %get3A_71] : memref<64x128xf32, #tpu.memory_space<vmem>>, vector<64x128xf32>
      %get3A_73 = arith.constant 0 : index
      %get3A_74 = arith.constant 0 : index
      %get3A_75 = vector.load %arg11[%get3A_73, %get3A_74] : memref<64x128xf32, #tpu.memory_space<vmem>>, vector<64x128xf32>
      %max3A_76 = arith.constant 1.000000e+00 : f32
      %max3A_77 = vector.broadcast %max3A_76 : f32 to vector<64x128xf32>
      %max3A_78 = arith.maximumf %get3A_75, %max3A_77 : vector<64x128xf32>
      %div3A = arith.divf %get3A_72, %max3A_78 : vector<64x128xf32>
      %swap3A_79 = arith.constant 0 : index
      %swap3A_80 = arith.constant 0 : index
      %swap3A_81 = vector.load %arg9[%swap3A_79, %swap3A_80] : memref<64x128xf32, #tpu.memory_space<vmem>>, vector<64x128xf32>
      tpu.vector_store %arg9[%swap3A_79, %swap3A_80], %div3A {strides = array<i32>} : memref<64x128xf32, #tpu.memory_space<vmem>>, vector<64x128xf32>,
    } else {
    }
    return
  }
  func.func @transform_0(%arg0: i32) -> (i32, i32) {
    %c0_i32 = arith.constant 0 : i32
    %c0_i32_0 = arith.constant 0 : i32
    return %arg0, %c0_i32 : i32, i32
  }
  func.func @transform_1(%arg0: i32) -> (i32, i32, i32) {
    %c0_i32 = arith.constant 0 : i32
    %c0_i32_0 = arith.constant 0 : i32
    %c0_i32_1 = arith.constant 0 : i32
    return %c0_i32, %arg0, %c0_i32_0 : i32, i32, i32
  }
  func.func @transform_2(%arg0: i32) -> (i32, i32, i32) {
    %c1_i32 = arith.constant 1 : i32
    %c0_i32 = arith.constant 0 : i32
    %c0_i32_0 = arith.constant 0 : i32
    return %c1_i32, %arg0, %c0_i32 : i32, i32, i32
  }
  func.func @transform_3(%arg0: i32) -> (i32, i32) {
    %c0_i32 = arith.constant 0 : i32
    %c0_i32_0 = arith.constant 0 : i32
    %c0_i32_1 = arith.constant 0 : i32
    return %c0_i32, %c0_i32_0 : i32, i32
  }
  func.func @transform_4(%arg0: i32) -> (i32, i32) {
    %c0_i32 = arith.constant 0 : i32
    %c0_i32_0 = arith.constant 0 : i32
    %c0_i32_1 = arith.constant 0 : i32
    return %c0_i32, %c0_i32_0 : i32, i32
  }
  func.func @transform_5(%arg0: i32) -> (i32, i32) {
    %c0_i32 = arith.constant 0 : i32
    %c0_i32_0 = arith.constant 0 : i32
    %c0_i32_1 = arith.constant 0 : i32
    return %c0_i32, %c0_i32_0 : i32, i32
  }
  func.func @transform_6(%arg0: i32) -> (i32, i32) {
    %c0_i32 = arith.constant 0 : i32
    %c0_i32_0 = arith.constant 0 : i32
    %c0_i32_1 = arith.constant 0 : i32
    return %c0_i32, %c0_i32_0 : i32, i32
  }
  func.func @transform_7(%arg0: i32) -> (i32, i32) {
    %c0_i32 = arith.constant 0 : i32
    %c0_i32_0 = arith.constant 0 : i32
    return %arg0, %c0_i32 : i32, i32
  }
  func.func @transform_8(%arg0: i32) -> (i32, i32) {
    %c0_i32 = arith.constant 0 : i32
    %c0_i32_0 = arith.constant 0 : i32
    %c0_i32_1 = arith.constant 0 : i32
    return %c0_i32, %c0_i32_0 : i32, i32
  }
}

</mosaic_0001>

<sc_bundles>
// kernel: kernel.6.cloned.1.call-start
scs
__scs_entry_jumppad:
0x0: {  	(pc) =	sbr.rel $0x88, $3  }
0x1: {  	(tag) =	ssettag $0x0;
	lr =	simm.s32 $0x1  }
0x2: {  	[smem:$0x3F91] =	sst lr;
	_ =	strace $0xD0000000  }
0x3: {  	_ = 	snop  }
0x4: {  	_ = 	snop  }
0x5: {  	_ = 	snop  }
0x6: {  	_ = 	snop  }
0x7: {  	_ = 	snop  }
__scs_overlays_trampoline_lowered:
0x8: {  	[smem:$0x3FA0] =	sst s0  }
0x9: {  	[smem:$0x3FA1] =	sst s1  }
0xa: {  	[smem:$0x3FA2] =	sst s2  }
0xb: {  	[smem:$0x3FA3] =	sst s3  }
0xc: {  	[smem:$0x3FA4] =	sst s4  }
0xd: {  	[smem:$0x3FA5] =	sst s5  }
0xe: {  	[smem:$0x3FA6] =	sst s6  }
0xf: {  	[smem:$0x3FA7] =	sst s7  }
0x10: {  	[smem:$0x3FA8] =	sst s8  }
0x11: {  	[smem:$0x3FA9] =	sst s9;
	s0 =	simm.s32 @!p0 $0x0  }
0x12: {  	s1 =	sld [smem:$0x3F8F];
	s0 =	simm.s32 @p0 $0x1  }
0x13: {  	[smem:$0x3FAA] =	sst s0;
	s0 =	simm.s32 @!p1 $0x0  }
0x14: {  	s2 =	sld [smem:$0x3F8E];
	s0 =	simm.s32 @p1 $0x1  }
0x15: {  	[smem:$0x3FAB] =	sst s0;
	s0 =	simm.s32 @!p2 $0x0  }
0x16: {  	s3 =	sld [smem:$0x3FDB];
	s0 =	simm.s32 @p2 $0x1  }
0x17: {  	s4 =	simm.s32 $0x1BF5;
	[smem:$0x3FAD] =	sst s0  }
0x18: {  	s0 =	sld [smem:$0x3F90];
	_ =	swait.ge [sflag:s4], $0x0  }
0x19: {  	s7 =	sld [smem:$0x3F91]  }
0x1a: {  	s8 =	sadd.s32 $0xFFFFE003, lr  }
0x1b: {  	s9 =	sadd.s32 $0xFFFFFEF7, lr;
	s5 =	simm.s32 $0xFFFFFFFF;
	p2 =	slt.u32 s8, $0xFFFFF086  }
0x1c: {  	p1 =	slt.u32 s9, $0xF7A;
	s5 =	simm.s32 @!p2 $0x0  }
0x1d: {  	s5 =	simm.s32 @p1 $0x1;
	p0 =	seq.s32 s7, s2  }
0x1e: {  	s7 =	smul.u32 @!p0 $0xF7A, s2;
	p2 =	seq.s32 @!p0 s5, $0x0  }
0x1f: {  	s9 =	smul.u32 $0xF7A, s1;
	s8 =	simm.s32 @!p0 $0x1BF5;
	p2 =	por !p2, p0  }
0x20: {  	[sflag:s8] =	ssyncset.s32 @!p0 $0xFFFFF086;
	s6 =	sadd.s32 @!p0 s3, s7;
	s7 =	simm.s32 @!p0 $0x108  }
0x21: {  	s3 =	sadd.s32 s3, s9;
	s6 =	sadd.s32 @!p0 $0x88, s6;
	s7 =	simm.s32 @p2 $0x1082  }
0x22: {  	[simem:s7], [sflag:s8] =	dma.local @!p0 [hbm:s6], $0xF7A  }
0x23: {  	s9 =	sor.u32 $0xD0000000, s2;
	s6 =	simm.s32 $0x108;
	_ =	swait.ge @!p0 [sflag:s8], $0x0  }
0x24: {  	s3 =	sadd.s32 $0x88, s3;
	s6 =	simm.s32 @!p1 $0x1082;
	[sflag:s4] =	ssyncset.s32 $0xFFFFF086  }
0x25: {  	[simem:s6], [sflag:s4] =	dma.local [hbm:s3], $0xF7A  }
0x26: {  	[smem:$0x3F91] =	sst s1;
	(tag) =	ssettag s2;
	_ =	strace s9  }
0x27: {  	s1 =	sld [smem:$0x3FA1]  }
0x28: {  	s2 =	sld [smem:$0x3FA2]  }
0x29: {  	s4 =	sld [smem:$0x3FA4]  }
0x2a: {  	p0 =	seq.s32 s5, $0x0;
	s5 =	sld [smem:$0x3FA5]  }
0x2b: {  	s6 =	sld [smem:$0x3FA6]  }
0x2c: {  	s7 =	sld [smem:$0x3FA7]  }
0x2d: {  	s3 =	simm.s32 $0x108;
	s8 =	sld [smem:$0x3FA8]  }
0x2e: {  	s3 =	simm.s32 @!p0 $0x1082;
	s9 =	sld [smem:$0x3FA9]  }
0x2f: {  	lr =	sadd.s32 s0, s3;
	s0 =	sld [smem:$0x3FA0]  }
0x30: {  	s3 =	sld [smem:$0x3FA3]  }
0x31: {  	[smem:$0x3FAC] =	sst s10  }
0x32: {  	s10 =	sld [smem:$0x3FAA];
	_ =	sdelay $0x3  }
0x33: {  	p0 =	seq.s32 s10, $0x1;
	s10 =	sld [smem:$0x3FAC];
	_ =	sdelay $0x3  }
0x34: {  	[smem:$0x3FAC] =	sst s10  }
0x35: {  	s10 =	sld [smem:$0x3FAB];
	_ =	sdelay $0x3  }
0x36: {  	p1 =	seq.s32 s10, $0x1;
	s10 =	sld [smem:$0x3FAC];
	_ =	sdelay $0x3  }
0x37: {  	[smem:$0x3FAC] =	sst s10  }
0x38: {  	s10 =	sld [smem:$0x3FAD]  }
0x39: {  	_ = 	snop;
	(pc) =	sbr.ind lr, $3  }
0x3a: {  	_ = 	snop  }
0x3b: {  	_ = 	snop  }
0x3c: {  	p2 =	seq.s32 s10, $0x1;
	s10 =	sld [smem:$0x3FAC]  }
0x3d: {  	_ =	shalt  }
0x3e: {  	_ =	shalt  }
0x3f: {  	_ =	shalt  }
0x40: {  	_ =	shalt  }
0x41: {  	_ =	shalt  }
0x42: {  	_ =	shalt  }
0x43: {  	_ =	shalt  }
0x44: {  	_ =	shalt  }
0x45: {  	_ =	shalt  }
0x46: {  	_ =	shalt  }
0x47: {  	_ =	shalt  }
0x48: {  	_ =	shalt  }
0x49: {  	_ =	shalt  }
0x4a: {  	_ =	shalt  }
0x4b: {  	_ =	shalt  }
0x4c: {  	_ =	shalt  }
0x4d: {  	_ =	shalt  }
0x4e: {  	_ =	shalt  }
0x4f: {  	_ =	shalt  }
0x50: {  	_ =	shalt  }
0x51: {  	_ =	shalt  }
0x52: {  	_ =	shalt  }
0x53: {  	_ =	shalt  }
0x54: {  	_ =	shalt  }
0x55: {  	_ =	shalt  }
0x56: {  	_ =	shalt  }
0x57: {  	_ =	shalt  }
0x58: {  	_ =	shalt  }
0x59: {  	_ =	shalt  }
0x5a: {  	_ =	shalt  }
0x5b: {  	_ =	shalt  }
0x5c: {  	_ =	shalt  }
0x5d: {  	_ =	shalt  }
0x5e: {  	_ =	shalt  }
0x5f: {  	_ =	shalt  }
0x60: {  	_ =	shalt  }
0x61: {  	_ =	shalt  }
0x62: {  	_ =	shalt  }
0x63: {  	_ =	shalt  }
0x64: {  	_ =	shalt  }
0x65: {  	_ =	shalt  }
0x66: {  	_ =	shalt  }
0x67: {  	_ =	shalt  }
0x68: {  	_ =	shalt  }
0x69: {  	_ =	shalt  }
0x6a: {  	_ =	shalt  }
0x6b: {  	_ =	shalt  }
0x6c: {  	_ =	shalt  }
0x6d: {  	_ =	shalt  }
0x6e: {  	_ =	shalt  }
0x6f: {  	_ =	shalt  }
0x70: {  	_ =	shalt  }
0x71: {  	_ =	shalt  }
0x72: {  	_ =	shalt  }
0x73: {  	_ =	shalt  }
0x74: {  	_ =	shalt  }
0x75: {  	_ =	shalt  }
0x76: {  	_ =	shalt  }
0x77: {  	_ =	shalt  }
0x78: {  	_ =	shalt  }
0x79: {  	_ =	shalt  }
0x7a: {  	_ =	shalt  }
0x7b: {  	_ =	shalt  }
0x7c: {  	_ =	shalt  }
0x7d: {  	_ =	shalt  }
0x7e: {  	_ =	shalt  }
0x7f: {  	_ =	shalt  }
0x80: {  	_ =	shalt  }
0x81: {  	_ =	shalt  }
0x82: {  	_ =	shalt  }
0x83: {  	_ =	shalt  }
0x84: {  	_ =	shalt  }
0x85: {  	_ =	shalt  }
0x86: {  	_ =	shalt  }
0x87: {  	_ =	shalt  }
.Lfunc_end0:
.L_simem_size_0:
called_computation_lowered:
.L_overlay_start_0:
0x88: {  	s2 =	sld [smem:$0x3FD9]  }
0x89: {  	s3 =	sld [smem:$0x3FFE];
	_ =	sdelay $0x1  }
0x8a: {  	s1 =	srdreg.scid  }
0x8b: {  	s0 =	sand.u32 $0x1, s1  }
0x8c: {  	s17 =	sshll.u32 s0, $0xA;
	s2 =	sadd.s32 s3, s2  }
0x8d: {  	s2 =	sadd.s32 s2, s17  }
0x8e: {  	[smem:$0x3FB8] =	sst s2  }
0x8f: {  	_ = 	snop  }
0x90: {  	s2 =	sld [smem:$0x3FC9]  }
0x91: {  	s18 =	sld [smem:$0x3FD0];
	(tm) =	ssettm $0x1  }
0x92: {  	s4 =	sld [smem:$0x3FFB];
	_ =	sdelay $0x3  }
0x93: {  	_ =	strace s4  }
0x94: {  	s4 =	sld [smem:$0x3FFC];
	_ =	sdelay $0x3  }
0x95: {  	_ =	strace s4  }
0x96: {  	s4 =	sld [smem:$0x3FFD];
	_ =	sdelay $0x3  }
0x97: {  	_ =	strace s4  }
0x98: {  	_ =	strace $0x8FFFFFFF  }
0x99: {  	s19 =	sld [smem:$0x3FDB];
	_ =	sdelay $0x1  }
0x9a: {  	s5 =	simm.s32 $_scs_section_size  }
0x9b: {  	s6 =	simm.s32 $_size__tile_overlayer_lowered;
	s7 =	simm.s32 $_tile_overlayer_lowered  }
0x9c: {  	s22 =	simm.s32 $0x1BFF;
	s21 =	sshll.u32 s7, $0x1;
	s4 =	sadd.s32 s5, s19  }
0x9d: {  	s8 =	simm.s32 $0x0;
	s20 =	sshll.u32 s6, $0x1;
	s6 =	sadd.s32 s21, s4  }
0x9e: {  	[timem:s8], [sflag:s22] =	dma.local [hbm:s6], s20  }
0x9f: {  	_ =	swait.ge [sflag:s22], s20  }
0xa0: {  	s5 =	ssub.s32 $0x0, s20;
	[sflag:s22] =	ssyncset.done $0x0  }
0xa1: {  	[sflag:s22] =	ssyncadd.s32 s5;
	_ =	sdelay $0x1  }
0xa2: {  	s23 =	simm.s32 $0x1B8B  }
0xa3: {  	_ =	swait.ge [sflag:s23], $0x1  }
0xa4: {  	[sflag:s23] =	ssyncset.done $0x0  }
0xa5: {  	s25 =	simm.s32 $0x1B8E;
	s24 =	sld [smem:$0x3FFE];
	[sflag:s23] =	ssyncadd.s32 $0xFFFFFFFF  }
0xa6: {  	s26 =	simm.s32 $execute0_lowered;
	[smem:$0x3FD2] =	sst s25  }
0xa7: {  	s6 =	sshll.u32 s26, $0x1;
	_ =	strace $0x80000046;
	[dreg:$0x1] =	wrdreg $0xFFFFFFFF  }
0xa8: {  	s28 =	simm.s32 $_size_execute0_lowered;
	s4 =	sadd.s32 s4, s6;
	[dreg:$0x0] =	wrdreg $0x0  }
0xa9: {  	s6 =	sshll.u32 s28, $0x1;
	[dreg:$0x2] =	wrdreg s4  }
0xaa: {  	[dreg:$0x3] =	wrdreg s6  }
0xab: {  	[dreg:$0x4] =	wrdreg $0xC0  }
0xac: {  	_ =	task [dreg:s8], $0x5FFFF  }
0xad: {  	[dreg:$0x1] =	wrdreg $0xFFFFFFFF  }
0xae: {  	[dreg:$0x0] =	wrdreg $0x60  }
0xaf: {  	[dreg:$0x2] =	wrdreg s2  }
0xb0: {  	[dreg:$0x3] =	wrdreg s24  }
0xb1: {  	[dreg:$0x4] =	wrdreg s18  }
0xb2: {  	[dreg:$0x5] =	wrdreg $0x5B000  }
0xb3: {  	[dreg:$0x6] =	wrdreg $0x9  }
0xb4: {  	_ =	task.clear_ibuf [dreg:s8], $0x7FFFF;
	_ =	strace $0x90000046  }
0xb5: {  	s29 =	simm.s32 $0x9;
	_ =	strace $0x80000048  }
0xb6: {  	_ =	swait.ge [sflag:s29], $0x1  }
0xb7: {  	[sflag:s29] =	ssyncadd.s32 $0xFFFFFFFF  }
0xb8: {  	_ =	strace $0x90000048  }
0xb9: {  	_ =	sfence  }
0xba: {  	s30 =	sld [smem:$0x0];
	_ =	sdelay $0x2  }
0xbb: {  	s31 =	sshll.u32 s1, $0xD;
	s1 =	sshrl.u32 s1, $0x2  }
0xbc: {  	s3 =	sand.u32 $0x4000, s31;
	s1 =	sadd.s32 s1, s30  }
0xbd: {  	s0 =	sor.u32 s3, s0;
	s1 =	sshll.u32 s1, $0x11  }
0xbe: {  	s0 =	sor.u32 s1, s0  }
0xbf: {  	s0 =	sadd.s32 $0x8F2B, s0  }
0xc0: {  	[sflag:s0] =	ssyncadd.remote.s32 $0x1  }
0xc1: {  	_ =	sfence.sel $0xFFFF  }
0xc2: {  	[dreg:$0x0] =	wrdreg $0xFFFFFFFF;
	(pc) =	sbr.abs _section_cstart, $3  }
0xc3: {  	[dreg:$0x1] =	wrdreg $0xFFFFFFFF  }
0xc4: {  	_ =	task.clear_ibuf [dreg:s8], $0x2FFFF;
	_ =	strace $0x9FFFFFFF  }
0xc5: {  	(tm) =	ssettm $0x7FFFFFFF  }
tec
execute0_lowered:
.L_overlay_start_1:
0x0: {  	(tag) =	ssettag $0x1  }
0x1: {  	s1 =	rddreg [dreg:$0x0]  }
0x2: {  	s0 =	rddreg [dreg:$0x1]  }
0x3: {  	s3 =	rddreg [dreg:$0x3];
	s2 =	simm.s32 $0x0  }
0x4: {  	s19 =	srdreg.scid;
	s10 =	stileid.u32;
	s16 =	simm.s32 $0x5  }
0x5: {  	s17 =	simm.s32 $0x5300;
	s28 =	simm.s32 $0x2;
	s29 =	simm.s32 $0x3  }
0x6: {  	s30 =	simm.s32 $0x5280;
	[smem:$0x7FF] =	sst s2;
	s18 =	sadd.s32 $0xCA00, s0  }
0x7: {  	s4 =	sadd.s32 $0x2C00, s0;
	s2 =	sand.u32 $0x1, s19;
	s20 =	sadd.s32 $0x16800, s0  }
0x8: {  	s5 =	smul.u32 $0x4E000, s10;
	_ =	strace $0x80000047;
	[dreg:$0x5] =	wrdreg s18  }
0x9: {  	s0 =	sadd.s32 $0x33E00, s0;
	s8 =	smul.u32 $0x13800, s10;
	[dreg:$0x6] =	wrdreg s4  }
0xa: {  	s11 =	sadd.s32 $0x138000, s3;
	p0 =	sne.s32 s10, $0xF;
	[dreg:$0x7] =	wrdreg s20  }
0xb: {  	s21 =	ssub.s32 $0x2, s2;
	s7 =	smul.u32 $0x138800, s2;
	s2 =	sshll.u32 s2, $0x4  }
0xc: {  	[dreg:$0x8] =	wrdreg s11;
	s6 =	sshrl.u32 s21, $0x1;
	s5 =	sshrl.u32 s5, $0x2  }
0xd: {  	s2 =	sor.u32 s10, s2;
	s4 =	ssub.s32 s21, s6;
	s9 =	sadd.s32 s5, s3  }
0xe: {  	s22 =	sadd.s32 s8, s7;
	s23 =	sshrl.u32 s7, $0x3;
	s2 =	smul.u32 $0x2710, s2  }
0xf: {  	s24 =	sshrl.u32 s22, $0x3;
	s25 =	sadd.s32 s0, s23;
	s31 =	smax.u32 s4, $0x1  }
0x10: {  	s22 =	simm.s32 $0x28;
	s23 =	simm.s32 $0x2A00;
	[dreg:$0x9] =	wrdreg s2  }
0x11: {  	s4 =	simm.s32 $0x0;
	s0 =	sadd.s32 s0, s24;
	[dreg:$0xc] =	wrdreg s31  }
0x12: {  	s26 =	sadd.s32 $0x27000, s25;
	s24 =	simm.s32 $0x3E00;
	[dreg:$0xa] =	wrdreg s0  }
0x13: {  	v0 =	vimm.f32 $0.0e+00;
	s25 =	simm.s32 $0x1;
	[dreg:$0xb] =	wrdreg s26;
	s26 =	simm.s32 $0x5200  }
.LBB2_1:
0x14: {  	[dreg:$0xd] =	wrdreg s4  }
0x15: {  	s0 =	rddreg [dreg:$0x2];
	s2 =	simm.s32 $0x0;
	s31 =	simm.s32 $0x2800  }
0x16: {  	[tilespmem:s31], [sflag:$0x5] =	stream.linear.gather [hbm4b:s0+s2], $0x200, $0x38;
	[tilespmem:$0x19380] =	vst v63  }
0x17: {  	_ =	swait.ge [sflag:s16], $0x200  }
0x18: {  	[sflag:s16] =	ssyncset.done $0x0  }
0x19: {  	s0 =	simm.s32 $0x0;
	s2 =	simm.s32 $0x200;
	[sflag:s16] =	ssyncadd.s32 $0xFFFFFE00  }
.LBB2_2:
0x1a: {  	p1 =	sne.s32 s2, $0x1E00;
	[tilespmem:s0+$0x5370] =	vst v0  }
0x1b: {  	[tilespmem:s0+$0x5300] =	vst v0  }
0x1c: {  	[tilespmem:s0+$0x5310] =	vst v0  }
.Ltmp0:
0x1d: {  	[tilespmem:s0+$0x5320] =	vst v0;
	(pc) =	sbr.rel @p1 .LBB2_2-.Ltmp0, $4  }
0x1e: {  	[tilespmem:s0+$0x5330] =	vst v0  }
0x1f: {  	[tilespmem:s0+$0x5340] =	vst v0  }
0x20: {  	[tilespmem:s0+$0x5350] =	vst v0  }
0x21: {  	[tilespmem:s0+$0x5360] =	vst v0;
	s0 =	sshra.s32 s2, $0x2;
	s2 =	sadd.s32 $0x200, s2  }
0x22: {  	[tilespmem:s0+$0x5370] =	vst v0  }
0x23: {  	[tilespmem:s0+$0x5300] =	vst v0  }
0x24: {  	[tilespmem:s0+$0x5310] =	vst v0  }
0x25: {  	[tilespmem:s0+$0x5320] =	vst v0  }
0x26: {  	[tilespmem:s0+$0x5330] =	vst v0  }
0x27: {  	[tilespmem:s0+$0x5340] =	vst v0  }
0x28: {  	[tilespmem:s0+$0x5350] =	vst v0  }
0x29: {  	[tilespmem:s0+$0x5360] =	vst v0;
	s31 =	sadd.s32 $0x0, s9  }
0x2a: {  	[spmem:s31] =	stream.linear.scatter [tilespmem:s17], [sflag:$0x5], $0x800, $0x38;
	[tilespmem:$0x19380] =	vst v63  }
0x2b: {  	s0 =	simm.s32 $0x2000;
	_ =	swait.ge [sflag:s16], $0x800  }
.LBB2_4:
0x2c: {  	s2 =	sshra.s32 s0, $0x2;
	[sflag:s16] =	ssyncset.done $0x0;
	p1 =	sne.s32 s0, $0x4C000  }
.Ltmp1:
0x2d: {  	s2 =	sadd.s32 s2, s9;
	[sflag:s16] =	ssyncadd.s32 $0xFFFFF800;
	(pc) =	sbr.rel @p1 .LBB2_4-.Ltmp1, $3  }
0x2e: {  	[spmem:s2] =	stream.linear.scatter [tilespmem:s17], [sflag:$0x5], $0x800, $0x38;
	[tilespmem:$0x19380] =	vst v63  }
0x2f: {  	s0 =	sadd.s32 $0x2000, s0;
	_ =	sdelay $0x1  }
0x30: {  	_ =	swait.ge [sflag:s16], $0x800  }
0x31: {  	[sflag:s16] =	ssyncset.done $0x0  }
0x32: {  	s0 =	simm.s32 @!p0 $0x5300;
	[sflag:s16] =	ssyncadd.s32 $0xFFFFF800  }
0x33: {  	[spmem:s11] =	stream.linear.scatter @!p0 [tilespmem:s0], [sflag:$0x5], $0x800, $0x38;
	[tilespmem:$0x19380] =	vst v63  }
0x34: {  	s0 =	simm.s32 @!p0 $0x5  }
0x35: {  	_ =	swait.ge @!p0 [sflag:s0], $0x800  }
0x36: {  	[sflag:s0] =	ssyncset.done @!p0 $0x0  }
0x37: {  	[sflag:s0] =	ssyncadd.s32 @!p0 $0xFFFFF800  }
0x38: {  	[bflag:$0x0] =	sbarrier.arrive $0xFFFF  }
0x39: {  	v51 =	vld [tilespmem:$0x2800]  }
0x3a: {  	v62 =	vld [tilespmem:$0x2810]  }
0x3b: {  	v0 =	vld [tilespmem:$0x2830]  }
0x3c: {  	v16 =	vld [tilespmem:$0x29F0]  }
0x3d: {  	v1 =	vld [tilespmem:$0x28F0]  }
0x3e: {  	v9 =	vld [tilespmem:$0x2980]  }
0x3f: {  	v10 =	vld [tilespmem:$0x2990]  }
0x40: {  	v11 =	vld [tilespmem:$0x29A0];
	[tilespmem:$0x1FE70] =	vst v0  }
0x41: {  	v12 =	vld [tilespmem:$0x29B0];
	[tilespmem:$0x1FE90] =	vst v16  }
0x42: {  	v13 =	vld [tilespmem:$0x29C0];
	[tilespmem:$0x1FEA0] =	vst v1  }
0x43: {  	v14 =	vld [tilespmem:$0x29D0];
	[tilespmem:$0x1FEB0] =	vst v9  }
0x44: {  	v15 =	vld [tilespmem:$0x29E0];
	[tilespmem:$0x1FEC0] =	vst v10  }
0x45: {  	v3 =	vld [tilespmem:$0x2910];
	[tilespmem:$0x1FED0] =	vst v11  }
0x46: {  	v5 =	vld [tilespmem:$0x2930];
	[tilespmem:$0x1FEE0] =	vst v12  }
0x47: {  	v7 =	vld [tilespmem:$0x2950];
	[tilespmem:$0x1FEF0] =	vst v13  }
0x48: {  	v2 =	vld [tilespmem:$0x2900];
	[tilespmem:$0x1FF00] =	vst v14  }
0x49: {  	v4 =	vld [tilespmem:$0x2920];
	[tilespmem:$0x1FF10] =	vst v15  }
0x4a: {  	v6 =	vld [tilespmem:$0x2940];
	[tilespmem:$0x1FF20] =	vst v3  }
0x4b: {  	v8 =	vld [tilespmem:$0x2960];
	[tilespmem:$0x1FF30] =	vst v5  }
0x4c: {  	v21 =	vld [tilespmem:$0x2850];
	[tilespmem:$0x1FF40] =	vst v7  }
0x4d: {  	v26 =	vld [tilespmem:$0x2870];
	[tilespmem:$0x1FF50] =	vst v2  }
0x4e: {  	v27 =	vld [tilespmem:$0x2890];
	[tilespmem:$0x1FF60] =	vst v4  }
0x4f: {  	v63 =	vld [tilespmem:$0x2820];
	[tilespmem:$0x1FF70] =	vst v6  }
0x50: {  	v20 =	vld [tilespmem:$0x2840];
	[tilespmem:$0x1FF80] =	vst v8  }
0x51: {  	v25 =	vld [tilespmem:$0x2860];
	[tilespmem:$0x1FF90] =	vst v21  }
0x52: {  	v24 =	vld [tilespmem:$0x2880];
	[tilespmem:$0x1FFA0] =	vst v26  }
0x53: {  	v0 =	vld [tilespmem:$0x2970];
	[tilespmem:$0x1FFB0] =	vst v27  }
0x54: {  	v29 =	vld [tilespmem:$0x28A0];
	[tilespmem:$0x1FFC0] =	vst v51  }
0x55: {  	v30 =	vld [tilespmem:$0x28B0];
	[tilespmem:$0x1FFD0] =	vst v62  }
0x56: {  	v31 =	vld [tilespmem:$0x28C0];
	[tilespmem:$0x1FFE0] =	vst v63  }
0x57: {  	v32 =	vld [tilespmem:$0x28D0];
	[tilespmem:$0x1FFF0] =	vst v24  }
0x58: {  	s2 =	simm.s32 $0x0;
	v19 =	vld [tilespmem:$0x28E0];
	[tilespmem:$0x1FE80] =	vst v0  }
.LBB2_6:
0x59: {  	s0 =	smul.u32 $0x7D0, s2  }
0x5a: {  	s13 =	rddreg [dreg:$0x9]  }
0x5b: {  	s0 =	sadd.s32 s13, s0  }
0x5c: {  	s14 =	rddreg [dreg:$0x5];
	s0 =	sshrl.u32 s0, $0x3  }
0x5d: {  	[dreg:$0xe] =	wrdreg s2;
	s5 =	simm.s32 $0x0;
	s2 =	sadd.s32 s14, s0  }
0x5e: {  	[tilespmem:s5], [sflag:$0x5] =	stream.linear.gather [hbm4b:s2+s5], $0x7D0, $0x38;
	[tilespmem:$0x19380] =	vst v63  }
0x5f: {  	_ =	swait.ge [sflag:s16], $0x7D0  }
0x60: {  	[sflag:s16] =	ssyncset.done $0x0;
	s15 =	rddreg [dreg:$0x6]  }
0x61: {  	s4 =	simm.s32 $0x800;
	[sflag:s16] =	ssyncadd.s32 $0xFFFFF830;
	s2 =	sadd.s32 s15, s0  }
0x62: {  	[tilespmem:s4], [sflag:$0x5] =	stream.linear.gather [hbm4b:s2+s5], $0x7D0, $0x38;
	[tilespmem:$0x19380] =	vst v63  }
0x63: {  	_ =	swait.ge [sflag:s16], $0x7D0  }
0x64: {  	[sflag:s16] =	ssyncset.done $0x0;
	s18 =	rddreg [dreg:$0x7]  }
0x65: {  	s19 =	simm.s32 $0x1000;
	[sflag:s16] =	ssyncadd.s32 $0xFFFFF830;
	s0 =	sadd.s32 s18, s0  }
0x66: {  	[tilespmem:s19], [sflag:$0x5] =	stream.linear.gather [hbm4b:s0+s5], $0x7D0, $0x38;
	[tilespmem:$0x19380] =	vst v63  }
0x67: {  	_ =	swait.ge [sflag:s16], $0x7D0  }
0x68: {  	[sflag:s16] =	ssyncset.done $0x0  }
0x69: {  	s21 =	simm.s32 $0x1800;
	s20 =	sadd.s32 $0x9C40, s0;
	[sflag:s16] =	ssyncadd.s32 $0xFFFFF830  }
0x6a: {  	[tilespmem:s21], [sflag:$0x5] =	stream.linear.gather [hbm4b:s20+s5], $0x7D0, $0x38;
	[tilespmem:$0x19380] =	vst v63  }
0x6b: {  	s31 =	simm.s32 $0x2000;
	s12 =	simm.s32 $0x1001;
	_ =	swait.ge [sflag:s16], $0x7D0  }
0x6c: {  	s10 =	simm.s32 $0x1029;
	s13 =	simm.s32 $0x2029;
	[sflag:s16] =	ssyncset.done $0x0  }
0x6d: {  	s14 =	simm.s32 $0x1829;
	s0 =	sadd.s32 $0x13880, s0;
	[sflag:s16] =	ssyncadd.s32 $0xFFFFF830  }
0x6e: {  	[tilespmem:s31], [sflag:$0x5] =	stream.linear.gather [hbm4b:s0+s5], $0x7D0, $0x38;
	[tilespmem:$0x19380] =	vst v63  }
0x6f: {  	s15 =	simm.s32 $0x2001;
	s2 =	simm.s32 $0x1801;
	_ =	swait.ge [sflag:s16], $0x7D0  }
0x70: {  	s18 =	simm.s32 $0x183D;
	s19 =	simm.s32 $0x103D;
	[sflag:s16] =	ssyncset.done $0x0  }
0x71: {  	s20 =	simm.s32 $0x0;
	s0 =	simm.s32 $0x203D;
	[sflag:s16] =	ssyncadd.s32 $0xFFFFF830  }
0x72: {  	[tilespmem:s23], [sflag:$0x1] =	stream.indirect.gather [hbm4b:s1+s22], $0x80, s5, s22, $0xb8;
	[tilespmem:$0x19380] =	vst v63  }
.LBB2_7:
0x73: {  	p1 =	seq.s32 s20, $0x0  }
0x74: {  	s4 =	simm.s32 @!p1 $0x4  }
0x75: {  	s21 =	smul.u32 $0x50, s20;
	_ =	swait.ge @!p1 [sflag:s4], $0x1400  }
0x76: {  	[sflag:s4] =	ssyncset.done @!p1 $0x0  }
0x77: {  	s6 =	sadd.s32 $0x28, s21;
	[sflag:s4] =	ssyncadd.s32 @!p1 $0xFFFFEC00  }
0x78: {  	[tilespmem:s24], [sflag:$0x2] =	stream.indirect.gather [hbm4b:s1+s22], $0x80, s6, s22, $0xb8;
	[tilespmem:$0x19380] =	vst v63  }
0x79: {  	_ =	swait.ge [sflag:s25], $0x1400  }
0x7a: {  	[sflag:s25] =	ssyncset.done $0x0  }
0x7b: {  	[sflag:s25] =	ssyncadd.s32 $0xFFFFEC00  }
0x7c: {  	v33 =	vld.msk [tilespmem:s12+$0x0 ss:$0x0], $0xffff  }
0x7d: {  	v34 =	vld.msk [tilespmem:s12+$0xFFFFFFFF ss:$0x0], $0xffff  }
0x7e: {  	v17 =	vld [tilespmem:$0x1FE70]  }
0x7f: {  	v35 =	vld.msk [tilespmem:s2+$0x0 ss:$0x0], $0xffff;
	_ =	sdelay $0x1  }
0x80: {  	v40 =	vld.msk [tilespmem:s15+$0x0 ss:$0x0], $0xffff;
	v36 =	vmul.f32 v33, v51  }
0x81: {  	v37 =	vmul.f32 v33, v26;
	v38 =	vmul.f32 v34, v51  }
0x82: {  	v39 =	vmul.f32 v34, v62;
	v41 =	vmul.f32 v34, v63  }
0x83: {  	v42 =	vmul.f32 v35, v1;
	v43 =	vmul.f32 v34, v17  }
0x84: {  	v44 =	vmul.f32 v34, v20;
	v47 =	vmul.f32 v34, v21  }
0x85: {  	v46 =	vld.msk [tilespmem:s2+$0xFFFFFFFF ss:$0x0], $0xffff;
	v59 =	vmul.f32 v40, v0;
	v48 =	vmul.f32 v34, v25  }
0x86: {  	v34 =	vmul.f32 v34, v26;
	v49 =	vmul.f32 v33, v62  }
0x87: {  	v50 =	vmul.f32 v33, v63;
	v60 =	vmul.f32 v33, v17  }
0x88: {  	v61 =	vmul.f32 v33, v20;
	v52 =	vmul.f32 v33, v21;
	v37 =	vadd.f32 v37, v16  }
0x89: {  	v33 =	vmul.f32 v33, v25;
	v38 =	vadd.f32 v38, v9;
	v39 =	vadd.f32 v39, v10  }
0x8a: {  	v62 =	vmul.f32 v46, v24;
	v41 =	vadd.f32 v41, v11;
	v43 =	vadd.f32 v43, v12  }
0x8b: {  	v63 =	vmul.f32 v46, v27;
	v44 =	vadd.f32 v44, v13;
	v47 =	vadd.f32 v47, v14  }
0x8c: {  	v58 =	vld.msk [tilespmem:s15+$0xFFFFFFFF ss:$0x0], $0xffff;
	v54 =	vmul.f32 v46, v29;
	v48 =	vadd.f32 v48, v15;
	v34 =	vadd.f32 v34, v16  }
0x8d: {  	v55 =	vmul.f32 v46, v30;
	v36 =	vadd.f32 v36, v9;
	v49 =	vadd.f32 v49, v10  }
0x8e: {  	v56 =	vmul.f32 v46, v31;
	v50 =	vadd.f32 v50, v11;
	v51 =	vadd.f32 v61, v13  }
0x8f: {  	v9 =	vadd.f32 v52, v14;
	v10 =	vmul.f32 v46, v32;
	v11 =	vmul.f32 v46, v19  }
0x90: {  	v57 =	vadd.f32 v33, v15;
	v13 =	vmul.f32 v35, v30;
	v14 =	vmul.f32 v35, v32  }
0x91: {  	v61 =	vmul.f32 v58, v2;
	v15 =	vmul.f32 v58, v3;
	v37 =	vadd.f32 v42, v37  }
0x92: {  	v33 =	vmul.f32 v40, v2;
	v42 =	vadd.f32 v60, v12;
	v38 =	vadd.f32 v62, v38  }
0x93: {  	v17 =	vmovc v0;
	v0 =	vadd.f32 v63, v39;
	v39 =	vmul.f32 v46, v1;
	v1 =	vmul.f32 v35, v24  }
0x94: {  	s7 =	simm.s32 $0x2A80;
	v41 =	vadd.f32 v54, v41;
	v12 =	vmul.f32 v35, v27;
	v44 =	vadd.f32 v56, v44  }
0x95: {  	v45 =	vld [tilespmem:s7+$0x70];
	v60 =	vmul.f32 v35, v31;
	v47 =	vadd.f32 v10, v47;
	v48 =	vadd.f32 v11, v48  }
0x96: {  	v37 =	vadd.f32 v59, v37;
	v59 =	vmul.f32 v35, v29;
	v39 =	vadd.f32 v39, v34  }
0x97: {  	v52 =	vld [tilespmem:s7+$0xFFFFFFC0];
	v35 =	vmul.f32 v35, v19;
	v46 =	vadd.f32 v1, v36;
	v42 =	vadd.f32 v13, v42  }
0x98: {  	v10 =	vld [tilespmem:s7+$0xFFFFFF90];
	v36 =	vmul.f32 v58, v4;
	v53 =	vadd.f32 v60, v51;
	v1 =	vadd.f32 v14, v9  }
0x99: {  	v11 =	vld [tilespmem:s7+$0xFFFFFFA0];
	v61 =	vadd.f32 v61, v38;
	v13 =	vmul.f32 v58, v7;
	v14 =	vmul.f32 v58, v8  }
0x9a: {  	v63 =	vld [tilespmem:s7+$0xFFFFFFB0];
	v62 =	vadd.f32 v15, v0;
	v15 =	vmul.f32 v58, v17;
	v37 =	vadd.f32 v45, v37  }
0x9b: {  	v34 =	vld [tilespmem:s7+$0xFFFFFFD0];
	v9 =	vmul.f32 v40, v3;
	v54 =	vadd.f32 v59, v50;
	v45 =	vadd.f32 v35, v57  }
0x9c: {  	v38 =	vld [tilespmem:s7+$0x10];
	v50 =	vmul.f32 v58, v5;
	v51 =	vadd.f32 v36, v41;
	v60 =	vadd.f32 v13, v47  }
0x9d: {  	v35 =	vld [tilespmem:s7+$0xFFFFFFE0];
	v57 =	vadd.f32 v14, v48;
	v14 =	vmul.f32 v40, v5;
	v59 =	vadd.f32 v15, v39  }
0x9e: {  	v13 =	vld [tilespmem:s7+$0xFFFFFF80];
	v46 =	vadd.f32 v33, v46;
	v33 =	vmul.f32 v40, v7;
	v18 =	vmax.f32 v37, $0.0e+00  }
0x9f: {  	v36 =	vld [tilespmem:s7+$0xFFFFFFF0];
	v37 =	vadd.f32 v55, v43;
	v43 =	vadd.f32 v12, v49;
	v12 =	vmul.f32 v58, v6  }
0xa0: {  	v15 =	vmul.f32 v40, v6;
	v39 =	vld [tilespmem:s7+$0x20];
	v56 =	vadd.f32 v33, v1;
	v41 =	vadd.f32 v11, v51  }
0xa1: {  	v48 =	vld [tilespmem:s7+$0x50];
	v49 =	vadd.f32 v50, v37;
	v58 =	vadd.f32 v12, v44;
	v12 =	vmul.f32 v40, v4  }
0xa2: {  	v37 =	vld [tilespmem:s7+$0x0];
	v50 =	vadd.f32 v9, v43;
	v40 =	vmul.f32 v40, v8;
	v43 =	vadd.f32 v14, v42  }
0xa3: {  	v42 =	vld [tilespmem:s7+$0x30];
	v61 =	vadd.f32 v61, v13;
	v47 =	vadd.f32 v12, v54  }
0xa4: {  	s11 =	simm.s32 $0x0;
	s31 =	sadd.s32 $0x2, s12;
	v44 =	vld [tilespmem:s7+$0x40];
	v54 =	vadd.f32 v15, v53;
	v55 =	vadd.f32 v40, v45  }
0xa5: {  	s5 =	smov.u32 s2;
	s8 =	simm.s32 $0x2A80;
	s4 =	smov.u32 s15;
	[tilespmem:s7+$0x70] =	vst v18;
	v45 =	vadd.f32 v62, v10;
	v40 =	vadd.f32 v63, v49;
	v49 =	vld [tilespmem:s7+$0x60]  }
.LBB2_8:
0xa6: {  	v0 =	vld.msk [tilespmem:s31+$0x0 ss:$0x0], $0xffff  }
0xa7: {  	v53 =	vld.msk [tilespmem:s31+$0xFFFFFFFF ss:$0x0], $0xffff  }
0xa8: {  	v2 =	vld [tilespmem:$0x1FFD0]  }
0xa9: {  	v3 =	vld [tilespmem:$0x1FFE0]  }
0xaa: {  	v5 =	vld [tilespmem:$0x1FE90]  }
0xab: {  	v13 =	vld [tilespmem:$0x1FEA0];
	v33 =	vadd.f32 v52, v58  }
0xac: {  	v18 =	vld [tilespmem:$0x1FE80];
	v51 =	vmax.f32 v61, $0.0e+00;
	v34 =	vadd.f32 v34, v60;
	v35 =	vadd.f32 v35, v57  }
0xad: {  	v8 =	vld [tilespmem:$0x1FEC0];
	v45 =	vmax.f32 v45, $0.0e+00;
	v36 =	vadd.f32 v36, v59;
	v37 =	vadd.f32 v46, v37  }
0xae: {  	s5 =	sadd.s32 $0x2, s5;
	v9 =	vld [tilespmem:$0x1FED0];
	v41 =	vmax.f32 v41, $0.0e+00;
	[tilespmem:s7+$0xFFFFFF80] =	vst v51;
	v46 =	vadd.f32 v50, v38;
	v47 =	vadd.f32 v39, v47  }
0xaf: {  	v15 =	vmax.f32 v40, $0.0e+00;
	[tilespmem:s7+$0xFFFFFF90] =	vst v45;
	v57 =	vld.msk [tilespmem:s5+$0x0 ss:$0x0], $0xffff;
	v43 =	vadd.f32 v42, v43;
	v45 =	vadd.f32 v44, v54  }
0xb0: {  	v58 =	vld.msk [tilespmem:s5+$0xFFFFFFFF ss:$0x0], $0xffff;
	[tilespmem:s7+$0xFFFFFFA0] =	vst v41;
	v1 =	vadd.f32 v48, v56;
	v60 =	vmul.f32 v0, v26;
	v63 =	vmul.f32 v53, v2  }
0xb1: {  	s4 =	sadd.s32 $0x2, s4;
	[tilespmem:s7+$0xFFFFFFB0] =	vst v15;
	v41 =	vadd.f32 v49, v55;
	v59 =	vld [tilespmem:$0x1FFC0];
	v12 =	vmul.f32 v53, v20;
	v55 =	vmul.f32 v53, v21  }
0xb2: {  	v50 =	vld.msk [tilespmem:s4+$0x0 ss:$0x0], $0xffff;
	v7 =	vmul.f32 v53, v25;
	v42 =	vmul.f32 v53, v26;
	v33 =	vmax.f32 v33, $0.0e+00;
	[tilespmem:$0x1FE60] =	vst v1  }
0xb3: {  	v54 =	vld.msk [tilespmem:s4+$0xFFFFFFFF ss:$0x0], $0xffff;
	v52 =	vmax.f32 v34, $0.0e+00;
	v56 =	vmax.f32 v35, $0.0e+00;
	v61 =	vmax.f32 v36, $0.0e+00;
	[tilespmem:s7+$0xFFFFFFC0] =	vst v33  }
0xb4: {  	v6 =	vld [tilespmem:$0x1FEB0];
	v10 =	vmax.f32 v37, $0.0e+00;
	v37 =	vmul.f32 v53, v3;
	[tilespmem:s7+$0xFFFFFFD0] =	vst v52;
	v35 =	vadd.f32 v60, v5  }
0xb5: {  	v1 =	vld [tilespmem:$0x1FE70];
	[tilespmem:s7+$0xFFFFFFE0] =	vst v56;
	v56 =	vadd.f32 v63, v8;
	v60 =	vmul.f32 v0, v3;
	v63 =	vmul.f32 v0, v20  }
0xb6: {  	s7 =	sadd.s32 $0x100, s7;
	[tilespmem:s8+$0x0] =	vst v10;
	v10 =	vld [tilespmem:$0x1FEE0];
	v5 =	vadd.f32 v42, v5;
	v38 =	vmul.f32 v0, v59;
	v11 =	vmul.f32 v57, v13  }
0xb7: {  	[tilespmem:s8+$0xFFFFFFF0] =	vst v61;
	v14 =	vld [tilespmem:s7+$0x70];
	v61 =	vadd.f32 v37, v9;
	v62 =	vmul.f32 v53, v59;
	v4 =	vmul.f32 v50, v18  }
0xb8: {  	v59 =	vmul.f32 v0, v2;
	v49 =	vmul.f32 v58, v24;
	v15 =	vadd.f32 v11, v35  }
0xb9: {  	v48 =	vmul.f32 v58, v27;
	v60 =	vadd.f32 v60, v9;
	v33 =	vmul.f32 v58, v31;
	v11 =	vld [tilespmem:$0x1FEF0]  }
0xba: {  	v16 =	vmul.f32 v57, v31;
	v36 =	vmul.f32 v53, v1;
	v35 =	vadd.f32 v4, v15  }
0xbb: {  	v44 =	vadd.f32 v62, v6;
	v62 =	vmul.f32 v0, v1;
	v59 =	vadd.f32 v59, v8  }
0xbc: {  	v8 =	vmul.f32 v58, v30;
	v2 =	vadd.f32 v36, v10;
	v37 =	vadd.f32 v14, v35;
	v14 =	vld [tilespmem:$0x1FF10]  }
0xbd: {  	v9 =	vmul.f32 v57, v32;
	v6 =	vadd.f32 v38, v6;
	v62 =	vadd.f32 v62, v10  }
0xbe: {  	v2 =	vadd.f32 v8, v2;
	v8 =	vmul.f32 v57, v30;
	v3 =	vadd.f32 v12, v11;
	v12 =	vld [tilespmem:$0x1FF00]  }
0xbf: {  	v1 =	vmul.f32 v0, v21;
	v56 =	vadd.f32 v48, v56;
	v10 =	vadd.f32 v49, v44  }
0xc0: {  	v23 =	vmovc v21;
	v0 =	vmul.f32 v0, v25;
	v63 =	vadd.f32 v63, v11;
	v8 =	vadd.f32 v8, v62  }
0xc1: {  	v28 =	vmovc v20;
	v20 =	vld [tilespmem:$0x1FF80];
	v11 =	vmul.f32 v58, v32;
	v3 =	vadd.f32 v33, v3;
	v4 =	vadd.f32 v7, v14  }
0xc2: {  	v22 =	vmovc v31;
	v51 =	vld [tilespmem:s7+$0xFFFFFF90];
	v7 =	vmul.f32 v58, v29;
	v0 =	vadd.f32 v0, v14;
	v14 =	vmul.f32 v57, v29  }
0xc3: {  	v31 =	vmovc v30;
	v21 =	vld [tilespmem:$0x1FF20];
	v55 =	vadd.f32 v55, v12;
	v1 =	vadd.f32 v1, v12;
	v12 =	vmul.f32 v58, v19  }
0xc4: {  	v30 =	vmovc v26;
	v26 =	vld [tilespmem:$0x1FF60];
	v16 =	vadd.f32 v16, v63;
	v58 =	vmul.f32 v58, v13;
	v13 =	vmul.f32 v57, v24  }
0xc5: {  	v33 =	vmovc v19;
	v63 =	vld [tilespmem:$0x1FF70];
	v7 =	vadd.f32 v7, v61;
	v61 =	vmul.f32 v57, v27;
	v57 =	vmul.f32 v57, v19  }
0xc6: {  	v19 =	vmovc v32;
	v32 =	vmovc v27;
	v27 =	vmov v24;
	v24 =	vld [tilespmem:$0x1FF50];
	v14 =	vadd.f32 v14, v60;
	v11 =	vadd.f32 v11, v55  }
0xc7: {  	v15 =	vmax.f32 v37, $0.0e+00;
	v60 =	vld [tilespmem:$0x1FF30];
	v4 =	vadd.f32 v12, v4;
	v5 =	vadd.f32 v58, v5  }
0xc8: {  	v40 =	vld [tilespmem:s7+$0xFFFFFFA0];
	v12 =	vmul.f32 v54, v21;
	v6 =	vadd.f32 v13, v6;
	v1 =	vadd.f32 v9, v1  }
0xc9: {  	v13 =	vmul.f32 v54, v26;
	v55 =	vadd.f32 v61, v59;
	v0 =	vadd.f32 v57, v0;
	v57 =	vld [tilespmem:$0x1FF40]  }
0xca: {  	v39 =	vld [tilespmem:s7+$0x20];
	v59 =	vmul.f32 v54, v63;
	v63 =	vmul.f32 v50, v63;
	v61 =	vmax.f32 v45, $0.0e+00  }
0xcb: {  	v42 =	vld [tilespmem:s7+$0x30];
	v7 =	vadd.f32 v13, v7;
	v13 =	vmul.f32 v50, v21;
	v17 =	vmul.f32 v54, v24  }
0xcc: {  	v53 =	vld [tilespmem:s7+$0xFFFFFFB0];
	v12 =	vadd.f32 v12, v56;
	v58 =	vmul.f32 v54, v60;
	v56 =	vmul.f32 v50, v24  }
0xcd: {  	v38 =	vld [tilespmem:s7+$0x10];
	v24 =	vmovc v27;
	v27 =	vmovc v32;
	v32 =	vmov v19;
	v19 =	vmov v33;
	v33 =	vmul.f32 v50, v26  }
0xce: {  	v48 =	vld [tilespmem:s7+$0x50];
	v62 =	vmul.f32 v50, v60;
	v9 =	vadd.f32 v17, v10;
	v10 =	vmul.f32 v54, v57  }
0xcf: {  	v44 =	vld [tilespmem:s7+$0x40];
	v45 =	vadd.f32 v12, v51;
	v17 =	vmul.f32 v54, v20;
	v54 =	vmul.f32 v54, v18  }
0xd0: {  	[tilespmem:s7+$0x70] =	vst v15;
	v15 =	vld [tilespmem:s7+$0xFFFFFF80];
	v2 =	vadd.f32 v58, v2;
	v60 =	vadd.f32 v10, v11;
	v11 =	vmax.f32 v47, $0.0e+00  }
0xd1: {  	s11 =	sadd.s32 $0x2, s11;
	v47 =	vadd.f32 v33, v14;
	v33 =	vmax.f32 v43, $0.0e+00;
	v43 =	vadd.f32 v62, v8;
	v62 =	vld [tilespmem:$0x1FE60]  }
0xd2: {  	p1 =	slt.u32 s11, $0x26;
	v49 =	vld [tilespmem:s7+$0x60];
	[tilespmem:s8+$0x40] =	vst v61;
	v58 =	vadd.f32 v59, v3;
	v3 =	vmul.f32 v50, v57;
	v10 =	vmax.f32 v46, $0.0e+00  }
.Ltmp2:
0xd3: {  	v37 =	vld [tilespmem:s7+$0x0];
	v18 =	vmul.f32 v50, v20;
	v50 =	vadd.f32 v13, v55;
	v57 =	vadd.f32 v17, v4;
	[tilespmem:s8+$0x10] =	vst v10;
	(pc) =	sbr.rel @p1 .LBB2_8-.Ltmp2, $4  }
0xd4: {  	v52 =	vld [tilespmem:s7+$0xFFFFFFC0];
	v21 =	vmov v23;
	v59 =	vadd.f32 v54, v5;
	v46 =	vadd.f32 v56, v6;
	[tilespmem:s8+$0x20] =	vst v11  }
0xd5: {  	v34 =	vld [tilespmem:s7+$0xFFFFFFD0];
	v26 =	vmovc v30;
	v54 =	vadd.f32 v63, v16;
	v56 =	vadd.f32 v3, v1;
	v63 =	vmax.f32 v41, $0.0e+00;
	[tilespmem:s8+$0x30] =	vst v33  }
0xd6: {  	v36 =	vld [tilespmem:s7+$0xFFFFFFF0];
	v30 =	vmovc v31;
	v55 =	vadd.f32 v18, v0;
	v61 =	vadd.f32 v9, v15;
	[tilespmem:s8+$0x60] =	vst v63;
	v0 =	vmax.f32 v62, $0.0e+00  }
0xd7: {  	s31 =	sadd.s32 $0x2, s31;
	v35 =	vld [tilespmem:s7+$0xFFFFFFE0];
	v31 =	vmovc v22;
	v20 =	vmov v28;
	v41 =	vadd.f32 v40, v7;
	v40 =	vadd.f32 v53, v2;
	[tilespmem:s8+$0x50] =	vst v0;
	s8 =	smov.u32 s7  }
0xd8: {  	v0 =	vmax.f32 v61, $0.0e+00  }
0xd9: {  	v18 =	vmax.f32 v45, $0.0e+00;
	[tilespmem:s7+$0xFFFFFF80] =	vst v0  }
0xda: {  	v45 =	vadd.f32 v50, v38;
	[tilespmem:s7+$0xFFFFFF90] =	vst v18;
	v33 =	vmax.f32 v41, $0.0e+00  }
0xdb: {  	v50 =	vadd.f32 v44, v54;
	v2 =	vadd.f32 v34, v60;
	[tilespmem:s7+$0xFFFFFFA0] =	vst v33;
	v34 =	vmax.f32 v40, $0.0e+00  }
0xdc: {  	v41 =	vadd.f32 v46, v37;
	v46 =	vadd.f32 v39, v47;
	v0 =	vmax.f32 v45, $0.0e+00;
	[tilespmem:s7+$0xFFFFFFB0] =	vst v34  }
0xdd: {  	v54 =	vadd.f32 v49, v55;
	v47 =	vadd.f32 v42, v43;
	v55 =	vmax.f32 v50, $0.0e+00;
	[tilespmem:s8+$0x10] =	vst v0  }
0xde: {  	v1 =	vadd.f32 v52, v58;
	v52 =	vadd.f32 v48, v56;
	v51 =	vmax.f32 v46, $0.0e+00;
	[tilespmem:s8+$0x40] =	vst v55  }
0xdf: {  	v53 =	vmax.f32 v47, $0.0e+00;
	[tilespmem:s8+$0x20] =	vst v51  }
0xe0: {  	v56 =	vmax.f32 v52, $0.0e+00;
	[tilespmem:s8+$0x30] =	vst v53  }
0xe1: {  	v3 =	vadd.f32 v35, v57;
	v35 =	vmax.f32 v1, $0.0e+00;
	[tilespmem:s8+$0x50] =	vst v56  }
0xe2: {  	v40 =	vmax.f32 v2, $0.0e+00;
	[tilespmem:s7+$0xFFFFFFC0] =	vst v35  }
0xe3: {  	v2 =	vmax.f32 v41, $0.0e+00;
	[tilespmem:s7+$0xFFFFFFD0] =	vst v40  }
0xe4: {  	v36 =	vadd.f32 v36, v59;
	v57 =	vmax.f32 v54, $0.0e+00;
	[tilespmem:s8+$0x0] =	vst v2  }
0xe5: {  	[tilespmem:s8+$0x60] =	vst v57;
	v3 =	vmax.f32 v3, $0.0e+00  }
0xe6: {  	v1 =	vmax.f32 v36, $0.0e+00;
	[tilespmem:s7+$0xFFFFFFE0] =	vst v3  }
0xe7: {  	[tilespmem:s8+$0xFFFFFFF0] =	vst v1  }
0xe8: {  	v0 =	vld [tilespmem:s21+$0x800];
	_ =	sdelay $0x4  }
0xe9: {  	[tilespmem:$0x5200] =	vst v0  }
0xea: {  	v0 =	vld [tilespmem:s21+$0x810];
	_ =	sdelay $0x4  }
0xeb: {  	[tilespmem:$0x5210] =	vst v0  }
0xec: {  	v0 =	vld [tilespmem:s21+$0x818];
	_ =	sdelay $0x4  }
0xed: {  	[tilespmem:$0x5218] =	vst v0  }
0xee: {  	[spmem:s3] =	stream.indirect.scatter.add.f32 [tilespmem:s23], [sflag:$0x3], $0x80, s26, s22, $0xb8;
	[tilespmem:$0x19380] =	vst v63  }
0xef: {  	_ =	swait.ge [sflag:s28], $0x1400  }
0xf0: {  	v51 =	vld [tilespmem:$0x1FFC0]  }
0xf1: {  	v62 =	vld [tilespmem:$0x1FFD0]  }
0xf2: {  	v63 =	vld [tilespmem:$0x1FFE0]  }
0xf3: {  	v60 =	vld [tilespmem:$0x1FE90]  }
0xf4: {  	v40 =	vld [tilespmem:$0x1FEA0]  }
0xf5: {  	[sflag:s28] =	ssyncset.done $0x0;
	v61 =	vld [tilespmem:$0x1FEB0]  }
0xf6: {  	v28 =	vld [tilespmem:$0x1FE70];
	[sflag:s28] =	ssyncadd.s32 $0xFFFFEC00  }
0xf7: {  	v58 =	vld.msk [tilespmem:s10+$0x0 ss:$0x0], $0xffff  }
0xf8: {  	v59 =	vld.msk [tilespmem:s10+$0xFFFFFFFF ss:$0x0], $0xffff  }
0xf9: {  	v2 =	vld.msk [tilespmem:s14+$0x0 ss:$0x0], $0xffff  }
0xfa: {  	v46 =	vld [tilespmem:$0x1FE80]  }
0xfb: {  	v3 =	vld.msk [tilespmem:s13+$0x0 ss:$0x0], $0xffff  }
0xfc: {  	v48 =	vld [tilespmem:$0x1FEC0];
	v4 =	vmul.f32 v58, v51;
	v5 =	vmul.f32 v58, v26  }
0xfd: {  	v49 =	vld [tilespmem:$0x1FED0];
	v6 =	vmul.f32 v59, v51;
	v7 =	vmul.f32 v59, v62  }
0xfe: {  	v53 =	vld [tilespmem:$0x1FEE0];
	v8 =	vmul.f32 v59, v63;
	v9 =	vmul.f32 v2, v40  }
0xff: {  	v54 =	vld [tilespmem:$0x1FEF0];
	v10 =	vmul.f32 v59, v28;
	v11 =	vmul.f32 v59, v20  }
0x100: {  	v55 =	vld [tilespmem:$0x1FF00];
	v14 =	vmul.f32 v59, v21;
	v47 =	vmul.f32 v3, v46  }
0x101: {  	v13 =	vld.msk [tilespmem:s14+$0xFFFFFFFF ss:$0x0], $0xffff;
	v15 =	vmul.f32 v59, v25;
	v1 =	vmul.f32 v59, v26  }
0x102: {  	v56 =	vld [tilespmem:$0x1FF10];
	v16 =	vmul.f32 v58, v62;
	v17 =	vmul.f32 v58, v63  }
0x103: {  	v50 =	vmul.f32 v58, v28;
	v18 =	vmul.f32 v58, v20;
	v5 =	vadd.f32 v5, v60  }
0x104: {  	v33 =	vmul.f32 v58, v21;
	v6 =	vadd.f32 v6, v61;
	v7 =	vadd.f32 v7, v48  }
0x105: {  	v0 =	vmul.f32 v58, v25;
	v8 =	vadd.f32 v8, v49;
	v10 =	vadd.f32 v10, v53  }
0x106: {  	v52 =	vmul.f32 v13, v24;
	v11 =	vadd.f32 v11, v54;
	v14 =	vadd.f32 v14, v55  }
0x107: {  	s7 =	simm.s32 $0x3E80;
	v57 =	vmul.f32 v13, v27;
	v15 =	vadd.f32 v15, v56;
	v1 =	vadd.f32 v1, v60  }
0x108: {  	v12 =	vld [tilespmem:s7+$0x70];
	v58 =	vmul.f32 v13, v29;
	v4 =	vadd.f32 v4, v61;
	v16 =	vadd.f32 v16, v48  }
0x109: {  	v39 =	vld.msk [tilespmem:s13+$0xFFFFFFFF ss:$0x0], $0xffff;
	v59 =	vmul.f32 v13, v30;
	v17 =	vadd.f32 v17, v49;
	v18 =	vadd.f32 v18, v54  }
0x10a: {  	v34 =	vld [tilespmem:s7+$0xFFFFFFD0];
	v60 =	vmul.f32 v13, v31;
	v61 =	vadd.f32 v33, v55;
	v0 =	vadd.f32 v0, v56  }
0x10b: {  	v21 =	vld [tilespmem:$0x1FF20];
	v48 =	vmul.f32 v13, v19;
	v49 =	vmul.f32 v2, v24;
	v5 =	vadd.f32 v9, v5  }
0x10c: {  	v35 =	vld [tilespmem:s7+$0xFFFFFFE0];
	v54 =	vmul.f32 v2, v31;
	v9 =	vadd.f32 v50, v53;
	v6 =	vadd.f32 v52, v6  }
0x10d: {  	v26 =	vld [tilespmem:$0x1FF60];
	v55 =	vmul.f32 v2, v32;
	v7 =	vadd.f32 v57, v7;
	v8 =	vadd.f32 v58, v8  }
0x10e: {  	v36 =	vld [tilespmem:s7+$0xFFFFFFF0];
	v50 =	vmul.f32 v2, v27;
	v52 =	vmul.f32 v2, v29;
	v10 =	vadd.f32 v59, v10  }
0x10f: {  	v37 =	vld [tilespmem:s7+$0x0];
	v53 =	vmul.f32 v2, v30;
	v11 =	vadd.f32 v60, v11;
	v2 =	vmul.f32 v2, v19  }
0x110: {  	v24 =	vld [tilespmem:$0x1FF50];
	v4 =	vadd.f32 v49, v4;
	v18 =	vadd.f32 v54, v18;
	v57 =	vmul.f32 v39, v21  }
0x111: {  	v49 =	vld [tilespmem:$0x1FF40];
	v5 =	vadd.f32 v47, v5;
	v47 =	vmul.f32 v13, v32;
	v16 =	vadd.f32 v50, v16  }
0x112: {  	v58 =	vmul.f32 v39, v26;
	v17 =	vadd.f32 v52, v17;
	v9 =	vadd.f32 v53, v9;
	v50 =	vld [tilespmem:$0x1FF70]  }
0x113: {  	v54 =	vmul.f32 v3, v26;
	v5 =	vadd.f32 v12, v5;
	v12 =	vadd.f32 v47, v14;
	v47 =	vld [tilespmem:$0x1FF30]  }
0x114: {  	v13 =	vmul.f32 v13, v40;
	v0 =	vadd.f32 v2, v0;
	v7 =	vadd.f32 v57, v7;
	v52 =	vmovc v20;
	v20 =	vld [tilespmem:$0x1FF80]  }
0x115: {  	v56 =	vmul.f32 v39, v24;
	v8 =	vadd.f32 v58, v8;
	v14 =	vadd.f32 v48, v15;
	v15 =	vld [tilespmem:s7+$0xFFFFFF90]  }
0x116: {  	v53 =	vmul.f32 v3, v21;
	v1 =	vadd.f32 v13, v1;
	v13 =	vld [tilespmem:s7+$0xFFFFFFA0];
	v48 =	vadd.f32 v55, v61  }
0x117: {  	v38 =	vld [tilespmem:s7+$0x10];
	v2 =	vadd.f32 v56, v6;
	v61 =	vmul.f32 v39, v49;
	v60 =	vmul.f32 v39, v50  }
0x118: {  	v42 =	vld [tilespmem:s7+$0x30];
	v5 =	vmax.f32 v5, $0.0e+00;
	v56 =	vmul.f32 v3, v50;
	v50 =	vadd.f32 v53, v16  }
0x119: {  	v44 =	vld [tilespmem:s7+$0x40];
	v59 =	vmul.f32 v39, v47;
	v55 =	vmul.f32 v39, v20;
	v58 =	vadd.f32 v60, v11  }
0x11a: {  	[tilespmem:s7+$0x70] =	vst v5;
	v5 =	vld [tilespmem:s7+$0xFFFFFF80];
	v39 =	vmul.f32 v39, v46;
	v60 =	vadd.f32 v61, v12;
	v45 =	vadd.f32 v7, v15  }
0x11b: {  	v40 =	vld [tilespmem:s7+$0xFFFFFFB0];
	v46 =	vmul.f32 v3, v24;
	v41 =	vadd.f32 v13, v8;
	v10 =	vadd.f32 v59, v10  }
0x11c: {  	v33 =	vld [tilespmem:s7+$0xFFFFFFC0];
	v61 =	vmul.f32 v3, v49;
	v57 =	vadd.f32 v55, v14;
	v59 =	vadd.f32 v39, v1  }
0x11d: {  	v27 =	vld [tilespmem:$0x1FFF0];
	v55 =	vmul.f32 v3, v47;
	v46 =	vadd.f32 v46, v4;
	v47 =	vadd.f32 v54, v17  }
0x11e: {  	v49 =	vld [tilespmem:s7+$0x60];
	v3 =	vmul.f32 v3, v20;
	v54 =	vadd.f32 v56, v18;
	v56 =	vadd.f32 v61, v48  }
0x11f: {  	s11 =	simm.s32 $0x0;
	s31 =	sadd.s32 $0x2, s10;
	v39 =	vld [tilespmem:s7+$0x20];
	v61 =	vadd.f32 v2, v5;
	v43 =	vadd.f32 v55, v9  }
0x120: {  	s5 =	smov.u32 s14;
	s4 =	smov.u32 s13;
	v22 =	vmovc v19;
	s8 =	simm.s32 $0x3E80;
	v28 =	vmov v52;
	v48 =	vld [tilespmem:s7+$0x50];
	v55 =	vadd.f32 v3, v0;
	v40 =	vadd.f32 v40, v10  }
.LBB2_10:
0x121: {  	v0 =	vld.msk [tilespmem:s31+$0x0 ss:$0x0], $0xffff  }
0x122: {  	v4 =	vld.msk [tilespmem:s31+$0xFFFFFFFF ss:$0x0], $0xffff  }
0x123: {  	v15 =	vld [tilespmem:$0x1FFA0]  }
0x124: {  	v19 =	vld [tilespmem:$0x1FE90]  }
0x125: {  	v20 =	vld [tilespmem:$0x1FEA0]  }
0x126: {  	v17 =	vld [tilespmem:$0x1FE70]  }
0x127: {  	v18 =	vld [tilespmem:$0x1FF90];
	v1 =	vmax.f32 v61, $0.0e+00;
	v2 =	vadd.f32 v33, v58;
	v3 =	vadd.f32 v34, v60  }
0x128: {  	v21 =	vld [tilespmem:$0x1FE80];
	v34 =	vmax.f32 v45, $0.0e+00;
	v5 =	vadd.f32 v35, v57;
	v6 =	vadd.f32 v36, v59  }
0x129: {  	s5 =	sadd.s32 $0x2, s5;
	v23 =	vld [tilespmem:$0x1FFB0];
	v36 =	vmax.f32 v41, $0.0e+00;
	v8 =	vadd.f32 v46, v37;
	v46 =	vadd.f32 v50, v38  }
0x12a: {  	s4 =	sadd.s32 $0x2, s4;
	v7 =	vld.msk [tilespmem:s5+$0x0 ss:$0x0], $0xffff;
	v37 =	vmax.f32 v40, $0.0e+00;
	v41 =	vadd.f32 v49, v55;
	v55 =	vmul.f32 v0, v15  }
0x12b: {  	[tilespmem:s7+$0xFFFFFF80] =	vst v1;
	v47 =	vadd.f32 v39, v47;
	v50 =	vld.msk [tilespmem:s4+$0x0 ss:$0x0], $0xffff;
	v57 =	vmul.f32 v4, v51;
	v10 =	vmul.f32 v4, v62  }
0x12c: {  	v43 =	vadd.f32 v42, v43;
	v39 =	vld [tilespmem:$0x1FEC0];
	[tilespmem:s7+$0xFFFFFF90] =	vst v34;
	v59 =	vmul.f32 v4, v63;
	v60 =	vmul.f32 v4, v17  }
0x12d: {  	v45 =	vadd.f32 v44, v54;
	v12 =	vmul.f32 v4, v28;
	v61 =	vmul.f32 v4, v18;
	v9 =	vld.msk [tilespmem:s5+$0xFFFFFFFF ss:$0x0], $0xffff;
	[tilespmem:s7+$0xFFFFFFA0] =	vst v36  }
0x12e: {  	v40 =	vadd.f32 v48, v56;
	v44 =	vld [tilespmem:$0x1FEE0];
	v14 =	vmul.f32 v4, v25;
	v4 =	vmul.f32 v4, v15;
	[tilespmem:s7+$0xFFFFFFB0] =	vst v37  }
0x12f: {  	v15 =	vmul.f32 v0, v62;
	v16 =	vmul.f32 v0, v63;
	v38 =	vmax.f32 v2, $0.0e+00;
	v54 =	vld.msk [tilespmem:s4+$0xFFFFFFFF ss:$0x0], $0xffff  }
0x130: {  	v18 =	vmul.f32 v0, v18;
	v52 =	vmax.f32 v3, $0.0e+00;
	v53 =	vmax.f32 v5, $0.0e+00;
	[tilespmem:s7+$0xFFFFFFC0] =	vst v38;
	v38 =	vld [tilespmem:$0x1FEB0]  }
0x131: {  	v58 =	vmax.f32 v8, $0.0e+00;
	v11 =	vmul.f32 v7, v20;
	v5 =	vadd.f32 v55, v19;
	v55 =	vld [tilespmem:$0x1FED0]  }
0x132: {  	v3 =	vmul.f32 v0, v51;
	v56 =	vmax.f32 v6, $0.0e+00;
	[tilespmem:s8+$0x0] =	vst v58;
	v58 =	vld [tilespmem:$0x1FF10];
	v4 =	vadd.f32 v4, v19  }
0x133: {  	[tilespmem:s7+$0xFFFFFFD0] =	vst v52;
	v5 =	vadd.f32 v11, v5;
	v49 =	vmul.f32 v50, v21;
	v10 =	vadd.f32 v10, v39  }
0x134: {  	[tilespmem:s7+$0xFFFFFFE0] =	vst v53;
	s7 =	sadd.s32 $0x100, s7;
	v11 =	vmul.f32 v0, v17;
	v17 =	vmul.f32 v0, v28;
	v6 =	vadd.f32 v60, v44  }
0x135: {  	v13 =	vld [tilespmem:s7+$0x70];
	v0 =	vmul.f32 v0, v25;
	v15 =	vadd.f32 v15, v39;
	v5 =	vadd.f32 v49, v5  }
0x136: {  	v60 =	vmul.f32 v9, v23;
	v11 =	vadd.f32 v11, v44;
	v1 =	vadd.f32 v57, v38  }
0x137: {  	[tilespmem:s8+$0xFFFFFFF0] =	vst v56;
	v56 =	vmul.f32 v9, v31;
	v8 =	vadd.f32 v59, v55;
	v14 =	vadd.f32 v14, v58  }
0x138: {  	v49 =	vld [tilespmem:$0x1FEF0];
	v3 =	vadd.f32 v3, v38;
	v16 =	vadd.f32 v16, v55;
	v55 =	vmul.f32 v9, v30  }
0x139: {  	v57 =	vld [tilespmem:$0x1FF00];
	v0 =	vadd.f32 v0, v58;
	v58 =	vmul.f32 v7, v27;
	v59 =	vmul.f32 v7, v29  }
0x13a: {  	v5 =	vadd.f32 v13, v5;
	v13 =	vmul.f32 v9, v27;
	v10 =	vadd.f32 v60, v10  }
0x13b: {  	v24 =	vld [tilespmem:$0x1FF50];
	v60 =	vmul.f32 v7, v31;
	v6 =	vadd.f32 v55, v6;
	v55 =	vmul.f32 v7, v30  }
0x13c: {  	v3 =	vadd.f32 v58, v3;
	v5 =	vmax.f32 v5, $0.0e+00;
	v1 =	vadd.f32 v13, v1  }
0x13d: {  	v19 =	vld [tilespmem:$0x1FF20];
	v13 =	vmul.f32 v9, v32;
	v12 =	vadd.f32 v12, v49;
	v17 =	vadd.f32 v17, v49  }
0x13e: {  	v26 =	vmovc v51;
	v51 =	vld [tilespmem:s7+$0xFFFFFF90];
	v11 =	vadd.f32 v55, v11;
	v2 =	vadd.f32 v61, v57;
	v61 =	vmul.f32 v9, v29  }
0x13f: {  	v58 =	vld [tilespmem:$0x1FF60];
	v18 =	vadd.f32 v18, v57;
	v57 =	vmul.f32 v9, v22;
	v9 =	vmul.f32 v9, v20  }
0x140: {  	v20 =	vmovc v62;
	v62 =	vmul.f32 v54, v24;
	v12 =	vadd.f32 v56, v12;
	v17 =	vadd.f32 v60, v17;
	v60 =	vld [tilespmem:$0x1FF70]  }
0x141: {  	[tilespmem:s7+$0x70] =	vst v5;
	v56 =	vmul.f32 v7, v32;
	v5 =	vadd.f32 v61, v8;
	v8 =	vmul.f32 v7, v23;
	v61 =	vld [tilespmem:s7+$0xFFFFFF80]  }
0x142: {  	v7 =	vmul.f32 v7, v22;
	v2 =	vadd.f32 v13, v2;
	v13 =	vadd.f32 v57, v14;
	v57 =	vld [tilespmem:$0x1FF30]  }
0x143: {  	v14 =	vmul.f32 v54, v19;
	v4 =	vadd.f32 v9, v4;
	v1 =	vadd.f32 v62, v1;
	v23 =	vld [tilespmem:$0x1FF80]  }
0x144: {  	v9 =	vmul.f32 v54, v58;
	v8 =	vadd.f32 v8, v15;
	v15 =	vadd.f32 v59, v16;
	v59 =	vld [tilespmem:$0x1FF40]  }
0x145: {  	v52 =	vld [tilespmem:s7+$0xFFFFFFA0];
	v62 =	vmul.f32 v50, v58;
	v18 =	vadd.f32 v56, v18;
	v10 =	vadd.f32 v14, v10  }
0x146: {  	v53 =	vld [tilespmem:s7+$0xFFFFFFB0];
	v14 =	vmul.f32 v54, v21;
	v5 =	vadd.f32 v9, v5;
	v9 =	vmul.f32 v50, v19  }
0x147: {  	v37 =	vld [tilespmem:s7+$0x0];
	v0 =	vadd.f32 v7, v0;
	v21 =	vmovc v63;
	v55 =	vmul.f32 v54, v60;
	v63 =	vmul.f32 v50, v60  }
0x148: {  	v42 =	vld [tilespmem:s7+$0x30];
	v16 =	vmul.f32 v54, v57;
	v56 =	vmul.f32 v54, v23;
	v61 =	vadd.f32 v1, v61  }
0x149: {  	v48 =	vld [tilespmem:s7+$0x50];
	v58 =	vadd.f32 v55, v12;
	v55 =	vmul.f32 v50, v23;
	v7 =	vmul.f32 v54, v59  }
0x14a: {  	v39 =	vld [tilespmem:s7+$0x20];
	v54 =	vmul.f32 v50, v24;
	v6 =	vadd.f32 v16, v6;
	v16 =	vmul.f32 v50, v57  }
0x14b: {  	s11 =	sadd.s32 $0x2, s11;
	v44 =	vld [tilespmem:s7+$0x40];
	v12 =	vmul.f32 v50, v59;
	v57 =	vadd.f32 v56, v13;
	v13 =	vmax.f32 v47, $0.0e+00  }
0x14c: {  	p1 =	slt.u32 s11, $0x12;
	v38 =	vld [tilespmem:s7+$0x10];
	v59 =	vadd.f32 v14, v4;
	v50 =	vadd.f32 v9, v8;
	v14 =	vmax.f32 v43, $0.0e+00;
	[tilespmem:s8+$0x20] =	vst v13  }
.Ltmp3:
0x14d: {  	v49 =	vld [tilespmem:s7+$0x60];
	v47 =	vadd.f32 v62, v15;
	v15 =	vmax.f32 v45, $0.0e+00;
	v45 =	vadd.f32 v10, v51;
	[tilespmem:s8+$0x30] =	vst v14;
	(pc) =	sbr.rel @p1 .LBB2_10-.Ltmp3, $4  }
0x14e: {  	v33 =	vld [tilespmem:s7+$0xFFFFFFC0];
	v55 =	vadd.f32 v55, v0;
	[tilespmem:s8+$0x40] =	vst v15;
	v60 =	vadd.f32 v7, v2;
	v7 =	vmax.f32 v46, $0.0e+00  }
0x14f: {  	v34 =	vld [tilespmem:s7+$0xFFFFFFD0];
	v46 =	vadd.f32 v54, v3;
	v43 =	vadd.f32 v16, v11;
	v16 =	vmax.f32 v40, $0.0e+00;
	[tilespmem:s8+$0x10] =	vst v7  }
0x150: {  	v35 =	vld [tilespmem:s7+$0xFFFFFFE0];
	v62 =	vmovc v20;
	v54 =	vadd.f32 v63, v17;
	v56 =	vadd.f32 v12, v18;
	v17 =	vmax.f32 v41, $0.0e+00;
	[tilespmem:s8+$0x50] =	vst v16  }
0x151: {  	s31 =	sadd.s32 $0x2, s31;
	v36 =	vld [tilespmem:s7+$0xFFFFFFF0];
	v51 =	vmovc v26;
	v63 =	vmov v21;
	v41 =	vadd.f32 v52, v5;
	v40 =	vadd.f32 v53, v6;
	[tilespmem:s8+$0x60] =	vst v17;
	s8 =	smov.u32 s7  }
0x152: {  	v0 =	vmax.f32 v61, $0.0e+00  }
0x153: {  	v17 =	vmax.f32 v45, $0.0e+00;
	v45 =	vadd.f32 v46, v37;
	[tilespmem:s7+$0xFFFFFF80] =	vst v0  }
0x154: {  	v46 =	vadd.f32 v50, v38;
	v1 =	vadd.f32 v33, v58;
	[tilespmem:s7+$0xFFFFFF90] =	vst v17;
	v33 =	vmax.f32 v41, $0.0e+00  }
0x155: {  	v47 =	vadd.f32 v39, v47;
	v2 =	vadd.f32 v34, v60;
	[tilespmem:s7+$0xFFFFFFA0] =	vst v33;
	v34 =	vmax.f32 v40, $0.0e+00  }
0x156: {  	v50 =	vadd.f32 v42, v43;
	v0 =	vmax.f32 v46, $0.0e+00;
	[tilespmem:s7+$0xFFFFFFB0] =	vst v34  }
0x157: {  	v52 =	vadd.f32 v44, v54;
	v53 =	vmax.f32 v47, $0.0e+00;
	[tilespmem:s8+$0x10] =	vst v0  }
0x158: {  	v54 =	vadd.f32 v48, v56;
	v56 =	vmax.f32 v50, $0.0e+00;
	[tilespmem:s8+$0x20] =	vst v53  }
0x159: {  	v58 =	vmax.f32 v52, $0.0e+00;
	[tilespmem:s8+$0x30] =	vst v56  }
0x15a: {  	v3 =	vadd.f32 v35, v57;
	v35 =	vmax.f32 v1, $0.0e+00;
	[tilespmem:s8+$0x40] =	vst v58  }
0x15b: {  	[tilespmem:s7+$0xFFFFFFC0] =	vst v35;
	v41 =	vmax.f32 v2, $0.0e+00  }
0x15c: {  	v2 =	vmax.f32 v45, $0.0e+00;
	[tilespmem:s7+$0xFFFFFFD0] =	vst v41  }
0x15d: {  	v57 =	vadd.f32 v49, v55;
	v40 =	vadd.f32 v36, v59;
	v59 =	vmax.f32 v54, $0.0e+00;
	[tilespmem:s8+$0x0] =	vst v2  }
0x15e: {  	v3 =	vmax.f32 v3, $0.0e+00;
	[tilespmem:s8+$0x50] =	vst v59  }
0x15f: {  	v60 =	vmax.f32 v57, $0.0e+00;
	[tilespmem:s7+$0xFFFFFFE0] =	vst v3  }
0x160: {  	v1 =	vmax.f32 v40, $0.0e+00;
	[tilespmem:s8+$0x60] =	vst v60  }
0x161: {  	[tilespmem:s8+$0xFFFFFFF0] =	vst v1  }
0x162: {  	p1 =	seq.s32 s20, $0x18;
	_ =	swait.ge [sflag:s29], $0x1400  }
0x163: {  	s4 =	smul.u32 @!p1 $0x140, s20;
	v16 =	vld [tilespmem:$0x1FFA0]  }
0x164: {  	v19 =	vld [tilespmem:$0x1FE90]  }
0x165: {  	s5 =	simm.s32 @!p1 $0x28;
	s4 =	sshra.s32 @!p1 s4, $0x2;
	[sflag:s29] =	ssyncset.done $0x0;
	v40 =	vld [tilespmem:$0x1FEA0]  }
0x166: {  	s4 =	sadd.s32 @!p1 $0x50, s4;
	s7 =	simm.s32 @!p1 $0x2A00;
	v18 =	vld [tilespmem:$0x1FE70];
	[sflag:s29] =	ssyncadd.s32 $0xFFFFEC00  }
0x167: {  	v23 =	vld [tilespmem:$0x1FF90];
	[tilespmem:s7], [sflag:$0x1] =	stream.indirect.gather @!p1 [hbm4b:s1+s5], $0x80, s4, s5, $0xb8  }
0x168: {  	v61 =	vld.msk [tilespmem:s19+$0x0 ss:$0x0], $0xffff  }
0x169: {  	v48 =	vld.msk [tilespmem:s19+$0xFFFFFFFF ss:$0x0], $0xffff  }
0x16a: {  	v2 =	vld.msk [tilespmem:s18+$0x0 ss:$0x0], $0xffff  }
0x16b: {  	v46 =	vld [tilespmem:$0x1FE80]  }
0x16c: {  	v3 =	vld.msk [tilespmem:s0+$0x0 ss:$0x0], $0xffff  }
0x16d: {  	v49 =	vld [tilespmem:$0x1FEB0];
	v4 =	vmul.f32 v61, v51;
	v5 =	vmul.f32 v61, v16  }
0x16e: {  	v52 =	vld [tilespmem:$0x1FEC0];
	v6 =	vmul.f32 v48, v51;
	v7 =	vmul.f32 v48, v62  }
0x16f: {  	v54 =	vld [tilespmem:$0x1FED0];
	v8 =	vmul.f32 v48, v63;
	v9 =	vmul.f32 v2, v40  }
0x170: {  	v58 =	vld [tilespmem:$0x1FEE0];
	v10 =	vmul.f32 v48, v18;
	v11 =	vmul.f32 v48, v28  }
0x171: {  	v59 =	vld [tilespmem:$0x1FEF0];
	v14 =	vmul.f32 v48, v23;
	v50 =	vmul.f32 v3, v46  }
0x172: {  	v13 =	vld.msk [tilespmem:s18+$0xFFFFFFFF ss:$0x0], $0xffff;
	v15 =	vmul.f32 v48, v25;
	v1 =	vmul.f32 v48, v16  }
0x173: {  	v60 =	vld [tilespmem:$0x1FF00];
	v53 =	vmul.f32 v61, v62;
	v17 =	vmul.f32 v61, v63  }
0x174: {  	v55 =	vmul.f32 v61, v18;
	v18 =	vmul.f32 v61, v28  }
0x175: {  	v56 =	vmul.f32 v61, v23;
	v5 =	vadd.f32 v5, v19;
	v6 =	vadd.f32 v6, v49  }
0x176: {  	v0 =	vmul.f32 v61, v25;
	v7 =	vadd.f32 v7, v52;
	v8 =	vadd.f32 v8, v54  }
0x177: {  	v57 =	vmul.f32 v13, v27;
	v10 =	vadd.f32 v10, v58;
	v11 =	vadd.f32 v11, v59  }
0x178: {  	v45 =	vmul.f32 v13, v29;
	v14 =	vadd.f32 v14, v60;
	v1 =	vadd.f32 v1, v19  }
0x179: {  	v24 =	vld [tilespmem:$0x1FF50];
	v47 =	vmul.f32 v13, v30;
	v4 =	vadd.f32 v4, v49;
	v16 =	vadd.f32 v53, v52  }
0x17a: {  	v39 =	vld.msk [tilespmem:s0+$0xFFFFFFFF ss:$0x0], $0xffff;
	v48 =	vmul.f32 v13, v31;
	v17 =	vadd.f32 v17, v54;
	v18 =	vadd.f32 v18, v59  }
0x17b: {  	v61 =	vld [tilespmem:$0x1FF10];
	v38 =	vadd.f32 v56, v60;
	v49 =	vmul.f32 v13, v32;
	v52 =	vmul.f32 v2, v27  }
0x17c: {  	s7 =	simm.s32 $0x48F0;
	v23 =	vld [tilespmem:$0x1FFB0];
	v54 =	vmul.f32 v2, v29;
	v5 =	vadd.f32 v9, v5;
	v9 =	vadd.f32 v55, v58  }
0x17d: {  	v12 =	vld [tilespmem:s7+$0x0];
	v56 =	vmul.f32 v2, v31;
	v6 =	vadd.f32 v57, v6;
	v8 =	vadd.f32 v45, v8  }
0x17e: {  	v33 =	vld [tilespmem:s7+$0xFFFFFF50];
	v10 =	vadd.f32 v47, v10;
	v55 =	vmul.f32 v2, v30;
	v11 =	vadd.f32 v48, v11  }
0x17f: {  	v34 =	vld [tilespmem:s7+$0xFFFFFF60];
	v57 =	vmul.f32 v2, v32;
	v4 =	vadd.f32 v52, v4;
	v17 =	vadd.f32 v54, v17  }
0x180: {  	v19 =	vld [tilespmem:$0x1FF20];
	v58 =	vmul.f32 v39, v24;
	v18 =	vadd.f32 v56, v18;
	v15 =	vadd.f32 v15, v61  }
0x181: {  	v47 =	vld [tilespmem:$0x1FF30];
	v44 =	vmul.f32 v13, v23;
	v0 =	vadd.f32 v0, v61;
	v53 =	vmul.f32 v2, v23  }
0x182: {  	v52 =	vld [tilespmem:$0x1FF70];
	v2 =	vmul.f32 v2, v22;
	v5 =	vadd.f32 v50, v5;
	v9 =	vadd.f32 v55, v9  }
0x183: {  	v23 =	vld [tilespmem:$0x1FF80];
	v50 =	vmul.f32 v13, v22;
	v48 =	vadd.f32 v57, v38;
	v7 =	vadd.f32 v44, v7  }
0x184: {  	v13 =	vmul.f32 v13, v40;
	v40 =	vld [tilespmem:s7+$0xFFFFFF40];
	v16 =	vadd.f32 v53, v16;
	v5 =	vadd.f32 v12, v5  }
0x185: {  	v12 =	vadd.f32 v49, v14;
	v14 =	vadd.f32 v50, v15;
	v50 =	vld [tilespmem:$0x1FF60]  }
0x186: {  	v59 =	vmul.f32 v39, v19;
	v0 =	vadd.f32 v2, v0;
	v2 =	vadd.f32 v58, v6;
	v49 =	vld [tilespmem:$0x1FF40]  }
0x187: {  	v15 =	vld [tilespmem:s7+$0xFFFFFF20];
	v1 =	vadd.f32 v13, v1;
	v61 =	vmul.f32 v39, v47;
	v53 =	vmul.f32 v39, v52  }
0x188: {  	v35 =	vld [tilespmem:s7+$0xFFFFFF70];
	v7 =	vadd.f32 v59, v7;
	v56 =	vmul.f32 v3, v52;
	v55 =	vmul.f32 v39, v23  }
0x189: {  	v36 =	vld [tilespmem:s7+$0xFFFFFF80];
	v10 =	vadd.f32 v61, v10;
	v58 =	vadd.f32 v53, v11;
	v53 =	vmul.f32 v3, v19  }
0x18a: {  	v37 =	vld [tilespmem:s7+$0xFFFFFF90];
	v57 =	vadd.f32 v55, v14;
	v55 =	vmul.f32 v3, v47;
	v60 =	vmul.f32 v39, v50  }
0x18b: {  	v42 =	vld [tilespmem:s7+$0xFFFFFFC0];
	v5 =	vmax.f32 v5, $0.0e+00;
	v54 =	vmul.f32 v39, v49;
	v39 =	vmul.f32 v39, v46  }
0x18c: {  	v13 =	vld [tilespmem:s7+$0xFFFFFF30];
	v46 =	vmul.f32 v3, v24;
	v45 =	vadd.f32 v7, v15;
	v40 =	vadd.f32 v40, v10  }
0x18d: {  	[tilespmem:s7+$0x0] =	vst v5;
	v5 =	vld [tilespmem:s7+$0xFFFFFF10];
	v61 =	vmul.f32 v3, v49;
	v43 =	vadd.f32 v55, v9;
	v8 =	vadd.f32 v60, v8  }
0x18e: {  	v38 =	vld [tilespmem:s7+$0xFFFFFFA0];
	v60 =	vadd.f32 v54, v12;
	v54 =	vmul.f32 v3, v50;
	v59 =	vadd.f32 v39, v1  }
0x18f: {  	v44 =	vld [tilespmem:s7+$0xFFFFFFD0];
	v46 =	vadd.f32 v46, v4;
	v50 =	vadd.f32 v53, v16;
	v3 =	vmul.f32 v3, v23  }
0x190: {  	v49 =	vld [tilespmem:s7+$0xFFFFFFF0];
	v47 =	vadd.f32 v54, v17;
	v54 =	vadd.f32 v56, v18  }
0x191: {  	s11 =	simm.s32 $0x14;
	s31 =	sadd.s32 $0x2, s19;
	v39 =	vld [tilespmem:s7+$0xFFFFFFB0];
	v56 =	vadd.f32 v61, v48;
	v55 =	vadd.f32 v3, v0  }
0x192: {  	s8 =	simm.s32 $0x48F0;
	s5 =	smov.u32 s18;
	s4 =	smov.u32 s0;
	v61 =	vadd.f32 v2, v5;
	v48 =	vld [tilespmem:s7+$0xFFFFFFE0];
	v41 =	vadd.f32 v13, v8  }
.LBB2_12:
0x193: {  	v0 =	vld.msk [tilespmem:s31+$0x0 ss:$0x0], $0xffff  }
0x194: {  	v4 =	vld.msk [tilespmem:s31+$0xFFFFFFFF ss:$0x0], $0xffff  }
0x195: {  	v15 =	vld [tilespmem:$0x1FFA0]  }
0x196: {  	v17 =	vld [tilespmem:$0x1FE70]  }
0x197: {  	v18 =	vld [tilespmem:$0x1FF90]  }
0x198: {  	v19 =	vld [tilespmem:$0x1FE80];
	v1 =	vmax.f32 v61, $0.0e+00  }
0x199: {  	s5 =	sadd.s32 $0x2, s5;
	v23 =	vld [tilespmem:$0x1FFB0];
	v2 =	vadd.f32 v33, v58;
	v3 =	vadd.f32 v34, v60;
	v34 =	vmax.f32 v45, $0.0e+00  }
0x19a: {  	s4 =	sadd.s32 $0x2, s4;
	v7 =	vld.msk [tilespmem:s5+$0x0 ss:$0x0], $0xffff;
	v6 =	vadd.f32 v36, v59;
	v36 =	vmax.f32 v41, $0.0e+00;
	v8 =	vadd.f32 v46, v37  }
0x19b: {  	v46 =	vadd.f32 v50, v38;
	v37 =	vmax.f32 v40, $0.0e+00;
	v50 =	vld.msk [tilespmem:s4+$0x0 ss:$0x0], $0xffff;
	v40 =	vadd.f32 v48, v56  }
0x19c: {  	v41 =	vadd.f32 v49, v55;
	v49 =	vld [tilespmem:$0x1FEA0];
	v56 =	vmul.f32 v0, v15;
	v58 =	vmul.f32 v4, v51  }
0x19d: {  	v47 =	vadd.f32 v39, v47;
	v39 =	vld [tilespmem:$0x1FEC0];
	v10 =	vmul.f32 v4, v62;
	v60 =	vmul.f32 v4, v63  }
0x19e: {  	[tilespmem:s7+$0xFFFFFF10] =	vst v1;
	v43 =	vadd.f32 v42, v43;
	v42 =	vld [tilespmem:$0x1FED0];
	v61 =	vmul.f32 v4, v17;
	v12 =	vmul.f32 v4, v28  }
0x19f: {  	v45 =	vadd.f32 v44, v54;
	v44 =	vld [tilespmem:$0x1FEE0];
	[tilespmem:s7+$0xFFFFFF20] =	vst v34;
	v48 =	vmul.f32 v4, v18;
	v14 =	vmul.f32 v4, v25  }
0x1a0: {  	v5 =	vadd.f32 v35, v57;
	v4 =	vmul.f32 v4, v15;
	v15 =	vmul.f32 v0, v62;
	v9 =	vld.msk [tilespmem:s5+$0xFFFFFFFF ss:$0x0], $0xffff;
	[tilespmem:s7+$0xFFFFFF30] =	vst v36  }
0x1a1: {  	v16 =	vmul.f32 v0, v63;
	v18 =	vmul.f32 v0, v18;
	[tilespmem:s7+$0xFFFFFF40] =	vst v37;
	v37 =	vld [tilespmem:$0x1FE90]  }
0x1a2: {  	v38 =	vmax.f32 v2, $0.0e+00;
	v52 =	vmax.f32 v3, $0.0e+00;
	v53 =	vmax.f32 v5, $0.0e+00;
	v54 =	vld.msk [tilespmem:s4+$0xFFFFFFFF ss:$0x0], $0xffff  }
0x1a3: {  	v3 =	vmul.f32 v0, v51;
	v57 =	vmax.f32 v6, $0.0e+00;
	v59 =	vmax.f32 v8, $0.0e+00;
	[tilespmem:s7+$0xFFFFFF50] =	vst v38;
	v38 =	vld [tilespmem:$0x1FEB0]  }
0x1a4: {  	v11 =	vmul.f32 v7, v49;
	v10 =	vadd.f32 v10, v39;
	v8 =	vadd.f32 v60, v42  }
0x1a5: {  	[tilespmem:s8+$0xFFFFFF90] =	vst v59;
	v59 =	vmul.f32 v50, v19;
	v6 =	vadd.f32 v61, v44;
	v60 =	vld [tilespmem:$0x1FF00];
	v15 =	vadd.f32 v15, v39  }
0x1a6: {  	[tilespmem:s7+$0xFFFFFF60] =	vst v52;
	v61 =	vld [tilespmem:$0x1FF10];
	v16 =	vadd.f32 v16, v42;
	v5 =	vadd.f32 v56, v37;
	v62 =	vmul.f32 v9, v23  }
0x1a7: {  	[tilespmem:s7+$0xFFFFFF70] =	vst v53;
	v4 =	vadd.f32 v4, v37;
	v63 =	vmul.f32 v9, v29;
	v55 =	vmul.f32 v9, v30  }
0x1a8: {  	v24 =	vld [tilespmem:$0x1FF50];
	[tilespmem:s8+$0xFFFFFF80] =	vst v57;
	v57 =	vmul.f32 v9, v22;
	v1 =	vadd.f32 v58, v38;
	v3 =	vadd.f32 v3, v38  }
0x1a9: {  	s7 =	sadd.s32 $0x100, s7;
	v56 =	vld [tilespmem:$0x1FEF0];
	v58 =	vmul.f32 v7, v27;
	v5 =	vadd.f32 v11, v5;
	v11 =	vmul.f32 v0, v17  }
0x1aa: {  	v13 =	vld [tilespmem:s7+$0x0];
	v17 =	vmul.f32 v0, v28;
	v10 =	vadd.f32 v62, v10;
	v6 =	vadd.f32 v55, v6  }
0x1ab: {  	v0 =	vmul.f32 v0, v25;
	v2 =	vadd.f32 v48, v60;
	v14 =	vadd.f32 v14, v61  }
0x1ac: {  	v55 =	vmul.f32 v7, v30;
	v18 =	vadd.f32 v18, v60;
	v3 =	vadd.f32 v58, v3  }
0x1ad: {  	v62 =	vmul.f32 v54, v24;
	v5 =	vadd.f32 v59, v5;
	v11 =	vadd.f32 v11, v44  }
0x1ae: {  	v12 =	vadd.f32 v12, v56;
	v17 =	vadd.f32 v17, v56;
	v56 =	vmul.f32 v9, v31  }
0x1af: {  	v51 =	vld [tilespmem:s7+$0xFFFFFF20];
	v60 =	vmul.f32 v7, v31;
	v0 =	vadd.f32 v0, v61;
	v5 =	vadd.f32 v13, v5  }
0x1b0: {  	v58 =	vld [tilespmem:$0x1FF30];
	v59 =	vmul.f32 v7, v29;
	v13 =	vmul.f32 v9, v27;
	v12 =	vadd.f32 v56, v12  }
0x1b1: {  	v56 =	vmul.f32 v7, v32;
	v17 =	vadd.f32 v60, v17;
	v60 =	vld [tilespmem:$0x1FF70];
	v5 =	vmax.f32 v5, $0.0e+00  }
0x1b2: {  	v1 =	vadd.f32 v13, v1;
	v13 =	vmul.f32 v9, v32;
	[tilespmem:s7+$0x0] =	vst v5;
	v5 =	vadd.f32 v63, v8;
	v63 =	vld [tilespmem:$0x1FF60]  }
0x1b3: {  	v11 =	vadd.f32 v55, v11;
	v8 =	vmul.f32 v7, v23;
	v18 =	vadd.f32 v56, v18;
	v23 =	vld [tilespmem:$0x1FF80]  }
0x1b4: {  	v61 =	vld [tilespmem:s7+$0xFFFFFF10];
	v9 =	vmul.f32 v9, v49;
	v2 =	vadd.f32 v13, v2;
	v13 =	vadd.f32 v57, v14  }
0x1b5: {  	v57 =	vld [tilespmem:$0x1FF20];
	v8 =	vadd.f32 v8, v15;
	v15 =	vadd.f32 v59, v16;
	v16 =	vmul.f32 v54, v58  }
0x1b6: {  	v7 =	vmul.f32 v7, v22;
	v4 =	vadd.f32 v9, v4;
	v1 =	vadd.f32 v62, v1;
	v59 =	vld [tilespmem:$0x1FF40]  }
0x1b7: {  	v52 =	vld [tilespmem:s7+$0xFFFFFF30];
	v55 =	vmul.f32 v54, v60;
	v6 =	vadd.f32 v16, v6;
	v16 =	vmul.f32 v50, v58  }
0x1b8: {  	v53 =	vld [tilespmem:s7+$0xFFFFFF40];
	v0 =	vadd.f32 v7, v0;
	v9 =	vmul.f32 v54, v63;
	v56 =	vmul.f32 v54, v23  }
0x1b9: {  	v39 =	vld [tilespmem:s7+$0xFFFFFFB0];
	v61 =	vadd.f32 v1, v61;
	v62 =	vmul.f32 v50, v63;
	v63 =	vmul.f32 v50, v60  }
0x1ba: {  	v42 =	vld [tilespmem:s7+$0xFFFFFFC0];
	v58 =	vadd.f32 v55, v12;
	v55 =	vmul.f32 v50, v23;
	v14 =	vmul.f32 v54, v57  }
0x1bb: {  	v37 =	vld [tilespmem:s7+$0xFFFFFF90];
	v7 =	vmul.f32 v54, v59;
	v5 =	vadd.f32 v9, v5;
	v9 =	vmul.f32 v50, v57  }
0x1bc: {  	v38 =	vld [tilespmem:s7+$0xFFFFFFA0];
	v12 =	vmul.f32 v50, v59;
	v57 =	vadd.f32 v56, v13;
	v13 =	vmax.f32 v47, $0.0e+00  }
0x1bd: {  	s11 =	sadd.s32 $0x2, s11;
	v48 =	vld [tilespmem:s7+$0xFFFFFFE0];
	v47 =	vadd.f32 v62, v15;
	v15 =	vmax.f32 v45, $0.0e+00;
	v55 =	vadd.f32 v55, v0  }
0x1be: {  	p1 =	slt.u32 s11, $0x26;
	v44 =	vld [tilespmem:s7+$0xFFFFFFD0];
	v10 =	vadd.f32 v14, v10;
	v14 =	vmul.f32 v54, v19;
	v54 =	vmul.f32 v50, v24;
	[tilespmem:s8+$0xFFFFFFB0] =	vst v13  }
.Ltmp4:
0x1bf: {  	v49 =	vld [tilespmem:s7+$0xFFFFFFF0];
	[tilespmem:s8+$0xFFFFFFD0] =	vst v15;
	v60 =	vadd.f32 v7, v2;
	v7 =	vmax.f32 v46, $0.0e+00;
	v50 =	vadd.f32 v9, v8;
	(pc) =	sbr.rel @p1 .LBB2_12-.Ltmp4, $4  }
0x1c0: {  	v33 =	vld [tilespmem:s7+$0xFFFFFF50];
	v56 =	vadd.f32 v12, v18;
	v59 =	vadd.f32 v14, v4;
	[tilespmem:s8+$0xFFFFFFA0] =	vst v7;
	v14 =	vmax.f32 v43, $0.0e+00  }
0x1c1: {  	v34 =	vld [tilespmem:s7+$0xFFFFFF60];
	v46 =	vadd.f32 v54, v3;
	v43 =	vadd.f32 v16, v11;
	v16 =	vmax.f32 v40, $0.0e+00;
	[tilespmem:s8+$0xFFFFFFC0] =	vst v14  }
0x1c2: {  	v35 =	vld [tilespmem:s7+$0xFFFFFF70];
	v62 =	vmovc v20;
	v54 =	vadd.f32 v63, v17;
	v45 =	vadd.f32 v10, v51;
	v17 =	vmax.f32 v41, $0.0e+00;
	[tilespmem:s8+$0xFFFFFFE0] =	vst v16  }
0x1c3: {  	s31 =	sadd.s32 $0x2, s31;
	v36 =	vld [tilespmem:s7+$0xFFFFFF80];
	v63 =	vmovc v21;
	v51 =	vmov v26;
	v41 =	vadd.f32 v52, v5;
	v40 =	vadd.f32 v53, v6;
	[tilespmem:s8+$0xFFFFFFF0] =	vst v17;
	s8 =	smov.u32 s7  }
0x1c4: {  	v0 =	vmax.f32 v61, $0.0e+00  }
0x1c5: {  	[tilespmem:s7+$0xFFFFFF10] =	vst v0;
	v0 =	vmax.f32 v45, $0.0e+00  }
0x1c6: {  	v1 =	vadd.f32 v33, v58;
	[tilespmem:s7+$0xFFFFFF20] =	vst v0;
	v0 =	vmax.f32 v41, $0.0e+00  }
0x1c7: {  	v2 =	vadd.f32 v34, v60;
	[tilespmem:s7+$0xFFFFFF30] =	vst v0;
	v0 =	vmax.f32 v40, $0.0e+00  }
0x1c8: {  	v3 =	vadd.f32 v35, v57;
	[tilespmem:s7+$0xFFFFFF40] =	vst v0;
	v0 =	vmax.f32 v1, $0.0e+00  }
0x1c9: {  	v1 =	vadd.f32 v36, v59;
	[tilespmem:s7+$0xFFFFFF50] =	vst v0;
	v0 =	vmax.f32 v2, $0.0e+00  }
0x1ca: {  	v2 =	vadd.f32 v46, v37;
	v3 =	vmax.f32 v3, $0.0e+00;
	[tilespmem:s7+$0xFFFFFF60] =	vst v0  }
0x1cb: {  	v0 =	vadd.f32 v50, v38;
	v1 =	vmax.f32 v1, $0.0e+00;
	[tilespmem:s7+$0xFFFFFF70] =	vst v3  }
0x1cc: {  	v3 =	vadd.f32 v39, v47;
	v2 =	vmax.f32 v2, $0.0e+00;
	[tilespmem:s8+$0xFFFFFF80] =	vst v1  }
0x1cd: {  	v1 =	vadd.f32 v42, v43;
	[tilespmem:s8+$0xFFFFFF90] =	vst v2;
	v0 =	vmax.f32 v0, $0.0e+00  }
0x1ce: {  	v2 =	vadd.f32 v44, v54;
	[tilespmem:s8+$0xFFFFFFA0] =	vst v0;
	v0 =	vmax.f32 v3, $0.0e+00  }
0x1cf: {  	v3 =	vadd.f32 v48, v56;
	[tilespmem:s8+$0xFFFFFFB0] =	vst v0;
	v0 =	vmax.f32 v1, $0.0e+00  }
0x1d0: {  	v1 =	vadd.f32 v49, v55;
	[tilespmem:s8+$0xFFFFFFC0] =	vst v0;
	v0 =	vmax.f32 v2, $0.0e+00  }
0x1d1: {  	[tilespmem:s8+$0xFFFFFFD0] =	vst v0;
	v0 =	vmax.f32 v3, $0.0e+00  }
0x1d2: {  	[tilespmem:s8+$0xFFFFFFE0] =	vst v0;
	v0 =	vmax.f32 v1, $0.0e+00  }
0x1d3: {  	[tilespmem:s8+$0xFFFFFFF0] =	vst v0  }
0x1d4: {  	v0 =	vld [tilespmem:s6+$0x800]  }
0x1d5: {  	v21 =	vld [tilespmem:$0x1FF90]  }
0x1d6: {  	v26 =	vld [tilespmem:$0x1FFA0]  }
0x1d7: {  	v24 =	vmov v27;
	v27 =	vld [tilespmem:$0x1FFB0]  }
0x1d8: {  	v1 =	vld [tilespmem:$0x1FEA0]  }
0x1d9: {  	v2 =	vld [tilespmem:$0x1FF50]  }
0x1da: {  	v3 =	vld [tilespmem:$0x1FF20]  }
0x1db: {  	v4 =	vld [tilespmem:$0x1FF60]  }
0x1dc: {  	v5 =	vld [tilespmem:$0x1FF30]  }
0x1dd: {  	v6 =	vld [tilespmem:$0x1FF70];
	[tilespmem:$0x5280] =	vst v0  }
0x1de: {  	v0 =	vld [tilespmem:s21+$0x838]  }
0x1df: {  	v7 =	vld [tilespmem:$0x1FF40]  }
0x1e0: {  	v8 =	vld [tilespmem:$0x1FF80]  }
0x1e1: {  	v9 =	vld [tilespmem:$0x1FEB0]  }
0x1e2: {  	v10 =	vld [tilespmem:$0x1FEC0]  }
0x1e3: {  	v11 =	vld [tilespmem:$0x1FED0];
	[tilespmem:$0x5290] =	vst v0  }
0x1e4: {  	s20 =	sadd.s32 $0x1, s20;
	v0 =	vld [tilespmem:s21+$0x840]  }
0x1e5: {  	p1 =	sne.s32 s20, $0x19;
	v12 =	vld [tilespmem:$0x1FEE0]  }
.Ltmp5:
0x1e6: {  	v13 =	vld [tilespmem:$0x1FEF0];
	(pc) =	sbr.rel @p1 .LBB2_7-.Ltmp5, $4  }
0x1e7: {  	s15 =	sadd.s32 $0x50, s15;
	s2 =	sadd.s32 $0x50, s2;
	s12 =	sadd.s32 $0x50, s12;
	v14 =	vld [tilespmem:$0x1FF00]  }
0x1e8: {  	s13 =	sadd.s32 $0x50, s13;
	s14 =	sadd.s32 $0x50, s14;
	s10 =	sadd.s32 $0x50, s10;
	v15 =	vld [tilespmem:$0x1FF10]  }
0x1e9: {  	s0 =	sadd.s32 $0x50, s0;
	s18 =	sadd.s32 $0x50, s18;
	s19 =	sadd.s32 $0x50, s19;
	v16 =	vld [tilespmem:$0x1FE90];
	[tilespmem:$0x5298] =	vst v0  }
0x1ea: {  	v20 =	vmov v28;
	v19 =	vmov v22;
	v0 =	vld [tilespmem:$0x1FE80];
	[spmem:s3] =	stream.indirect.scatter.add.f32 [tilespmem:s24], [sflag:$0x4], $0x80, s30, s22, $0xb8  }
0x1eb: {  	s0 =	simm.s32 $0x4  }
0x1ec: {  	_ =	swait.ge [sflag:s0], $0x1400  }
0x1ed: {  	s2 =	rddreg [dreg:$0xe]  }
0x1ee: {  	s2 =	sadd.s32 $0x1, s2  }
0x1ef: {  	p1 =	sne.s32 s2, $0x5  }
.Ltmp6:
0x1f0: {  	_ = 	snop;
	(pc) =	sbr.rel @p1 .LBB2_6-.Ltmp6, $3  }
0x1f1: {  	_ =	sdelay $0x1  }
0x1f2: {  	[sflag:s0] =	ssyncset.done $0x0  }
0x1f3: {  	[sflag:s0] =	ssyncadd.s32 $0xFFFFEC00  }
0x1f4: {  	s0 =	stileid.u32  }
0x1f5: {  	[bflag:$0x0] =	sbarrier.arrive $0xFFFF;
	s0 =	sshll.u32 s0, $0x6  }
0x1f6: {  	s2 =	sshrl.u32 s9, $0x3;
	s4 =	rddreg [dreg:$0xa];
	s0 =	sor.u32 $0x1C05, s0  }
0x1f7: {  	[hbm:s4], [sflag:s0] =	dma.local [spmem:s2], $0x2700  }
0x1f8: {  	_ =	swait.ge [sflag:s16], $0x2700  }
0x1f9: {  	[sflag:s16] =	ssyncset.done $0x0;
	s11 =	rddreg [dreg:$0x8]  }
0x1fa: {  	s4 =	rddreg [dreg:$0xb];
	[sflag:s16] =	ssyncadd.s32 $0xFFFFD900;
	s2 =	sshrl.u32 @!p0 s11, $0x3  }
0x1fb: {  	[hbm:s4], [sflag:s0] =	dma.local @!p0 [spmem:s2], $0x100  }
0x1fc: {  	s0 =	simm.s32 @!p0 $0x5  }
0x1fd: {  	_ =	swait.ge @!p0 [sflag:s0], $0x100  }
0x1fe: {  	s21 =	rddreg [dreg:$0xd]  }
0x1ff: {  	s31 =	rddreg [dreg:$0xc];
	s4 =	sadd.s32 $0x1, s21  }
0x200: {  	p1 =	sne.s32 s4, s31  }
.Ltmp7:
0x201: {  	_ = 	snop;
	(pc) =	sbr.rel @p1 .LBB2_1-.Ltmp7, $3  }
0x202: {  	_ =	sdelay $0x1  }
0x203: {  	[sflag:s0] =	ssyncset.done @!p0 $0x0  }
0x204: {  	v0 =	vimm.f32 $0.0e+00;
	[sflag:s0] =	ssyncadd.s32 @!p0 $0xFFFFFF00  }
0x205: {  	_ =	sfence.sel $0x180000  }
0x206: {  	[bflag:$0x0] =	sbarrier.arrive $0xFFFF  }
0x207: {  	_ =	strace $0x90000047  }
0x208: {  	s0 =	stileid.u32;
	[bflag:$0x2] =	sbarrier.arrive $0xFFFF  }
0x209: {  	p0 =	sne.s32 s0, $0x0;
	s0 =	rddreg [dreg:$0x4]  }
0x20a: {  	s0 =	sadd.s32 @!p0 $0x100000, s0  }
0x20b: {  	[sflag:s0] =	ssyncadd.tile.s32 @!p0 $0x1;
	_ =	shalt  }
.Lfunc_end2:
_tile_overlayer_lowered:
.L_overlay_start_2:
0x20c: {  	(tag) =	ssettag $0x2  }
0x20d: {  	s0 =	rddreg [dreg:$0x0];
	s2 =	stileid.u32  }
0x20e: {  	s1 =	rddreg [dreg:$0x1];
	p0 =	sne.s32 s2, $0x0  }
0x20f: {  	s3 =	rddreg [dreg:$0x2];
	[bflag:$0x3] =	sbarrier.arrive $0xFFFF;
	s2 =	simm.s32 @!p0 $0x1C05  }
0x210: {  	[timem:s3], [sflag:s2] =	dma.local @!p0 [hbm:s0], s1  }
0x211: {  	s0 =	simm.s32 @!p0 $0x5  }
0x212: {  	_ =	swait.ge @!p0 [sflag:s0], s1  }
0x213: {  	s1 =	ssub.s32 @!p0 $0x0, s1;
	[sflag:s0] =	ssyncset.done @!p0 $0x0  }
0x214: {  	[sflag:s0] =	ssyncadd.s32 @!p0 s1  }
0x215: {  	[bflag:$0x3] =	sbarrier.arrive $0xFFFF  }
0x216: {  	_ =	shalt  }

// kernel: kernel.9.cloned.1.call-start
scs
__scs_entry_jumppad:
0x0: {  	(pc) =	sbr.rel $0x88, $3  }
0x1: {  	(tag) =	ssettag $0x0;
	lr =	simm.s32 $0x1  }
0x2: {  	[smem:$0x3F91] =	sst lr;
	_ =	strace $0xD0000000  }
0x3: {  	_ = 	snop  }
0x4: {  	_ = 	snop  }
0x5: {  	_ = 	snop  }
0x6: {  	_ = 	snop  }
0x7: {  	_ = 	snop  }
__scs_overlays_trampoline_lowered:
0x8: {  	[smem:$0x3FA0] =	sst s0  }
0x9: {  	[smem:$0x3FA1] =	sst s1  }
0xa: {  	[smem:$0x3FA2] =	sst s2  }
0xb: {  	[smem:$0x3FA3] =	sst s3  }
0xc: {  	[smem:$0x3FA4] =	sst s4  }
0xd: {  	[smem:$0x3FA5] =	sst s5  }
0xe: {  	[smem:$0x3FA6] =	sst s6  }
0xf: {  	[smem:$0x3FA7] =	sst s7  }
0x10: {  	[smem:$0x3FA8] =	sst s8  }
0x11: {  	[smem:$0x3FA9] =	sst s9;
	s0 =	simm.s32 @!p0 $0x0  }
0x12: {  	s1 =	sld [smem:$0x3F8F];
	s0 =	simm.s32 @p0 $0x1  }
0x13: {  	[smem:$0x3FAA] =	sst s0;
	s0 =	simm.s32 @!p1 $0x0  }
0x14: {  	s2 =	sld [smem:$0x3F8E];
	s0 =	simm.s32 @p1 $0x1  }
0x15: {  	[smem:$0x3FAB] =	sst s0;
	s0 =	simm.s32 @!p2 $0x0  }
0x16: {  	s3 =	sld [smem:$0x3FDB];
	s0 =	simm.s32 @p2 $0x1  }
0x17: {  	s4 =	simm.s32 $0x1BF5;
	[smem:$0x3FAD] =	sst s0  }
0x18: {  	s0 =	sld [smem:$0x3F90];
	_ =	swait.ge [sflag:s4], $0x0  }
0x19: {  	s7 =	sld [smem:$0x3F91]  }
0x1a: {  	s8 =	sadd.s32 $0xFFFFE003, lr  }
0x1b: {  	s9 =	sadd.s32 $0xFFFFFEF7, lr;
	s5 =	simm.s32 $0xFFFFFFFF;
	p2 =	slt.u32 s8, $0xFFFFF086  }
0x1c: {  	p1 =	slt.u32 s9, $0xF7A;
	s5 =	simm.s32 @!p2 $0x0  }
0x1d: {  	s5 =	simm.s32 @p1 $0x1;
	p0 =	seq.s32 s7, s2  }
0x1e: {  	s7 =	smul.u32 @!p0 $0xF7A, s2;
	p2 =	seq.s32 @!p0 s5, $0x0  }
0x1f: {  	s9 =	smul.u32 $0xF7A, s1;
	s8 =	simm.s32 @!p0 $0x1BF5;
	p2 =	por !p2, p0  }
0x20: {  	[sflag:s8] =	ssyncset.s32 @!p0 $0xFFFFF086;
	s6 =	sadd.s32 @!p0 s3, s7;
	s7 =	simm.s32 @!p0 $0x108  }
0x21: {  	s3 =	sadd.s32 s3, s9;
	s6 =	sadd.s32 @!p0 $0x88, s6;
	s7 =	simm.s32 @p2 $0x1082  }
0x22: {  	[simem:s7], [sflag:s8] =	dma.local @!p0 [hbm:s6], $0xF7A  }
0x23: {  	s9 =	sor.u32 $0xD0000000, s2;
	s6 =	simm.s32 $0x108;
	_ =	swait.ge @!p0 [sflag:s8], $0x0  }
0x24: {  	s3 =	sadd.s32 $0x88, s3;
	s6 =	simm.s32 @!p1 $0x1082;
	[sflag:s4] =	ssyncset.s32 $0xFFFFF086  }
0x25: {  	[simem:s6], [sflag:s4] =	dma.local [hbm:s3], $0xF7A  }
0x26: {  	[smem:$0x3F91] =	sst s1;
	(tag) =	ssettag s2;
	_ =	strace s9  }
0x27: {  	s1 =	sld [smem:$0x3FA1]  }
0x28: {  	s2 =	sld [smem:$0x3FA2]  }
0x29: {  	s4 =	sld [smem:$0x3FA4]  }
0x2a: {  	p0 =	seq.s32 s5, $0x0;
	s5 =	sld [smem:$0x3FA5]  }
0x2b: {  	s6 =	sld [smem:$0x3FA6]  }
0x2c: {  	s7 =	sld [smem:$0x3FA7]  }
0x2d: {  	s3 =	simm.s32 $0x108;
	s8 =	sld [smem:$0x3FA8]  }
0x2e: {  	s3 =	simm.s32 @!p0 $0x1082;
	s9 =	sld [smem:$0x3FA9]  }
0x2f: {  	lr =	sadd.s32 s0, s3;
	s0 =	sld [smem:$0x3FA0]  }
0x30: {  	s3 =	sld [smem:$0x3FA3]  }
0x31: {  	[smem:$0x3FAC] =	sst s10  }
0x32: {  	s10 =	sld [smem:$0x3FAA];
	_ =	sdelay $0x3  }
0x33: {  	p0 =	seq.s32 s10, $0x1;
	s10 =	sld [smem:$0x3FAC];
	_ =	sdelay $0x3  }
0x34: {  	[smem:$0x3FAC] =	sst s10  }
0x35: {  	s10 =	sld [smem:$0x3FAB];
	_ =	sdelay $0x3  }
0x36: {  	p1 =	seq.s32 s10, $0x1;
	s10 =	sld [smem:$0x3FAC];
	_ =	sdelay $0x3  }
0x37: {  	[smem:$0x3FAC] =	sst s10  }
0x38: {  	s10 =	sld [smem:$0x3FAD]  }
0x39: {  	_ = 	snop;
	(pc) =	sbr.ind lr, $3  }
0x3a: {  	_ = 	snop  }
0x3b: {  	_ = 	snop  }
0x3c: {  	p2 =	seq.s32 s10, $0x1;
	s10 =	sld [smem:$0x3FAC]  }
0x3d: {  	_ =	shalt  }
0x3e: {  	_ =	shalt  }
0x3f: {  	_ =	shalt  }
0x40: {  	_ =	shalt  }
0x41: {  	_ =	shalt  }
0x42: {  	_ =	shalt  }
0x43: {  	_ =	shalt  }
0x44: {  	_ =	shalt  }
0x45: {  	_ =	shalt  }
0x46: {  	_ =	shalt  }
0x47: {  	_ =	shalt  }
0x48: {  	_ =	shalt  }
0x49: {  	_ =	shalt  }
0x4a: {  	_ =	shalt  }
0x4b: {  	_ =	shalt  }
0x4c: {  	_ =	shalt  }
0x4d: {  	_ =	shalt  }
0x4e: {  	_ =	shalt  }
0x4f: {  	_ =	shalt  }
0x50: {  	_ =	shalt  }
0x51: {  	_ =	shalt  }
0x52: {  	_ =	shalt  }
0x53: {  	_ =	shalt  }
0x54: {  	_ =	shalt  }
0x55: {  	_ =	shalt  }
0x56: {  	_ =	shalt  }
0x57: {  	_ =	shalt  }
0x58: {  	_ =	shalt  }
0x59: {  	_ =	shalt  }
0x5a: {  	_ =	shalt  }
0x5b: {  	_ =	shalt  }
0x5c: {  	_ =	shalt  }
0x5d: {  	_ =	shalt  }
0x5e: {  	_ =	shalt  }
0x5f: {  	_ =	shalt  }
0x60: {  	_ =	shalt  }
0x61: {  	_ =	shalt  }
0x62: {  	_ =	shalt  }
0x63: {  	_ =	shalt  }
0x64: {  	_ =	shalt  }
0x65: {  	_ =	shalt  }
0x66: {  	_ =	shalt  }
0x67: {  	_ =	shalt  }
0x68: {  	_ =	shalt  }
0x69: {  	_ =	shalt  }
0x6a: {  	_ =	shalt  }
0x6b: {  	_ =	shalt  }
0x6c: {  	_ =	shalt  }
0x6d: {  	_ =	shalt  }
0x6e: {  	_ =	shalt  }
0x6f: {  	_ =	shalt  }
0x70: {  	_ =	shalt  }
0x71: {  	_ =	shalt  }
0x72: {  	_ =	shalt  }
0x73: {  	_ =	shalt  }
0x74: {  	_ =	shalt  }
0x75: {  	_ =	shalt  }
0x76: {  	_ =	shalt  }
0x77: {  	_ =	shalt  }
0x78: {  	_ =	shalt  }
0x79: {  	_ =	shalt  }
0x7a: {  	_ =	shalt  }
0x7b: {  	_ =	shalt  }
0x7c: {  	_ =	shalt  }
0x7d: {  	_ =	shalt  }
0x7e: {  	_ =	shalt  }
0x7f: {  	_ =	shalt  }
0x80: {  	_ =	shalt  }
0x81: {  	_ =	shalt  }
0x82: {  	_ =	shalt  }
0x83: {  	_ =	shalt  }
0x84: {  	_ =	shalt  }
0x85: {  	_ =	shalt  }
0x86: {  	_ =	shalt  }
0x87: {  	_ =	shalt  }
.Lfunc_end0:
.L_simem_size_0:
called_computation.1_lowered:
.L_overlay_start_0:
0x88: {  	s2 =	sld [smem:$0x3FD9]  }
0x89: {  	s3 =	sld [smem:$0x3FFE];
	_ =	sdelay $0x1  }
0x8a: {  	s1 =	srdreg.scid  }
0x8b: {  	s0 =	sand.u32 $0x1, s1  }
0x8c: {  	s16 =	sshll.u32 s0, $0xA;
	s2 =	sadd.s32 s3, s2  }
0x8d: {  	s2 =	sadd.s32 s2, s16  }
0x8e: {  	[smem:$0x3FB8] =	sst s2  }
0x8f: {  	_ = 	snop  }
0x90: {  	(tm) =	ssettm $0x1  }
0x91: {  	s17 =	sld [smem:$0x3FFB];
	_ =	sdelay $0x3  }
0x92: {  	_ =	strace s17  }
0x93: {  	s2 =	sld [smem:$0x3FFC];
	_ =	sdelay $0x3  }
0x94: {  	_ =	strace s2  }
0x95: {  	s2 =	sld [smem:$0x3FFD];
	_ =	sdelay $0x3  }
0x96: {  	_ =	strace s2  }
0x97: {  	_ =	strace $0x8FFFFFFF  }
0x98: {  	s18 =	sld [smem:$0x3FDB];
	_ =	sdelay $0x1  }
0x99: {  	s19 =	simm.s32 $_scs_section_size  }
0x9a: {  	s4 =	simm.s32 $_size__tile_overlayer_lowered;
	s5 =	simm.s32 $_tile_overlayer_lowered  }
0x9b: {  	s22 =	simm.s32 $0x1BFF;
	s21 =	sshll.u32 s5, $0x1;
	s2 =	sadd.s32 s19, s18  }
0x9c: {  	s6 =	simm.s32 $0x0;
	s20 =	sshll.u32 s4, $0x1;
	s4 =	sadd.s32 s21, s2  }
0x9d: {  	[timem:s6], [sflag:s22] =	dma.local [hbm:s4], s20  }
0x9e: {  	_ =	swait.ge [sflag:s22], s20  }
0x9f: {  	s3 =	ssub.s32 $0x0, s20;
	[sflag:s22] =	ssyncset.done $0x0  }
0xa0: {  	[sflag:s22] =	ssyncadd.s32 s3;
	_ =	sdelay $0x1  }
0xa1: {  	s23 =	simm.s32 $0x1B8B  }
0xa2: {  	_ =	swait.ge [sflag:s23], $0x1  }
0xa3: {  	[sflag:s23] =	ssyncset.done $0x0  }
0xa4: {  	s25 =	simm.s32 $0x1B8E;
	s24 =	sld [smem:$0x3FFE];
	[sflag:s23] =	ssyncadd.s32 $0xFFFFFFFF  }
0xa5: {  	s26 =	simm.s32 $execute0_lowered;
	[smem:$0x3FD2] =	sst s25  }
0xa6: {  	s4 =	sshll.u32 s26, $0x1;
	_ =	strace $0x80000049;
	[dreg:$0x1] =	wrdreg $0xFFFFFFFF  }
0xa7: {  	s28 =	simm.s32 $_size_execute0_lowered;
	s2 =	sadd.s32 s2, s4;
	[dreg:$0x0] =	wrdreg $0x0  }
0xa8: {  	s4 =	sshll.u32 s28, $0x1;
	[dreg:$0x2] =	wrdreg s2  }
0xa9: {  	[dreg:$0x3] =	wrdreg s4  }
0xaa: {  	[dreg:$0x4] =	wrdreg $0xC0  }
0xab: {  	_ =	task [dreg:s6], $0x5FFFF  }
0xac: {  	[dreg:$0x1] =	wrdreg $0xFFFFFFFF  }
0xad: {  	[dreg:$0x0] =	wrdreg $0x60  }
0xae: {  	[dreg:$0x2] =	wrdreg s24  }
0xaf: {  	[dreg:$0x3] =	wrdreg $0x5B000  }
0xb0: {  	[dreg:$0x4] =	wrdreg $0x9  }
0xb1: {  	_ =	task.clear_ibuf [dreg:s6], $0x5FFFF;
	_ =	strace $0x90000049  }
0xb2: {  	s29 =	simm.s32 $0x9;
	_ =	strace $0x8000004B  }
0xb3: {  	_ =	swait.ge [sflag:s29], $0x1  }
0xb4: {  	[sflag:s29] =	ssyncadd.s32 $0xFFFFFFFF  }
0xb5: {  	_ =	strace $0x9000004B  }
0xb6: {  	_ =	sfence  }
0xb7: {  	s30 =	sld [smem:$0x0];
	_ =	sdelay $0x2  }
0xb8: {  	s31 =	sshll.u32 s1, $0xD;
	s1 =	sshrl.u32 s1, $0x2  }
0xb9: {  	s3 =	sand.u32 $0x4000, s31;
	s1 =	sadd.s32 s1, s30  }
0xba: {  	s0 =	sor.u32 s3, s0;
	s1 =	sshll.u32 s1, $0x11  }
0xbb: {  	s0 =	sor.u32 s1, s0  }
0xbc: {  	s0 =	sadd.s32 $0x8F2B, s0  }
0xbd: {  	[sflag:s0] =	ssyncadd.remote.s32 $0x1  }
0xbe: {  	_ =	sfence.sel $0xFFFF  }
0xbf: {  	[dreg:$0x0] =	wrdreg $0xFFFFFFFF;
	(pc) =	sbr.abs _section_cstart, $3  }
0xc0: {  	[dreg:$0x1] =	wrdreg $0xFFFFFFFF  }
0xc1: {  	_ =	task.clear_ibuf [dreg:s6], $0x2FFFF;
	_ =	strace $0x9FFFFFFF  }
0xc2: {  	(tm) =	ssettm $0x7FFFFFFF  }
0xc3: {  	_ =	shalt  }
tec
execute0_lowered:
.L_overlay_start_1:
0x0: {  	(tag) =	ssettag $0x1  }
0x1: {  	s0 =	rddreg [dreg:$0x0]  }
0x2: {  	s1 =	rddreg [dreg:$0x1];
	s2 =	simm.s32 $0x0  }
0x3: {  	s19 =	srdreg.scid;
	s10 =	stileid.u32;
	s16 =	simm.s32 $0x5  }
0x4: {  	s28 =	simm.s32 $0x2;
	s29 =	simm.s32 $0x3;
	s30 =	simm.s32 $0x5280  }
0x5: {  	[smem:$0x7FF] =	sst s2;
	s3 =	sadd.s32 $0x33E00, s0;
	s17 =	sadd.s32 $0xCA00, s0  }
0x6: {  	s18 =	sadd.s32 $0x2C00, s0;
	s4 =	sadd.s32 $0x16800, s0;
	s2 =	sand.u32 $0x1, s19  }
0x7: {  	s20 =	sadd.s32 $0x82000, s0;
	_ =	strace $0x8000004A;
	[dreg:$0x3] =	wrdreg s17  }
0x8: {  	s5 =	smul.u32 $0x4E000, s10;
	s0 =	sadd.s32 $0x82200, s0;
	[dreg:$0x4] =	wrdreg s18  }
0x9: {  	s8 =	smul.u32 $0x13800, s10;
	s11 =	sadd.s32 $0x138000, s1;
	[dreg:$0x5] =	wrdreg s4  }
0xa: {  	p0 =	sne.s32 s10, $0xF;
	[dreg:$0x6] =	wrdreg s20;
	s21 =	ssub.s32 $0x2, s2  }
0xb: {  	s7 =	smul.u32 $0x138800, s2;
	s2 =	sshll.u32 s2, $0x4;
	s17 =	simm.s32 $0x5300  }
0xc: {  	[dreg:$0x7] =	wrdreg s11;
	s6 =	sshrl.u32 s21, $0x1;
	s5 =	sshrl.u32 s5, $0x2  }
0xd: {  	s2 =	sor.u32 s10, s2;
	s4 =	ssub.s32 s21, s6;
	s9 =	sadd.s32 s5, s1  }
0xe: {  	s22 =	sadd.s32 s8, s7;
	s23 =	sshrl.u32 s7, $0x3;
	s2 =	smul.u32 $0x2710, s2  }
0xf: {  	s24 =	sshrl.u32 s22, $0x3;
	s25 =	sadd.s32 s0, s23;
	s31 =	smax.u32 s4, $0x1  }
0x10: {  	s22 =	simm.s32 $0x28;
	s23 =	simm.s32 $0x2A00;
	[dreg:$0x8] =	wrdreg s2  }
0x11: {  	s4 =	simm.s32 $0x0;
	s0 =	sadd.s32 s0, s24;
	[dreg:$0xb] =	wrdreg s31  }
0x12: {  	s26 =	sadd.s32 $0x27000, s25;
	s24 =	simm.s32 $0x3E00;
	[dreg:$0x9] =	wrdreg s0  }
0x13: {  	v0 =	vimm.f32 $0.0e+00;
	s25 =	simm.s32 $0x1;
	[dreg:$0xa] =	wrdreg s26;
	s26 =	simm.s32 $0x5200  }
.LBB2_1:
0x14: {  	[dreg:$0xc] =	wrdreg s4  }
0x15: {  	s0 =	simm.s32 $0x0;
	s2 =	rddreg [dreg:$0x6];
	s31 =	simm.s32 $0x2800  }
0x16: {  	[tilespmem:s31], [sflag:$0x5] =	stream.linear.gather [hbm4b:s2+s0], $0x200, $0x38;
	[tilespmem:$0x19380] =	vst v63  }
0x17: {  	_ =	swait.ge [sflag:s16], $0x200  }
0x18: {  	[sflag:s16] =	ssyncset.done $0x0  }
0x19: {  	s0 =	simm.s32 $0x0;
	s2 =	simm.s32 $0x200;
	[sflag:s16] =	ssyncadd.s32 $0xFFFFFE00  }
.LBB2_2:
0x1a: {  	p1 =	sne.s32 s2, $0x1E00;
	[tilespmem:s0+$0x5370] =	vst v0  }
0x1b: {  	[tilespmem:s0+$0x5300] =	vst v0  }
0x1c: {  	[tilespmem:s0+$0x5310] =	vst v0  }
.Ltmp0:
0x1d: {  	[tilespmem:s0+$0x5320] =	vst v0;
	(pc) =	sbr.rel @p1 .LBB2_2-.Ltmp0, $4  }
0x1e: {  	[tilespmem:s0+$0x5330] =	vst v0  }
0x1f: {  	[tilespmem:s0+$0x5340] =	vst v0  }
0x20: {  	[tilespmem:s0+$0x5350] =	vst v0  }
0x21: {  	[tilespmem:s0+$0x5360] =	vst v0;
	s0 =	sshra.s32 s2, $0x2;
	s2 =	sadd.s32 $0x200, s2  }
0x22: {  	[tilespmem:s0+$0x5370] =	vst v0  }
0x23: {  	[tilespmem:s0+$0x5300] =	vst v0  }
0x24: {  	[tilespmem:s0+$0x5310] =	vst v0  }
0x25: {  	[tilespmem:s0+$0x5320] =	vst v0  }
0x26: {  	[tilespmem:s0+$0x5330] =	vst v0  }
0x27: {  	[tilespmem:s0+$0x5340] =	vst v0  }
0x28: {  	[tilespmem:s0+$0x5350] =	vst v0  }
0x29: {  	[tilespmem:s0+$0x5360] =	vst v0;
	s31 =	sadd.s32 $0x0, s9  }
0x2a: {  	[spmem:s31] =	stream.linear.scatter [tilespmem:s17], [sflag:$0x5], $0x800, $0x38;
	[tilespmem:$0x19380] =	vst v63  }
0x2b: {  	s0 =	simm.s32 $0x2000;
	_ =	swait.ge [sflag:s16], $0x800  }
.LBB2_4:
0x2c: {  	s2 =	sshra.s32 s0, $0x2;
	[sflag:s16] =	ssyncset.done $0x0;
	p1 =	sne.s32 s0, $0x4C000  }
.Ltmp1:
0x2d: {  	s2 =	sadd.s32 s2, s9;
	[sflag:s16] =	ssyncadd.s32 $0xFFFFF800;
	(pc) =	sbr.rel @p1 .LBB2_4-.Ltmp1, $3  }
0x2e: {  	[spmem:s2] =	stream.linear.scatter [tilespmem:s17], [sflag:$0x5], $0x800, $0x38;
	[tilespmem:$0x19380] =	vst v63  }
0x2f: {  	s0 =	sadd.s32 $0x2000, s0;
	_ =	sdelay $0x1  }
0x30: {  	_ =	swait.ge [sflag:s16], $0x800  }
0x31: {  	[sflag:s16] =	ssyncset.done $0x0  }
0x32: {  	s0 =	simm.s32 @!p0 $0x5300;
	[sflag:s16] =	ssyncadd.s32 $0xFFFFF800  }
0x33: {  	[spmem:s11] =	stream.linear.scatter @!p0 [tilespmem:s0], [sflag:$0x5], $0x800, $0x38;
	[tilespmem:$0x19380] =	vst v63  }
0x34: {  	s0 =	simm.s32 @!p0 $0x5  }
0x35: {  	_ =	swait.ge @!p0 [sflag:s0], $0x800  }
0x36: {  	[sflag:s0] =	ssyncset.done @!p0 $0x0  }
0x37: {  	[sflag:s0] =	ssyncadd.s32 @!p0 $0xFFFFF800  }
0x38: {  	[bflag:$0x0] =	sbarrier.arrive $0xFFFF  }
0x39: {  	v51 =	vld [tilespmem:$0x2800]  }
0x3a: {  	v62 =	vld [tilespmem:$0x2810]  }
0x3b: {  	v0 =	vld [tilespmem:$0x2830]  }
0x3c: {  	v16 =	vld [tilespmem:$0x29F0]  }
0x3d: {  	v1 =	vld [tilespmem:$0x28F0]  }
0x3e: {  	v9 =	vld [tilespmem:$0x2980]  }
0x3f: {  	v10 =	vld [tilespmem:$0x2990]  }
0x40: {  	v11 =	vld [tilespmem:$0x29A0];
	[tilespmem:$0x1FE70] =	vst v0  }
0x41: {  	v12 =	vld [tilespmem:$0x29B0];
	[tilespmem:$0x1FE90] =	vst v16  }
0x42: {  	v13 =	vld [tilespmem:$0x29C0];
	[tilespmem:$0x1FEA0] =	vst v1  }
0x43: {  	v14 =	vld [tilespmem:$0x29D0];
	[tilespmem:$0x1FEB0] =	vst v9  }
0x44: {  	v15 =	vld [tilespmem:$0x29E0];
	[tilespmem:$0x1FEC0] =	vst v10  }
0x45: {  	v3 =	vld [tilespmem:$0x2910];
	[tilespmem:$0x1FED0] =	vst v11  }
0x46: {  	v5 =	vld [tilespmem:$0x2930];
	[tilespmem:$0x1FEE0] =	vst v12  }
0x47: {  	v7 =	vld [tilespmem:$0x2950];
	[tilespmem:$0x1FEF0] =	vst v13  }
0x48: {  	v2 =	vld [tilespmem:$0x2900];
	[tilespmem:$0x1FF00] =	vst v14  }
0x49: {  	v4 =	vld [tilespmem:$0x2920];
	[tilespmem:$0x1FF10] =	vst v15  }
0x4a: {  	v6 =	vld [tilespmem:$0x2940];
	[tilespmem:$0x1FF20] =	vst v3  }
0x4b: {  	v8 =	vld [tilespmem:$0x2960];
	[tilespmem:$0x1FF30] =	vst v5  }
0x4c: {  	v21 =	vld [tilespmem:$0x2850];
	[tilespmem:$0x1FF40] =	vst v7  }
0x4d: {  	v26 =	vld [tilespmem:$0x2870];
	[tilespmem:$0x1FF50] =	vst v2  }
0x4e: {  	v27 =	vld [tilespmem:$0x2890];
	[tilespmem:$0x1FF60] =	vst v4  }
0x4f: {  	v63 =	vld [tilespmem:$0x2820];
	[tilespmem:$0x1FF70] =	vst v6  }
0x50: {  	v20 =	vld [tilespmem:$0x2840];
	[tilespmem:$0x1FF80] =	vst v8  }
0x51: {  	v25 =	vld [tilespmem:$0x2860];
	[tilespmem:$0x1FF90] =	vst v21  }
0x52: {  	v24 =	vld [tilespmem:$0x2880];
	[tilespmem:$0x1FFA0] =	vst v26  }
0x53: {  	v0 =	vld [tilespmem:$0x2970];
	[tilespmem:$0x1FFB0] =	vst v27  }
0x54: {  	v29 =	vld [tilespmem:$0x28A0];
	[tilespmem:$0x1FFC0] =	vst v51  }
0x55: {  	v30 =	vld [tilespmem:$0x28B0];
	[tilespmem:$0x1FFD0] =	vst v62  }
0x56: {  	v31 =	vld [tilespmem:$0x28C0];
	[tilespmem:$0x1FFE0] =	vst v63  }
0x57: {  	v32 =	vld [tilespmem:$0x28D0];
	[tilespmem:$0x1FFF0] =	vst v24  }
0x58: {  	s2 =	simm.s32 $0x0;
	v19 =	vld [tilespmem:$0x28E0];
	[tilespmem:$0x1FE80] =	vst v0  }
.LBB2_6:
0x59: {  	s0 =	smul.u32 $0x7D0, s2  }
0x5a: {  	s13 =	rddreg [dreg:$0x8]  }
0x5b: {  	s0 =	sadd.s32 s13, s0  }
0x5c: {  	s14 =	rddreg [dreg:$0x3];
	s0 =	sshrl.u32 s0, $0x3  }
0x5d: {  	[dreg:$0xd] =	wrdreg s2;
	s5 =	simm.s32 $0x0;
	s2 =	sadd.s32 s14, s0  }
0x5e: {  	[tilespmem:s5], [sflag:$0x5] =	stream.linear.gather [hbm4b:s2+s5], $0x7D0, $0x38;
	[tilespmem:$0x19380] =	vst v63  }
0x5f: {  	_ =	swait.ge [sflag:s16], $0x7D0  }
0x60: {  	[sflag:s16] =	ssyncset.done $0x0;
	s15 =	rddreg [dreg:$0x4]  }
0x61: {  	s4 =	simm.s32 $0x800;
	[sflag:s16] =	ssyncadd.s32 $0xFFFFF830;
	s2 =	sadd.s32 s15, s0  }
0x62: {  	[tilespmem:s4], [sflag:$0x5] =	stream.linear.gather [hbm4b:s2+s5], $0x7D0, $0x38;
	[tilespmem:$0x19380] =	vst v63  }
0x63: {  	_ =	swait.ge [sflag:s16], $0x7D0  }
0x64: {  	[sflag:s16] =	ssyncset.done $0x0;
	s18 =	rddreg [dreg:$0x5]  }
0x65: {  	s19 =	simm.s32 $0x1000;
	[sflag:s16] =	ssyncadd.s32 $0xFFFFF830;
	s0 =	sadd.s32 s18, s0  }
0x66: {  	[tilespmem:s19], [sflag:$0x5] =	stream.linear.gather [hbm4b:s0+s5], $0x7D0, $0x38;
	[tilespmem:$0x19380] =	vst v63  }
0x67: {  	_ =	swait.ge [sflag:s16], $0x7D0  }
0x68: {  	[sflag:s16] =	ssyncset.done $0x0  }
0x69: {  	s21 =	simm.s32 $0x1800;
	s20 =	sadd.s32 $0x9C40, s0;
	[sflag:s16] =	ssyncadd.s32 $0xFFFFF830  }
0x6a: {  	[tilespmem:s21], [sflag:$0x5] =	stream.linear.gather [hbm4b:s20+s5], $0x7D0, $0x38;
	[tilespmem:$0x19380] =	vst v63  }
0x6b: {  	s31 =	simm.s32 $0x2000;
	s12 =	simm.s32 $0x1001;
	_ =	swait.ge [sflag:s16], $0x7D0  }
0x6c: {  	s10 =	simm.s32 $0x1029;
	s13 =	simm.s32 $0x2029;
	[sflag:s16] =	ssyncset.done $0x0  }
0x6d: {  	s14 =	simm.s32 $0x1829;
	s0 =	sadd.s32 $0x13880, s0;
	[sflag:s16] =	ssyncadd.s32 $0xFFFFF830  }
0x6e: {  	[tilespmem:s31], [sflag:$0x5] =	stream.linear.gather [hbm4b:s0+s5], $0x7D0, $0x38;
	[tilespmem:$0x19380] =	vst v63  }
0x6f: {  	s15 =	simm.s32 $0x1801;
	s2 =	simm.s32 $0x2001;
	_ =	swait.ge [sflag:s16], $0x7D0  }
0x70: {  	s18 =	simm.s32 $0x183D;
	s19 =	simm.s32 $0x103D;
	[sflag:s16] =	ssyncset.done $0x0  }
0x71: {  	s20 =	simm.s32 $0x0;
	s0 =	simm.s32 $0x203D;
	[sflag:s16] =	ssyncadd.s32 $0xFFFFF830  }
0x72: {  	[tilespmem:s23], [sflag:$0x1] =	stream.indirect.gather [hbm4b:s3+s22], $0x80, s5, s22, $0xb8;
	[tilespmem:$0x19380] =	vst v63  }
.LBB2_7:
0x73: {  	p1 =	seq.s32 s20, $0x0  }
0x74: {  	s4 =	simm.s32 @!p1 $0x4  }
0x75: {  	s21 =	smul.u32 $0x50, s20;
	_ =	swait.ge @!p1 [sflag:s4], $0x1400  }
0x76: {  	[sflag:s4] =	ssyncset.done @!p1 $0x0  }
0x77: {  	s5 =	sadd.s32 $0x28, s21;
	[sflag:s4] =	ssyncadd.s32 @!p1 $0xFFFFEC00  }
0x78: {  	[tilespmem:s24], [sflag:$0x2] =	stream.indirect.gather [hbm4b:s3+s22], $0x80, s5, s22, $0xb8;
	[tilespmem:$0x19380] =	vst v63  }
0x79: {  	_ =	swait.ge [sflag:s25], $0x1400  }
0x7a: {  	[sflag:s25] =	ssyncset.done $0x0  }
0x7b: {  	[sflag:s25] =	ssyncadd.s32 $0xFFFFEC00  }
0x7c: {  	v33 =	vld.msk [tilespmem:s12+$0x0 ss:$0x0], $0xffff  }
0x7d: {  	v34 =	vld.msk [tilespmem:s12+$0xFFFFFFFF ss:$0x0], $0xffff  }
0x7e: {  	v17 =	vld [tilespmem:$0x1FE70]  }
0x7f: {  	v35 =	vld.msk [tilespmem:s15+$0x0 ss:$0x0], $0xffff;
	_ =	sdelay $0x1  }
0x80: {  	v40 =	vld.msk [tilespmem:s2+$0x0 ss:$0x0], $0xffff;
	v36 =	vmul.f32 v33, v51  }
0x81: {  	v37 =	vmul.f32 v33, v26;
	v38 =	vmul.f32 v34, v51  }
0x82: {  	v39 =	vmul.f32 v34, v62;
	v41 =	vmul.f32 v34, v63  }
0x83: {  	v42 =	vmul.f32 v35, v1;
	v43 =	vmul.f32 v34, v17  }
0x84: {  	v44 =	vmul.f32 v34, v20;
	v47 =	vmul.f32 v34, v21  }
0x85: {  	v46 =	vld.msk [tilespmem:s15+$0xFFFFFFFF ss:$0x0], $0xffff;
	v59 =	vmul.f32 v40, v0;
	v48 =	vmul.f32 v34, v25  }
0x86: {  	v34 =	vmul.f32 v34, v26;
	v49 =	vmul.f32 v33, v62  }
0x87: {  	v50 =	vmul.f32 v33, v63;
	v60 =	vmul.f32 v33, v17  }
0x88: {  	v61 =	vmul.f32 v33, v20;
	v52 =	vmul.f32 v33, v21;
	v37 =	vadd.f32 v37, v16  }
0x89: {  	v33 =	vmul.f32 v33, v25;
	v38 =	vadd.f32 v38, v9;
	v39 =	vadd.f32 v39, v10  }
0x8a: {  	v62 =	vmul.f32 v46, v24;
	v41 =	vadd.f32 v41, v11;
	v43 =	vadd.f32 v43, v12  }
0x8b: {  	v63 =	vmul.f32 v46, v27;
	v44 =	vadd.f32 v44, v13;
	v47 =	vadd.f32 v47, v14  }
0x8c: {  	v58 =	vld.msk [tilespmem:s2+$0xFFFFFFFF ss:$0x0], $0xffff;
	v54 =	vmul.f32 v46, v29;
	v48 =	vadd.f32 v48, v15;
	v34 =	vadd.f32 v34, v16  }
0x8d: {  	v55 =	vmul.f32 v46, v30;
	v36 =	vadd.f32 v36, v9;
	v49 =	vadd.f32 v49, v10  }
0x8e: {  	v56 =	vmul.f32 v46, v31;
	v50 =	vadd.f32 v50, v11;
	v51 =	vadd.f32 v61, v13  }
0x8f: {  	v9 =	vadd.f32 v52, v14;
	v10 =	vmul.f32 v46, v32;
	v11 =	vmul.f32 v46, v19  }
0x90: {  	v57 =	vadd.f32 v33, v15;
	v13 =	vmul.f32 v35, v30;
	v14 =	vmul.f32 v35, v32  }
0x91: {  	v61 =	vmul.f32 v58, v2;
	v15 =	vmul.f32 v58, v3;
	v37 =	vadd.f32 v42, v37  }
0x92: {  	v33 =	vmul.f32 v40, v2;
	v42 =	vadd.f32 v60, v12;
	v38 =	vadd.f32 v62, v38  }
0x93: {  	v17 =	vmovc v0;
	v0 =	vadd.f32 v63, v39;
	v39 =	vmul.f32 v46, v1;
	v1 =	vmul.f32 v35, v24  }
0x94: {  	s6 =	simm.s32 $0x2A80;
	v41 =	vadd.f32 v54, v41;
	v12 =	vmul.f32 v35, v27;
	v44 =	vadd.f32 v56, v44  }
0x95: {  	v45 =	vld [tilespmem:s6+$0x70];
	v60 =	vmul.f32 v35, v31;
	v47 =	vadd.f32 v10, v47;
	v48 =	vadd.f32 v11, v48  }
0x96: {  	v37 =	vadd.f32 v59, v37;
	v59 =	vmul.f32 v35, v29;
	v39 =	vadd.f32 v39, v34  }
0x97: {  	v52 =	vld [tilespmem:s6+$0xFFFFFFC0];
	v35 =	vmul.f32 v35, v19;
	v46 =	vadd.f32 v1, v36;
	v42 =	vadd.f32 v13, v42  }
0x98: {  	v10 =	vld [tilespmem:s6+$0xFFFFFF90];
	v36 =	vmul.f32 v58, v4;
	v53 =	vadd.f32 v60, v51;
	v1 =	vadd.f32 v14, v9  }
0x99: {  	v11 =	vld [tilespmem:s6+$0xFFFFFFA0];
	v61 =	vadd.f32 v61, v38;
	v13 =	vmul.f32 v58, v7;
	v14 =	vmul.f32 v58, v8  }
0x9a: {  	v63 =	vld [tilespmem:s6+$0xFFFFFFB0];
	v62 =	vadd.f32 v15, v0;
	v15 =	vmul.f32 v58, v17;
	v37 =	vadd.f32 v45, v37  }
0x9b: {  	v34 =	vld [tilespmem:s6+$0xFFFFFFD0];
	v9 =	vmul.f32 v40, v3;
	v54 =	vadd.f32 v59, v50;
	v45 =	vadd.f32 v35, v57  }
0x9c: {  	v38 =	vld [tilespmem:s6+$0x10];
	v50 =	vmul.f32 v58, v5;
	v51 =	vadd.f32 v36, v41;
	v60 =	vadd.f32 v13, v47  }
0x9d: {  	v35 =	vld [tilespmem:s6+$0xFFFFFFE0];
	v57 =	vadd.f32 v14, v48;
	v14 =	vmul.f32 v40, v5;
	v59 =	vadd.f32 v15, v39  }
0x9e: {  	v13 =	vld [tilespmem:s6+$0xFFFFFF80];
	v46 =	vadd.f32 v33, v46;
	v33 =	vmul.f32 v40, v7;
	v18 =	vmax.f32 v37, $0.0e+00  }
0x9f: {  	v36 =	vld [tilespmem:s6+$0xFFFFFFF0];
	v37 =	vadd.f32 v55, v43;
	v43 =	vadd.f32 v12, v49;
	v12 =	vmul.f32 v58, v6  }
0xa0: {  	v15 =	vmul.f32 v40, v6;
	v39 =	vld [tilespmem:s6+$0x20];
	v56 =	vadd.f32 v33, v1;
	v41 =	vadd.f32 v11, v51  }
0xa1: {  	v48 =	vld [tilespmem:s6+$0x50];
	v49 =	vadd.f32 v50, v37;
	v58 =	vadd.f32 v12, v44;
	v12 =	vmul.f32 v40, v4  }
0xa2: {  	v37 =	vld [tilespmem:s6+$0x0];
	v50 =	vadd.f32 v9, v43;
	v40 =	vmul.f32 v40, v8;
	v43 =	vadd.f32 v14, v42  }
0xa3: {  	v42 =	vld [tilespmem:s6+$0x30];
	v61 =	vadd.f32 v61, v13;
	v47 =	vadd.f32 v12, v54  }
0xa4: {  	s11 =	simm.s32 $0x0;
	s31 =	sadd.s32 $0x2, s12;
	v44 =	vld [tilespmem:s6+$0x40];
	v54 =	vadd.f32 v15, v53;
	v55 =	vadd.f32 v40, v45  }
0xa5: {  	s8 =	smov.u32 s15;
	s7 =	simm.s32 $0x2A80;
	s4 =	smov.u32 s2;
	[tilespmem:s6+$0x70] =	vst v18;
	v45 =	vadd.f32 v62, v10;
	v40 =	vadd.f32 v63, v49;
	v49 =	vld [tilespmem:s6+$0x60]  }
.LBB2_8:
0xa6: {  	v0 =	vld.msk [tilespmem:s31+$0x0 ss:$0x0], $0xffff  }
0xa7: {  	v53 =	vld.msk [tilespmem:s31+$0xFFFFFFFF ss:$0x0], $0xffff  }
0xa8: {  	v2 =	vld [tilespmem:$0x1FFD0]  }
0xa9: {  	v3 =	vld [tilespmem:$0x1FFE0]  }
0xaa: {  	v5 =	vld [tilespmem:$0x1FE90]  }
0xab: {  	v13 =	vld [tilespmem:$0x1FEA0];
	v33 =	vadd.f32 v52, v58  }
0xac: {  	v18 =	vld [tilespmem:$0x1FE80];
	v51 =	vmax.f32 v61, $0.0e+00;
	v34 =	vadd.f32 v34, v60;
	v35 =	vadd.f32 v35, v57  }
0xad: {  	v8 =	vld [tilespmem:$0x1FEC0];
	v45 =	vmax.f32 v45, $0.0e+00;
	v36 =	vadd.f32 v36, v59;
	v37 =	vadd.f32 v46, v37  }
0xae: {  	s8 =	sadd.s32 $0x2, s8;
	v9 =	vld [tilespmem:$0x1FED0];
	v41 =	vmax.f32 v41, $0.0e+00;
	[tilespmem:s6+$0xFFFFFF80] =	vst v51;
	v46 =	vadd.f32 v50, v38;
	v47 =	vadd.f32 v39, v47  }
0xaf: {  	v15 =	vmax.f32 v40, $0.0e+00;
	[tilespmem:s6+$0xFFFFFF90] =	vst v45;
	v57 =	vld.msk [tilespmem:s8+$0x0 ss:$0x0], $0xffff;
	v43 =	vadd.f32 v42, v43;
	v45 =	vadd.f32 v44, v54  }
0xb0: {  	v58 =	vld.msk [tilespmem:s8+$0xFFFFFFFF ss:$0x0], $0xffff;
	[tilespmem:s6+$0xFFFFFFA0] =	vst v41;
	v1 =	vadd.f32 v48, v56;
	v60 =	vmul.f32 v0, v26;
	v63 =	vmul.f32 v53, v2  }
0xb1: {  	s4 =	sadd.s32 $0x2, s4;
	[tilespmem:s6+$0xFFFFFFB0] =	vst v15;
	v41 =	vadd.f32 v49, v55;
	v59 =	vld [tilespmem:$0x1FFC0];
	v12 =	vmul.f32 v53, v20;
	v55 =	vmul.f32 v53, v21  }
0xb2: {  	v50 =	vld.msk [tilespmem:s4+$0x0 ss:$0x0], $0xffff;
	v7 =	vmul.f32 v53, v25;
	v42 =	vmul.f32 v53, v26;
	v33 =	vmax.f32 v33, $0.0e+00;
	[tilespmem:$0x1FE60] =	vst v1  }
0xb3: {  	v54 =	vld.msk [tilespmem:s4+$0xFFFFFFFF ss:$0x0], $0xffff;
	v52 =	vmax.f32 v34, $0.0e+00;
	v56 =	vmax.f32 v35, $0.0e+00;
	v61 =	vmax.f32 v36, $0.0e+00;
	[tilespmem:s6+$0xFFFFFFC0] =	vst v33  }
0xb4: {  	v6 =	vld [tilespmem:$0x1FEB0];
	v10 =	vmax.f32 v37, $0.0e+00;
	v37 =	vmul.f32 v53, v3;
	[tilespmem:s6+$0xFFFFFFD0] =	vst v52;
	v35 =	vadd.f32 v60, v5  }
0xb5: {  	v1 =	vld [tilespmem:$0x1FE70];
	[tilespmem:s6+$0xFFFFFFE0] =	vst v56;
	v56 =	vadd.f32 v63, v8;
	v60 =	vmul.f32 v0, v3;
	v63 =	vmul.f32 v0, v20  }
0xb6: {  	s6 =	sadd.s32 $0x100, s6;
	[tilespmem:s7+$0x0] =	vst v10;
	v10 =	vld [tilespmem:$0x1FEE0];
	v5 =	vadd.f32 v42, v5;
	v38 =	vmul.f32 v0, v59;
	v11 =	vmul.f32 v57, v13  }
0xb7: {  	[tilespmem:s7+$0xFFFFFFF0] =	vst v61;
	v14 =	vld [tilespmem:s6+$0x70];
	v61 =	vadd.f32 v37, v9;
	v62 =	vmul.f32 v53, v59;
	v4 =	vmul.f32 v50, v18  }
0xb8: {  	v59 =	vmul.f32 v0, v2;
	v49 =	vmul.f32 v58, v24;
	v15 =	vadd.f32 v11, v35  }
0xb9: {  	v48 =	vmul.f32 v58, v27;
	v60 =	vadd.f32 v60, v9;
	v33 =	vmul.f32 v58, v31;
	v11 =	vld [tilespmem:$0x1FEF0]  }
0xba: {  	v16 =	vmul.f32 v57, v31;
	v36 =	vmul.f32 v53, v1;
	v35 =	vadd.f32 v4, v15  }
0xbb: {  	v44 =	vadd.f32 v62, v6;
	v62 =	vmul.f32 v0, v1;
	v59 =	vadd.f32 v59, v8  }
0xbc: {  	v8 =	vmul.f32 v58, v30;
	v2 =	vadd.f32 v36, v10;
	v37 =	vadd.f32 v14, v35;
	v14 =	vld [tilespmem:$0x1FF10]  }
0xbd: {  	v9 =	vmul.f32 v57, v32;
	v6 =	vadd.f32 v38, v6;
	v62 =	vadd.f32 v62, v10  }
0xbe: {  	v2 =	vadd.f32 v8, v2;
	v8 =	vmul.f32 v57, v30;
	v3 =	vadd.f32 v12, v11;
	v12 =	vld [tilespmem:$0x1FF00]  }
0xbf: {  	v1 =	vmul.f32 v0, v21;
	v56 =	vadd.f32 v48, v56;
	v10 =	vadd.f32 v49, v44  }
0xc0: {  	v23 =	vmovc v21;
	v0 =	vmul.f32 v0, v25;
	v63 =	vadd.f32 v63, v11;
	v8 =	vadd.f32 v8, v62  }
0xc1: {  	v28 =	vmovc v20;
	v20 =	vld [tilespmem:$0x1FF80];
	v11 =	vmul.f32 v58, v32;
	v3 =	vadd.f32 v33, v3;
	v4 =	vadd.f32 v7, v14  }
0xc2: {  	v22 =	vmovc v31;
	v51 =	vld [tilespmem:s6+$0xFFFFFF90];
	v7 =	vmul.f32 v58, v29;
	v0 =	vadd.f32 v0, v14;
	v14 =	vmul.f32 v57, v29  }
0xc3: {  	v31 =	vmovc v30;
	v21 =	vld [tilespmem:$0x1FF20];
	v55 =	vadd.f32 v55, v12;
	v1 =	vadd.f32 v1, v12;
	v12 =	vmul.f32 v58, v19  }
0xc4: {  	v30 =	vmovc v26;
	v26 =	vld [tilespmem:$0x1FF60];
	v16 =	vadd.f32 v16, v63;
	v58 =	vmul.f32 v58, v13;
	v13 =	vmul.f32 v57, v24  }
0xc5: {  	v33 =	vmovc v19;
	v63 =	vld [tilespmem:$0x1FF70];
	v7 =	vadd.f32 v7, v61;
	v61 =	vmul.f32 v57, v27;
	v57 =	vmul.f32 v57, v19  }
0xc6: {  	v19 =	vmovc v32;
	v32 =	vmovc v27;
	v27 =	vmov v24;
	v24 =	vld [tilespmem:$0x1FF50];
	v14 =	vadd.f32 v14, v60;
	v11 =	vadd.f32 v11, v55  }
0xc7: {  	v15 =	vmax.f32 v37, $0.0e+00;
	v60 =	vld [tilespmem:$0x1FF30];
	v4 =	vadd.f32 v12, v4;
	v5 =	vadd.f32 v58, v5  }
0xc8: {  	v40 =	vld [tilespmem:s6+$0xFFFFFFA0];
	v12 =	vmul.f32 v54, v21;
	v6 =	vadd.f32 v13, v6;
	v1 =	vadd.f32 v9, v1  }
0xc9: {  	v13 =	vmul.f32 v54, v26;
	v55 =	vadd.f32 v61, v59;
	v0 =	vadd.f32 v57, v0;
	v57 =	vld [tilespmem:$0x1FF40]  }
0xca: {  	v39 =	vld [tilespmem:s6+$0x20];
	v59 =	vmul.f32 v54, v63;
	v63 =	vmul.f32 v50, v63;
	v61 =	vmax.f32 v45, $0.0e+00  }
0xcb: {  	v42 =	vld [tilespmem:s6+$0x30];
	v7 =	vadd.f32 v13, v7;
	v13 =	vmul.f32 v50, v21;
	v17 =	vmul.f32 v54, v24  }
0xcc: {  	v53 =	vld [tilespmem:s6+$0xFFFFFFB0];
	v12 =	vadd.f32 v12, v56;
	v58 =	vmul.f32 v54, v60;
	v56 =	vmul.f32 v50, v24  }
0xcd: {  	v38 =	vld [tilespmem:s6+$0x10];
	v24 =	vmovc v27;
	v27 =	vmovc v32;
	v32 =	vmov v19;
	v19 =	vmov v33;
	v33 =	vmul.f32 v50, v26  }
0xce: {  	v48 =	vld [tilespmem:s6+$0x50];
	v62 =	vmul.f32 v50, v60;
	v9 =	vadd.f32 v17, v10;
	v10 =	vmul.f32 v54, v57  }
0xcf: {  	v44 =	vld [tilespmem:s6+$0x40];
	v45 =	vadd.f32 v12, v51;
	v17 =	vmul.f32 v54, v20;
	v54 =	vmul.f32 v54, v18  }
0xd0: {  	[tilespmem:s6+$0x70] =	vst v15;
	v15 =	vld [tilespmem:s6+$0xFFFFFF80];
	v2 =	vadd.f32 v58, v2;
	v60 =	vadd.f32 v10, v11;
	v11 =	vmax.f32 v47, $0.0e+00  }
0xd1: {  	s11 =	sadd.s32 $0x2, s11;
	v47 =	vadd.f32 v33, v14;
	v33 =	vmax.f32 v43, $0.0e+00;
	v43 =	vadd.f32 v62, v8;
	v62 =	vld [tilespmem:$0x1FE60]  }
0xd2: {  	p1 =	slt.u32 s11, $0x26;
	v49 =	vld [tilespmem:s6+$0x60];
	[tilespmem:s7+$0x40] =	vst v61;
	v58 =	vadd.f32 v59, v3;
	v3 =	vmul.f32 v50, v57;
	v10 =	vmax.f32 v46, $0.0e+00  }
.Ltmp2:
0xd3: {  	v37 =	vld [tilespmem:s6+$0x0];
	v18 =	vmul.f32 v50, v20;
	v50 =	vadd.f32 v13, v55;
	v57 =	vadd.f32 v17, v4;
	[tilespmem:s7+$0x10] =	vst v10;
	(pc) =	sbr.rel @p1 .LBB2_8-.Ltmp2, $4  }
0xd4: {  	v52 =	vld [tilespmem:s6+$0xFFFFFFC0];
	v21 =	vmov v23;
	v59 =	vadd.f32 v54, v5;
	v46 =	vadd.f32 v56, v6;
	[tilespmem:s7+$0x20] =	vst v11  }
0xd5: {  	v34 =	vld [tilespmem:s6+$0xFFFFFFD0];
	v26 =	vmovc v30;
	v54 =	vadd.f32 v63, v16;
	v56 =	vadd.f32 v3, v1;
	v63 =	vmax.f32 v41, $0.0e+00;
	[tilespmem:s7+$0x30] =	vst v33  }
0xd6: {  	v36 =	vld [tilespmem:s6+$0xFFFFFFF0];
	v30 =	vmovc v31;
	v55 =	vadd.f32 v18, v0;
	v61 =	vadd.f32 v9, v15;
	[tilespmem:s7+$0x60] =	vst v63;
	v0 =	vmax.f32 v62, $0.0e+00  }
0xd7: {  	s31 =	sadd.s32 $0x2, s31;
	v35 =	vld [tilespmem:s6+$0xFFFFFFE0];
	v31 =	vmovc v22;
	v20 =	vmov v28;
	v41 =	vadd.f32 v40, v7;
	v40 =	vadd.f32 v53, v2;
	[tilespmem:s7+$0x50] =	vst v0;
	s7 =	smov.u32 s6  }
0xd8: {  	v0 =	vmax.f32 v61, $0.0e+00  }
0xd9: {  	v18 =	vmax.f32 v45, $0.0e+00;
	[tilespmem:s6+$0xFFFFFF80] =	vst v0  }
0xda: {  	v45 =	vadd.f32 v50, v38;
	[tilespmem:s6+$0xFFFFFF90] =	vst v18;
	v33 =	vmax.f32 v41, $0.0e+00  }
0xdb: {  	v50 =	vadd.f32 v44, v54;
	v2 =	vadd.f32 v34, v60;
	[tilespmem:s6+$0xFFFFFFA0] =	vst v33;
	v34 =	vmax.f32 v40, $0.0e+00  }
0xdc: {  	v41 =	vadd.f32 v46, v37;
	v46 =	vadd.f32 v39, v47;
	v0 =	vmax.f32 v45, $0.0e+00;
	[tilespmem:s6+$0xFFFFFFB0] =	vst v34  }
0xdd: {  	v54 =	vadd.f32 v49, v55;
	v47 =	vadd.f32 v42, v43;
	v55 =	vmax.f32 v50, $0.0e+00;
	[tilespmem:s7+$0x10] =	vst v0  }
0xde: {  	v1 =	vadd.f32 v52, v58;
	v52 =	vadd.f32 v48, v56;
	v51 =	vmax.f32 v46, $0.0e+00;
	[tilespmem:s7+$0x40] =	vst v55  }
0xdf: {  	v53 =	vmax.f32 v47, $0.0e+00;
	[tilespmem:s7+$0x20] =	vst v51  }
0xe0: {  	v56 =	vmax.f32 v52, $0.0e+00;
	[tilespmem:s7+$0x30] =	vst v53  }
0xe1: {  	v3 =	vadd.f32 v35, v57;
	v35 =	vmax.f32 v1, $0.0e+00;
	[tilespmem:s7+$0x50] =	vst v56  }
0xe2: {  	v40 =	vmax.f32 v2, $0.0e+00;
	[tilespmem:s6+$0xFFFFFFC0] =	vst v35  }
0xe3: {  	v2 =	vmax.f32 v41, $0.0e+00;
	[tilespmem:s6+$0xFFFFFFD0] =	vst v40  }
0xe4: {  	v36 =	vadd.f32 v36, v59;
	v57 =	vmax.f32 v54, $0.0e+00;
	[tilespmem:s7+$0x0] =	vst v2  }
0xe5: {  	[tilespmem:s7+$0x60] =	vst v57;
	v3 =	vmax.f32 v3, $0.0e+00  }
0xe6: {  	v1 =	vmax.f32 v36, $0.0e+00;
	[tilespmem:s6+$0xFFFFFFE0] =	vst v3  }
0xe7: {  	[tilespmem:s7+$0xFFFFFFF0] =	vst v1  }
0xe8: {  	v0 =	vld [tilespmem:s21+$0x800];
	_ =	sdelay $0x4  }
0xe9: {  	[tilespmem:$0x5200] =	vst v0  }
0xea: {  	v0 =	vld [tilespmem:s21+$0x810];
	_ =	sdelay $0x4  }
0xeb: {  	[tilespmem:$0x5210] =	vst v0  }
0xec: {  	v0 =	vld [tilespmem:s21+$0x818];
	_ =	sdelay $0x4  }
0xed: {  	[tilespmem:$0x5218] =	vst v0  }
0xee: {  	[spmem:s1] =	stream.indirect.scatter.add.f32 [tilespmem:s23], [sflag:$0x3], $0x80, s26, s22, $0xb8;
	[tilespmem:$0x19380] =	vst v63  }
0xef: {  	_ =	swait.ge [sflag:s28], $0x1400  }
0xf0: {  	v51 =	vld [tilespmem:$0x1FFC0]  }
0xf1: {  	v62 =	vld [tilespmem:$0x1FFD0]  }
0xf2: {  	v63 =	vld [tilespmem:$0x1FFE0]  }
0xf3: {  	v60 =	vld [tilespmem:$0x1FE90]  }
0xf4: {  	v40 =	vld [tilespmem:$0x1FEA0]  }
0xf5: {  	[sflag:s28] =	ssyncset.done $0x0;
	v61 =	vld [tilespmem:$0x1FEB0]  }
0xf6: {  	v28 =	vld [tilespmem:$0x1FE70];
	[sflag:s28] =	ssyncadd.s32 $0xFFFFEC00  }
0xf7: {  	v58 =	vld.msk [tilespmem:s10+$0x0 ss:$0x0], $0xffff  }
0xf8: {  	v59 =	vld.msk [tilespmem:s10+$0xFFFFFFFF ss:$0x0], $0xffff  }
0xf9: {  	v2 =	vld.msk [tilespmem:s14+$0x0 ss:$0x0], $0xffff  }
0xfa: {  	v46 =	vld [tilespmem:$0x1FE80]  }
0xfb: {  	v3 =	vld.msk [tilespmem:s13+$0x0 ss:$0x0], $0xffff  }
0xfc: {  	v48 =	vld [tilespmem:$0x1FEC0];
	v4 =	vmul.f32 v58, v51;
	v5 =	vmul.f32 v58, v26  }
0xfd: {  	v49 =	vld [tilespmem:$0x1FED0];
	v6 =	vmul.f32 v59, v51;
	v7 =	vmul.f32 v59, v62  }
0xfe: {  	v53 =	vld [tilespmem:$0x1FEE0];
	v8 =	vmul.f32 v59, v63;
	v9 =	vmul.f32 v2, v40  }
0xff: {  	v54 =	vld [tilespmem:$0x1FEF0];
	v10 =	vmul.f32 v59, v28;
	v11 =	vmul.f32 v59, v20  }
0x100: {  	v55 =	vld [tilespmem:$0x1FF00];
	v14 =	vmul.f32 v59, v21;
	v47 =	vmul.f32 v3, v46  }
0x101: {  	v13 =	vld.msk [tilespmem:s14+$0xFFFFFFFF ss:$0x0], $0xffff;
	v15 =	vmul.f32 v59, v25;
	v1 =	vmul.f32 v59, v26  }
0x102: {  	v56 =	vld [tilespmem:$0x1FF10];
	v16 =	vmul.f32 v58, v62;
	v17 =	vmul.f32 v58, v63  }
0x103: {  	v50 =	vmul.f32 v58, v28;
	v18 =	vmul.f32 v58, v20;
	v5 =	vadd.f32 v5, v60  }
0x104: {  	v33 =	vmul.f32 v58, v21;
	v6 =	vadd.f32 v6, v61;
	v7 =	vadd.f32 v7, v48  }
0x105: {  	v0 =	vmul.f32 v58, v25;
	v8 =	vadd.f32 v8, v49;
	v10 =	vadd.f32 v10, v53  }
0x106: {  	v52 =	vmul.f32 v13, v24;
	v11 =	vadd.f32 v11, v54;
	v14 =	vadd.f32 v14, v55  }
0x107: {  	s6 =	simm.s32 $0x3E80;
	v57 =	vmul.f32 v13, v27;
	v15 =	vadd.f32 v15, v56;
	v1 =	vadd.f32 v1, v60  }
0x108: {  	v12 =	vld [tilespmem:s6+$0x70];
	v58 =	vmul.f32 v13, v29;
	v4 =	vadd.f32 v4, v61;
	v16 =	vadd.f32 v16, v48  }
0x109: {  	v39 =	vld.msk [tilespmem:s13+$0xFFFFFFFF ss:$0x0], $0xffff;
	v59 =	vmul.f32 v13, v30;
	v17 =	vadd.f32 v17, v49;
	v18 =	vadd.f32 v18, v54  }
0x10a: {  	v34 =	vld [tilespmem:s6+$0xFFFFFFD0];
	v60 =	vmul.f32 v13, v31;
	v61 =	vadd.f32 v33, v55;
	v0 =	vadd.f32 v0, v56  }
0x10b: {  	v21 =	vld [tilespmem:$0x1FF20];
	v48 =	vmul.f32 v13, v19;
	v49 =	vmul.f32 v2, v24;
	v5 =	vadd.f32 v9, v5  }
0x10c: {  	v35 =	vld [tilespmem:s6+$0xFFFFFFE0];
	v54 =	vmul.f32 v2, v31;
	v9 =	vadd.f32 v50, v53;
	v6 =	vadd.f32 v52, v6  }
0x10d: {  	v26 =	vld [tilespmem:$0x1FF60];
	v55 =	vmul.f32 v2, v32;
	v7 =	vadd.f32 v57, v7;
	v8 =	vadd.f32 v58, v8  }
0x10e: {  	v36 =	vld [tilespmem:s6+$0xFFFFFFF0];
	v50 =	vmul.f32 v2, v27;
	v52 =	vmul.f32 v2, v29;
	v10 =	vadd.f32 v59, v10  }
0x10f: {  	v37 =	vld [tilespmem:s6+$0x0];
	v53 =	vmul.f32 v2, v30;
	v11 =	vadd.f32 v60, v11;
	v2 =	vmul.f32 v2, v19  }
0x110: {  	v24 =	vld [tilespmem:$0x1FF50];
	v4 =	vadd.f32 v49, v4;
	v18 =	vadd.f32 v54, v18;
	v57 =	vmul.f32 v39, v21  }
0x111: {  	v49 =	vld [tilespmem:$0x1FF40];
	v5 =	vadd.f32 v47, v5;
	v47 =	vmul.f32 v13, v32;
	v16 =	vadd.f32 v50, v16  }
0x112: {  	v58 =	vmul.f32 v39, v26;
	v17 =	vadd.f32 v52, v17;
	v9 =	vadd.f32 v53, v9;
	v50 =	vld [tilespmem:$0x1FF70]  }
0x113: {  	v54 =	vmul.f32 v3, v26;
	v5 =	vadd.f32 v12, v5;
	v12 =	vadd.f32 v47, v14;
	v47 =	vld [tilespmem:$0x1FF30]  }
0x114: {  	v13 =	vmul.f32 v13, v40;
	v0 =	vadd.f32 v2, v0;
	v7 =	vadd.f32 v57, v7;
	v52 =	vmovc v20;
	v20 =	vld [tilespmem:$0x1FF80]  }
0x115: {  	v56 =	vmul.f32 v39, v24;
	v8 =	vadd.f32 v58, v8;
	v14 =	vadd.f32 v48, v15;
	v15 =	vld [tilespmem:s6+$0xFFFFFF90]  }
0x116: {  	v53 =	vmul.f32 v3, v21;
	v1 =	vadd.f32 v13, v1;
	v13 =	vld [tilespmem:s6+$0xFFFFFFA0];
	v48 =	vadd.f32 v55, v61  }
0x117: {  	v38 =	vld [tilespmem:s6+$0x10];
	v2 =	vadd.f32 v56, v6;
	v61 =	vmul.f32 v39, v49;
	v60 =	vmul.f32 v39, v50  }
0x118: {  	v42 =	vld [tilespmem:s6+$0x30];
	v5 =	vmax.f32 v5, $0.0e+00;
	v56 =	vmul.f32 v3, v50;
	v50 =	vadd.f32 v53, v16  }
0x119: {  	v44 =	vld [tilespmem:s6+$0x40];
	v59 =	vmul.f32 v39, v47;
	v55 =	vmul.f32 v39, v20;
	v58 =	vadd.f32 v60, v11  }
0x11a: {  	[tilespmem:s6+$0x70] =	vst v5;
	v5 =	vld [tilespmem:s6+$0xFFFFFF80];
	v39 =	vmul.f32 v39, v46;
	v60 =	vadd.f32 v61, v12;
	v45 =	vadd.f32 v7, v15  }
0x11b: {  	v40 =	vld [tilespmem:s6+$0xFFFFFFB0];
	v46 =	vmul.f32 v3, v24;
	v41 =	vadd.f32 v13, v8;
	v10 =	vadd.f32 v59, v10  }
0x11c: {  	v33 =	vld [tilespmem:s6+$0xFFFFFFC0];
	v61 =	vmul.f32 v3, v49;
	v57 =	vadd.f32 v55, v14;
	v59 =	vadd.f32 v39, v1  }
0x11d: {  	v27 =	vld [tilespmem:$0x1FFF0];
	v55 =	vmul.f32 v3, v47;
	v46 =	vadd.f32 v46, v4;
	v47 =	vadd.f32 v54, v17  }
0x11e: {  	v49 =	vld [tilespmem:s6+$0x60];
	v3 =	vmul.f32 v3, v20;
	v54 =	vadd.f32 v56, v18;
	v56 =	vadd.f32 v61, v48  }
0x11f: {  	s11 =	simm.s32 $0x0;
	s31 =	sadd.s32 $0x2, s10;
	v39 =	vld [tilespmem:s6+$0x20];
	v61 =	vadd.f32 v2, v5;
	v43 =	vadd.f32 v55, v9  }
0x120: {  	s8 =	smov.u32 s14;
	s4 =	smov.u32 s13;
	v22 =	vmovc v19;
	s7 =	simm.s32 $0x3E80;
	v28 =	vmov v52;
	v48 =	vld [tilespmem:s6+$0x50];
	v55 =	vadd.f32 v3, v0;
	v40 =	vadd.f32 v40, v10  }
.LBB2_10:
0x121: {  	v0 =	vld.msk [tilespmem:s31+$0x0 ss:$0x0], $0xffff  }
0x122: {  	v4 =	vld.msk [tilespmem:s31+$0xFFFFFFFF ss:$0x0], $0xffff  }
0x123: {  	v15 =	vld [tilespmem:$0x1FFA0]  }
0x124: {  	v19 =	vld [tilespmem:$0x1FE90]  }
0x125: {  	v20 =	vld [tilespmem:$0x1FEA0]  }
0x126: {  	v17 =	vld [tilespmem:$0x1FE70]  }
0x127: {  	v18 =	vld [tilespmem:$0x1FF90];
	v1 =	vmax.f32 v61, $0.0e+00;
	v2 =	vadd.f32 v33, v58;
	v3 =	vadd.f32 v34, v60  }
0x128: {  	v21 =	vld [tilespmem:$0x1FE80];
	v34 =	vmax.f32 v45, $0.0e+00;
	v5 =	vadd.f32 v35, v57;
	v6 =	vadd.f32 v36, v59  }
0x129: {  	s8 =	sadd.s32 $0x2, s8;
	v23 =	vld [tilespmem:$0x1FFB0];
	v36 =	vmax.f32 v41, $0.0e+00;
	v8 =	vadd.f32 v46, v37;
	v46 =	vadd.f32 v50, v38  }
0x12a: {  	s4 =	sadd.s32 $0x2, s4;
	v7 =	vld.msk [tilespmem:s8+$0x0 ss:$0x0], $0xffff;
	v37 =	vmax.f32 v40, $0.0e+00;
	v41 =	vadd.f32 v49, v55;
	v55 =	vmul.f32 v0, v15  }
0x12b: {  	[tilespmem:s6+$0xFFFFFF80] =	vst v1;
	v47 =	vadd.f32 v39, v47;
	v50 =	vld.msk [tilespmem:s4+$0x0 ss:$0x0], $0xffff;
	v57 =	vmul.f32 v4, v51;
	v10 =	vmul.f32 v4, v62  }
0x12c: {  	v43 =	vadd.f32 v42, v43;
	v39 =	vld [tilespmem:$0x1FEC0];
	[tilespmem:s6+$0xFFFFFF90] =	vst v34;
	v59 =	vmul.f32 v4, v63;
	v60 =	vmul.f32 v4, v17  }
0x12d: {  	v45 =	vadd.f32 v44, v54;
	v12 =	vmul.f32 v4, v28;
	v61 =	vmul.f32 v4, v18;
	v9 =	vld.msk [tilespmem:s8+$0xFFFFFFFF ss:$0x0], $0xffff;
	[tilespmem:s6+$0xFFFFFFA0] =	vst v36  }
0x12e: {  	v40 =	vadd.f32 v48, v56;
	v44 =	vld [tilespmem:$0x1FEE0];
	v14 =	vmul.f32 v4, v25;
	v4 =	vmul.f32 v4, v15;
	[tilespmem:s6+$0xFFFFFFB0] =	vst v37  }
0x12f: {  	v15 =	vmul.f32 v0, v62;
	v16 =	vmul.f32 v0, v63;
	v38 =	vmax.f32 v2, $0.0e+00;
	v54 =	vld.msk [tilespmem:s4+$0xFFFFFFFF ss:$0x0], $0xffff  }
0x130: {  	v18 =	vmul.f32 v0, v18;
	v52 =	vmax.f32 v3, $0.0e+00;
	v53 =	vmax.f32 v5, $0.0e+00;
	[tilespmem:s6+$0xFFFFFFC0] =	vst v38;
	v38 =	vld [tilespmem:$0x1FEB0]  }
0x131: {  	v58 =	vmax.f32 v8, $0.0e+00;
	v11 =	vmul.f32 v7, v20;
	v5 =	vadd.f32 v55, v19;
	v55 =	vld [tilespmem:$0x1FED0]  }
0x132: {  	v3 =	vmul.f32 v0, v51;
	v56 =	vmax.f32 v6, $0.0e+00;
	[tilespmem:s7+$0x0] =	vst v58;
	v58 =	vld [tilespmem:$0x1FF10];
	v4 =	vadd.f32 v4, v19  }
0x133: {  	[tilespmem:s6+$0xFFFFFFD0] =	vst v52;
	v5 =	vadd.f32 v11, v5;
	v49 =	vmul.f32 v50, v21;
	v10 =	vadd.f32 v10, v39  }
0x134: {  	[tilespmem:s6+$0xFFFFFFE0] =	vst v53;
	s6 =	sadd.s32 $0x100, s6;
	v11 =	vmul.f32 v0, v17;
	v17 =	vmul.f32 v0, v28;
	v6 =	vadd.f32 v60, v44  }
0x135: {  	v13 =	vld [tilespmem:s6+$0x70];
	v0 =	vmul.f32 v0, v25;
	v15 =	vadd.f32 v15, v39;
	v5 =	vadd.f32 v49, v5  }
0x136: {  	v60 =	vmul.f32 v9, v23;
	v11 =	vadd.f32 v11, v44;
	v1 =	vadd.f32 v57, v38  }
0x137: {  	[tilespmem:s7+$0xFFFFFFF0] =	vst v56;
	v56 =	vmul.f32 v9, v31;
	v8 =	vadd.f32 v59, v55;
	v14 =	vadd.f32 v14, v58  }
0x138: {  	v49 =	vld [tilespmem:$0x1FEF0];
	v3 =	vadd.f32 v3, v38;
	v16 =	vadd.f32 v16, v55;
	v55 =	vmul.f32 v9, v30  }
0x139: {  	v57 =	vld [tilespmem:$0x1FF00];
	v0 =	vadd.f32 v0, v58;
	v58 =	vmul.f32 v7, v27;
	v59 =	vmul.f32 v7, v29  }
0x13a: {  	v5 =	vadd.f32 v13, v5;
	v13 =	vmul.f32 v9, v27;
	v10 =	vadd.f32 v60, v10  }
0x13b: {  	v24 =	vld [tilespmem:$0x1FF50];
	v60 =	vmul.f32 v7, v31;
	v6 =	vadd.f32 v55, v6;
	v55 =	vmul.f32 v7, v30  }
0x13c: {  	v3 =	vadd.f32 v58, v3;
	v5 =	vmax.f32 v5, $0.0e+00;
	v1 =	vadd.f32 v13, v1  }
0x13d: {  	v19 =	vld [tilespmem:$0x1FF20];
	v13 =	vmul.f32 v9, v32;
	v12 =	vadd.f32 v12, v49;
	v17 =	vadd.f32 v17, v49  }
0x13e: {  	v26 =	vmovc v51;
	v51 =	vld [tilespmem:s6+$0xFFFFFF90];
	v11 =	vadd.f32 v55, v11;
	v2 =	vadd.f32 v61, v57;
	v61 =	vmul.f32 v9, v29  }
0x13f: {  	v58 =	vld [tilespmem:$0x1FF60];
	v18 =	vadd.f32 v18, v57;
	v57 =	vmul.f32 v9, v22;
	v9 =	vmul.f32 v9, v20  }
0x140: {  	v20 =	vmovc v62;
	v62 =	vmul.f32 v54, v24;
	v12 =	vadd.f32 v56, v12;
	v17 =	vadd.f32 v60, v17;
	v60 =	vld [tilespmem:$0x1FF70]  }
0x141: {  	[tilespmem:s6+$0x70] =	vst v5;
	v56 =	vmul.f32 v7, v32;
	v5 =	vadd.f32 v61, v8;
	v8 =	vmul.f32 v7, v23;
	v61 =	vld [tilespmem:s6+$0xFFFFFF80]  }
0x142: {  	v7 =	vmul.f32 v7, v22;
	v2 =	vadd.f32 v13, v2;
	v13 =	vadd.f32 v57, v14;
	v57 =	vld [tilespmem:$0x1FF30]  }
0x143: {  	v14 =	vmul.f32 v54, v19;
	v4 =	vadd.f32 v9, v4;
	v1 =	vadd.f32 v62, v1;
	v23 =	vld [tilespmem:$0x1FF80]  }
0x144: {  	v9 =	vmul.f32 v54, v58;
	v8 =	vadd.f32 v8, v15;
	v15 =	vadd.f32 v59, v16;
	v59 =	vld [tilespmem:$0x1FF40]  }
0x145: {  	v52 =	vld [tilespmem:s6+$0xFFFFFFA0];
	v62 =	vmul.f32 v50, v58;
	v18 =	vadd.f32 v56, v18;
	v10 =	vadd.f32 v14, v10  }
0x146: {  	v53 =	vld [tilespmem:s6+$0xFFFFFFB0];
	v14 =	vmul.f32 v54, v21;
	v5 =	vadd.f32 v9, v5;
	v9 =	vmul.f32 v50, v19  }
0x147: {  	v37 =	vld [tilespmem:s6+$0x0];
	v0 =	vadd.f32 v7, v0;
	v21 =	vmovc v63;
	v55 =	vmul.f32 v54, v60;
	v63 =	vmul.f32 v50, v60  }
0x148: {  	v42 =	vld [tilespmem:s6+$0x30];
	v16 =	vmul.f32 v54, v57;
	v56 =	vmul.f32 v54, v23;
	v61 =	vadd.f32 v1, v61  }
0x149: {  	v48 =	vld [tilespmem:s6+$0x50];
	v58 =	vadd.f32 v55, v12;
	v55 =	vmul.f32 v50, v23;
	v7 =	vmul.f32 v54, v59  }
0x14a: {  	v39 =	vld [tilespmem:s6+$0x20];
	v54 =	vmul.f32 v50, v24;
	v6 =	vadd.f32 v16, v6;
	v16 =	vmul.f32 v50, v57  }
0x14b: {  	s11 =	sadd.s32 $0x2, s11;
	v44 =	vld [tilespmem:s6+$0x40];
	v12 =	vmul.f32 v50, v59;
	v57 =	vadd.f32 v56, v13;
	v13 =	vmax.f32 v47, $0.0e+00  }
0x14c: {  	p1 =	slt.u32 s11, $0x12;
	v38 =	vld [tilespmem:s6+$0x10];
	v59 =	vadd.f32 v14, v4;
	v50 =	vadd.f32 v9, v8;
	v14 =	vmax.f32 v43, $0.0e+00;
	[tilespmem:s7+$0x20] =	vst v13  }
.Ltmp3:
0x14d: {  	v49 =	vld [tilespmem:s6+$0x60];
	v47 =	vadd.f32 v62, v15;
	v15 =	vmax.f32 v45, $0.0e+00;
	v45 =	vadd.f32 v10, v51;
	[tilespmem:s7+$0x30] =	vst v14;
	(pc) =	sbr.rel @p1 .LBB2_10-.Ltmp3, $4  }
0x14e: {  	v33 =	vld [tilespmem:s6+$0xFFFFFFC0];
	v55 =	vadd.f32 v55, v0;
	[tilespmem:s7+$0x40] =	vst v15;
	v60 =	vadd.f32 v7, v2;
	v7 =	vmax.f32 v46, $0.0e+00  }
0x14f: {  	v34 =	vld [tilespmem:s6+$0xFFFFFFD0];
	v46 =	vadd.f32 v54, v3;
	v43 =	vadd.f32 v16, v11;
	v16 =	vmax.f32 v40, $0.0e+00;
	[tilespmem:s7+$0x10] =	vst v7  }
0x150: {  	v35 =	vld [tilespmem:s6+$0xFFFFFFE0];
	v62 =	vmovc v20;
	v54 =	vadd.f32 v63, v17;
	v56 =	vadd.f32 v12, v18;
	v17 =	vmax.f32 v41, $0.0e+00;
	[tilespmem:s7+$0x50] =	vst v16  }
0x151: {  	s31 =	sadd.s32 $0x2, s31;
	v36 =	vld [tilespmem:s6+$0xFFFFFFF0];
	v51 =	vmovc v26;
	v63 =	vmov v21;
	v41 =	vadd.f32 v52, v5;
	v40 =	vadd.f32 v53, v6;
	[tilespmem:s7+$0x60] =	vst v17;
	s7 =	smov.u32 s6  }
0x152: {  	v0 =	vmax.f32 v61, $0.0e+00  }
0x153: {  	v17 =	vmax.f32 v45, $0.0e+00;
	v45 =	vadd.f32 v46, v37;
	[tilespmem:s6+$0xFFFFFF80] =	vst v0  }
0x154: {  	v46 =	vadd.f32 v50, v38;
	v1 =	vadd.f32 v33, v58;
	[tilespmem:s6+$0xFFFFFF90] =	vst v17;
	v33 =	vmax.f32 v41, $0.0e+00  }
0x155: {  	v47 =	vadd.f32 v39, v47;
	v2 =	vadd.f32 v34, v60;
	[tilespmem:s6+$0xFFFFFFA0] =	vst v33;
	v34 =	vmax.f32 v40, $0.0e+00  }
0x156: {  	v50 =	vadd.f32 v42, v43;
	v0 =	vmax.f32 v46, $0.0e+00;
	[tilespmem:s6+$0xFFFFFFB0] =	vst v34  }
0x157: {  	v52 =	vadd.f32 v44, v54;
	v53 =	vmax.f32 v47, $0.0e+00;
	[tilespmem:s7+$0x10] =	vst v0  }
0x158: {  	v54 =	vadd.f32 v48, v56;
	v56 =	vmax.f32 v50, $0.0e+00;
	[tilespmem:s7+$0x20] =	vst v53  }
0x159: {  	v58 =	vmax.f32 v52, $0.0e+00;
	[tilespmem:s7+$0x30] =	vst v56  }
0x15a: {  	v3 =	vadd.f32 v35, v57;
	v35 =	vmax.f32 v1, $0.0e+00;
	[tilespmem:s7+$0x40] =	vst v58  }
0x15b: {  	[tilespmem:s6+$0xFFFFFFC0] =	vst v35;
	v41 =	vmax.f32 v2, $0.0e+00  }
0x15c: {  	v2 =	vmax.f32 v45, $0.0e+00;
	[tilespmem:s6+$0xFFFFFFD0] =	vst v41  }
0x15d: {  	v57 =	vadd.f32 v49, v55;
	v40 =	vadd.f32 v36, v59;
	v59 =	vmax.f32 v54, $0.0e+00;
	[tilespmem:s7+$0x0] =	vst v2  }
0x15e: {  	v3 =	vmax.f32 v3, $0.0e+00;
	[tilespmem:s7+$0x50] =	vst v59  }
0x15f: {  	v60 =	vmax.f32 v57, $0.0e+00;
	[tilespmem:s6+$0xFFFFFFE0] =	vst v3  }
0x160: {  	v1 =	vmax.f32 v40, $0.0e+00;
	[tilespmem:s7+$0x60] =	vst v60  }
0x161: {  	p1 =	seq.s32 s20, $0x18;
	[tilespmem:s7+$0xFFFFFFF0] =	vst v1  }
0x162: {  	s4 =	smul.u32 @!p1 $0x140, s20;
	_ =	swait.ge [sflag:s29], $0x1400  }
0x163: {  	v16 =	vld [tilespmem:$0x1FFA0]  }
0x164: {  	s4 =	sshra.s32 @!p1 s4, $0x2;
	v19 =	vld [tilespmem:$0x1FE90]  }
0x165: {  	s4 =	sadd.s32 @!p1 $0x50, s4;
	[sflag:s29] =	ssyncset.done $0x0;
	v40 =	vld [tilespmem:$0x1FEA0]  }
0x166: {  	s6 =	simm.s32 @!p1 $0x28;
	s7 =	simm.s32 @!p1 $0x2A00;
	v18 =	vld [tilespmem:$0x1FE70];
	[sflag:s29] =	ssyncadd.s32 $0xFFFFEC00  }
0x167: {  	v23 =	vld [tilespmem:$0x1FF90];
	[tilespmem:s7], [sflag:$0x1] =	stream.indirect.gather @!p1 [hbm4b:s3+s6], $0x80, s4, s6, $0xb8  }
0x168: {  	v61 =	vld.msk [tilespmem:s19+$0x0 ss:$0x0], $0xffff  }
0x169: {  	v48 =	vld.msk [tilespmem:s19+$0xFFFFFFFF ss:$0x0], $0xffff  }
0x16a: {  	v2 =	vld.msk [tilespmem:s18+$0x0 ss:$0x0], $0xffff  }
0x16b: {  	v46 =	vld [tilespmem:$0x1FE80]  }
0x16c: {  	v3 =	vld.msk [tilespmem:s0+$0x0 ss:$0x0], $0xffff  }
0x16d: {  	v49 =	vld [tilespmem:$0x1FEB0];
	v4 =	vmul.f32 v61, v51;
	v5 =	vmul.f32 v61, v16  }
0x16e: {  	v52 =	vld [tilespmem:$0x1FEC0];
	v6 =	vmul.f32 v48, v51;
	v7 =	vmul.f32 v48, v62  }
0x16f: {  	v54 =	vld [tilespmem:$0x1FED0];
	v8 =	vmul.f32 v48, v63;
	v9 =	vmul.f32 v2, v40  }
0x170: {  	v58 =	vld [tilespmem:$0x1FEE0];
	v10 =	vmul.f32 v48, v18;
	v11 =	vmul.f32 v48, v28  }
0x171: {  	v59 =	vld [tilespmem:$0x1FEF0];
	v14 =	vmul.f32 v48, v23;
	v50 =	vmul.f32 v3, v46  }
0x172: {  	v13 =	vld.msk [tilespmem:s18+$0xFFFFFFFF ss:$0x0], $0xffff;
	v15 =	vmul.f32 v48, v25;
	v1 =	vmul.f32 v48, v16  }
0x173: {  	v60 =	vld [tilespmem:$0x1FF00];
	v53 =	vmul.f32 v61, v62;
	v17 =	vmul.f32 v61, v63  }
0x174: {  	v55 =	vmul.f32 v61, v18;
	v18 =	vmul.f32 v61, v28  }
0x175: {  	v56 =	vmul.f32 v61, v23;
	v5 =	vadd.f32 v5, v19;
	v6 =	vadd.f32 v6, v49  }
0x176: {  	v0 =	vmul.f32 v61, v25;
	v7 =	vadd.f32 v7, v52;
	v8 =	vadd.f32 v8, v54  }
0x177: {  	v57 =	vmul.f32 v13, v27;
	v10 =	vadd.f32 v10, v58;
	v11 =	vadd.f32 v11, v59  }
0x178: {  	v45 =	vmul.f32 v13, v29;
	v14 =	vadd.f32 v14, v60;
	v1 =	vadd.f32 v1, v19  }
0x179: {  	v24 =	vld [tilespmem:$0x1FF50];
	v47 =	vmul.f32 v13, v30;
	v4 =	vadd.f32 v4, v49;
	v16 =	vadd.f32 v53, v52  }
0x17a: {  	v39 =	vld.msk [tilespmem:s0+$0xFFFFFFFF ss:$0x0], $0xffff;
	v48 =	vmul.f32 v13, v31;
	v17 =	vadd.f32 v17, v54;
	v18 =	vadd.f32 v18, v59  }
0x17b: {  	v61 =	vld [tilespmem:$0x1FF10];
	v38 =	vadd.f32 v56, v60;
	v49 =	vmul.f32 v13, v32;
	v52 =	vmul.f32 v2, v27  }
0x17c: {  	s6 =	simm.s32 $0x48F0;
	v23 =	vld [tilespmem:$0x1FFB0];
	v54 =	vmul.f32 v2, v29;
	v5 =	vadd.f32 v9, v5;
	v9 =	vadd.f32 v55, v58  }
0x17d: {  	v12 =	vld [tilespmem:s6+$0x0];
	v56 =	vmul.f32 v2, v31;
	v6 =	vadd.f32 v57, v6;
	v8 =	vadd.f32 v45, v8  }
0x17e: {  	v33 =	vld [tilespmem:s6+$0xFFFFFF50];
	v10 =	vadd.f32 v47, v10;
	v55 =	vmul.f32 v2, v30;
	v11 =	vadd.f32 v48, v11  }
0x17f: {  	v34 =	vld [tilespmem:s6+$0xFFFFFF60];
	v57 =	vmul.f32 v2, v32;
	v4 =	vadd.f32 v52, v4;
	v17 =	vadd.f32 v54, v17  }
0x180: {  	v19 =	vld [tilespmem:$0x1FF20];
	v58 =	vmul.f32 v39, v24;
	v18 =	vadd.f32 v56, v18;
	v15 =	vadd.f32 v15, v61  }
0x181: {  	v47 =	vld [tilespmem:$0x1FF30];
	v44 =	vmul.f32 v13, v23;
	v0 =	vadd.f32 v0, v61;
	v53 =	vmul.f32 v2, v23  }
0x182: {  	v52 =	vld [tilespmem:$0x1FF70];
	v2 =	vmul.f32 v2, v22;
	v5 =	vadd.f32 v50, v5;
	v9 =	vadd.f32 v55, v9  }
0x183: {  	v23 =	vld [tilespmem:$0x1FF80];
	v50 =	vmul.f32 v13, v22;
	v48 =	vadd.f32 v57, v38;
	v7 =	vadd.f32 v44, v7  }
0x184: {  	v13 =	vmul.f32 v13, v40;
	v40 =	vld [tilespmem:s6+$0xFFFFFF40];
	v16 =	vadd.f32 v53, v16;
	v5 =	vadd.f32 v12, v5  }
0x185: {  	v12 =	vadd.f32 v49, v14;
	v14 =	vadd.f32 v50, v15;
	v50 =	vld [tilespmem:$0x1FF60]  }
0x186: {  	v59 =	vmul.f32 v39, v19;
	v0 =	vadd.f32 v2, v0;
	v2 =	vadd.f32 v58, v6;
	v49 =	vld [tilespmem:$0x1FF40]  }
0x187: {  	v15 =	vld [tilespmem:s6+$0xFFFFFF20];
	v1 =	vadd.f32 v13, v1;
	v61 =	vmul.f32 v39, v47;
	v53 =	vmul.f32 v39, v52  }
0x188: {  	v35 =	vld [tilespmem:s6+$0xFFFFFF70];
	v7 =	vadd.f32 v59, v7;
	v56 =	vmul.f32 v3, v52;
	v55 =	vmul.f32 v39, v23  }
0x189: {  	v36 =	vld [tilespmem:s6+$0xFFFFFF80];
	v10 =	vadd.f32 v61, v10;
	v58 =	vadd.f32 v53, v11;
	v53 =	vmul.f32 v3, v19  }
0x18a: {  	v37 =	vld [tilespmem:s6+$0xFFFFFF90];
	v57 =	vadd.f32 v55, v14;
	v55 =	vmul.f32 v3, v47;
	v60 =	vmul.f32 v39, v50  }
0x18b: {  	v42 =	vld [tilespmem:s6+$0xFFFFFFC0];
	v5 =	vmax.f32 v5, $0.0e+00;
	v54 =	vmul.f32 v39, v49;
	v39 =	vmul.f32 v39, v46  }
0x18c: {  	v13 =	vld [tilespmem:s6+$0xFFFFFF30];
	v46 =	vmul.f32 v3, v24;
	v45 =	vadd.f32 v7, v15;
	v40 =	vadd.f32 v40, v10  }
0x18d: {  	[tilespmem:s6+$0x0] =	vst v5;
	v5 =	vld [tilespmem:s6+$0xFFFFFF10];
	v61 =	vmul.f32 v3, v49;
	v43 =	vadd.f32 v55, v9;
	v8 =	vadd.f32 v60, v8  }
0x18e: {  	v38 =	vld [tilespmem:s6+$0xFFFFFFA0];
	v60 =	vadd.f32 v54, v12;
	v54 =	vmul.f32 v3, v50;
	v59 =	vadd.f32 v39, v1  }
0x18f: {  	v44 =	vld [tilespmem:s6+$0xFFFFFFD0];
	v46 =	vadd.f32 v46, v4;
	v50 =	vadd.f32 v53, v16;
	v3 =	vmul.f32 v3, v23  }
0x190: {  	v49 =	vld [tilespmem:s6+$0xFFFFFFF0];
	v47 =	vadd.f32 v54, v17;
	v54 =	vadd.f32 v56, v18  }
0x191: {  	s11 =	simm.s32 $0x14;
	s31 =	sadd.s32 $0x2, s19;
	v39 =	vld [tilespmem:s6+$0xFFFFFFB0];
	v56 =	vadd.f32 v61, v48;
	v55 =	vadd.f32 v3, v0  }
0x192: {  	s8 =	smov.u32 s18;
	s4 =	smov.u32 s0;
	s7 =	simm.s32 $0x48F0;
	v61 =	vadd.f32 v2, v5;
	v48 =	vld [tilespmem:s6+$0xFFFFFFE0];
	v41 =	vadd.f32 v13, v8  }
.LBB2_12:
0x193: {  	v0 =	vld.msk [tilespmem:s31+$0x0 ss:$0x0], $0xffff  }
0x194: {  	v4 =	vld.msk [tilespmem:s31+$0xFFFFFFFF ss:$0x0], $0xffff  }
0x195: {  	v15 =	vld [tilespmem:$0x1FFA0]  }
0x196: {  	v17 =	vld [tilespmem:$0x1FE70]  }
0x197: {  	v18 =	vld [tilespmem:$0x1FF90]  }
0x198: {  	v19 =	vld [tilespmem:$0x1FE80];
	v1 =	vmax.f32 v61, $0.0e+00  }
0x199: {  	s8 =	sadd.s32 $0x2, s8;
	v23 =	vld [tilespmem:$0x1FFB0];
	v2 =	vadd.f32 v33, v58;
	v3 =	vadd.f32 v34, v60;
	v34 =	vmax.f32 v45, $0.0e+00  }
0x19a: {  	s4 =	sadd.s32 $0x2, s4;
	v7 =	vld.msk [tilespmem:s8+$0x0 ss:$0x0], $0xffff;
	v6 =	vadd.f32 v36, v59;
	v36 =	vmax.f32 v41, $0.0e+00;
	v8 =	vadd.f32 v46, v37  }
0x19b: {  	v46 =	vadd.f32 v50, v38;
	v37 =	vmax.f32 v40, $0.0e+00;
	v50 =	vld.msk [tilespmem:s4+$0x0 ss:$0x0], $0xffff;
	v40 =	vadd.f32 v48, v56  }
0x19c: {  	v41 =	vadd.f32 v49, v55;
	v49 =	vld [tilespmem:$0x1FEA0];
	v56 =	vmul.f32 v0, v15;
	v58 =	vmul.f32 v4, v51  }
0x19d: {  	v47 =	vadd.f32 v39, v47;
	v39 =	vld [tilespmem:$0x1FEC0];
	v10 =	vmul.f32 v4, v62;
	v60 =	vmul.f32 v4, v63  }
0x19e: {  	[tilespmem:s6+$0xFFFFFF10] =	vst v1;
	v43 =	vadd.f32 v42, v43;
	v42 =	vld [tilespmem:$0x1FED0];
	v61 =	vmul.f32 v4, v17;
	v12 =	vmul.f32 v4, v28  }
0x19f: {  	v45 =	vadd.f32 v44, v54;
	v44 =	vld [tilespmem:$0x1FEE0];
	[tilespmem:s6+$0xFFFFFF20] =	vst v34;
	v48 =	vmul.f32 v4, v18;
	v14 =	vmul.f32 v4, v25  }
0x1a0: {  	v5 =	vadd.f32 v35, v57;
	v4 =	vmul.f32 v4, v15;
	v15 =	vmul.f32 v0, v62;
	v9 =	vld.msk [tilespmem:s8+$0xFFFFFFFF ss:$0x0], $0xffff;
	[tilespmem:s6+$0xFFFFFF30] =	vst v36  }
0x1a1: {  	v16 =	vmul.f32 v0, v63;
	v18 =	vmul.f32 v0, v18;
	[tilespmem:s6+$0xFFFFFF40] =	vst v37;
	v37 =	vld [tilespmem:$0x1FE90]  }
0x1a2: {  	v38 =	vmax.f32 v2, $0.0e+00;
	v52 =	vmax.f32 v3, $0.0e+00;
	v53 =	vmax.f32 v5, $0.0e+00;
	v54 =	vld.msk [tilespmem:s4+$0xFFFFFFFF ss:$0x0], $0xffff  }
0x1a3: {  	v3 =	vmul.f32 v0, v51;
	v57 =	vmax.f32 v6, $0.0e+00;
	v59 =	vmax.f32 v8, $0.0e+00;
	[tilespmem:s6+$0xFFFFFF50] =	vst v38;
	v38 =	vld [tilespmem:$0x1FEB0]  }
0x1a4: {  	v11 =	vmul.f32 v7, v49;
	v10 =	vadd.f32 v10, v39;
	v8 =	vadd.f32 v60, v42  }
0x1a5: {  	[tilespmem:s7+$0xFFFFFF90] =	vst v59;
	v59 =	vmul.f32 v50, v19;
	v6 =	vadd.f32 v61, v44;
	v60 =	vld [tilespmem:$0x1FF00];
	v15 =	vadd.f32 v15, v39  }
0x1a6: {  	[tilespmem:s6+$0xFFFFFF60] =	vst v52;
	v61 =	vld [tilespmem:$0x1FF10];
	v16 =	vadd.f32 v16, v42;
	v5 =	vadd.f32 v56, v37;
	v62 =	vmul.f32 v9, v23  }
0x1a7: {  	[tilespmem:s6+$0xFFFFFF70] =	vst v53;
	v4 =	vadd.f32 v4, v37;
	v63 =	vmul.f32 v9, v29;
	v55 =	vmul.f32 v9, v30  }
0x1a8: {  	v24 =	vld [tilespmem:$0x1FF50];
	[tilespmem:s7+$0xFFFFFF80] =	vst v57;
	v57 =	vmul.f32 v9, v22;
	v1 =	vadd.f32 v58, v38;
	v3 =	vadd.f32 v3, v38  }
0x1a9: {  	s6 =	sadd.s32 $0x100, s6;
	v56 =	vld [tilespmem:$0x1FEF0];
	v58 =	vmul.f32 v7, v27;
	v5 =	vadd.f32 v11, v5;
	v11 =	vmul.f32 v0, v17  }
0x1aa: {  	v13 =	vld [tilespmem:s6+$0x0];
	v17 =	vmul.f32 v0, v28;
	v10 =	vadd.f32 v62, v10;
	v6 =	vadd.f32 v55, v6  }
0x1ab: {  	v0 =	vmul.f32 v0, v25;
	v2 =	vadd.f32 v48, v60;
	v14 =	vadd.f32 v14, v61  }
0x1ac: {  	v55 =	vmul.f32 v7, v30;
	v18 =	vadd.f32 v18, v60;
	v3 =	vadd.f32 v58, v3  }
0x1ad: {  	v62 =	vmul.f32 v54, v24;
	v5 =	vadd.f32 v59, v5;
	v11 =	vadd.f32 v11, v44  }
0x1ae: {  	v12 =	vadd.f32 v12, v56;
	v17 =	vadd.f32 v17, v56;
	v56 =	vmul.f32 v9, v31  }
0x1af: {  	v51 =	vld [tilespmem:s6+$0xFFFFFF20];
	v60 =	vmul.f32 v7, v31;
	v0 =	vadd.f32 v0, v61;
	v5 =	vadd.f32 v13, v5  }
0x1b0: {  	v58 =	vld [tilespmem:$0x1FF30];
	v59 =	vmul.f32 v7, v29;
	v13 =	vmul.f32 v9, v27;
	v12 =	vadd.f32 v56, v12  }
0x1b1: {  	v56 =	vmul.f32 v7, v32;
	v17 =	vadd.f32 v60, v17;
	v60 =	vld [tilespmem:$0x1FF70];
	v5 =	vmax.f32 v5, $0.0e+00  }
0x1b2: {  	v1 =	vadd.f32 v13, v1;
	v13 =	vmul.f32 v9, v32;
	[tilespmem:s6+$0x0] =	vst v5;
	v5 =	vadd.f32 v63, v8;
	v63 =	vld [tilespmem:$0x1FF60]  }
0x1b3: {  	v11 =	vadd.f32 v55, v11;
	v8 =	vmul.f32 v7, v23;
	v18 =	vadd.f32 v56, v18;
	v23 =	vld [tilespmem:$0x1FF80]  }
0x1b4: {  	v61 =	vld [tilespmem:s6+$0xFFFFFF10];
	v9 =	vmul.f32 v9, v49;
	v2 =	vadd.f32 v13, v2;
	v13 =	vadd.f32 v57, v14  }
0x1b5: {  	v57 =	vld [tilespmem:$0x1FF20];
	v8 =	vadd.f32 v8, v15;
	v15 =	vadd.f32 v59, v16;
	v16 =	vmul.f32 v54, v58  }
0x1b6: {  	v7 =	vmul.f32 v7, v22;
	v4 =	vadd.f32 v9, v4;
	v1 =	vadd.f32 v62, v1;
	v59 =	vld [tilespmem:$0x1FF40]  }
0x1b7: {  	v52 =	vld [tilespmem:s6+$0xFFFFFF30];
	v55 =	vmul.f32 v54, v60;
	v6 =	vadd.f32 v16, v6;
	v16 =	vmul.f32 v50, v58  }
0x1b8: {  	v53 =	vld [tilespmem:s6+$0xFFFFFF40];
	v0 =	vadd.f32 v7, v0;
	v9 =	vmul.f32 v54, v63;
	v56 =	vmul.f32 v54, v23  }
0x1b9: {  	v39 =	vld [tilespmem:s6+$0xFFFFFFB0];
	v61 =	vadd.f32 v1, v61;
	v62 =	vmul.f32 v50, v63;
	v63 =	vmul.f32 v50, v60  }
0x1ba: {  	v42 =	vld [tilespmem:s6+$0xFFFFFFC0];
	v58 =	vadd.f32 v55, v12;
	v55 =	vmul.f32 v50, v23;
	v14 =	vmul.f32 v54, v57  }
0x1bb: {  	v37 =	vld [tilespmem:s6+$0xFFFFFF90];
	v7 =	vmul.f32 v54, v59;
	v5 =	vadd.f32 v9, v5;
	v9 =	vmul.f32 v50, v57  }
0x1bc: {  	v38 =	vld [tilespmem:s6+$0xFFFFFFA0];
	v12 =	vmul.f32 v50, v59;
	v57 =	vadd.f32 v56, v13;
	v13 =	vmax.f32 v47, $0.0e+00  }
0x1bd: {  	s11 =	sadd.s32 $0x2, s11;
	v48 =	vld [tilespmem:s6+$0xFFFFFFE0];
	v47 =	vadd.f32 v62, v15;
	v15 =	vmax.f32 v45, $0.0e+00;
	v55 =	vadd.f32 v55, v0  }
0x1be: {  	p1 =	slt.u32 s11, $0x26;
	v44 =	vld [tilespmem:s6+$0xFFFFFFD0];
	v10 =	vadd.f32 v14, v10;
	v14 =	vmul.f32 v54, v19;
	v54 =	vmul.f32 v50, v24;
	[tilespmem:s7+$0xFFFFFFB0] =	vst v13  }
.Ltmp4:
0x1bf: {  	v49 =	vld [tilespmem:s6+$0xFFFFFFF0];
	[tilespmem:s7+$0xFFFFFFD0] =	vst v15;
	v60 =	vadd.f32 v7, v2;
	v7 =	vmax.f32 v46, $0.0e+00;
	v50 =	vadd.f32 v9, v8;
	(pc) =	sbr.rel @p1 .LBB2_12-.Ltmp4, $4  }
0x1c0: {  	v33 =	vld [tilespmem:s6+$0xFFFFFF50];
	v56 =	vadd.f32 v12, v18;
	v59 =	vadd.f32 v14, v4;
	[tilespmem:s7+$0xFFFFFFA0] =	vst v7;
	v14 =	vmax.f32 v43, $0.0e+00  }
0x1c1: {  	v34 =	vld [tilespmem:s6+$0xFFFFFF60];
	v46 =	vadd.f32 v54, v3;
	v43 =	vadd.f32 v16, v11;
	v16 =	vmax.f32 v40, $0.0e+00;
	[tilespmem:s7+$0xFFFFFFC0] =	vst v14  }
0x1c2: {  	v35 =	vld [tilespmem:s6+$0xFFFFFF70];
	v62 =	vmovc v20;
	v54 =	vadd.f32 v63, v17;
	v45 =	vadd.f32 v10, v51;
	v17 =	vmax.f32 v41, $0.0e+00;
	[tilespmem:s7+$0xFFFFFFE0] =	vst v16  }
0x1c3: {  	s31 =	sadd.s32 $0x2, s31;
	v36 =	vld [tilespmem:s6+$0xFFFFFF80];
	v63 =	vmovc v21;
	v51 =	vmov v26;
	v41 =	vadd.f32 v52, v5;
	v40 =	vadd.f32 v53, v6;
	[tilespmem:s7+$0xFFFFFFF0] =	vst v17;
	s7 =	smov.u32 s6  }
0x1c4: {  	v0 =	vmax.f32 v61, $0.0e+00  }
0x1c5: {  	[tilespmem:s6+$0xFFFFFF10] =	vst v0;
	v0 =	vmax.f32 v45, $0.0e+00  }
0x1c6: {  	v1 =	vadd.f32 v33, v58;
	[tilespmem:s6+$0xFFFFFF20] =	vst v0;
	v0 =	vmax.f32 v41, $0.0e+00  }
0x1c7: {  	v2 =	vadd.f32 v34, v60;
	[tilespmem:s6+$0xFFFFFF30] =	vst v0;
	v0 =	vmax.f32 v40, $0.0e+00  }
0x1c8: {  	v3 =	vadd.f32 v35, v57;
	[tilespmem:s6+$0xFFFFFF40] =	vst v0;
	v0 =	vmax.f32 v1, $0.0e+00  }
0x1c9: {  	v1 =	vadd.f32 v36, v59;
	[tilespmem:s6+$0xFFFFFF50] =	vst v0;
	v0 =	vmax.f32 v2, $0.0e+00  }
0x1ca: {  	v2 =	vadd.f32 v46, v37;
	v3 =	vmax.f32 v3, $0.0e+00;
	[tilespmem:s6+$0xFFFFFF60] =	vst v0  }
0x1cb: {  	v0 =	vadd.f32 v50, v38;
	v1 =	vmax.f32 v1, $0.0e+00;
	[tilespmem:s6+$0xFFFFFF70] =	vst v3  }
0x1cc: {  	v3 =	vadd.f32 v39, v47;
	v2 =	vmax.f32 v2, $0.0e+00;
	[tilespmem:s7+$0xFFFFFF80] =	vst v1  }
0x1cd: {  	v1 =	vadd.f32 v42, v43;
	[tilespmem:s7+$0xFFFFFF90] =	vst v2;
	v0 =	vmax.f32 v0, $0.0e+00  }
0x1ce: {  	v2 =	vadd.f32 v44, v54;
	[tilespmem:s7+$0xFFFFFFA0] =	vst v0;
	v0 =	vmax.f32 v3, $0.0e+00  }
0x1cf: {  	v3 =	vadd.f32 v48, v56;
	[tilespmem:s7+$0xFFFFFFB0] =	vst v0;
	v0 =	vmax.f32 v1, $0.0e+00  }
0x1d0: {  	v1 =	vadd.f32 v49, v55;
	[tilespmem:s7+$0xFFFFFFC0] =	vst v0;
	v0 =	vmax.f32 v2, $0.0e+00  }
0x1d1: {  	[tilespmem:s7+$0xFFFFFFD0] =	vst v0;
	v0 =	vmax.f32 v3, $0.0e+00  }
0x1d2: {  	[tilespmem:s7+$0xFFFFFFE0] =	vst v0;
	v0 =	vmax.f32 v1, $0.0e+00  }
0x1d3: {  	[tilespmem:s7+$0xFFFFFFF0] =	vst v0  }
0x1d4: {  	v0 =	vld [tilespmem:s5+$0x800]  }
0x1d5: {  	v21 =	vld [tilespmem:$0x1FF90]  }
0x1d6: {  	v26 =	vld [tilespmem:$0x1FFA0]  }
0x1d7: {  	v24 =	vmov v27;
	v27 =	vld [tilespmem:$0x1FFB0]  }
0x1d8: {  	v1 =	vld [tilespmem:$0x1FEA0]  }
0x1d9: {  	v2 =	vld [tilespmem:$0x1FF50]  }
0x1da: {  	v3 =	vld [tilespmem:$0x1FF20]  }
0x1db: {  	v4 =	vld [tilespmem:$0x1FF60]  }
0x1dc: {  	v5 =	vld [tilespmem:$0x1FF30]  }
0x1dd: {  	v6 =	vld [tilespmem:$0x1FF70];
	[tilespmem:$0x5280] =	vst v0  }
0x1de: {  	v0 =	vld [tilespmem:s21+$0x838]  }
0x1df: {  	v7 =	vld [tilespmem:$0x1FF40]  }
0x1e0: {  	v8 =	vld [tilespmem:$0x1FF80]  }
0x1e1: {  	v9 =	vld [tilespmem:$0x1FEB0]  }
0x1e2: {  	v10 =	vld [tilespmem:$0x1FEC0]  }
0x1e3: {  	v11 =	vld [tilespmem:$0x1FED0];
	[tilespmem:$0x5290] =	vst v0  }
0x1e4: {  	s20 =	sadd.s32 $0x1, s20;
	v0 =	vld [tilespmem:s21+$0x840]  }
0x1e5: {  	p1 =	sne.s32 s20, $0x19;
	v12 =	vld [tilespmem:$0x1FEE0]  }
.Ltmp5:
0x1e6: {  	v13 =	vld [tilespmem:$0x1FEF0];
	(pc) =	sbr.rel @p1 .LBB2_7-.Ltmp5, $4  }
0x1e7: {  	s2 =	sadd.s32 $0x50, s2;
	s15 =	sadd.s32 $0x50, s15;
	s12 =	sadd.s32 $0x50, s12;
	v14 =	vld [tilespmem:$0x1FF00]  }
0x1e8: {  	s13 =	sadd.s32 $0x50, s13;
	s14 =	sadd.s32 $0x50, s14;
	s10 =	sadd.s32 $0x50, s10;
	v15 =	vld [tilespmem:$0x1FF10]  }
0x1e9: {  	s0 =	sadd.s32 $0x50, s0;
	s18 =	sadd.s32 $0x50, s18;
	s19 =	sadd.s32 $0x50, s19;
	v16 =	vld [tilespmem:$0x1FE90];
	[tilespmem:$0x5298] =	vst v0  }
0x1ea: {  	v20 =	vmov v28;
	v19 =	vmov v22;
	v0 =	vld [tilespmem:$0x1FE80];
	[spmem:s1] =	stream.indirect.scatter.add.f32 [tilespmem:s24], [sflag:$0x4], $0x80, s30, s22, $0xb8  }
0x1eb: {  	s0 =	simm.s32 $0x4  }
0x1ec: {  	_ =	swait.ge [sflag:s0], $0x1400  }
0x1ed: {  	s2 =	rddreg [dreg:$0xd]  }
0x1ee: {  	s2 =	sadd.s32 $0x1, s2  }
0x1ef: {  	p1 =	sne.s32 s2, $0x5  }
.Ltmp6:
0x1f0: {  	_ = 	snop;
	(pc) =	sbr.rel @p1 .LBB2_6-.Ltmp6, $3  }
0x1f1: {  	_ =	sdelay $0x1  }
0x1f2: {  	[sflag:s0] =	ssyncset.done $0x0  }
0x1f3: {  	[sflag:s0] =	ssyncadd.s32 $0xFFFFEC00  }
0x1f4: {  	s0 =	stileid.u32  }
0x1f5: {  	[bflag:$0x0] =	sbarrier.arrive $0xFFFF;
	s0 =	sshll.u32 s0, $0x6  }
0x1f6: {  	s2 =	sshrl.u32 s9, $0x3;
	s4 =	rddreg [dreg:$0x9];
	s0 =	sor.u32 $0x1C05, s0  }
0x1f7: {  	[hbm:s4], [sflag:s0] =	dma.local [spmem:s2], $0x2700  }
0x1f8: {  	_ =	swait.ge [sflag:s16], $0x2700  }
0x1f9: {  	[sflag:s16] =	ssyncset.done $0x0;
	s11 =	rddreg [dreg:$0x7]  }
0x1fa: {  	s4 =	rddreg [dreg:$0xa];
	[sflag:s16] =	ssyncadd.s32 $0xFFFFD900;
	s2 =	sshrl.u32 @!p0 s11, $0x3  }
0x1fb: {  	[hbm:s4], [sflag:s0] =	dma.local @!p0 [spmem:s2], $0x100  }
0x1fc: {  	s0 =	simm.s32 @!p0 $0x5  }
0x1fd: {  	_ =	swait.ge @!p0 [sflag:s0], $0x100  }
0x1fe: {  	s21 =	rddreg [dreg:$0xc]  }
0x1ff: {  	s31 =	rddreg [dreg:$0xb];
	s4 =	sadd.s32 $0x1, s21  }
0x200: {  	p1 =	sne.s32 s4, s31  }
.Ltmp7:
0x201: {  	_ = 	snop;
	(pc) =	sbr.rel @p1 .LBB2_1-.Ltmp7, $3  }
0x202: {  	_ =	sdelay $0x1  }
0x203: {  	[sflag:s0] =	ssyncset.done @!p0 $0x0  }
0x204: {  	v0 =	vimm.f32 $0.0e+00;
	[sflag:s0] =	ssyncadd.s32 @!p0 $0xFFFFFF00  }
0x205: {  	_ =	sfence.sel $0x180000  }
0x206: {  	[bflag:$0x0] =	sbarrier.arrive $0xFFFF  }
0x207: {  	_ =	strace $0x9000004A  }
0x208: {  	s0 =	stileid.u32;
	[bflag:$0x2] =	sbarrier.arrive $0xFFFF  }
0x209: {  	p0 =	sne.s32 s0, $0x0;
	s0 =	rddreg [dreg:$0x2]  }
0x20a: {  	s0 =	sadd.s32 @!p0 $0x100000, s0  }
0x20b: {  	[sflag:s0] =	ssyncadd.tile.s32 @!p0 $0x1;
	_ =	shalt  }
.Lfunc_end2:
_tile_overlayer_lowered:
.L_overlay_start_2:
0x20c: {  	(tag) =	ssettag $0x2  }
0x20d: {  	s0 =	rddreg [dreg:$0x0];
	s2 =	stileid.u32  }
0x20e: {  	s1 =	rddreg [dreg:$0x1];
	p0 =	sne.s32 s2, $0x0  }
0x20f: {  	s3 =	rddreg [dreg:$0x2];
	[bflag:$0x3] =	sbarrier.arrive $0xFFFF;
	s2 =	simm.s32 @!p0 $0x1C05  }
0x210: {  	[timem:s3], [sflag:s2] =	dma.local @!p0 [hbm:s0], s1  }
0x211: {  	s0 =	simm.s32 @!p0 $0x5  }
0x212: {  	_ =	swait.ge @!p0 [sflag:s0], s1  }
0x213: {  	s1 =	ssub.s32 @!p0 $0x0, s1;
	[sflag:s0] =	ssyncset.done @!p0 $0x0  }
0x214: {  	[sflag:s0] =	ssyncadd.s32 @!p0 s1  }
0x215: {  	[bflag:$0x3] =	sbarrier.arrive $0xFFFF  }
0x216: {  	_ =	shalt  }

</sc_bundles>
